<compile_context>
chip_gen: v7x
topology: tpu7x:2x2x1
jax: 0.10.2.dev20260603
libtpu: 0.0.44.dev20260713+nightly
codegen_flags: <defaults>
</compile_context>

<pallas_src>
import functools

import jax
import jax.numpy as jnp
from jax import lax
from jax.experimental import pallas as pl
from jax.experimental.pallas import tpu as pltpu
from jax.experimental.pallas import tpu_sc as plsc

_NBUF = 11


def _make_gather(B, D, NC, NS):
    NW = NC * NS
    b_per_w = B // NW
    mesh = plsc.VectorSubcoreMesh(core_axis_name="c", subcore_axis_name="s")

    @functools.partial(
        pl.kernel,
        mesh=mesh,
        out_type=jax.ShapeDtypeStruct((D, B), jnp.float32),
        scratch_types=[
            pltpu.VMEM((b_per_w + 16,), jnp.int32),
            pltpu.VMEM((_NBUF, D, 128), jnp.float32),
            pltpu.VMEM((D, b_per_w), jnp.float32),
            [pltpu.SemaphoreType.DMA] * _NBUF,
        ],
        compiler_params=pltpu.CompilerParams(needs_layout_passes=False),
    )
    def gather_kernel(table_hbm, idx_hbm, out_hbm, idx_v, blk_v, cols_v, sems):
        wid = lax.axis_index("s") * NC + lax.axis_index("c")
        base = wid * b_per_w
        pltpu.sync_copy(idx_hbm.at[wid], idx_v.at[pl.ds(0, b_per_w)])
        lane = lax.iota(jnp.int32, 16)

        def fetch(k, slot):
            t = idx_v[pl.ds(k, 16)][0]
            col = pl.multiple_of((t >> 7) << 7, 128)
            pltpu.async_copy(
                table_hbm.at[:, pl.ds(col, 128)],
                blk_v.at[slot],
                sems[slot],
            )

        def wait(slot):
            pltpu.make_async_copy(
                table_hbm.at[:, pl.ds(0, 128)],
                blk_v.at[slot],
                sems[slot],
            ).wait()

        def extract(k, slot):
            t = idx_v[pl.ds(k, 16)][0]
            l_vec = jnp.full((16,), t & 127, jnp.int32)
            k_vec = jnp.full((16,), k, jnp.int32)
            for g in range(D // 16):
                r_vec = lane + g * 16
                x = plsc.load_gather(blk_v.at[slot], [r_vec, l_vec])
                plsc.store_scatter(cols_v, [r_vec, k_vec], x)

        for s in range(_NBUF):
            fetch(s, s)

        def body(g, _):
            for j in range(_NBUF):
                k = g * _NBUF + j
                wait(j)
                extract(k, j)
                fetch(k + _NBUF, j)
            return 0

        n_full = (b_per_w - _NBUF) // _NBUF
        lax.fori_loop(0, n_full, body, 0)
        for k in range(n_full * _NBUF, b_per_w):
            wait(k % _NBUF)
            extract(k, k % _NBUF)
            if k + _NBUF < b_per_w:
                fetch(k + _NBUF, k % _NBUF)
        pltpu.sync_copy(cols_v, out_hbm.at[:, pl.ds(base, b_per_w)])

    return gather_kernel


def kernel(node_emb_weight, path_emb_weight, batch):
    B = batch.shape[0]
    D = node_emb_weight.shape[1]
    info = plsc.get_sparse_core_info()
    NC, NS = info.num_cores, info.num_subcores
    NW = NC * NS
    table_t = node_emb_weight.T
    idx = batch.reshape(NW, B // NW)
    out_t = _make_gather(B, D, NC, NS)(table_t, idx)
    return (out_t.T, path_emb_weight)

# --- scband reference (transcript-rebuilt; emitter-appended) ---
"""Pipeline reference for scband-hin2-vec-66640712565219 (READ-ONLY COPY).

The authoritative reference and input builder live on the scoring server;
editing this copy changes nothing except your own understanding.
"""

import jax, jax.numpy as jnp
import numpy as np

NODE_COUNT = 1000000
EMBED_DIM = 64
PATH_COUNT = 50
BATCH = 16384


def setup_inputs(seed: int = 0) -> dict:
    key = jax.random.key(seed)
    k1, k2, k3 = jax.random.split(key, 3)
    # Learned parameters sized per init_kwargs: node embedding table over all
    # heterogeneous nodes (single 'node' type here, node_count = 1,000,000),
    # and a metapath embedding table (path_count distinct metapaths up to
    # metapath_length).
    node_emb_weight = jax.random.normal(k1, (NODE_COUNT, EMBED_DIM), dtype=jnp.float32)
    path_emb_weight = jax.random.normal(k2, (PATH_COUNT, EMBED_DIM), dtype=jnp.float32)
    # batch of node indices of type 'node' (local offsets within [start, end))
    batch = jax.random.randint(k3, (BATCH,), 0, NODE_COUNT, dtype=jnp.int32)
    return {
        "node_emb_weight": node_emb_weight,
        "path_emb_weight": path_emb_weight,
        "batch": batch,
    }


def reference(node_emb_weight, path_emb_weight, batch):
    # Faithful translation of HIN2Vec.forward(node_type, batch):
    #   start, end = node_start[node_type], node_end[node_type]
    #   node_emb = node_embedding.weight[start:end]
    #   if batch is not None: node_emb = node_emb[batch]
    #   return node_emb, path_embedding.weight
    # With a single node type 'node', start = 0 and end = NODE_COUNT.
    start, end = 0, NODE_COUNT
    node_emb = jnp.take(node_emb_weight[start:end], batch, axis=0)
    return (node_emb, path_emb_weight)

if __name__ == "__main__":
    import jax
    _d = setup_inputs()
    print(jax.jit(kernel)(*tuple(_d.values())))

</pallas_src>

<mosaic_0001>
#map = affine_map<(d0, d1) -> (0, 0)>
module attributes {stable_mosaic.version = 14 : i64} {
  func.func @gather_kernel(%arg0: i32, %arg1: i32, %arg2: memref<64x1000000xf32, #tpu.memory_space<hbm>>, %arg3: memref<32x512xi32, #tpu.memory_space<hbm>>, %arg4: memref<64x16384xf32, #tpu.memory_space<hbm>>, %arg5: memref<528xi32, #tpu.memory_space<vmem>>, %arg6: memref<11x64x128xf32, #tpu.memory_space<vmem>>, %arg7: memref<64x512xf32, #tpu.memory_space<vmem>>, %arg8: memref<!tpu.dma_semaphore, #tpu.memory_space<semaphore_mem>>, %arg9: memref<!tpu.dma_semaphore, #tpu.memory_space<semaphore_mem>>, %arg10: memref<!tpu.dma_semaphore, #tpu.memory_space<semaphore_mem>>, %arg11: memref<!tpu.dma_semaphore, #tpu.memory_space<semaphore_mem>>, %arg12: memref<!tpu.dma_semaphore, #tpu.memory_space<semaphore_mem>>, %arg13: memref<!tpu.dma_semaphore, #tpu.memory_space<semaphore_mem>>, %arg14: memref<!tpu.dma_semaphore, #tpu.memory_space<semaphore_mem>>, %arg15: memref<!tpu.dma_semaphore, #tpu.memory_space<semaphore_mem>>, %arg16: memref<!tpu.dma_semaphore, #tpu.memory_space<semaphore_mem>>, %arg17: memref<!tpu.dma_semaphore, #tpu.memory_space<semaphore_mem>>, %arg18: memref<!tpu.dma_semaphore, #tpu.memory_space<semaphore_mem>>) attributes {dimension_semantics = [#tpu.dimension_semantics<core_parallel>, #tpu.dimension_semantics<subcore_parallel>], iteration_bounds = array<i64: 2, 16>, scalar_prefetch = 0 : i64, scratch_operands = 14 : i64, tpu.core_type = #tpu.core_type<sc_vector_subcore>, window_params = [{transform_indices = #map}, {transform_indices = #map}, {transform_indices = #map}]} {
    %mul3A = arith.constant 2 : i32
    %mul3A_0 = arith.muli %arg1, %mul3A : i32
    %add3A = arith.addi %mul3A_0, %arg0 : i32
    %mul3A_1 = arith.constant 512 : i32
    %mul3A_2 = arith.muli %add3A, %mul3A_1 : i32
    "tpu.region"() ({
      %run_scoped3A = tpu.sem_alloc : memref<!tpu.dma_semaphore, #tpu.memory_space<semaphore_mem>>
      %dma_start3A_1392 = arith.constant 0 : i32
      %dma_start3A_1393 = tpu.memref_slice %arg5[%dma_start3A_1392] : memref<528xi32, #tpu.memory_space<vmem>> -> memref<512xi32, #tpu.memory_space<vmem>>
      %dma_start3A_1394 = arith.constant 0 : i32
      %dma_start3A_1395 = tpu.memref_slice %arg3[%add3A, %dma_start3A_1394] : memref<32x512xi32, #tpu.memory_space<hbm>> -> memref<1x512xi32, #tpu.memory_space<hbm>>
      %dma_start3A_1396 = tpu.memref_squeeze %dma_start3A_1395 : memref<1x512xi32, #tpu.memory_space<hbm>> -> memref<512xi32, #tpu.memory_space<hbm>>
      %dma_start3A_1397 = arith.constant 0 : i32
      %dma_start3A_1398 = tpu.memref_slice %arg5[%dma_start3A_1397] : memref<528xi32, #tpu.memory_space<vmem>> -> memref<512xi32, #tpu.memory_space<vmem>>
      %dma_start3A_1399 = arith.constant 0 : i32
      %dma_start3A_1400 = tpu.memref_slice %arg3[%add3A, %dma_start3A_1399] : memref<32x512xi32, #tpu.memory_space<hbm>> -> memref<1x512xi32, #tpu.memory_space<hbm>>
      %dma_start3A_1401 = tpu.memref_squeeze %dma_start3A_1400 : memref<1x512xi32, #tpu.memory_space<hbm>> -> memref<512xi32, #tpu.memory_space<hbm>>
      tpu.enqueue_dma source(%dma_start3A_1401 : memref<512xi32, #tpu.memory_space<hbm>>) target(%dma_start3A_1398 : memref<512xi32, #tpu.memory_space<vmem>>) target_semaphore(%run_scoped3A : memref<!tpu.dma_semaphore, #tpu.memory_space<semaphore_mem>>)
      %dma_wait3A_1402 = arith.constant 0 : i32
      %dma_wait3A_1403 = tpu.memref_slice %arg5[%dma_wait3A_1402] : memref<528xi32, #tpu.memory_space<vmem>> -> memref<512xi32, #tpu.memory_space<vmem>>
      %dma_wait3A_1404 = arith.constant 0 : i32
      %dma_wait3A_1405 = tpu.memref_slice %arg3[%add3A, %dma_wait3A_1404] : memref<32x512xi32, #tpu.memory_space<hbm>> -> memref<1x512xi32, #tpu.memory_space<hbm>>
      %dma_wait3A_1406 = tpu.memref_squeeze %dma_wait3A_1405 : memref<1x512xi32, #tpu.memory_space<hbm>> -> memref<512xi32, #tpu.memory_space<hbm>>
      %dma_wait3A_1407 = arith.constant 0 : i32
      %dma_wait3A_1408 = tpu.memref_slice %arg5[%dma_wait3A_1407] : memref<528xi32, #tpu.memory_space<vmem>> -> memref<512xi32, #tpu.memory_space<vmem>>
      %dma_wait3A_1409 = arith.constant 0 : i32
      %dma_wait3A_1410 = tpu.memref_slice %arg3[%add3A, %dma_wait3A_1409] : memref<32x512xi32, #tpu.memory_space<hbm>> -> memref<1x512xi32, #tpu.memory_space<hbm>>
      %dma_wait3A_1411 = tpu.memref_squeeze %dma_wait3A_1410 : memref<1x512xi32, #tpu.memory_space<hbm>> -> memref<512xi32, #tpu.memory_space<hbm>>
      tpu.wait_dma2 semaphore(%run_scoped3A : memref<!tpu.dma_semaphore, #tpu.memory_space<semaphore_mem>>) src(%dma_wait3A_1411 : memref<512xi32, #tpu.memory_space<hbm>>) dst(%dma_wait3A_1408 : memref<512xi32, #tpu.memory_space<vmem>>)
      tpu.yield
    }) : () -> ()
    %iota3A = tpu.iota {dimensions = array<i32: 0>} : vector<16xi32>
    %get3A = arith.constant 0 : index
    %get3A_3 = tpu.vector_load %arg5[%get3A] {strides = array<i32>} : memref<528xi32, #tpu.memory_space<vmem>>, vector<16xi32>,
    %slice3A = vector.extract_strided_slice %get3A_3 {offsets = [0], sizes = [1], strides = [1]} : vector<16xi32> to vector<1xi32>
    %squeeze3A = vector.extract %slice3A[0] : i32 from vector<1xi32>
    %shift_right_arithmetic3A = arith.constant 7 : i32
    %shift_right_arithmetic3A_4 = arith.shrsi %squeeze3A, %shift_right_arithmetic3A : i32
    %shift_left3A = arith.constant 7 : i32
    %shift_left3A_5 = arith.shli %shift_right_arithmetic3A_4, %shift_left3A : i32
    %multiple_of3A = tpu.assume_multiple %shift_left3A_5, 128 : i32
    %dma_start3A = arith.constant 0 : i32
    %dma_start3A_6 = arith.constant 0 : i32
    %dma_start3A_7 = arith.constant 0 : i32
    %dma_start3A_8 = tpu.memref_slice %arg6[%dma_start3A, %dma_start3A_6, %dma_start3A_7] : memref<11x64x128xf32, #tpu.memory_space<vmem>> -> memref<1x64x128xf32, #tpu.memory_space<vmem>>
    %dma_start3A_9 = tpu.memref_squeeze %dma_start3A_8 : memref<1x64x128xf32, #tpu.memory_space<vmem>> -> memref<64x128xf32, #tpu.memory_space<vmem>>
    %dma_start3A_10 = arith.constant 0 : i32
    %dma_start3A_11 = tpu.memref_slice %arg2[%dma_start3A_10, %multiple_of3A] : memref<64x1000000xf32, #tpu.memory_space<hbm>> -> memref<64x128xf32, #tpu.memory_space<hbm>>
    %dma_start3A_12 = arith.constant 0 : i32
    %dma_start3A_13 = arith.constant 0 : i32
    %dma_start3A_14 = tpu.memref_slice %arg6[%dma_start3A, %dma_start3A_12, %dma_start3A_13] : memref<11x64x128xf32, #tpu.memory_space<vmem>> -> memref<1x64x128xf32, #tpu.memory_space<vmem>>
    %dma_start3A_15 = tpu.memref_squeeze %dma_start3A_14 : memref<1x64x128xf32, #tpu.memory_space<vmem>> -> memref<64x128xf32, #tpu.memory_space<vmem>>
    %dma_start3A_16 = arith.constant 0 : i32
    %dma_start3A_17 = tpu.memref_slice %arg2[%dma_start3A_16, %multiple_of3A] : memref<64x1000000xf32, #tpu.memory_space<hbm>> -> memref<64x128xf32, #tpu.memory_space<hbm>>
    tpu.enqueue_dma source(%dma_start3A_17 : memref<64x128xf32, #tpu.memory_space<hbm>>) target(%dma_start3A_15 : memref<64x128xf32, #tpu.memory_space<vmem>>) target_semaphore(%arg8 : memref<!tpu.dma_semaphore, #tpu.memory_space<semaphore_mem>>)
    %get3A_18 = arith.constant 1 : index
    %get3A_19 = tpu.vector_load %arg5[%get3A_18] {strides = array<i32>} : memref<528xi32, #tpu.memory_space<vmem>>, vector<16xi32>,
    %slice3A_20 = vector.extract_strided_slice %get3A_19 {offsets = [0], sizes = [1], strides = [1]} : vector<16xi32> to vector<1xi32>
    %squeeze3A_21 = vector.extract %slice3A_20[0] : i32 from vector<1xi32>
    %shift_right_arithmetic3A_22 = arith.constant 7 : i32
    %shift_right_arithmetic3A_23 = arith.shrsi %squeeze3A_21, %shift_right_arithmetic3A_22 : i32
    %shift_left3A_24 = arith.constant 7 : i32
    %shift_left3A_25 = arith.shli %shift_right_arithmetic3A_23, %shift_left3A_24 : i32
    %multiple_of3A_26 = tpu.assume_multiple %shift_left3A_25, 128 : i32
    %dma_start3A_27 = arith.constant 1 : i32
    %dma_start3A_28 = arith.constant 0 : i32
    %dma_start3A_29 = arith.constant 0 : i32
    %dma_start3A_30 = tpu.memref_slice %arg6[%dma_start3A_27, %dma_start3A_28, %dma_start3A_29] : memref<11x64x128xf32, #tpu.memory_space<vmem>> -> memref<1x64x128xf32, #tpu.memory_space<vmem>>
    %dma_start3A_31 = tpu.memref_squeeze %dma_start3A_30 : memref<1x64x128xf32, #tpu.memory_space<vmem>> -> memref<64x128xf32, #tpu.memory_space<vmem>>
    %dma_start3A_32 = arith.constant 0 : i32
    %dma_start3A_33 = tpu.memref_slice %arg2[%dma_start3A_32, %multiple_of3A_26] : memref<64x1000000xf32, #tpu.memory_space<hbm>> -> memref<64x128xf32, #tpu.memory_space<hbm>>
    %dma_start3A_34 = arith.constant 0 : i32
    %dma_start3A_35 = arith.constant 0 : i32
    %dma_start3A_36 = tpu.memref_slice %arg6[%dma_start3A_27, %dma_start3A_34, %dma_start3A_35] : memref<11x64x128xf32, #tpu.memory_space<vmem>> -> memref<1x64x128xf32, #tpu.memory_space<vmem>>
    %dma_start3A_37 = tpu.memref_squeeze %dma_start3A_36 : memref<1x64x128xf32, #tpu.memory_space<vmem>> -> memref<64x128xf32, #tpu.memory_space<vmem>>
    %dma_start3A_38 = arith.constant 0 : i32
    %dma_start3A_39 = tpu.memref_slice %arg2[%dma_start3A_38, %multiple_of3A_26] : memref<64x1000000xf32, #tpu.memory_space<hbm>> -> memref<64x128xf32, #tpu.memory_space<hbm>>
    tpu.enqueue_dma source(%dma_start3A_39 : memref<64x128xf32, #tpu.memory_space<hbm>>) target(%dma_start3A_37 : memref<64x128xf32, #tpu.memory_space<vmem>>) target_semaphore(%arg9 : memref<!tpu.dma_semaphore, #tpu.memory_space<semaphore_mem>>)
    %get3A_40 = arith.constant 2 : index
    %get3A_41 = tpu.vector_load %arg5[%get3A_40] {strides = array<i32>} : memref<528xi32, #tpu.memory_space<vmem>>, vector<16xi32>,
    %slice3A_42 = vector.extract_strided_slice %get3A_41 {offsets = [0], sizes = [1], strides = [1]} : vector<16xi32> to vector<1xi32>
    %squeeze3A_43 = vector.extract %slice3A_42[0] : i32 from vector<1xi32>
    %shift_right_arithmetic3A_44 = arith.constant 7 : i32
    %shift_right_arithmetic3A_45 = arith.shrsi %squeeze3A_43, %shift_right_arithmetic3A_44 : i32
    %shift_left3A_46 = arith.constant 7 : i32
    %shift_left3A_47 = arith.shli %shift_right_arithmetic3A_45, %shift_left3A_46 : i32
    %multiple_of3A_48 = tpu.assume_multiple %shift_left3A_47, 128 : i32
    %dma_start3A_49 = arith.constant 2 : i32
    %dma_start3A_50 = arith.constant 0 : i32
    %dma_start3A_51 = arith.constant 0 : i32
    %dma_start3A_52 = tpu.memref_slice %arg6[%dma_start3A_49, %dma_start3A_50, %dma_start3A_51] : memref<11x64x128xf32, #tpu.memory_space<vmem>> -> memref<1x64x128xf32, #tpu.memory_space<vmem>>
    %dma_start3A_53 = tpu.memref_squeeze %dma_start3A_52 : memref<1x64x128xf32, #tpu.memory_space<vmem>> -> memref<64x128xf32, #tpu.memory_space<vmem>>
    %dma_start3A_54 = arith.constant 0 : i32
    %dma_start3A_55 = tpu.memref_slice %arg2[%dma_start3A_54, %multiple_of3A_48] : memref<64x1000000xf32, #tpu.memory_space<hbm>> -> memref<64x128xf32, #tpu.memory_space<hbm>>
    %dma_start3A_56 = arith.constant 0 : i32
    %dma_start3A_57 = arith.constant 0 : i32
    %dma_start3A_58 = tpu.memref_slice %arg6[%dma_start3A_49, %dma_start3A_56, %dma_start3A_57] : memref<11x64x128xf32, #tpu.memory_space<vmem>> -> memref<1x64x128xf32, #tpu.memory_space<vmem>>
    %dma_start3A_59 = tpu.memref_squeeze %dma_start3A_58 : memref<1x64x128xf32, #tpu.memory_space<vmem>> -> memref<64x128xf32, #tpu.memory_space<vmem>>
    %dma_start3A_60 = arith.constant 0 : i32
    %dma_start3A_61 = tpu.memref_slice %arg2[%dma_start3A_60, %multiple_of3A_48] : memref<64x1000000xf32, #tpu.memory_space<hbm>> -> memref<64x128xf32, #tpu.memory_space<hbm>>
    tpu.enqueue_dma source(%dma_start3A_61 : memref<64x128xf32, #tpu.memory_space<hbm>>) target(%dma_start3A_59 : memref<64x128xf32, #tpu.memory_space<vmem>>) target_semaphore(%arg10 : memref<!tpu.dma_semaphore, #tpu.memory_space<semaphore_mem>>)
    %get3A_62 = arith.constant 3 : index
    %get3A_63 = tpu.vector_load %arg5[%get3A_62] {strides = array<i32>} : memref<528xi32, #tpu.memory_space<vmem>>, vector<16xi32>,
    %slice3A_64 = vector.extract_strided_slice %get3A_63 {offsets = [0], sizes = [1], strides = [1]} : vector<16xi32> to vector<1xi32>
    %squeeze3A_65 = vector.extract %slice3A_64[0] : i32 from vector<1xi32>
    %shift_right_arithmetic3A_66 = arith.constant 7 : i32
    %shift_right_arithmetic3A_67 = arith.shrsi %squeeze3A_65, %shift_right_arithmetic3A_66 : i32
    %shift_left3A_68 = arith.constant 7 : i32
    %shift_left3A_69 = arith.shli %shift_right_arithmetic3A_67, %shift_left3A_68 : i32
    %multiple_of3A_70 = tpu.assume_multiple %shift_left3A_69, 128 : i32
    %dma_start3A_71 = arith.constant 3 : i32
    %dma_start3A_72 = arith.constant 0 : i32
    %dma_start3A_73 = arith.constant 0 : i32
    %dma_start3A_74 = tpu.memref_slice %arg6[%dma_start3A_71, %dma_start3A_72, %dma_start3A_73] : memref<11x64x128xf32, #tpu.memory_space<vmem>> -> memref<1x64x128xf32, #tpu.memory_space<vmem>>
    %dma_start3A_75 = tpu.memref_squeeze %dma_start3A_74 : memref<1x64x128xf32, #tpu.memory_space<vmem>> -> memref<64x128xf32, #tpu.memory_space<vmem>>
    %dma_start3A_76 = arith.constant 0 : i32
    %dma_start3A_77 = tpu.memref_slice %arg2[%dma_start3A_76, %multiple_of3A_70] : memref<64x1000000xf32, #tpu.memory_space<hbm>> -> memref<64x128xf32, #tpu.memory_space<hbm>>
    %dma_start3A_78 = arith.constant 0 : i32
    %dma_start3A_79 = arith.constant 0 : i32
    %dma_start3A_80 = tpu.memref_slice %arg6[%dma_start3A_71, %dma_start3A_78, %dma_start3A_79] : memref<11x64x128xf32, #tpu.memory_space<vmem>> -> memref<1x64x128xf32, #tpu.memory_space<vmem>>
    %dma_start3A_81 = tpu.memref_squeeze %dma_start3A_80 : memref<1x64x128xf32, #tpu.memory_space<vmem>> -> memref<64x128xf32, #tpu.memory_space<vmem>>
    %dma_start3A_82 = arith.constant 0 : i32
    %dma_start3A_83 = tpu.memref_slice %arg2[%dma_start3A_82, %multiple_of3A_70] : memref<64x1000000xf32, #tpu.memory_space<hbm>> -> memref<64x128xf32, #tpu.memory_space<hbm>>
    tpu.enqueue_dma source(%dma_start3A_83 : memref<64x128xf32, #tpu.memory_space<hbm>>) target(%dma_start3A_81 : memref<64x128xf32, #tpu.memory_space<vmem>>) target_semaphore(%arg11 : memref<!tpu.dma_semaphore, #tpu.memory_space<semaphore_mem>>)
    %get3A_84 = arith.constant 4 : index
    %get3A_85 = tpu.vector_load %arg5[%get3A_84] {strides = array<i32>} : memref<528xi32, #tpu.memory_space<vmem>>, vector<16xi32>,
    %slice3A_86 = vector.extract_strided_slice %get3A_85 {offsets = [0], sizes = [1], strides = [1]} : vector<16xi32> to vector<1xi32>
    %squeeze3A_87 = vector.extract %slice3A_86[0] : i32 from vector<1xi32>
    %shift_right_arithmetic3A_88 = arith.constant 7 : i32
    %shift_right_arithmetic3A_89 = arith.shrsi %squeeze3A_87, %shift_right_arithmetic3A_88 : i32
    %shift_left3A_90 = arith.constant 7 : i32
    %shift_left3A_91 = arith.shli %shift_right_arithmetic3A_89, %shift_left3A_90 : i32
    %multiple_of3A_92 = tpu.assume_multiple %shift_left3A_91, 128 : i32
    %dma_start3A_93 = arith.constant 4 : i32
    %dma_start3A_94 = arith.constant 0 : i32
    %dma_start3A_95 = arith.constant 0 : i32
    %dma_start3A_96 = tpu.memref_slice %arg6[%dma_start3A_93, %dma_start3A_94, %dma_start3A_95] : memref<11x64x128xf32, #tpu.memory_space<vmem>> -> memref<1x64x128xf32, #tpu.memory_space<vmem>>
    %dma_start3A_97 = tpu.memref_squeeze %dma_start3A_96 : memref<1x64x128xf32, #tpu.memory_space<vmem>> -> memref<64x128xf32, #tpu.memory_space<vmem>>
    %dma_start3A_98 = arith.constant 0 : i32
    %dma_start3A_99 = tpu.memref_slice %arg2[%dma_start3A_98, %multiple_of3A_92] : memref<64x1000000xf32, #tpu.memory_space<hbm>> -> memref<64x128xf32, #tpu.memory_space<hbm>>
    %dma_start3A_100 = arith.constant 0 : i32
    %dma_start3A_101 = arith.constant 0 : i32
    %dma_start3A_102 = tpu.memref_slice %arg6[%dma_start3A_93, %dma_start3A_100, %dma_start3A_101] : memref<11x64x128xf32, #tpu.memory_space<vmem>> -> memref<1x64x128xf32, #tpu.memory_space<vmem>>
    %dma_start3A_103 = tpu.memref_squeeze %dma_start3A_102 : memref<1x64x128xf32, #tpu.memory_space<vmem>> -> memref<64x128xf32, #tpu.memory_space<vmem>>
    %dma_start3A_104 = arith.constant 0 : i32
    %dma_start3A_105 = tpu.memref_slice %arg2[%dma_start3A_104, %multiple_of3A_92] : memref<64x1000000xf32, #tpu.memory_space<hbm>> -> memref<64x128xf32, #tpu.memory_space<hbm>>
    tpu.enqueue_dma source(%dma_start3A_105 : memref<64x128xf32, #tpu.memory_space<hbm>>) target(%dma_start3A_103 : memref<64x128xf32, #tpu.memory_space<vmem>>) target_semaphore(%arg12 : memref<!tpu.dma_semaphore, #tpu.memory_space<semaphore_mem>>)
    %get3A_106 = arith.constant 5 : index
    %get3A_107 = tpu.vector_load %arg5[%get3A_106] {strides = array<i32>} : memref<528xi32, #tpu.memory_space<vmem>>, vector<16xi32>,
    %slice3A_108 = vector.extract_strided_slice %get3A_107 {offsets = [0], sizes = [1], strides = [1]} : vector<16xi32> to vector<1xi32>
    %squeeze3A_109 = vector.extract %slice3A_108[0] : i32 from vector<1xi32>
    %shift_right_arithmetic3A_110 = arith.constant 7 : i32
    %shift_right_arithmetic3A_111 = arith.shrsi %squeeze3A_109, %shift_right_arithmetic3A_110 : i32
    %shift_left3A_112 = arith.constant 7 : i32
    %shift_left3A_113 = arith.shli %shift_right_arithmetic3A_111, %shift_left3A_112 : i32
    %multiple_of3A_114 = tpu.assume_multiple %shift_left3A_113, 128 : i32
    %dma_start3A_115 = arith.constant 5 : i32
    %dma_start3A_116 = arith.constant 0 : i32
    %dma_start3A_117 = arith.constant 0 : i32
    %dma_start3A_118 = tpu.memref_slice %arg6[%dma_start3A_115, %dma_start3A_116, %dma_start3A_117] : memref<11x64x128xf32, #tpu.memory_space<vmem>> -> memref<1x64x128xf32, #tpu.memory_space<vmem>>
    %dma_start3A_119 = tpu.memref_squeeze %dma_start3A_118 : memref<1x64x128xf32, #tpu.memory_space<vmem>> -> memref<64x128xf32, #tpu.memory_space<vmem>>
    %dma_start3A_120 = arith.constant 0 : i32
    %dma_start3A_121 = tpu.memref_slice %arg2[%dma_start3A_120, %multiple_of3A_114] : memref<64x1000000xf32, #tpu.memory_space<hbm>> -> memref<64x128xf32, #tpu.memory_space<hbm>>
    %dma_start3A_122 = arith.constant 0 : i32
    %dma_start3A_123 = arith.constant 0 : i32
    %dma_start3A_124 = tpu.memref_slice %arg6[%dma_start3A_115, %dma_start3A_122, %dma_start3A_123] : memref<11x64x128xf32, #tpu.memory_space<vmem>> -> memref<1x64x128xf32, #tpu.memory_space<vmem>>
    %dma_start3A_125 = tpu.memref_squeeze %dma_start3A_124 : memref<1x64x128xf32, #tpu.memory_space<vmem>> -> memref<64x128xf32, #tpu.memory_space<vmem>>
    %dma_start3A_126 = arith.constant 0 : i32
    %dma_start3A_127 = tpu.memref_slice %arg2[%dma_start3A_126, %multiple_of3A_114] : memref<64x1000000xf32, #tpu.memory_space<hbm>> -> memref<64x128xf32, #tpu.memory_space<hbm>>
    tpu.enqueue_dma source(%dma_start3A_127 : memref<64x128xf32, #tpu.memory_space<hbm>>) target(%dma_start3A_125 : memref<64x128xf32, #tpu.memory_space<vmem>>) target_semaphore(%arg13 : memref<!tpu.dma_semaphore, #tpu.memory_space<semaphore_mem>>)
    %get3A_128 = arith.constant 6 : index
    %get3A_129 = tpu.vector_load %arg5[%get3A_128] {strides = array<i32>} : memref<528xi32, #tpu.memory_space<vmem>>, vector<16xi32>,
    %slice3A_130 = vector.extract_strided_slice %get3A_129 {offsets = [0], sizes = [1], strides = [1]} : vector<16xi32> to vector<1xi32>
    %squeeze3A_131 = vector.extract %slice3A_130[0] : i32 from vector<1xi32>
    %shift_right_arithmetic3A_132 = arith.constant 7 : i32
    %shift_right_arithmetic3A_133 = arith.shrsi %squeeze3A_131, %shift_right_arithmetic3A_132 : i32
    %shift_left3A_134 = arith.constant 7 : i32
    %shift_left3A_135 = arith.shli %shift_right_arithmetic3A_133, %shift_left3A_134 : i32
    %multiple_of3A_136 = tpu.assume_multiple %shift_left3A_135, 128 : i32
    %dma_start3A_137 = arith.constant 6 : i32
    %dma_start3A_138 = arith.constant 0 : i32
    %dma_start3A_139 = arith.constant 0 : i32
    %dma_start3A_140 = tpu.memref_slice %arg6[%dma_start3A_137, %dma_start3A_138, %dma_start3A_139] : memref<11x64x128xf32, #tpu.memory_space<vmem>> -> memref<1x64x128xf32, #tpu.memory_space<vmem>>
    %dma_start3A_141 = tpu.memref_squeeze %dma_start3A_140 : memref<1x64x128xf32, #tpu.memory_space<vmem>> -> memref<64x128xf32, #tpu.memory_space<vmem>>
    %dma_start3A_142 = arith.constant 0 : i32
    %dma_start3A_143 = tpu.memref_slice %arg2[%dma_start3A_142, %multiple_of3A_136] : memref<64x1000000xf32, #tpu.memory_space<hbm>> -> memref<64x128xf32, #tpu.memory_space<hbm>>
    %dma_start3A_144 = arith.constant 0 : i32
    %dma_start3A_145 = arith.constant 0 : i32
    %dma_start3A_146 = tpu.memref_slice %arg6[%dma_start3A_137, %dma_start3A_144, %dma_start3A_145] : memref<11x64x128xf32, #tpu.memory_space<vmem>> -> memref<1x64x128xf32, #tpu.memory_space<vmem>>
    %dma_start3A_147 = tpu.memref_squeeze %dma_start3A_146 : memref<1x64x128xf32, #tpu.memory_space<vmem>> -> memref<64x128xf32, #tpu.memory_space<vmem>>
    %dma_start3A_148 = arith.constant 0 : i32
    %dma_start3A_149 = tpu.memref_slice %arg2[%dma_start3A_148, %multiple_of3A_136] : memref<64x1000000xf32, #tpu.memory_space<hbm>> -> memref<64x128xf32, #tpu.memory_space<hbm>>
    tpu.enqueue_dma source(%dma_start3A_149 : memref<64x128xf32, #tpu.memory_space<hbm>>) target(%dma_start3A_147 : memref<64x128xf32, #tpu.memory_space<vmem>>) target_semaphore(%arg14 : memref<!tpu.dma_semaphore, #tpu.memory_space<semaphore_mem>>)
    %get3A_150 = arith.constant 7 : index
    %get3A_151 = tpu.vector_load %arg5[%get3A_150] {strides = array<i32>} : memref<528xi32, #tpu.memory_space<vmem>>, vector<16xi32>,
    %slice3A_152 = vector.extract_strided_slice %get3A_151 {offsets = [0], sizes = [1], strides = [1]} : vector<16xi32> to vector<1xi32>
    %squeeze3A_153 = vector.extract %slice3A_152[0] : i32 from vector<1xi32>
    %shift_right_arithmetic3A_154 = arith.constant 7 : i32
    %shift_right_arithmetic3A_155 = arith.shrsi %squeeze3A_153, %shift_right_arithmetic3A_154 : i32
    %shift_left3A_156 = arith.constant 7 : i32
    %shift_left3A_157 = arith.shli %shift_right_arithmetic3A_155, %shift_left3A_156 : i32
    %multiple_of3A_158 = tpu.assume_multiple %shift_left3A_157, 128 : i32
    %dma_start3A_159 = arith.constant 7 : i32
    %dma_start3A_160 = arith.constant 0 : i32
    %dma_start3A_161 = arith.constant 0 : i32
    %dma_start3A_162 = tpu.memref_slice %arg6[%dma_start3A_159, %dma_start3A_160, %dma_start3A_161] : memref<11x64x128xf32, #tpu.memory_space<vmem>> -> memref<1x64x128xf32, #tpu.memory_space<vmem>>
    %dma_start3A_163 = tpu.memref_squeeze %dma_start3A_162 : memref<1x64x128xf32, #tpu.memory_space<vmem>> -> memref<64x128xf32, #tpu.memory_space<vmem>>
    %dma_start3A_164 = arith.constant 0 : i32
    %dma_start3A_165 = tpu.memref_slice %arg2[%dma_start3A_164, %multiple_of3A_158] : memref<64x1000000xf32, #tpu.memory_space<hbm>> -> memref<64x128xf32, #tpu.memory_space<hbm>>
    %dma_start3A_166 = arith.constant 0 : i32
    %dma_start3A_167 = arith.constant 0 : i32
    %dma_start3A_168 = tpu.memref_slice %arg6[%dma_start3A_159, %dma_start3A_166, %dma_start3A_167] : memref<11x64x128xf32, #tpu.memory_space<vmem>> -> memref<1x64x128xf32, #tpu.memory_space<vmem>>
    %dma_start3A_169 = tpu.memref_squeeze %dma_start3A_168 : memref<1x64x128xf32, #tpu.memory_space<vmem>> -> memref<64x128xf32, #tpu.memory_space<vmem>>
    %dma_start3A_170 = arith.constant 0 : i32
    %dma_start3A_171 = tpu.memref_slice %arg2[%dma_start3A_170, %multiple_of3A_158] : memref<64x1000000xf32, #tpu.memory_space<hbm>> -> memref<64x128xf32, #tpu.memory_space<hbm>>
    tpu.enqueue_dma source(%dma_start3A_171 : memref<64x128xf32, #tpu.memory_space<hbm>>) target(%dma_start3A_169 : memref<64x128xf32, #tpu.memory_space<vmem>>) target_semaphore(%arg15 : memref<!tpu.dma_semaphore, #tpu.memory_space<semaphore_mem>>)
    %get3A_172 = arith.constant 8 : index
    %get3A_173 = tpu.vector_load %arg5[%get3A_172] {strides = array<i32>} : memref<528xi32, #tpu.memory_space<vmem>>, vector<16xi32>,
    %slice3A_174 = vector.extract_strided_slice %get3A_173 {offsets = [0], sizes = [1], strides = [1]} : vector<16xi32> to vector<1xi32>
    %squeeze3A_175 = vector.extract %slice3A_174[0] : i32 from vector<1xi32>
    %shift_right_arithmetic3A_176 = arith.constant 7 : i32
    %shift_right_arithmetic3A_177 = arith.shrsi %squeeze3A_175, %shift_right_arithmetic3A_176 : i32
    %shift_left3A_178 = arith.constant 7 : i32
    %shift_left3A_179 = arith.shli %shift_right_arithmetic3A_177, %shift_left3A_178 : i32
    %multiple_of3A_180 = tpu.assume_multiple %shift_left3A_179, 128 : i32
    %dma_start3A_181 = arith.constant 8 : i32
    %dma_start3A_182 = arith.constant 0 : i32
    %dma_start3A_183 = arith.constant 0 : i32
    %dma_start3A_184 = tpu.memref_slice %arg6[%dma_start3A_181, %dma_start3A_182, %dma_start3A_183] : memref<11x64x128xf32, #tpu.memory_space<vmem>> -> memref<1x64x128xf32, #tpu.memory_space<vmem>>
    %dma_start3A_185 = tpu.memref_squeeze %dma_start3A_184 : memref<1x64x128xf32, #tpu.memory_space<vmem>> -> memref<64x128xf32, #tpu.memory_space<vmem>>
    %dma_start3A_186 = arith.constant 0 : i32
    %dma_start3A_187 = tpu.memref_slice %arg2[%dma_start3A_186, %multiple_of3A_180] : memref<64x1000000xf32, #tpu.memory_space<hbm>> -> memref<64x128xf32, #tpu.memory_space<hbm>>
    %dma_start3A_188 = arith.constant 0 : i32
    %dma_start3A_189 = arith.constant 0 : i32
    %dma_start3A_190 = tpu.memref_slice %arg6[%dma_start3A_181, %dma_start3A_188, %dma_start3A_189] : memref<11x64x128xf32, #tpu.memory_space<vmem>> -> memref<1x64x128xf32, #tpu.memory_space<vmem>>
    %dma_start3A_191 = tpu.memref_squeeze %dma_start3A_190 : memref<1x64x128xf32, #tpu.memory_space<vmem>> -> memref<64x128xf32, #tpu.memory_space<vmem>>
    %dma_start3A_192 = arith.constant 0 : i32
    %dma_start3A_193 = tpu.memref_slice %arg2[%dma_start3A_192, %multiple_of3A_180] : memref<64x1000000xf32, #tpu.memory_space<hbm>> -> memref<64x128xf32, #tpu.memory_space<hbm>>
    tpu.enqueue_dma source(%dma_start3A_193 : memref<64x128xf32, #tpu.memory_space<hbm>>) target(%dma_start3A_191 : memref<64x128xf32, #tpu.memory_space<vmem>>) target_semaphore(%arg16 : memref<!tpu.dma_semaphore, #tpu.memory_space<semaphore_mem>>)
    %get3A_194 = arith.constant 9 : index
    %get3A_195 = tpu.vector_load %arg5[%get3A_194] {strides = array<i32>} : memref<528xi32, #tpu.memory_space<vmem>>, vector<16xi32>,
    %slice3A_196 = vector.extract_strided_slice %get3A_195 {offsets = [0], sizes = [1], strides = [1]} : vector<16xi32> to vector<1xi32>
    %squeeze3A_197 = vector.extract %slice3A_196[0] : i32 from vector<1xi32>
    %shift_right_arithmetic3A_198 = arith.constant 7 : i32
    %shift_right_arithmetic3A_199 = arith.shrsi %squeeze3A_197, %shift_right_arithmetic3A_198 : i32
    %shift_left3A_200 = arith.constant 7 : i32
    %shift_left3A_201 = arith.shli %shift_right_arithmetic3A_199, %shift_left3A_200 : i32
    %multiple_of3A_202 = tpu.assume_multiple %shift_left3A_201, 128 : i32
    %dma_start3A_203 = arith.constant 9 : i32
    %dma_start3A_204 = arith.constant 0 : i32
    %dma_start3A_205 = arith.constant 0 : i32
    %dma_start3A_206 = tpu.memref_slice %arg6[%dma_start3A_203, %dma_start3A_204, %dma_start3A_205] : memref<11x64x128xf32, #tpu.memory_space<vmem>> -> memref<1x64x128xf32, #tpu.memory_space<vmem>>
    %dma_start3A_207 = tpu.memref_squeeze %dma_start3A_206 : memref<1x64x128xf32, #tpu.memory_space<vmem>> -> memref<64x128xf32, #tpu.memory_space<vmem>>
    %dma_start3A_208 = arith.constant 0 : i32
    %dma_start3A_209 = tpu.memref_slice %arg2[%dma_start3A_208, %multiple_of3A_202] : memref<64x1000000xf32, #tpu.memory_space<hbm>> -> memref<64x128xf32, #tpu.memory_space<hbm>>
    %dma_start3A_210 = arith.constant 0 : i32
    %dma_start3A_211 = arith.constant 0 : i32
    %dma_start3A_212 = tpu.memref_slice %arg6[%dma_start3A_203, %dma_start3A_210, %dma_start3A_211] : memref<11x64x128xf32, #tpu.memory_space<vmem>> -> memref<1x64x128xf32, #tpu.memory_space<vmem>>
    %dma_start3A_213 = tpu.memref_squeeze %dma_start3A_212 : memref<1x64x128xf32, #tpu.memory_space<vmem>> -> memref<64x128xf32, #tpu.memory_space<vmem>>
    %dma_start3A_214 = arith.constant 0 : i32
    %dma_start3A_215 = tpu.memref_slice %arg2[%dma_start3A_214, %multiple_of3A_202] : memref<64x1000000xf32, #tpu.memory_space<hbm>> -> memref<64x128xf32, #tpu.memory_space<hbm>>
    tpu.enqueue_dma source(%dma_start3A_215 : memref<64x128xf32, #tpu.memory_space<hbm>>) target(%dma_start3A_213 : memref<64x128xf32, #tpu.memory_space<vmem>>) target_semaphore(%arg17 : memref<!tpu.dma_semaphore, #tpu.memory_space<semaphore_mem>>)
    %get3A_216 = arith.constant 10 : index
    %get3A_217 = tpu.vector_load %arg5[%get3A_216] {strides = array<i32>} : memref<528xi32, #tpu.memory_space<vmem>>, vector<16xi32>,
    %slice3A_218 = vector.extract_strided_slice %get3A_217 {offsets = [0], sizes = [1], strides = [1]} : vector<16xi32> to vector<1xi32>
    %squeeze3A_219 = vector.extract %slice3A_218[0] : i32 from vector<1xi32>
    %shift_right_arithmetic3A_220 = arith.constant 7 : i32
    %shift_right_arithmetic3A_221 = arith.shrsi %squeeze3A_219, %shift_right_arithmetic3A_220 : i32
    %shift_left3A_222 = arith.constant 7 : i32
    %shift_left3A_223 = arith.shli %shift_right_arithmetic3A_221, %shift_left3A_222 : i32
    %multiple_of3A_224 = tpu.assume_multiple %shift_left3A_223, 128 : i32
    %dma_start3A_225 = arith.constant 10 : i32
    %dma_start3A_226 = arith.constant 0 : i32
    %dma_start3A_227 = arith.constant 0 : i32
    %dma_start3A_228 = tpu.memref_slice %arg6[%dma_start3A_225, %dma_start3A_226, %dma_start3A_227] : memref<11x64x128xf32, #tpu.memory_space<vmem>> -> memref<1x64x128xf32, #tpu.memory_space<vmem>>
    %dma_start3A_229 = tpu.memref_squeeze %dma_start3A_228 : memref<1x64x128xf32, #tpu.memory_space<vmem>> -> memref<64x128xf32, #tpu.memory_space<vmem>>
    %dma_start3A_230 = arith.constant 0 : i32
    %dma_start3A_231 = tpu.memref_slice %arg2[%dma_start3A_230, %multiple_of3A_224] : memref<64x1000000xf32, #tpu.memory_space<hbm>> -> memref<64x128xf32, #tpu.memory_space<hbm>>
    %dma_start3A_232 = arith.constant 0 : i32
    %dma_start3A_233 = arith.constant 0 : i32
    %dma_start3A_234 = tpu.memref_slice %arg6[%dma_start3A_225, %dma_start3A_232, %dma_start3A_233] : memref<11x64x128xf32, #tpu.memory_space<vmem>> -> memref<1x64x128xf32, #tpu.memory_space<vmem>>
    %dma_start3A_235 = tpu.memref_squeeze %dma_start3A_234 : memref<1x64x128xf32, #tpu.memory_space<vmem>> -> memref<64x128xf32, #tpu.memory_space<vmem>>
    %dma_start3A_236 = arith.constant 0 : i32
    %dma_start3A_237 = tpu.memref_slice %arg2[%dma_start3A_236, %multiple_of3A_224] : memref<64x1000000xf32, #tpu.memory_space<hbm>> -> memref<64x128xf32, #tpu.memory_space<hbm>>
    tpu.enqueue_dma source(%dma_start3A_237 : memref<64x128xf32, #tpu.memory_space<hbm>>) target(%dma_start3A_235 : memref<64x128xf32, #tpu.memory_space<vmem>>) target_semaphore(%arg18 : memref<!tpu.dma_semaphore, #tpu.memory_space<semaphore_mem>>)
    %scan3A = arith.constant 0 : i32
    %scan3A_238 = arith.constant 0 : i32
    %scan3A_239 = arith.constant 45 : i32
    %scan3A_240 = arith.addi %scan3A_238, %scan3A_239 : i32
    %scan3A_241 = arith.constant 1 : i32
    %scan3A_242 = scf.for %scan3A_1392 = %scan3A_238 to %scan3A_240 step %scan3A_241 iter_args(%scan3A_1393 = %scan3A) -> (i32)  : i32 {
      %mul3A_1394 = arith.constant 11 : i32
      %mul3A_1395 = arith.muli %scan3A_1392, %mul3A_1394 : i32
      %add3A_1396 = arith.constant 0 : i32
      %add3A_1397 = arith.addi %mul3A_1395, %add3A_1396 : i32
      %dma_wait3A_1398 = arith.constant 0 : i32
      %dma_wait3A_1399 = arith.constant 0 : i32
      %dma_wait3A_1400 = arith.constant 0 : i32
      %dma_wait3A_1401 = tpu.memref_slice %arg6[%dma_wait3A_1398, %dma_wait3A_1399, %dma_wait3A_1400] : memref<11x64x128xf32, #tpu.memory_space<vmem>> -> memref<1x64x128xf32, #tpu.memory_space<vmem>>
      %dma_wait3A_1402 = tpu.memref_squeeze %dma_wait3A_1401 : memref<1x64x128xf32, #tpu.memory_space<vmem>> -> memref<64x128xf32, #tpu.memory_space<vmem>>
      %dma_wait3A_1403 = arith.constant 0 : i32
      %dma_wait3A_1404 = arith.constant 0 : i32
      %dma_wait3A_1405 = tpu.memref_slice %arg2[%dma_wait3A_1403, %dma_wait3A_1404] : memref<64x1000000xf32, #tpu.memory_space<hbm>> -> memref<64x128xf32, #tpu.memory_space<hbm>>
      %dma_wait3A_1406 = arith.constant 0 : i32
      %dma_wait3A_1407 = arith.constant 0 : i32
      %dma_wait3A_1408 = tpu.memref_slice %arg6[%dma_wait3A_1398, %dma_wait3A_1406, %dma_wait3A_1407] : memref<11x64x128xf32, #tpu.memory_space<vmem>> -> memref<1x64x128xf32, #tpu.memory_space<vmem>>
      %dma_wait3A_1409 = tpu.memref_squeeze %dma_wait3A_1408 : memref<1x64x128xf32, #tpu.memory_space<vmem>> -> memref<64x128xf32, #tpu.memory_space<vmem>>
      %dma_wait3A_1410 = arith.constant 0 : i32
      %dma_wait3A_1411 = arith.constant 0 : i32
      %dma_wait3A_1412 = tpu.memref_slice %arg2[%dma_wait3A_1410, %dma_wait3A_1411] : memref<64x1000000xf32, #tpu.memory_space<hbm>> -> memref<64x128xf32, #tpu.memory_space<hbm>>
      tpu.wait_dma2 semaphore(%arg8 : memref<!tpu.dma_semaphore, #tpu.memory_space<semaphore_mem>>) src(%dma_wait3A_1412 : memref<64x128xf32, #tpu.memory_space<hbm>>) dst(%dma_wait3A_1409 : memref<64x128xf32, #tpu.memory_space<vmem>>)
      %get3A_1413 = arith.index_cast %add3A_1397 : i32 to index
      %get3A_1414 = tpu.vector_load %arg5[%get3A_1413] {strides = array<i32>} : memref<528xi32, #tpu.memory_space<vmem>>, vector<16xi32>,
      %slice3A_1415 = vector.extract_strided_slice %get3A_1414 {offsets = [0], sizes = [1], strides = [1]} : vector<16xi32> to vector<1xi32>
      %squeeze3A_1416 = vector.extract %slice3A_1415[0] : i32 from vector<1xi32>
      %and3A_1417 = arith.constant 127 : i32
      %and3A_1418 = arith.andi %squeeze3A_1416, %and3A_1417 : i32
      %broadcast_in_dim3A_1419 = vector.broadcast %and3A_1418 : i32 to vector<16xi32>
      %broadcast_in_dim3A_1420 = vector.broadcast %add3A_1397 : i32 to vector<16xi32>
      %add3A_1421 = arith.constant 0 : i32
      %add3A_1422 = vector.broadcast %add3A_1421 : i32 to vector<16xi32>
      %add3A_1423 = arith.addi %iota3A, %add3A_1422 : vector<16xi32>
      %gather3A_1424 = arith.constant 0 : i32
      %gather3A_1425 = arith.constant 0 : i32
      %gather3A_1426 = arith.constant 0 : i32
      %gather3A_1427 = tpu.memref_slice %arg6[%gather3A_1424, %gather3A_1425, %gather3A_1426] : memref<11x64x128xf32, #tpu.memory_space<vmem>> -> memref<1x64x128xf32, #tpu.memory_space<vmem>>
      %gather3A_1428 = tpu.memref_squeeze %gather3A_1427 : memref<1x64x128xf32, #tpu.memory_space<vmem>> -> memref<64x128xf32, #tpu.memory_space<vmem>>
      %gather3A_1429 = tpu.vector_load_idx %gather3A_1428[%add3A_1423, %broadcast_in_dim3A_1419] : memref<64x128xf32, #tpu.memory_space<vmem>>[vector<16xi32>, vector<16xi32>], vector<16xf32>,
      tpu.vector_store_idx %arg7[%add3A_1423, %broadcast_in_dim3A_1420], %gather3A_1429 : memref<64x512xf32, #tpu.memory_space<vmem>>[vector<16xi32>, vector<16xi32>], vector<16xf32>,
      %add3A_1430 = arith.constant 16 : i32
      %add3A_1431 = vector.broadcast %add3A_1430 : i32 to vector<16xi32>
      %add3A_1432 = arith.addi %iota3A, %add3A_1431 : vector<16xi32>
      %gather3A_1433 = arith.constant 0 : i32
      %gather3A_1434 = arith.constant 0 : i32
      %gather3A_1435 = arith.constant 0 : i32
      %gather3A_1436 = tpu.memref_slice %arg6[%gather3A_1433, %gather3A_1434, %gather3A_1435] : memref<11x64x128xf32, #tpu.memory_space<vmem>> -> memref<1x64x128xf32, #tpu.memory_space<vmem>>
      %gather3A_1437 = tpu.memref_squeeze %gather3A_1436 : memref<1x64x128xf32, #tpu.memory_space<vmem>> -> memref<64x128xf32, #tpu.memory_space<vmem>>
      %gather3A_1438 = tpu.vector_load_idx %gather3A_1437[%add3A_1432, %broadcast_in_dim3A_1419] : memref<64x128xf32, #tpu.memory_space<vmem>>[vector<16xi32>, vector<16xi32>], vector<16xf32>,
      tpu.vector_store_idx %arg7[%add3A_1432, %broadcast_in_dim3A_1420], %gather3A_1438 : memref<64x512xf32, #tpu.memory_space<vmem>>[vector<16xi32>, vector<16xi32>], vector<16xf32>,
      %add3A_1439 = arith.constant 32 : i32
      %add3A_1440 = vector.broadcast %add3A_1439 : i32 to vector<16xi32>
      %add3A_1441 = arith.addi %iota3A, %add3A_1440 : vector<16xi32>
      %gather3A_1442 = arith.constant 0 : i32
      %gather3A_1443 = arith.constant 0 : i32
      %gather3A_1444 = arith.constant 0 : i32
      %gather3A_1445 = tpu.memref_slice %arg6[%gather3A_1442, %gather3A_1443, %gather3A_1444] : memref<11x64x128xf32, #tpu.memory_space<vmem>> -> memref<1x64x128xf32, #tpu.memory_space<vmem>>
      %gather3A_1446 = tpu.memref_squeeze %gather3A_1445 : memref<1x64x128xf32, #tpu.memory_space<vmem>> -> memref<64x128xf32, #tpu.memory_space<vmem>>
      %gather3A_1447 = tpu.vector_load_idx %gather3A_1446[%add3A_1441, %broadcast_in_dim3A_1419] : memref<64x128xf32, #tpu.memory_space<vmem>>[vector<16xi32>, vector<16xi32>], vector<16xf32>,
      tpu.vector_store_idx %arg7[%add3A_1441, %broadcast_in_dim3A_1420], %gather3A_1447 : memref<64x512xf32, #tpu.memory_space<vmem>>[vector<16xi32>, vector<16xi32>], vector<16xf32>,
      %add3A_1448 = arith.constant 48 : i32
      %add3A_1449 = vector.broadcast %add3A_1448 : i32 to vector<16xi32>
      %add3A_1450 = arith.addi %iota3A, %add3A_1449 : vector<16xi32>
      %gather3A_1451 = arith.constant 0 : i32
      %gather3A_1452 = arith.constant 0 : i32
      %gather3A_1453 = arith.constant 0 : i32
      %gather3A_1454 = tpu.memref_slice %arg6[%gather3A_1451, %gather3A_1452, %gather3A_1453] : memref<11x64x128xf32, #tpu.memory_space<vmem>> -> memref<1x64x128xf32, #tpu.memory_space<vmem>>
      %gather3A_1455 = tpu.memref_squeeze %gather3A_1454 : memref<1x64x128xf32, #tpu.memory_space<vmem>> -> memref<64x128xf32, #tpu.memory_space<vmem>>
      %gather3A_1456 = tpu.vector_load_idx %gather3A_1455[%add3A_1450, %broadcast_in_dim3A_1419] : memref<64x128xf32, #tpu.memory_space<vmem>>[vector<16xi32>, vector<16xi32>], vector<16xf32>,
      tpu.vector_store_idx %arg7[%add3A_1450, %broadcast_in_dim3A_1420], %gather3A_1456 : memref<64x512xf32, #tpu.memory_space<vmem>>[vector<16xi32>, vector<16xi32>], vector<16xf32>,
      %add3A_1457 = arith.constant 11 : i32
      %add3A_1458 = arith.addi %add3A_1397, %add3A_1457 : i32
      %get3A_1459 = arith.index_cast %add3A_1458 : i32 to index
      %get3A_1460 = tpu.vector_load %arg5[%get3A_1459] {strides = array<i32>} : memref<528xi32, #tpu.memory_space<vmem>>, vector<16xi32>,
      %slice3A_1461 = vector.extract_strided_slice %get3A_1460 {offsets = [0], sizes = [1], strides = [1]} : vector<16xi32> to vector<1xi32>
      %squeeze3A_1462 = vector.extract %slice3A_1461[0] : i32 from vector<1xi32>
      %shift_right_arithmetic3A_1463 = arith.constant 7 : i32
      %shift_right_arithmetic3A_1464 = arith.shrsi %squeeze3A_1462, %shift_right_arithmetic3A_1463 : i32
      %shift_left3A_1465 = arith.constant 7 : i32
      %shift_left3A_1466 = arith.shli %shift_right_arithmetic3A_1464, %shift_left3A_1465 : i32
      %multiple_of3A_1467 = tpu.assume_multiple %shift_left3A_1466, 128 : i32
      %dma_start3A_1468 = arith.constant 0 : i32
      %dma_start3A_1469 = arith.constant 0 : i32
      %dma_start3A_1470 = arith.constant 0 : i32
      %dma_start3A_1471 = tpu.memref_slice %arg6[%dma_start3A_1468, %dma_start3A_1469, %dma_start3A_1470] : memref<11x64x128xf32, #tpu.memory_space<vmem>> -> memref<1x64x128xf32, #tpu.memory_space<vmem>>
      %dma_start3A_1472 = tpu.memref_squeeze %dma_start3A_1471 : memref<1x64x128xf32, #tpu.memory_space<vmem>> -> memref<64x128xf32, #tpu.memory_space<vmem>>
      %dma_start3A_1473 = arith.constant 0 : i32
      %dma_start3A_1474 = tpu.memref_slice %arg2[%dma_start3A_1473, %multiple_of3A_1467] : memref<64x1000000xf32, #tpu.memory_space<hbm>> -> memref<64x128xf32, #tpu.memory_space<hbm>>
      %dma_start3A_1475 = arith.constant 0 : i32
      %dma_start3A_1476 = arith.constant 0 : i32
      %dma_start3A_1477 = tpu.memref_slice %arg6[%dma_start3A_1468, %dma_start3A_1475, %dma_start3A_1476] : memref<11x64x128xf32, #tpu.memory_space<vmem>> -> memref<1x64x128xf32, #tpu.memory_space<vmem>>
      %dma_start3A_1478 = tpu.memref_squeeze %dma_start3A_1477 : memref<1x64x128xf32, #tpu.memory_space<vmem>> -> memref<64x128xf32, #tpu.memory_space<vmem>>
      %dma_start3A_1479 = arith.constant 0 : i32
      %dma_start3A_1480 = tpu.memref_slice %arg2[%dma_start3A_1479, %multiple_of3A_1467] : memref<64x1000000xf32, #tpu.memory_space<hbm>> -> memref<64x128xf32, #tpu.memory_space<hbm>>
      tpu.enqueue_dma source(%dma_start3A_1480 : memref<64x128xf32, #tpu.memory_space<hbm>>) target(%dma_start3A_1478 : memref<64x128xf32, #tpu.memory_space<vmem>>) target_semaphore(%arg8 : memref<!tpu.dma_semaphore, #tpu.memory_space<semaphore_mem>>)
      %mul3A_1481 = arith.constant 11 : i32
      %mul3A_1482 = arith.muli %scan3A_1392, %mul3A_1481 : i32
      %add3A_1483 = arith.constant 1 : i32
      %add3A_1484 = arith.addi %mul3A_1482, %add3A_1483 : i32
      %dma_wait3A_1485 = arith.constant 1 : i32
      %dma_wait3A_1486 = arith.constant 0 : i32
      %dma_wait3A_1487 = arith.constant 0 : i32
      %dma_wait3A_1488 = tpu.memref_slice %arg6[%dma_wait3A_1485, %dma_wait3A_1486, %dma_wait3A_1487] : memref<11x64x128xf32, #tpu.memory_space<vmem>> -> memref<1x64x128xf32, #tpu.memory_space<vmem>>
      %dma_wait3A_1489 = tpu.memref_squeeze %dma_wait3A_1488 : memref<1x64x128xf32, #tpu.memory_space<vmem>> -> memref<64x128xf32, #tpu.memory_space<vmem>>
      %dma_wait3A_1490 = arith.constant 0 : i32
      %dma_wait3A_1491 = arith.constant 0 : i32
      %dma_wait3A_1492 = tpu.memref_slice %arg2[%dma_wait3A_1490, %dma_wait3A_1491] : memref<64x1000000xf32, #tpu.memory_space<hbm>> -> memref<64x128xf32, #tpu.memory_space<hbm>>
      %dma_wait3A_1493 = arith.constant 0 : i32
      %dma_wait3A_1494 = arith.constant 0 : i32
      %dma_wait3A_1495 = tpu.memref_slice %arg6[%dma_wait3A_1485, %dma_wait3A_1493, %dma_wait3A_1494] : memref<11x64x128xf32, #tpu.memory_space<vmem>> -> memref<1x64x128xf32, #tpu.memory_space<vmem>>
      %dma_wait3A_1496 = tpu.memref_squeeze %dma_wait3A_1495 : memref<1x64x128xf32, #tpu.memory_space<vmem>> -> memref<64x128xf32, #tpu.memory_space<vmem>>
      %dma_wait3A_1497 = arith.constant 0 : i32
      %dma_wait3A_1498 = arith.constant 0 : i32
      %dma_wait3A_1499 = tpu.memref_slice %arg2[%dma_wait3A_1497, %dma_wait3A_1498] : memref<64x1000000xf32, #tpu.memory_space<hbm>> -> memref<64x128xf32, #tpu.memory_space<hbm>>
      tpu.wait_dma2 semaphore(%arg9 : memref<!tpu.dma_semaphore, #tpu.memory_space<semaphore_mem>>) src(%dma_wait3A_1499 : memref<64x128xf32, #tpu.memory_space<hbm>>) dst(%dma_wait3A_1496 : memref<64x128xf32, #tpu.memory_space<vmem>>)
      %get3A_1500 = arith.index_cast %add3A_1484 : i32 to index
      %get3A_1501 = tpu.vector_load %arg5[%get3A_1500] {strides = array<i32>} : memref<528xi32, #tpu.memory_space<vmem>>, vector<16xi32>,
      %slice3A_1502 = vector.extract_strided_slice %get3A_1501 {offsets = [0], sizes = [1], strides = [1]} : vector<16xi32> to vector<1xi32>
      %squeeze3A_1503 = vector.extract %slice3A_1502[0] : i32 from vector<1xi32>
      %and3A_1504 = arith.constant 127 : i32
      %and3A_1505 = arith.andi %squeeze3A_1503, %and3A_1504 : i32
      %broadcast_in_dim3A_1506 = vector.broadcast %and3A_1505 : i32 to vector<16xi32>
      %broadcast_in_dim3A_1507 = vector.broadcast %add3A_1484 : i32 to vector<16xi32>
      %add3A_1508 = arith.constant 0 : i32
      %add3A_1509 = vector.broadcast %add3A_1508 : i32 to vector<16xi32>
      %add3A_1510 = arith.addi %iota3A, %add3A_1509 : vector<16xi32>
      %gather3A_1511 = arith.constant 1 : i32
      %gather3A_1512 = arith.constant 0 : i32
      %gather3A_1513 = arith.constant 0 : i32
      %gather3A_1514 = tpu.memref_slice %arg6[%gather3A_1511, %gather3A_1512, %gather3A_1513] : memref<11x64x128xf32, #tpu.memory_space<vmem>> -> memref<1x64x128xf32, #tpu.memory_space<vmem>>
      %gather3A_1515 = tpu.memref_squeeze %gather3A_1514 : memref<1x64x128xf32, #tpu.memory_space<vmem>> -> memref<64x128xf32, #tpu.memory_space<vmem>>
      %gather3A_1516 = tpu.vector_load_idx %gather3A_1515[%add3A_1510, %broadcast_in_dim3A_1506] : memref<64x128xf32, #tpu.memory_space<vmem>>[vector<16xi32>, vector<16xi32>], vector<16xf32>,
      tpu.vector_store_idx %arg7[%add3A_1510, %broadcast_in_dim3A_1507], %gather3A_1516 : memref<64x512xf32, #tpu.memory_space<vmem>>[vector<16xi32>, vector<16xi32>], vector<16xf32>,
      %add3A_1517 = arith.constant 16 : i32
      %add3A_1518 = vector.broadcast %add3A_1517 : i32 to vector<16xi32>
      %add3A_1519 = arith.addi %iota3A, %add3A_1518 : vector<16xi32>
      %gather3A_1520 = arith.constant 1 : i32
      %gather3A_1521 = arith.constant 0 : i32
      %gather3A_1522 = arith.constant 0 : i32
      %gather3A_1523 = tpu.memref_slice %arg6[%gather3A_1520, %gather3A_1521, %gather3A_1522] : memref<11x64x128xf32, #tpu.memory_space<vmem>> -> memref<1x64x128xf32, #tpu.memory_space<vmem>>
      %gather3A_1524 = tpu.memref_squeeze %gather3A_1523 : memref<1x64x128xf32, #tpu.memory_space<vmem>> -> memref<64x128xf32, #tpu.memory_space<vmem>>
      %gather3A_1525 = tpu.vector_load_idx %gather3A_1524[%add3A_1519, %broadcast_in_dim3A_1506] : memref<64x128xf32, #tpu.memory_space<vmem>>[vector<16xi32>, vector<16xi32>], vector<16xf32>,
      tpu.vector_store_idx %arg7[%add3A_1519, %broadcast_in_dim3A_1507], %gather3A_1525 : memref<64x512xf32, #tpu.memory_space<vmem>>[vector<16xi32>, vector<16xi32>], vector<16xf32>,
      %add3A_1526 = arith.constant 32 : i32
      %add3A_1527 = vector.broadcast %add3A_1526 : i32 to vector<16xi32>
      %add3A_1528 = arith.addi %iota3A, %add3A_1527 : vector<16xi32>
      %gather3A_1529 = arith.constant 1 : i32
      %gather3A_1530 = arith.constant 0 : i32
      %gather3A_1531 = arith.constant 0 : i32
      %gather3A_1532 = tpu.memref_slice %arg6[%gather3A_1529, %gather3A_1530, %gather3A_1531] : memref<11x64x128xf32, #tpu.memory_space<vmem>> -> memref<1x64x128xf32, #tpu.memory_space<vmem>>
      %gather3A_1533 = tpu.memref_squeeze %gather3A_1532 : memref<1x64x128xf32, #tpu.memory_space<vmem>> -> memref<64x128xf32, #tpu.memory_space<vmem>>
      %gather3A_1534 = tpu.vector_load_idx %gather3A_1533[%add3A_1528, %broadcast_in_dim3A_1506] : memref<64x128xf32, #tpu.memory_space<vmem>>[vector<16xi32>, vector<16xi32>], vector<16xf32>,
      tpu.vector_store_idx %arg7[%add3A_1528, %broadcast_in_dim3A_1507], %gather3A_1534 : memref<64x512xf32, #tpu.memory_space<vmem>>[vector<16xi32>, vector<16xi32>], vector<16xf32>,
      %add3A_1535 = arith.constant 48 : i32
      %add3A_1536 = vector.broadcast %add3A_1535 : i32 to vector<16xi32>
      %add3A_1537 = arith.addi %iota3A, %add3A_1536 : vector<16xi32>
      %gather3A_1538 = arith.constant 1 : i32
      %gather3A_1539 = arith.constant 0 : i32
      %gather3A_1540 = arith.constant 0 : i32
      %gather3A_1541 = tpu.memref_slice %arg6[%gather3A_1538, %gather3A_1539, %gather3A_1540] : memref<11x64x128xf32, #tpu.memory_space<vmem>> -> memref<1x64x128xf32, #tpu.memory_space<vmem>>
      %gather3A_1542 = tpu.memref_squeeze %gather3A_1541 : memref<1x64x128xf32, #tpu.memory_space<vmem>> -> memref<64x128xf32, #tpu.memory_space<vmem>>
      %gather3A_1543 = tpu.vector_load_idx %gather3A_1542[%add3A_1537, %broadcast_in_dim3A_1506] : memref<64x128xf32, #tpu.memory_space<vmem>>[vector<16xi32>, vector<16xi32>], vector<16xf32>,
      tpu.vector_store_idx %arg7[%add3A_1537, %broadcast_in_dim3A_1507], %gather3A_1543 : memref<64x512xf32, #tpu.memory_space<vmem>>[vector<16xi32>, vector<16xi32>], vector<16xf32>,
      %add3A_1544 = arith.constant 11 : i32
      %add3A_1545 = arith.addi %add3A_1484, %add3A_1544 : i32
      %get3A_1546 = arith.index_cast %add3A_1545 : i32 to index
      %get3A_1547 = tpu.vector_load %arg5[%get3A_1546] {strides = array<i32>} : memref<528xi32, #tpu.memory_space<vmem>>, vector<16xi32>,
      %slice3A_1548 = vector.extract_strided_slice %get3A_1547 {offsets = [0], sizes = [1], strides = [1]} : vector<16xi32> to vector<1xi32>
      %squeeze3A_1549 = vector.extract %slice3A_1548[0] : i32 from vector<1xi32>
      %shift_right_arithmetic3A_1550 = arith.constant 7 : i32
      %shift_right_arithmetic3A_1551 = arith.shrsi %squeeze3A_1549, %shift_right_arithmetic3A_1550 : i32
      %shift_left3A_1552 = arith.constant 7 : i32
      %shift_left3A_1553 = arith.shli %shift_right_arithmetic3A_1551, %shift_left3A_1552 : i32
      %multiple_of3A_1554 = tpu.assume_multiple %shift_left3A_1553, 128 : i32
      %dma_start3A_1555 = arith.constant 1 : i32
      %dma_start3A_1556 = arith.constant 0 : i32
      %dma_start3A_1557 = arith.constant 0 : i32
      %dma_start3A_1558 = tpu.memref_slice %arg6[%dma_start3A_1555, %dma_start3A_1556, %dma_start3A_1557] : memref<11x64x128xf32, #tpu.memory_space<vmem>> -> memref<1x64x128xf32, #tpu.memory_space<vmem>>
      %dma_start3A_1559 = tpu.memref_squeeze %dma_start3A_1558 : memref<1x64x128xf32, #tpu.memory_space<vmem>> -> memref<64x128xf32, #tpu.memory_space<vmem>>
      %dma_start3A_1560 = arith.constant 0 : i32
      %dma_start3A_1561 = tpu.memref_slice %arg2[%dma_start3A_1560, %multiple_of3A_1554] : memref<64x1000000xf32, #tpu.memory_space<hbm>> -> memref<64x128xf32, #tpu.memory_space<hbm>>
      %dma_start3A_1562 = arith.constant 0 : i32
      %dma_start3A_1563 = arith.constant 0 : i32
      %dma_start3A_1564 = tpu.memref_slice %arg6[%dma_start3A_1555, %dma_start3A_1562, %dma_start3A_1563] : memref<11x64x128xf32, #tpu.memory_space<vmem>> -> memref<1x64x128xf32, #tpu.memory_space<vmem>>
      %dma_start3A_1565 = tpu.memref_squeeze %dma_start3A_1564 : memref<1x64x128xf32, #tpu.memory_space<vmem>> -> memref<64x128xf32, #tpu.memory_space<vmem>>
      %dma_start3A_1566 = arith.constant 0 : i32
      %dma_start3A_1567 = tpu.memref_slice %arg2[%dma_start3A_1566, %multiple_of3A_1554] : memref<64x1000000xf32, #tpu.memory_space<hbm>> -> memref<64x128xf32, #tpu.memory_space<hbm>>
      tpu.enqueue_dma source(%dma_start3A_1567 : memref<64x128xf32, #tpu.memory_space<hbm>>) target(%dma_start3A_1565 : memref<64x128xf32, #tpu.memory_space<vmem>>) target_semaphore(%arg9 : memref<!tpu.dma_semaphore, #tpu.memory_space<semaphore_mem>>)
      %mul3A_1568 = arith.constant 11 : i32
      %mul3A_1569 = arith.muli %scan3A_1392, %mul3A_1568 : i32
      %add3A_1570 = arith.constant 2 : i32
      %add3A_1571 = arith.addi %mul3A_1569, %add3A_1570 : i32
      %dma_wait3A_1572 = arith.constant 2 : i32
      %dma_wait3A_1573 = arith.constant 0 : i32
      %dma_wait3A_1574 = arith.constant 0 : i32
      %dma_wait3A_1575 = tpu.memref_slice %arg6[%dma_wait3A_1572, %dma_wait3A_1573, %dma_wait3A_1574] : memref<11x64x128xf32, #tpu.memory_space<vmem>> -> memref<1x64x128xf32, #tpu.memory_space<vmem>>
      %dma_wait3A_1576 = tpu.memref_squeeze %dma_wait3A_1575 : memref<1x64x128xf32, #tpu.memory_space<vmem>> -> memref<64x128xf32, #tpu.memory_space<vmem>>
      %dma_wait3A_1577 = arith.constant 0 : i32
      %dma_wait3A_1578 = arith.constant 0 : i32
      %dma_wait3A_1579 = tpu.memref_slice %arg2[%dma_wait3A_1577, %dma_wait3A_1578] : memref<64x1000000xf32, #tpu.memory_space<hbm>> -> memref<64x128xf32, #tpu.memory_space<hbm>>
      %dma_wait3A_1580 = arith.constant 0 : i32
      %dma_wait3A_1581 = arith.constant 0 : i32
      %dma_wait3A_1582 = tpu.memref_slice %arg6[%dma_wait3A_1572, %dma_wait3A_1580, %dma_wait3A_1581] : memref<11x64x128xf32, #tpu.memory_space<vmem>> -> memref<1x64x128xf32, #tpu.memory_space<vmem>>
      %dma_wait3A_1583 = tpu.memref_squeeze %dma_wait3A_1582 : memref<1x64x128xf32, #tpu.memory_space<vmem>> -> memref<64x128xf32, #tpu.memory_space<vmem>>
      %dma_wait3A_1584 = arith.constant 0 : i32
      %dma_wait3A_1585 = arith.constant 0 : i32
      %dma_wait3A_1586 = tpu.memref_slice %arg2[%dma_wait3A_1584, %dma_wait3A_1585] : memref<64x1000000xf32, #tpu.memory_space<hbm>> -> memref<64x128xf32, #tpu.memory_space<hbm>>
      tpu.wait_dma2 semaphore(%arg10 : memref<!tpu.dma_semaphore, #tpu.memory_space<semaphore_mem>>) src(%dma_wait3A_1586 : memref<64x128xf32, #tpu.memory_space<hbm>>) dst(%dma_wait3A_1583 : memref<64x128xf32, #tpu.memory_space<vmem>>)
      %get3A_1587 = arith.index_cast %add3A_1571 : i32 to index
      %get3A_1588 = tpu.vector_load %arg5[%get3A_1587] {strides = array<i32>} : memref<528xi32, #tpu.memory_space<vmem>>, vector<16xi32>,
      %slice3A_1589 = vector.extract_strided_slice %get3A_1588 {offsets = [0], sizes = [1], strides = [1]} : vector<16xi32> to vector<1xi32>
      %squeeze3A_1590 = vector.extract %slice3A_1589[0] : i32 from vector<1xi32>
      %and3A_1591 = arith.constant 127 : i32
      %and3A_1592 = arith.andi %squeeze3A_1590, %and3A_1591 : i32
      %broadcast_in_dim3A_1593 = vector.broadcast %and3A_1592 : i32 to vector<16xi32>
      %broadcast_in_dim3A_1594 = vector.broadcast %add3A_1571 : i32 to vector<16xi32>
      %add3A_1595 = arith.constant 0 : i32
      %add3A_1596 = vector.broadcast %add3A_1595 : i32 to vector<16xi32>
      %add3A_1597 = arith.addi %iota3A, %add3A_1596 : vector<16xi32>
      %gather3A_1598 = arith.constant 2 : i32
      %gather3A_1599 = arith.constant 0 : i32
      %gather3A_1600 = arith.constant 0 : i32
      %gather3A_1601 = tpu.memref_slice %arg6[%gather3A_1598, %gather3A_1599, %gather3A_1600] : memref<11x64x128xf32, #tpu.memory_space<vmem>> -> memref<1x64x128xf32, #tpu.memory_space<vmem>>
      %gather3A_1602 = tpu.memref_squeeze %gather3A_1601 : memref<1x64x128xf32, #tpu.memory_space<vmem>> -> memref<64x128xf32, #tpu.memory_space<vmem>>
      %gather3A_1603 = tpu.vector_load_idx %gather3A_1602[%add3A_1597, %broadcast_in_dim3A_1593] : memref<64x128xf32, #tpu.memory_space<vmem>>[vector<16xi32>, vector<16xi32>], vector<16xf32>,
      tpu.vector_store_idx %arg7[%add3A_1597, %broadcast_in_dim3A_1594], %gather3A_1603 : memref<64x512xf32, #tpu.memory_space<vmem>>[vector<16xi32>, vector<16xi32>], vector<16xf32>,
      %add3A_1604 = arith.constant 16 : i32
      %add3A_1605 = vector.broadcast %add3A_1604 : i32 to vector<16xi32>
      %add3A_1606 = arith.addi %iota3A, %add3A_1605 : vector<16xi32>
      %gather3A_1607 = arith.constant 2 : i32
      %gather3A_1608 = arith.constant 0 : i32
      %gather3A_1609 = arith.constant 0 : i32
      %gather3A_1610 = tpu.memref_slice %arg6[%gather3A_1607, %gather3A_1608, %gather3A_1609] : memref<11x64x128xf32, #tpu.memory_space<vmem>> -> memref<1x64x128xf32, #tpu.memory_space<vmem>>
      %gather3A_1611 = tpu.memref_squeeze %gather3A_1610 : memref<1x64x128xf32, #tpu.memory_space<vmem>> -> memref<64x128xf32, #tpu.memory_space<vmem>>
      %gather3A_1612 = tpu.vector_load_idx %gather3A_1611[%add3A_1606, %broadcast_in_dim3A_1593] : memref<64x128xf32, #tpu.memory_space<vmem>>[vector<16xi32>, vector<16xi32>], vector<16xf32>,
      tpu.vector_store_idx %arg7[%add3A_1606, %broadcast_in_dim3A_1594], %gather3A_1612 : memref<64x512xf32, #tpu.memory_space<vmem>>[vector<16xi32>, vector<16xi32>], vector<16xf32>,
      %add3A_1613 = arith.constant 32 : i32
      %add3A_1614 = vector.broadcast %add3A_1613 : i32 to vector<16xi32>
      %add3A_1615 = arith.addi %iota3A, %add3A_1614 : vector<16xi32>
      %gather3A_1616 = arith.constant 2 : i32
      %gather3A_1617 = arith.constant 0 : i32
      %gather3A_1618 = arith.constant 0 : i32
      %gather3A_1619 = tpu.memref_slice %arg6[%gather3A_1616, %gather3A_1617, %gather3A_1618] : memref<11x64x128xf32, #tpu.memory_space<vmem>> -> memref<1x64x128xf32, #tpu.memory_space<vmem>>
      %gather3A_1620 = tpu.memref_squeeze %gather3A_1619 : memref<1x64x128xf32, #tpu.memory_space<vmem>> -> memref<64x128xf32, #tpu.memory_space<vmem>>
      %gather3A_1621 = tpu.vector_load_idx %gather3A_1620[%add3A_1615, %broadcast_in_dim3A_1593] : memref<64x128xf32, #tpu.memory_space<vmem>>[vector<16xi32>, vector<16xi32>], vector<16xf32>,
      tpu.vector_store_idx %arg7[%add3A_1615, %broadcast_in_dim3A_1594], %gather3A_1621 : memref<64x512xf32, #tpu.memory_space<vmem>>[vector<16xi32>, vector<16xi32>], vector<16xf32>,
      %add3A_1622 = arith.constant 48 : i32
      %add3A_1623 = vector.broadcast %add3A_1622 : i32 to vector<16xi32>
      %add3A_1624 = arith.addi %iota3A, %add3A_1623 : vector<16xi32>
      %gather3A_1625 = arith.constant 2 : i32
      %gather3A_1626 = arith.constant 0 : i32
      %gather3A_1627 = arith.constant 0 : i32
      %gather3A_1628 = tpu.memref_slice %arg6[%gather3A_1625, %gather3A_1626, %gather3A_1627] : memref<11x64x128xf32, #tpu.memory_space<vmem>> -> memref<1x64x128xf32, #tpu.memory_space<vmem>>
      %gather3A_1629 = tpu.memref_squeeze %gather3A_1628 : memref<1x64x128xf32, #tpu.memory_space<vmem>> -> memref<64x128xf32, #tpu.memory_space<vmem>>
      %gather3A_1630 = tpu.vector_load_idx %gather3A_1629[%add3A_1624, %broadcast_in_dim3A_1593] : memref<64x128xf32, #tpu.memory_space<vmem>>[vector<16xi32>, vector<16xi32>], vector<16xf32>,
      tpu.vector_store_idx %arg7[%add3A_1624, %broadcast_in_dim3A_1594], %gather3A_1630 : memref<64x512xf32, #tpu.memory_space<vmem>>[vector<16xi32>, vector<16xi32>], vector<16xf32>,
      %add3A_1631 = arith.constant 11 : i32
      %add3A_1632 = arith.addi %add3A_1571, %add3A_1631 : i32
      %get3A_1633 = arith.index_cast %add3A_1632 : i32 to index
      %get3A_1634 = tpu.vector_load %arg5[%get3A_1633] {strides = array<i32>} : memref<528xi32, #tpu.memory_space<vmem>>, vector<16xi32>,
      %slice3A_1635 = vector.extract_strided_slice %get3A_1634 {offsets = [0], sizes = [1], strides = [1]} : vector<16xi32> to vector<1xi32>
      %squeeze3A_1636 = vector.extract %slice3A_1635[0] : i32 from vector<1xi32>
      %shift_right_arithmetic3A_1637 = arith.constant 7 : i32
      %shift_right_arithmetic3A_1638 = arith.shrsi %squeeze3A_1636, %shift_right_arithmetic3A_1637 : i32
      %shift_left3A_1639 = arith.constant 7 : i32
      %shift_left3A_1640 = arith.shli %shift_right_arithmetic3A_1638, %shift_left3A_1639 : i32
      %multiple_of3A_1641 = tpu.assume_multiple %shift_left3A_1640, 128 : i32
      %dma_start3A_1642 = arith.constant 2 : i32
      %dma_start3A_1643 = arith.constant 0 : i32
      %dma_start3A_1644 = arith.constant 0 : i32
      %dma_start3A_1645 = tpu.memref_slice %arg6[%dma_start3A_1642, %dma_start3A_1643, %dma_start3A_1644] : memref<11x64x128xf32, #tpu.memory_space<vmem>> -> memref<1x64x128xf32, #tpu.memory_space<vmem>>
      %dma_start3A_1646 = tpu.memref_squeeze %dma_start3A_1645 : memref<1x64x128xf32, #tpu.memory_space<vmem>> -> memref<64x128xf32, #tpu.memory_space<vmem>>
      %dma_start3A_1647 = arith.constant 0 : i32
      %dma_start3A_1648 = tpu.memref_slice %arg2[%dma_start3A_1647, %multiple_of3A_1641] : memref<64x1000000xf32, #tpu.memory_space<hbm>> -> memref<64x128xf32, #tpu.memory_space<hbm>>
      %dma_start3A_1649 = arith.constant 0 : i32
      %dma_start3A_1650 = arith.constant 0 : i32
      %dma_start3A_1651 = tpu.memref_slice %arg6[%dma_start3A_1642, %dma_start3A_1649, %dma_start3A_1650] : memref<11x64x128xf32, #tpu.memory_space<vmem>> -> memref<1x64x128xf32, #tpu.memory_space<vmem>>
      %dma_start3A_1652 = tpu.memref_squeeze %dma_start3A_1651 : memref<1x64x128xf32, #tpu.memory_space<vmem>> -> memref<64x128xf32, #tpu.memory_space<vmem>>
      %dma_start3A_1653 = arith.constant 0 : i32
      %dma_start3A_1654 = tpu.memref_slice %arg2[%dma_start3A_1653, %multiple_of3A_1641] : memref<64x1000000xf32, #tpu.memory_space<hbm>> -> memref<64x128xf32, #tpu.memory_space<hbm>>
      tpu.enqueue_dma source(%dma_start3A_1654 : memref<64x128xf32, #tpu.memory_space<hbm>>) target(%dma_start3A_1652 : memref<64x128xf32, #tpu.memory_space<vmem>>) target_semaphore(%arg10 : memref<!tpu.dma_semaphore, #tpu.memory_space<semaphore_mem>>)
      %mul3A_1655 = arith.constant 11 : i32
      %mul3A_1656 = arith.muli %scan3A_1392, %mul3A_1655 : i32
      %add3A_1657 = arith.constant 3 : i32
      %add3A_1658 = arith.addi %mul3A_1656, %add3A_1657 : i32
      %dma_wait3A_1659 = arith.constant 3 : i32
      %dma_wait3A_1660 = arith.constant 0 : i32
      %dma_wait3A_1661 = arith.constant 0 : i32
      %dma_wait3A_1662 = tpu.memref_slice %arg6[%dma_wait3A_1659, %dma_wait3A_1660, %dma_wait3A_1661] : memref<11x64x128xf32, #tpu.memory_space<vmem>> -> memref<1x64x128xf32, #tpu.memory_space<vmem>>
      %dma_wait3A_1663 = tpu.memref_squeeze %dma_wait3A_1662 : memref<1x64x128xf32, #tpu.memory_space<vmem>> -> memref<64x128xf32, #tpu.memory_space<vmem>>
      %dma_wait3A_1664 = arith.constant 0 : i32
      %dma_wait3A_1665 = arith.constant 0 : i32
      %dma_wait3A_1666 = tpu.memref_slice %arg2[%dma_wait3A_1664, %dma_wait3A_1665] : memref<64x1000000xf32, #tpu.memory_space<hbm>> -> memref<64x128xf32, #tpu.memory_space<hbm>>
      %dma_wait3A_1667 = arith.constant 0 : i32
      %dma_wait3A_1668 = arith.constant 0 : i32
      %dma_wait3A_1669 = tpu.memref_slice %arg6[%dma_wait3A_1659, %dma_wait3A_1667, %dma_wait3A_1668] : memref<11x64x128xf32, #tpu.memory_space<vmem>> -> memref<1x64x128xf32, #tpu.memory_space<vmem>>
      %dma_wait3A_1670 = tpu.memref_squeeze %dma_wait3A_1669 : memref<1x64x128xf32, #tpu.memory_space<vmem>> -> memref<64x128xf32, #tpu.memory_space<vmem>>
      %dma_wait3A_1671 = arith.constant 0 : i32
      %dma_wait3A_1672 = arith.constant 0 : i32
      %dma_wait3A_1673 = tpu.memref_slice %arg2[%dma_wait3A_1671, %dma_wait3A_1672] : memref<64x1000000xf32, #tpu.memory_space<hbm>> -> memref<64x128xf32, #tpu.memory_space<hbm>>
      tpu.wait_dma2 semaphore(%arg11 : memref<!tpu.dma_semaphore, #tpu.memory_space<semaphore_mem>>) src(%dma_wait3A_1673 : memref<64x128xf32, #tpu.memory_space<hbm>>) dst(%dma_wait3A_1670 : memref<64x128xf32, #tpu.memory_space<vmem>>)
      %get3A_1674 = arith.index_cast %add3A_1658 : i32 to index
      %get3A_1675 = tpu.vector_load %arg5[%get3A_1674] {strides = array<i32>} : memref<528xi32, #tpu.memory_space<vmem>>, vector<16xi32>,
      %slice3A_1676 = vector.extract_strided_slice %get3A_1675 {offsets = [0], sizes = [1], strides = [1]} : vector<16xi32> to vector<1xi32>
      %squeeze3A_1677 = vector.extract %slice3A_1676[0] : i32 from vector<1xi32>
      %and3A_1678 = arith.constant 127 : i32
      %and3A_1679 = arith.andi %squeeze3A_1677, %and3A_1678 : i32
      %broadcast_in_dim3A_1680 = vector.broadcast %and3A_1679 : i32 to vector<16xi32>
      %broadcast_in_dim3A_1681 = vector.broadcast %add3A_1658 : i32 to vector<16xi32>
      %add3A_1682 = arith.constant 0 : i32
      %add3A_1683 = vector.broadcast %add3A_1682 : i32 to vector<16xi32>
      %add3A_1684 = arith.addi %iota3A, %add3A_1683 : vector<16xi32>
      %gather3A_1685 = arith.constant 3 : i32
      %gather3A_1686 = arith.constant 0 : i32
      %gather3A_1687 = arith.constant 0 : i32
      %gather3A_1688 = tpu.memref_slice %arg6[%gather3A_1685, %gather3A_1686, %gather3A_1687] : memref<11x64x128xf32, #tpu.memory_space<vmem>> -> memref<1x64x128xf32, #tpu.memory_space<vmem>>
      %gather3A_1689 = tpu.memref_squeeze %gather3A_1688 : memref<1x64x128xf32, #tpu.memory_space<vmem>> -> memref<64x128xf32, #tpu.memory_space<vmem>>
      %gather3A_1690 = tpu.vector_load_idx %gather3A_1689[%add3A_1684, %broadcast_in_dim3A_1680] : memref<64x128xf32, #tpu.memory_space<vmem>>[vector<16xi32>, vector<16xi32>], vector<16xf32>,
      tpu.vector_store_idx %arg7[%add3A_1684, %broadcast_in_dim3A_1681], %gather3A_1690 : memref<64x512xf32, #tpu.memory_space<vmem>>[vector<16xi32>, vector<16xi32>], vector<16xf32>,
      %add3A_1691 = arith.constant 16 : i32
      %add3A_1692 = vector.broadcast %add3A_1691 : i32 to vector<16xi32>
      %add3A_1693 = arith.addi %iota3A, %add3A_1692 : vector<16xi32>
      %gather3A_1694 = arith.constant 3 : i32
      %gather3A_1695 = arith.constant 0 : i32
      %gather3A_1696 = arith.constant 0 : i32
      %gather3A_1697 = tpu.memref_slice %arg6[%gather3A_1694, %gather3A_1695, %gather3A_1696] : memref<11x64x128xf32, #tpu.memory_space<vmem>> -> memref<1x64x128xf32, #tpu.memory_space<vmem>>
      %gather3A_1698 = tpu.memref_squeeze %gather3A_1697 : memref<1x64x128xf32, #tpu.memory_space<vmem>> -> memref<64x128xf32, #tpu.memory_space<vmem>>
      %gather3A_1699 = tpu.vector_load_idx %gather3A_1698[%add3A_1693, %broadcast_in_dim3A_1680] : memref<64x128xf32, #tpu.memory_space<vmem>>[vector<16xi32>, vector<16xi32>], vector<16xf32>,
      tpu.vector_store_idx %arg7[%add3A_1693, %broadcast_in_dim3A_1681], %gather3A_1699 : memref<64x512xf32, #tpu.memory_space<vmem>>[vector<16xi32>, vector<16xi32>], vector<16xf32>,
      %add3A_1700 = arith.constant 32 : i32
      %add3A_1701 = vector.broadcast %add3A_1700 : i32 to vector<16xi32>
      %add3A_1702 = arith.addi %iota3A, %add3A_1701 : vector<16xi32>
      %gather3A_1703 = arith.constant 3 : i32
      %gather3A_1704 = arith.constant 0 : i32
      %gather3A_1705 = arith.constant 0 : i32
      %gather3A_1706 = tpu.memref_slice %arg6[%gather3A_1703, %gather3A_1704, %gather3A_1705] : memref<11x64x128xf32, #tpu.memory_space<vmem>> -> memref<1x64x128xf32, #tpu.memory_space<vmem>>
      %gather3A_1707 = tpu.memref_squeeze %gather3A_1706 : memref<1x64x128xf32, #tpu.memory_space<vmem>> -> memref<64x128xf32, #tpu.memory_space<vmem>>
      %gather3A_1708 = tpu.vector_load_idx %gather3A_1707[%add3A_1702, %broadcast_in_dim3A_1680] : memref<64x128xf32, #tpu.memory_space<vmem>>[vector<16xi32>, vector<16xi32>], vector<16xf32>,
      tpu.vector_store_idx %arg7[%add3A_1702, %broadcast_in_dim3A_1681], %gather3A_1708 : memref<64x512xf32, #tpu.memory_space<vmem>>[vector<16xi32>, vector<16xi32>], vector<16xf32>,
      %add3A_1709 = arith.constant 48 : i32
      %add3A_1710 = vector.broadcast %add3A_1709 : i32 to vector<16xi32>
      %add3A_1711 = arith.addi %iota3A, %add3A_1710 : vector<16xi32>
      %gather3A_1712 = arith.constant 3 : i32
      %gather3A_1713 = arith.constant 0 : i32
      %gather3A_1714 = arith.constant 0 : i32
      %gather3A_1715 = tpu.memref_slice %arg6[%gather3A_1712, %gather3A_1713, %gather3A_1714] : memref<11x64x128xf32, #tpu.memory_space<vmem>> -> memref<1x64x128xf32, #tpu.memory_space<vmem>>
      %gather3A_1716 = tpu.memref_squeeze %gather3A_1715 : memref<1x64x128xf32, #tpu.memory_space<vmem>> -> memref<64x128xf32, #tpu.memory_space<vmem>>
      %gather3A_1717 = tpu.vector_load_idx %gather3A_1716[%add3A_1711, %broadcast_in_dim3A_1680] : memref<64x128xf32, #tpu.memory_space<vmem>>[vector<16xi32>, vector<16xi32>], vector<16xf32>,
      tpu.vector_store_idx %arg7[%add3A_1711, %broadcast_in_dim3A_1681], %gather3A_1717 : memref<64x512xf32, #tpu.memory_space<vmem>>[vector<16xi32>, vector<16xi32>], vector<16xf32>,
      %add3A_1718 = arith.constant 11 : i32
      %add3A_1719 = arith.addi %add3A_1658, %add3A_1718 : i32
      %get3A_1720 = arith.index_cast %add3A_1719 : i32 to index
      %get3A_1721 = tpu.vector_load %arg5[%get3A_1720] {strides = array<i32>} : memref<528xi32, #tpu.memory_space<vmem>>, vector<16xi32>,
      %slice3A_1722 = vector.extract_strided_slice %get3A_1721 {offsets = [0], sizes = [1], strides = [1]} : vector<16xi32> to vector<1xi32>
      %squeeze3A_1723 = vector.extract %slice3A_1722[0] : i32 from vector<1xi32>
      %shift_right_arithmetic3A_1724 = arith.constant 7 : i32
      %shift_right_arithmetic3A_1725 = arith.shrsi %squeeze3A_1723, %shift_right_arithmetic3A_1724 : i32
      %shift_left3A_1726 = arith.constant 7 : i32
      %shift_left3A_1727 = arith.shli %shift_right_arithmetic3A_1725, %shift_left3A_1726 : i32
      %multiple_of3A_1728 = tpu.assume_multiple %shift_left3A_1727, 128 : i32
      %dma_start3A_1729 = arith.constant 3 : i32
      %dma_start3A_1730 = arith.constant 0 : i32
      %dma_start3A_1731 = arith.constant 0 : i32
      %dma_start3A_1732 = tpu.memref_slice %arg6[%dma_start3A_1729, %dma_start3A_1730, %dma_start3A_1731] : memref<11x64x128xf32, #tpu.memory_space<vmem>> -> memref<1x64x128xf32, #tpu.memory_space<vmem>>
      %dma_start3A_1733 = tpu.memref_squeeze %dma_start3A_1732 : memref<1x64x128xf32, #tpu.memory_space<vmem>> -> memref<64x128xf32, #tpu.memory_space<vmem>>
      %dma_start3A_1734 = arith.constant 0 : i32
      %dma_start3A_1735 = tpu.memref_slice %arg2[%dma_start3A_1734, %multiple_of3A_1728] : memref<64x1000000xf32, #tpu.memory_space<hbm>> -> memref<64x128xf32, #tpu.memory_space<hbm>>
      %dma_start3A_1736 = arith.constant 0 : i32
      %dma_start3A_1737 = arith.constant 0 : i32
      %dma_start3A_1738 = tpu.memref_slice %arg6[%dma_start3A_1729, %dma_start3A_1736, %dma_start3A_1737] : memref<11x64x128xf32, #tpu.memory_space<vmem>> -> memref<1x64x128xf32, #tpu.memory_space<vmem>>
      %dma_start3A_1739 = tpu.memref_squeeze %dma_start3A_1738 : memref<1x64x128xf32, #tpu.memory_space<vmem>> -> memref<64x128xf32, #tpu.memory_space<vmem>>
      %dma_start3A_1740 = arith.constant 0 : i32
      %dma_start3A_1741 = tpu.memref_slice %arg2[%dma_start3A_1740, %multiple_of3A_1728] : memref<64x1000000xf32, #tpu.memory_space<hbm>> -> memref<64x128xf32, #tpu.memory_space<hbm>>
      tpu.enqueue_dma source(%dma_start3A_1741 : memref<64x128xf32, #tpu.memory_space<hbm>>) target(%dma_start3A_1739 : memref<64x128xf32, #tpu.memory_space<vmem>>) target_semaphore(%arg11 : memref<!tpu.dma_semaphore, #tpu.memory_space<semaphore_mem>>)
      %mul3A_1742 = arith.constant 11 : i32
      %mul3A_1743 = arith.muli %scan3A_1392, %mul3A_1742 : i32
      %add3A_1744 = arith.constant 4 : i32
      %add3A_1745 = arith.addi %mul3A_1743, %add3A_1744 : i32
      %dma_wait3A_1746 = arith.constant 4 : i32
      %dma_wait3A_1747 = arith.constant 0 : i32
      %dma_wait3A_1748 = arith.constant 0 : i32
      %dma_wait3A_1749 = tpu.memref_slice %arg6[%dma_wait3A_1746, %dma_wait3A_1747, %dma_wait3A_1748] : memref<11x64x128xf32, #tpu.memory_space<vmem>> -> memref<1x64x128xf32, #tpu.memory_space<vmem>>
      %dma_wait3A_1750 = tpu.memref_squeeze %dma_wait3A_1749 : memref<1x64x128xf32, #tpu.memory_space<vmem>> -> memref<64x128xf32, #tpu.memory_space<vmem>>
      %dma_wait3A_1751 = arith.constant 0 : i32
      %dma_wait3A_1752 = arith.constant 0 : i32
      %dma_wait3A_1753 = tpu.memref_slice %arg2[%dma_wait3A_1751, %dma_wait3A_1752] : memref<64x1000000xf32, #tpu.memory_space<hbm>> -> memref<64x128xf32, #tpu.memory_space<hbm>>
      %dma_wait3A_1754 = arith.constant 0 : i32
      %dma_wait3A_1755 = arith.constant 0 : i32
      %dma_wait3A_1756 = tpu.memref_slice %arg6[%dma_wait3A_1746, %dma_wait3A_1754, %dma_wait3A_1755] : memref<11x64x128xf32, #tpu.memory_space<vmem>> -> memref<1x64x128xf32, #tpu.memory_space<vmem>>
      %dma_wait3A_1757 = tpu.memref_squeeze %dma_wait3A_1756 : memref<1x64x128xf32, #tpu.memory_space<vmem>> -> memref<64x128xf32, #tpu.memory_space<vmem>>
      %dma_wait3A_1758 = arith.constant 0 : i32
      %dma_wait3A_1759 = arith.constant 0 : i32
      %dma_wait3A_1760 = tpu.memref_slice %arg2[%dma_wait3A_1758, %dma_wait3A_1759] : memref<64x1000000xf32, #tpu.memory_space<hbm>> -> memref<64x128xf32, #tpu.memory_space<hbm>>
      tpu.wait_dma2 semaphore(%arg12 : memref<!tpu.dma_semaphore, #tpu.memory_space<semaphore_mem>>) src(%dma_wait3A_1760 : memref<64x128xf32, #tpu.memory_space<hbm>>) dst(%dma_wait3A_1757 : memref<64x128xf32, #tpu.memory_space<vmem>>)
      %get3A_1761 = arith.index_cast %add3A_1745 : i32 to index
      %get3A_1762 = tpu.vector_load %arg5[%get3A_1761] {strides = array<i32>} : memref<528xi32, #tpu.memory_space<vmem>>, vector<16xi32>,
      %slice3A_1763 = vector.extract_strided_slice %get3A_1762 {offsets = [0], sizes = [1], strides = [1]} : vector<16xi32> to vector<1xi32>
      %squeeze3A_1764 = vector.extract %slice3A_1763[0] : i32 from vector<1xi32>
      %and3A_1765 = arith.constant 127 : i32
      %and3A_1766 = arith.andi %squeeze3A_1764, %and3A_1765 : i32
      %broadcast_in_dim3A_1767 = vector.broadcast %and3A_1766 : i32 to vector<16xi32>
      %broadcast_in_dim3A_1768 = vector.broadcast %add3A_1745 : i32 to vector<16xi32>
      %add3A_1769 = arith.constant 0 : i32
      %add3A_1770 = vector.broadcast %add3A_1769 : i32 to vector<16xi32>
      %add3A_1771 = arith.addi %iota3A, %add3A_1770 : vector<16xi32>
      %gather3A_1772 = arith.constant 4 : i32
      %gather3A_1773 = arith.constant 0 : i32
      %gather3A_1774 = arith.constant 0 : i32
      %gather3A_1775 = tpu.memref_slice %arg6[%gather3A_1772, %gather3A_1773, %gather3A_1774] : memref<11x64x128xf32, #tpu.memory_space<vmem>> -> memref<1x64x128xf32, #tpu.memory_space<vmem>>
      %gather3A_1776 = tpu.memref_squeeze %gather3A_1775 : memref<1x64x128xf32, #tpu.memory_space<vmem>> -> memref<64x128xf32, #tpu.memory_space<vmem>>
      %gather3A_1777 = tpu.vector_load_idx %gather3A_1776[%add3A_1771, %broadcast_in_dim3A_1767] : memref<64x128xf32, #tpu.memory_space<vmem>>[vector<16xi32>, vector<16xi32>], vector<16xf32>,
      tpu.vector_store_idx %arg7[%add3A_1771, %broadcast_in_dim3A_1768], %gather3A_1777 : memref<64x512xf32, #tpu.memory_space<vmem>>[vector<16xi32>, vector<16xi32>], vector<16xf32>,
      %add3A_1778 = arith.constant 16 : i32
      %add3A_1779 = vector.broadcast %add3A_1778 : i32 to vector<16xi32>
      %add3A_1780 = arith.addi %iota3A, %add3A_1779 : vector<16xi32>
      %gather3A_1781 = arith.constant 4 : i32
      %gather3A_1782 = arith.constant 0 : i32
      %gather3A_1783 = arith.constant 0 : i32
      %gather3A_1784 = tpu.memref_slice %arg6[%gather3A_1781, %gather3A_1782, %gather3A_1783] : memref<11x64x128xf32, #tpu.memory_space<vmem>> -> memref<1x64x128xf32, #tpu.memory_space<vmem>>
      %gather3A_1785 = tpu.memref_squeeze %gather3A_1784 : memref<1x64x128xf32, #tpu.memory_space<vmem>> -> memref<64x128xf32, #tpu.memory_space<vmem>>
      %gather3A_1786 = tpu.vector_load_idx %gather3A_1785[%add3A_1780, %broadcast_in_dim3A_1767] : memref<64x128xf32, #tpu.memory_space<vmem>>[vector<16xi32>, vector<16xi32>], vector<16xf32>,
      tpu.vector_store_idx %arg7[%add3A_1780, %broadcast_in_dim3A_1768], %gather3A_1786 : memref<64x512xf32, #tpu.memory_space<vmem>>[vector<16xi32>, vector<16xi32>], vector<16xf32>,
      %add3A_1787 = arith.constant 32 : i32
      %add3A_1788 = vector.broadcast %add3A_1787 : i32 to vector<16xi32>
      %add3A_1789 = arith.addi %iota3A, %add3A_1788 : vector<16xi32>
      %gather3A_1790 = arith.constant 4 : i32
      %gather3A_1791 = arith.constant 0 : i32
      %gather3A_1792 = arith.constant 0 : i32
      %gather3A_1793 = tpu.memref_slice %arg6[%gather3A_1790, %gather3A_1791, %gather3A_1792] : memref<11x64x128xf32, #tpu.memory_space<vmem>> -> memref<1x64x128xf32, #tpu.memory_space<vmem>>
      %gather3A_1794 = tpu.memref_squeeze %gather3A_1793 : memref<1x64x128xf32, #tpu.memory_space<vmem>> -> memref<64x128xf32, #tpu.memory_space<vmem>>
      %gather3A_1795 = tpu.vector_load_idx %gather3A_1794[%add3A_1789, %broadcast_in_dim3A_1767] : memref<64x128xf32, #tpu.memory_space<vmem>>[vector<16xi32>, vector<16xi32>], vector<16xf32>,
      tpu.vector_store_idx %arg7[%add3A_1789, %broadcast_in_dim3A_1768], %gather3A_1795 : memref<64x512xf32, #tpu.memory_space<vmem>>[vector<16xi32>, vector<16xi32>], vector<16xf32>,
      %add3A_1796 = arith.constant 48 : i32
      %add3A_1797 = vector.broadcast %add3A_1796 : i32 to vector<16xi32>
      %add3A_1798 = arith.addi %iota3A, %add3A_1797 : vector<16xi32>
      %gather3A_1799 = arith.constant 4 : i32
      %gather3A_1800 = arith.constant 0 : i32
      %gather3A_1801 = arith.constant 0 : i32
      %gather3A_1802 = tpu.memref_slice %arg6[%gather3A_1799, %gather3A_1800, %gather3A_1801] : memref<11x64x128xf32, #tpu.memory_space<vmem>> -> memref<1x64x128xf32, #tpu.memory_space<vmem>>
      %gather3A_1803 = tpu.memref_squeeze %gather3A_1802 : memref<1x64x128xf32, #tpu.memory_space<vmem>> -> memref<64x128xf32, #tpu.memory_space<vmem>>
      %gather3A_1804 = tpu.vector_load_idx %gather3A_1803[%add3A_1798, %broadcast_in_dim3A_1767] : memref<64x128xf32, #tpu.memory_space<vmem>>[vector<16xi32>, vector<16xi32>], vector<16xf32>,
      tpu.vector_store_idx %arg7[%add3A_1798, %broadcast_in_dim3A_1768], %gather3A_1804 : memref<64x512xf32, #tpu.memory_space<vmem>>[vector<16xi32>, vector<16xi32>], vector<16xf32>,
      %add3A_1805 = arith.constant 11 : i32
      %add3A_1806 = arith.addi %add3A_1745, %add3A_1805 : i32
      %get3A_1807 = arith.index_cast %add3A_1806 : i32 to index
      %get3A_1808 = tpu.vector_load %arg5[%get3A_1807] {strides = array<i32>} : memref<528xi32, #tpu.memory_space<vmem>>, vector<16xi32>,
      %slice3A_1809 = vector.extract_strided_slice %get3A_1808 {offsets = [0], sizes = [1], strides = [1]} : vector<16xi32> to vector<1xi32>
      %squeeze3A_1810 = vector.extract %slice3A_1809[0] : i32 from vector<1xi32>
      %shift_right_arithmetic3A_1811 = arith.constant 7 : i32
      %shift_right_arithmetic3A_1812 = arith.shrsi %squeeze3A_1810, %shift_right_arithmetic3A_1811 : i32
      %shift_left3A_1813 = arith.constant 7 : i32
      %shift_left3A_1814 = arith.shli %shift_right_arithmetic3A_1812, %shift_left3A_1813 : i32
      %multiple_of3A_1815 = tpu.assume_multiple %shift_left3A_1814, 128 : i32
      %dma_start3A_1816 = arith.constant 4 : i32
      %dma_start3A_1817 = arith.constant 0 : i32
      %dma_start3A_1818 = arith.constant 0 : i32
      %dma_start3A_1819 = tpu.memref_slice %arg6[%dma_start3A_1816, %dma_start3A_1817, %dma_start3A_1818] : memref<11x64x128xf32, #tpu.memory_space<vmem>> -> memref<1x64x128xf32, #tpu.memory_space<vmem>>
      %dma_start3A_1820 = tpu.memref_squeeze %dma_start3A_1819 : memref<1x64x128xf32, #tpu.memory_space<vmem>> -> memref<64x128xf32, #tpu.memory_space<vmem>>
      %dma_start3A_1821 = arith.constant 0 : i32
      %dma_start3A_1822 = tpu.memref_slice %arg2[%dma_start3A_1821, %multiple_of3A_1815] : memref<64x1000000xf32, #tpu.memory_space<hbm>> -> memref<64x128xf32, #tpu.memory_space<hbm>>
      %dma_start3A_1823 = arith.constant 0 : i32
      %dma_start3A_1824 = arith.constant 0 : i32
      %dma_start3A_1825 = tpu.memref_slice %arg6[%dma_start3A_1816, %dma_start3A_1823, %dma_start3A_1824] : memref<11x64x128xf32, #tpu.memory_space<vmem>> -> memref<1x64x128xf32, #tpu.memory_space<vmem>>
      %dma_start3A_1826 = tpu.memref_squeeze %dma_start3A_1825 : memref<1x64x128xf32, #tpu.memory_space<vmem>> -> memref<64x128xf32, #tpu.memory_space<vmem>>
      %dma_start3A_1827 = arith.constant 0 : i32
      %dma_start3A_1828 = tpu.memref_slice %arg2[%dma_start3A_1827, %multiple_of3A_1815] : memref<64x1000000xf32, #tpu.memory_space<hbm>> -> memref<64x128xf32, #tpu.memory_space<hbm>>
      tpu.enqueue_dma source(%dma_start3A_1828 : memref<64x128xf32, #tpu.memory_space<hbm>>) target(%dma_start3A_1826 : memref<64x128xf32, #tpu.memory_space<vmem>>) target_semaphore(%arg12 : memref<!tpu.dma_semaphore, #tpu.memory_space<semaphore_mem>>)
      %mul3A_1829 = arith.constant 11 : i32
      %mul3A_1830 = arith.muli %scan3A_1392, %mul3A_1829 : i32
      %add3A_1831 = arith.constant 5 : i32
      %add3A_1832 = arith.addi %mul3A_1830, %add3A_1831 : i32
      %dma_wait3A_1833 = arith.constant 5 : i32
      %dma_wait3A_1834 = arith.constant 0 : i32
      %dma_wait3A_1835 = arith.constant 0 : i32
      %dma_wait3A_1836 = tpu.memref_slice %arg6[%dma_wait3A_1833, %dma_wait3A_1834, %dma_wait3A_1835] : memref<11x64x128xf32, #tpu.memory_space<vmem>> -> memref<1x64x128xf32, #tpu.memory_space<vmem>>
      %dma_wait3A_1837 = tpu.memref_squeeze %dma_wait3A_1836 : memref<1x64x128xf32, #tpu.memory_space<vmem>> -> memref<64x128xf32, #tpu.memory_space<vmem>>
      %dma_wait3A_1838 = arith.constant 0 : i32
      %dma_wait3A_1839 = arith.constant 0 : i32
      %dma_wait3A_1840 = tpu.memref_slice %arg2[%dma_wait3A_1838, %dma_wait3A_1839] : memref<64x1000000xf32, #tpu.memory_space<hbm>> -> memref<64x128xf32, #tpu.memory_space<hbm>>
      %dma_wait3A_1841 = arith.constant 0 : i32
      %dma_wait3A_1842 = arith.constant 0 : i32
      %dma_wait3A_1843 = tpu.memref_slice %arg6[%dma_wait3A_1833, %dma_wait3A_1841, %dma_wait3A_1842] : memref<11x64x128xf32, #tpu.memory_space<vmem>> -> memref<1x64x128xf32, #tpu.memory_space<vmem>>
      %dma_wait3A_1844 = tpu.memref_squeeze %dma_wait3A_1843 : memref<1x64x128xf32, #tpu.memory_space<vmem>> -> memref<64x128xf32, #tpu.memory_space<vmem>>
      %dma_wait3A_1845 = arith.constant 0 : i32
      %dma_wait3A_1846 = arith.constant 0 : i32
      %dma_wait3A_1847 = tpu.memref_slice %arg2[%dma_wait3A_1845, %dma_wait3A_1846] : memref<64x1000000xf32, #tpu.memory_space<hbm>> -> memref<64x128xf32, #tpu.memory_space<hbm>>
      tpu.wait_dma2 semaphore(%arg13 : memref<!tpu.dma_semaphore, #tpu.memory_space<semaphore_mem>>) src(%dma_wait3A_1847 : memref<64x128xf32, #tpu.memory_space<hbm>>) dst(%dma_wait3A_1844 : memref<64x128xf32, #tpu.memory_space<vmem>>)
      %get3A_1848 = arith.index_cast %add3A_1832 : i32 to index
      %get3A_1849 = tpu.vector_load %arg5[%get3A_1848] {strides = array<i32>} : memref<528xi32, #tpu.memory_space<vmem>>, vector<16xi32>,
      %slice3A_1850 = vector.extract_strided_slice %get3A_1849 {offsets = [0], sizes = [1], strides = [1]} : vector<16xi32> to vector<1xi32>
      %squeeze3A_1851 = vector.extract %slice3A_1850[0] : i32 from vector<1xi32>
      %and3A_1852 = arith.constant 127 : i32
      %and3A_1853 = arith.andi %squeeze3A_1851, %and3A_1852 : i32
      %broadcast_in_dim3A_1854 = vector.broadcast %and3A_1853 : i32 to vector<16xi32>
      %broadcast_in_dim3A_1855 = vector.broadcast %add3A_1832 : i32 to vector<16xi32>
      %add3A_1856 = arith.constant 0 : i32
      %add3A_1857 = vector.broadcast %add3A_1856 : i32 to vector<16xi32>
      %add3A_1858 = arith.addi %iota3A, %add3A_1857 : vector<16xi32>
      %gather3A_1859 = arith.constant 5 : i32
      %gather3A_1860 = arith.constant 0 : i32
      %gather3A_1861 = arith.constant 0 : i32
      %gather3A_1862 = tpu.memref_slice %arg6[%gather3A_1859, %gather3A_1860, %gather3A_1861] : memref<11x64x128xf32, #tpu.memory_space<vmem>> -> memref<1x64x128xf32, #tpu.memory_space<vmem>>
      %gather3A_1863 = tpu.memref_squeeze %gather3A_1862 : memref<1x64x128xf32, #tpu.memory_space<vmem>> -> memref<64x128xf32, #tpu.memory_space<vmem>>
      %gather3A_1864 = tpu.vector_load_idx %gather3A_1863[%add3A_1858, %broadcast_in_dim3A_1854] : memref<64x128xf32, #tpu.memory_space<vmem>>[vector<16xi32>, vector<16xi32>], vector<16xf32>,
      tpu.vector_store_idx %arg7[%add3A_1858, %broadcast_in_dim3A_1855], %gather3A_1864 : memref<64x512xf32, #tpu.memory_space<vmem>>[vector<16xi32>, vector<16xi32>], vector<16xf32>,
      %add3A_1865 = arith.constant 16 : i32
      %add3A_1866 = vector.broadcast %add3A_1865 : i32 to vector<16xi32>
      %add3A_1867 = arith.addi %iota3A, %add3A_1866 : vector<16xi32>
      %gather3A_1868 = arith.constant 5 : i32
      %gather3A_1869 = arith.constant 0 : i32
      %gather3A_1870 = arith.constant 0 : i32
      %gather3A_1871 = tpu.memref_slice %arg6[%gather3A_1868, %gather3A_1869, %gather3A_1870] : memref<11x64x128xf32, #tpu.memory_space<vmem>> -> memref<1x64x128xf32, #tpu.memory_space<vmem>>
      %gather3A_1872 = tpu.memref_squeeze %gather3A_1871 : memref<1x64x128xf32, #tpu.memory_space<vmem>> -> memref<64x128xf32, #tpu.memory_space<vmem>>
      %gather3A_1873 = tpu.vector_load_idx %gather3A_1872[%add3A_1867, %broadcast_in_dim3A_1854] : memref<64x128xf32, #tpu.memory_space<vmem>>[vector<16xi32>, vector<16xi32>], vector<16xf32>,
      tpu.vector_store_idx %arg7[%add3A_1867, %broadcast_in_dim3A_1855], %gather3A_1873 : memref<64x512xf32, #tpu.memory_space<vmem>>[vector<16xi32>, vector<16xi32>], vector<16xf32>,
      %add3A_1874 = arith.constant 32 : i32
      %add3A_1875 = vector.broadcast %add3A_1874 : i32 to vector<16xi32>
      %add3A_1876 = arith.addi %iota3A, %add3A_1875 : vector<16xi32>
      %gather3A_1877 = arith.constant 5 : i32
      %gather3A_1878 = arith.constant 0 : i32
      %gather3A_1879 = arith.constant 0 : i32
      %gather3A_1880 = tpu.memref_slice %arg6[%gather3A_1877, %gather3A_1878, %gather3A_1879] : memref<11x64x128xf32, #tpu.memory_space<vmem>> -> memref<1x64x128xf32, #tpu.memory_space<vmem>>
      %gather3A_1881 = tpu.memref_squeeze %gather3A_1880 : memref<1x64x128xf32, #tpu.memory_space<vmem>> -> memref<64x128xf32, #tpu.memory_space<vmem>>
      %gather3A_1882 = tpu.vector_load_idx %gather3A_1881[%add3A_1876, %broadcast_in_dim3A_1854] : memref<64x128xf32, #tpu.memory_space<vmem>>[vector<16xi32>, vector<16xi32>], vector<16xf32>,
      tpu.vector_store_idx %arg7[%add3A_1876, %broadcast_in_dim3A_1855], %gather3A_1882 : memref<64x512xf32, #tpu.memory_space<vmem>>[vector<16xi32>, vector<16xi32>], vector<16xf32>,
      %add3A_1883 = arith.constant 48 : i32
      %add3A_1884 = vector.broadcast %add3A_1883 : i32 to vector<16xi32>
      %add3A_1885 = arith.addi %iota3A, %add3A_1884 : vector<16xi32>
      %gather3A_1886 = arith.constant 5 : i32
      %gather3A_1887 = arith.constant 0 : i32
      %gather3A_1888 = arith.constant 0 : i32
      %gather3A_1889 = tpu.memref_slice %arg6[%gather3A_1886, %gather3A_1887, %gather3A_1888] : memref<11x64x128xf32, #tpu.memory_space<vmem>> -> memref<1x64x128xf32, #tpu.memory_space<vmem>>
      %gather3A_1890 = tpu.memref_squeeze %gather3A_1889 : memref<1x64x128xf32, #tpu.memory_space<vmem>> -> memref<64x128xf32, #tpu.memory_space<vmem>>
      %gather3A_1891 = tpu.vector_load_idx %gather3A_1890[%add3A_1885, %broadcast_in_dim3A_1854] : memref<64x128xf32, #tpu.memory_space<vmem>>[vector<16xi32>, vector<16xi32>], vector<16xf32>,
      tpu.vector_store_idx %arg7[%add3A_1885, %broadcast_in_dim3A_1855], %gather3A_1891 : memref<64x512xf32, #tpu.memory_space<vmem>>[vector<16xi32>, vector<16xi32>], vector<16xf32>,
      %add3A_1892 = arith.constant 11 : i32
      %add3A_1893 = arith.addi %add3A_1832, %add3A_1892 : i32
      %get3A_1894 = arith.index_cast %add3A_1893 : i32 to index
      %get3A_1895 = tpu.vector_load %arg5[%get3A_1894] {strides = array<i32>} : memref<528xi32, #tpu.memory_space<vmem>>, vector<16xi32>,
      %slice3A_1896 = vector.extract_strided_slice %get3A_1895 {offsets = [0], sizes = [1], strides = [1]} : vector<16xi32> to vector<1xi32>
      %squeeze3A_1897 = vector.extract %slice3A_1896[0] : i32 from vector<1xi32>
      %shift_right_arithmetic3A_1898 = arith.constant 7 : i32
      %shift_right_arithmetic3A_1899 = arith.shrsi %squeeze3A_1897, %shift_right_arithmetic3A_1898 : i32
      %shift_left3A_1900 = arith.constant 7 : i32
      %shift_left3A_1901 = arith.shli %shift_right_arithmetic3A_1899, %shift_left3A_1900 : i32
      %multiple_of3A_1902 = tpu.assume_multiple %shift_left3A_1901, 128 : i32
      %dma_start3A_1903 = arith.constant 5 : i32
      %dma_start3A_1904 = arith.constant 0 : i32
      %dma_start3A_1905 = arith.constant 0 : i32
      %dma_start3A_1906 = tpu.memref_slice %arg6[%dma_start3A_1903, %dma_start3A_1904, %dma_start3A_1905] : memref<11x64x128xf32, #tpu.memory_space<vmem>> -> memref<1x64x128xf32, #tpu.memory_space<vmem>>
      %dma_start3A_1907 = tpu.memref_squeeze %dma_start3A_1906 : memref<1x64x128xf32, #tpu.memory_space<vmem>> -> memref<64x128xf32, #tpu.memory_space<vmem>>
      %dma_start3A_1908 = arith.constant 0 : i32
      %dma_start3A_1909 = tpu.memref_slice %arg2[%dma_start3A_1908, %multiple_of3A_1902] : memref<64x1000000xf32, #tpu.memory_space<hbm>> -> memref<64x128xf32, #tpu.memory_space<hbm>>
      %dma_start3A_1910 = arith.constant 0 : i32
      %dma_start3A_1911 = arith.constant 0 : i32
      %dma_start3A_1912 = tpu.memref_slice %arg6[%dma_start3A_1903, %dma_start3A_1910, %dma_start3A_1911] : memref<11x64x128xf32, #tpu.memory_space<vmem>> -> memref<1x64x128xf32, #tpu.memory_space<vmem>>
      %dma_start3A_1913 = tpu.memref_squeeze %dma_start3A_1912 : memref<1x64x128xf32, #tpu.memory_space<vmem>> -> memref<64x128xf32, #tpu.memory_space<vmem>>
      %dma_start3A_1914 = arith.constant 0 : i32
      %dma_start3A_1915 = tpu.memref_slice %arg2[%dma_start3A_1914, %multiple_of3A_1902] : memref<64x1000000xf32, #tpu.memory_space<hbm>> -> memref<64x128xf32, #tpu.memory_space<hbm>>
      tpu.enqueue_dma source(%dma_start3A_1915 : memref<64x128xf32, #tpu.memory_space<hbm>>) target(%dma_start3A_1913 : memref<64x128xf32, #tpu.memory_space<vmem>>) target_semaphore(%arg13 : memref<!tpu.dma_semaphore, #tpu.memory_space<semaphore_mem>>)
      %mul3A_1916 = arith.constant 11 : i32
      %mul3A_1917 = arith.muli %scan3A_1392, %mul3A_1916 : i32
      %add3A_1918 = arith.constant 6 : i32
      %add3A_1919 = arith.addi %mul3A_1917, %add3A_1918 : i32
      %dma_wait3A_1920 = arith.constant 6 : i32
      %dma_wait3A_1921 = arith.constant 0 : i32
      %dma_wait3A_1922 = arith.constant 0 : i32
      %dma_wait3A_1923 = tpu.memref_slice %arg6[%dma_wait3A_1920, %dma_wait3A_1921, %dma_wait3A_1922] : memref<11x64x128xf32, #tpu.memory_space<vmem>> -> memref<1x64x128xf32, #tpu.memory_space<vmem>>
      %dma_wait3A_1924 = tpu.memref_squeeze %dma_wait3A_1923 : memref<1x64x128xf32, #tpu.memory_space<vmem>> -> memref<64x128xf32, #tpu.memory_space<vmem>>
      %dma_wait3A_1925 = arith.constant 0 : i32
      %dma_wait3A_1926 = arith.constant 0 : i32
      %dma_wait3A_1927 = tpu.memref_slice %arg2[%dma_wait3A_1925, %dma_wait3A_1926] : memref<64x1000000xf32, #tpu.memory_space<hbm>> -> memref<64x128xf32, #tpu.memory_space<hbm>>
      %dma_wait3A_1928 = arith.constant 0 : i32
      %dma_wait3A_1929 = arith.constant 0 : i32
      %dma_wait3A_1930 = tpu.memref_slice %arg6[%dma_wait3A_1920, %dma_wait3A_1928, %dma_wait3A_1929] : memref<11x64x128xf32, #tpu.memory_space<vmem>> -> memref<1x64x128xf32, #tpu.memory_space<vmem>>
      %dma_wait3A_1931 = tpu.memref_squeeze %dma_wait3A_1930 : memref<1x64x128xf32, #tpu.memory_space<vmem>> -> memref<64x128xf32, #tpu.memory_space<vmem>>
      %dma_wait3A_1932 = arith.constant 0 : i32
      %dma_wait3A_1933 = arith.constant 0 : i32
      %dma_wait3A_1934 = tpu.memref_slice %arg2[%dma_wait3A_1932, %dma_wait3A_1933] : memref<64x1000000xf32, #tpu.memory_space<hbm>> -> memref<64x128xf32, #tpu.memory_space<hbm>>
      tpu.wait_dma2 semaphore(%arg14 : memref<!tpu.dma_semaphore, #tpu.memory_space<semaphore_mem>>) src(%dma_wait3A_1934 : memref<64x128xf32, #tpu.memory_space<hbm>>) dst(%dma_wait3A_1931 : memref<64x128xf32, #tpu.memory_space<vmem>>)
      %get3A_1935 = arith.index_cast %add3A_1919 : i32 to index
      %get3A_1936 = tpu.vector_load %arg5[%get3A_1935] {strides = array<i32>} : memref<528xi32, #tpu.memory_space<vmem>>, vector<16xi32>,
      %slice3A_1937 = vector.extract_strided_slice %get3A_1936 {offsets = [0], sizes = [1], strides = [1]} : vector<16xi32> to vector<1xi32>
      %squeeze3A_1938 = vector.extract %slice3A_1937[0] : i32 from vector<1xi32>
      %and3A_1939 = arith.constant 127 : i32
      %and3A_1940 = arith.andi %squeeze3A_1938, %and3A_1939 : i32
      %broadcast_in_dim3A_1941 = vector.broadcast %and3A_1940 : i32 to vector<16xi32>
      %broadcast_in_dim3A_1942 = vector.broadcast %add3A_1919 : i32 to vector<16xi32>
      %add3A_1943 = arith.constant 0 : i32
      %add3A_1944 = vector.broadcast %add3A_1943 : i32 to vector<16xi32>
      %add3A_1945 = arith.addi %iota3A, %add3A_1944 : vector<16xi32>
      %gather3A_1946 = arith.constant 6 : i32
      %gather3A_1947 = arith.constant 0 : i32
      %gather3A_1948 = arith.constant 0 : i32
      %gather3A_1949 = tpu.memref_slice %arg6[%gather3A_1946, %gather3A_1947, %gather3A_1948] : memref<11x64x128xf32, #tpu.memory_space<vmem>> -> memref<1x64x128xf32, #tpu.memory_space<vmem>>
      %gather3A_1950 = tpu.memref_squeeze %gather3A_1949 : memref<1x64x128xf32, #tpu.memory_space<vmem>> -> memref<64x128xf32, #tpu.memory_space<vmem>>
      %gather3A_1951 = tpu.vector_load_idx %gather3A_1950[%add3A_1945, %broadcast_in_dim3A_1941] : memref<64x128xf32, #tpu.memory_space<vmem>>[vector<16xi32>, vector<16xi32>], vector<16xf32>,
      tpu.vector_store_idx %arg7[%add3A_1945, %broadcast_in_dim3A_1942], %gather3A_1951 : memref<64x512xf32, #tpu.memory_space<vmem>>[vector<16xi32>, vector<16xi32>], vector<16xf32>,
      %add3A_1952 = arith.constant 16 : i32
      %add3A_1953 = vector.broadcast %add3A_1952 : i32 to vector<16xi32>
      %add3A_1954 = arith.addi %iota3A, %add3A_1953 : vector<16xi32>
      %gather3A_1955 = arith.constant 6 : i32
      %gather3A_1956 = arith.constant 0 : i32
      %gather3A_1957 = arith.constant 0 : i32
      %gather3A_1958 = tpu.memref_slice %arg6[%gather3A_1955, %gather3A_1956, %gather3A_1957] : memref<11x64x128xf32, #tpu.memory_space<vmem>> -> memref<1x64x128xf32, #tpu.memory_space<vmem>>
      %gather3A_1959 = tpu.memref_squeeze %gather3A_1958 : memref<1x64x128xf32, #tpu.memory_space<vmem>> -> memref<64x128xf32, #tpu.memory_space<vmem>>
      %gather3A_1960 = tpu.vector_load_idx %gather3A_1959[%add3A_1954, %broadcast_in_dim3A_1941] : memref<64x128xf32, #tpu.memory_space<vmem>>[vector<16xi32>, vector<16xi32>], vector<16xf32>,
      tpu.vector_store_idx %arg7[%add3A_1954, %broadcast_in_dim3A_1942], %gather3A_1960 : memref<64x512xf32, #tpu.memory_space<vmem>>[vector<16xi32>, vector<16xi32>], vector<16xf32>,
      %add3A_1961 = arith.constant 32 : i32
      %add3A_1962 = vector.broadcast %add3A_1961 : i32 to vector<16xi32>
      %add3A_1963 = arith.addi %iota3A, %add3A_1962 : vector<16xi32>
      %gather3A_1964 = arith.constant 6 : i32
      %gather3A_1965 = arith.constant 0 : i32
      %gather3A_1966 = arith.constant 0 : i32
      %gather3A_1967 = tpu.memref_slice %arg6[%gather3A_1964, %gather3A_1965, %gather3A_1966] : memref<11x64x128xf32, #tpu.memory_space<vmem>> -> memref<1x64x128xf32, #tpu.memory_space<vmem>>
      %gather3A_1968 = tpu.memref_squeeze %gather3A_1967 : memref<1x64x128xf32, #tpu.memory_space<vmem>> -> memref<64x128xf32, #tpu.memory_space<vmem>>
      %gather3A_1969 = tpu.vector_load_idx %gather3A_1968[%add3A_1963, %broadcast_in_dim3A_1941] : memref<64x128xf32, #tpu.memory_space<vmem>>[vector<16xi32>, vector<16xi32>], vector<16xf32>,
      tpu.vector_store_idx %arg7[%add3A_1963, %broadcast_in_dim3A_1942], %gather3A_1969 : memref<64x512xf32, #tpu.memory_space<vmem>>[vector<16xi32>, vector<16xi32>], vector<16xf32>,
      %add3A_1970 = arith.constant 48 : i32
      %add3A_1971 = vector.broadcast %add3A_1970 : i32 to vector<16xi32>
      %add3A_1972 = arith.addi %iota3A, %add3A_1971 : vector<16xi32>
      %gather3A_1973 = arith.constant 6 : i32
      %gather3A_1974 = arith.constant 0 : i32
      %gather3A_1975 = arith.constant 0 : i32
      %gather3A_1976 = tpu.memref_slice %arg6[%gather3A_1973, %gather3A_1974, %gather3A_1975] : memref<11x64x128xf32, #tpu.memory_space<vmem>> -> memref<1x64x128xf32, #tpu.memory_space<vmem>>
      %gather3A_1977 = tpu.memref_squeeze %gather3A_1976 : memref<1x64x128xf32, #tpu.memory_space<vmem>> -> memref<64x128xf32, #tpu.memory_space<vmem>>
      %gather3A_1978 = tpu.vector_load_idx %gather3A_1977[%add3A_1972, %broadcast_in_dim3A_1941] : memref<64x128xf32, #tpu.memory_space<vmem>>[vector<16xi32>, vector<16xi32>], vector<16xf32>,
      tpu.vector_store_idx %arg7[%add3A_1972, %broadcast_in_dim3A_1942], %gather3A_1978 : memref<64x512xf32, #tpu.memory_space<vmem>>[vector<16xi32>, vector<16xi32>], vector<16xf32>,
      %add3A_1979 = arith.constant 11 : i32
      %add3A_1980 = arith.addi %add3A_1919, %add3A_1979 : i32
      %get3A_1981 = arith.index_cast %add3A_1980 : i32 to index
      %get3A_1982 = tpu.vector_load %arg5[%get3A_1981] {strides = array<i32>} : memref<528xi32, #tpu.memory_space<vmem>>, vector<16xi32>,
      %slice3A_1983 = vector.extract_strided_slice %get3A_1982 {offsets = [0], sizes = [1], strides = [1]} : vector<16xi32> to vector<1xi32>
      %squeeze3A_1984 = vector.extract %slice3A_1983[0] : i32 from vector<1xi32>
      %shift_right_arithmetic3A_1985 = arith.constant 7 : i32
      %shift_right_arithmetic3A_1986 = arith.shrsi %squeeze3A_1984, %shift_right_arithmetic3A_1985 : i32
      %shift_left3A_1987 = arith.constant 7 : i32
      %shift_left3A_1988 = arith.shli %shift_right_arithmetic3A_1986, %shift_left3A_1987 : i32
      %multiple_of3A_1989 = tpu.assume_multiple %shift_left3A_1988, 128 : i32
      %dma_start3A_1990 = arith.constant 6 : i32
      %dma_start3A_1991 = arith.constant 0 : i32
      %dma_start3A_1992 = arith.constant 0 : i32
      %dma_start3A_1993 = tpu.memref_slice %arg6[%dma_start3A_1990, %dma_start3A_1991, %dma_start3A_1992] : memref<11x64x128xf32, #tpu.memory_space<vmem>> -> memref<1x64x128xf32, #tpu.memory_space<vmem>>
      %dma_start3A_1994 = tpu.memref_squeeze %dma_start3A_1993 : memref<1x64x128xf32, #tpu.memory_space<vmem>> -> memref<64x128xf32, #tpu.memory_space<vmem>>
      %dma_start3A_1995 = arith.constant 0 : i32
      %dma_start3A_1996 = tpu.memref_slice %arg2[%dma_start3A_1995, %multiple_of3A_1989] : memref<64x1000000xf32, #tpu.memory_space<hbm>> -> memref<64x128xf32, #tpu.memory_space<hbm>>
      %dma_start3A_1997 = arith.constant 0 : i32
      %dma_start3A_1998 = arith.constant 0 : i32
      %dma_start3A_1999 = tpu.memref_slice %arg6[%dma_start3A_1990, %dma_start3A_1997, %dma_start3A_1998] : memref<11x64x128xf32, #tpu.memory_space<vmem>> -> memref<1x64x128xf32, #tpu.memory_space<vmem>>
      %dma_start3A_2000 = tpu.memref_squeeze %dma_start3A_1999 : memref<1x64x128xf32, #tpu.memory_space<vmem>> -> memref<64x128xf32, #tpu.memory_space<vmem>>
      %dma_start3A_2001 = arith.constant 0 : i32
      %dma_start3A_2002 = tpu.memref_slice %arg2[%dma_start3A_2001, %multiple_of3A_1989] : memref<64x1000000xf32, #tpu.memory_space<hbm>> -> memref<64x128xf32, #tpu.memory_space<hbm>>
      tpu.enqueue_dma source(%dma_start3A_2002 : memref<64x128xf32, #tpu.memory_space<hbm>>) target(%dma_start3A_2000 : memref<64x128xf32, #tpu.memory_space<vmem>>) target_semaphore(%arg14 : memref<!tpu.dma_semaphore, #tpu.memory_space<semaphore_mem>>)
      %mul3A_2003 = arith.constant 11 : i32
      %mul3A_2004 = arith.muli %scan3A_1392, %mul3A_2003 : i32
      %add3A_2005 = arith.constant 7 : i32
      %add3A_2006 = arith.addi %mul3A_2004, %add3A_2005 : i32
      %dma_wait3A_2007 = arith.constant 7 : i32
      %dma_wait3A_2008 = arith.constant 0 : i32
      %dma_wait3A_2009 = arith.constant 0 : i32
      %dma_wait3A_2010 = tpu.memref_slice %arg6[%dma_wait3A_2007, %dma_wait3A_2008, %dma_wait3A_2009] : memref<11x64x128xf32, #tpu.memory_space<vmem>> -> memref<1x64x128xf32, #tpu.memory_space<vmem>>
      %dma_wait3A_2011 = tpu.memref_squeeze %dma_wait3A_2010 : memref<1x64x128xf32, #tpu.memory_space<vmem>> -> memref<64x128xf32, #tpu.memory_space<vmem>>
      %dma_wait3A_2012 = arith.constant 0 : i32
      %dma_wait3A_2013 = arith.constant 0 : i32
      %dma_wait3A_2014 = tpu.memref_slice %arg2[%dma_wait3A_2012, %dma_wait3A_2013] : memref<64x1000000xf32, #tpu.memory_space<hbm>> -> memref<64x128xf32, #tpu.memory_space<hbm>>
      %dma_wait3A_2015 = arith.constant 0 : i32
      %dma_wait3A_2016 = arith.constant 0 : i32
      %dma_wait3A_2017 = tpu.memref_slice %arg6[%dma_wait3A_2007, %dma_wait3A_2015, %dma_wait3A_2016] : memref<11x64x128xf32, #tpu.memory_space<vmem>> -> memref<1x64x128xf32, #tpu.memory_space<vmem>>
      %dma_wait3A_2018 = tpu.memref_squeeze %dma_wait3A_2017 : memref<1x64x128xf32, #tpu.memory_space<vmem>> -> memref<64x128xf32, #tpu.memory_space<vmem>>
      %dma_wait3A_2019 = arith.constant 0 : i32
      %dma_wait3A_2020 = arith.constant 0 : i32
      %dma_wait3A_2021 = tpu.memref_slice %arg2[%dma_wait3A_2019, %dma_wait3A_2020] : memref<64x1000000xf32, #tpu.memory_space<hbm>> -> memref<64x128xf32, #tpu.memory_space<hbm>>
      tpu.wait_dma2 semaphore(%arg15 : memref<!tpu.dma_semaphore, #tpu.memory_space<semaphore_mem>>) src(%dma_wait3A_2021 : memref<64x128xf32, #tpu.memory_space<hbm>>) dst(%dma_wait3A_2018 : memref<64x128xf32, #tpu.memory_space<vmem>>)
      %get3A_2022 = arith.index_cast %add3A_2006 : i32 to index
      %get3A_2023 = tpu.vector_load %arg5[%get3A_2022] {strides = array<i32>} : memref<528xi32, #tpu.memory_space<vmem>>, vector<16xi32>,
      %slice3A_2024 = vector.extract_strided_slice %get3A_2023 {offsets = [0], sizes = [1], strides = [1]} : vector<16xi32> to vector<1xi32>
      %squeeze3A_2025 = vector.extract %slice3A_2024[0] : i32 from vector<1xi32>
      %and3A_2026 = arith.constant 127 : i32
      %and3A_2027 = arith.andi %squeeze3A_2025, %and3A_2026 : i32
      %broadcast_in_dim3A_2028 = vector.broadcast %and3A_2027 : i32 to vector<16xi32>
      %broadcast_in_dim3A_2029 = vector.broadcast %add3A_2006 : i32 to vector<16xi32>
      %add3A_2030 = arith.constant 0 : i32
      %add3A_2031 = vector.broadcast %add3A_2030 : i32 to vector<16xi32>
      %add3A_2032 = arith.addi %iota3A, %add3A_2031 : vector<16xi32>
      %gather3A_2033 = arith.constant 7 : i32
      %gather3A_2034 = arith.constant 0 : i32
      %gather3A_2035 = arith.constant 0 : i32
      %gather3A_2036 = tpu.memref_slice %arg6[%gather3A_2033, %gather3A_2034, %gather3A_2035] : memref<11x64x128xf32, #tpu.memory_space<vmem>> -> memref<1x64x128xf32, #tpu.memory_space<vmem>>
      %gather3A_2037 = tpu.memref_squeeze %gather3A_2036 : memref<1x64x128xf32, #tpu.memory_space<vmem>> -> memref<64x128xf32, #tpu.memory_space<vmem>>
      %gather3A_2038 = tpu.vector_load_idx %gather3A_2037[%add3A_2032, %broadcast_in_dim3A_2028] : memref<64x128xf32, #tpu.memory_space<vmem>>[vector<16xi32>, vector<16xi32>], vector<16xf32>,
      tpu.vector_store_idx %arg7[%add3A_2032, %broadcast_in_dim3A_2029], %gather3A_2038 : memref<64x512xf32, #tpu.memory_space<vmem>>[vector<16xi32>, vector<16xi32>], vector<16xf32>,
      %add3A_2039 = arith.constant 16 : i32
      %add3A_2040 = vector.broadcast %add3A_2039 : i32 to vector<16xi32>
      %add3A_2041 = arith.addi %iota3A, %add3A_2040 : vector<16xi32>
      %gather3A_2042 = arith.constant 7 : i32
      %gather3A_2043 = arith.constant 0 : i32
      %gather3A_2044 = arith.constant 0 : i32
      %gather3A_2045 = tpu.memref_slice %arg6[%gather3A_2042, %gather3A_2043, %gather3A_2044] : memref<11x64x128xf32, #tpu.memory_space<vmem>> -> memref<1x64x128xf32, #tpu.memory_space<vmem>>
      %gather3A_2046 = tpu.memref_squeeze %gather3A_2045 : memref<1x64x128xf32, #tpu.memory_space<vmem>> -> memref<64x128xf32, #tpu.memory_space<vmem>>
      %gather3A_2047 = tpu.vector_load_idx %gather3A_2046[%add3A_2041, %broadcast_in_dim3A_2028] : memref<64x128xf32, #tpu.memory_space<vmem>>[vector<16xi32>, vector<16xi32>], vector<16xf32>,
      tpu.vector_store_idx %arg7[%add3A_2041, %broadcast_in_dim3A_2029], %gather3A_2047 : memref<64x512xf32, #tpu.memory_space<vmem>>[vector<16xi32>, vector<16xi32>], vector<16xf32>,
      %add3A_2048 = arith.constant 32 : i32
      %add3A_2049 = vector.broadcast %add3A_2048 : i32 to vector<16xi32>
      %add3A_2050 = arith.addi %iota3A, %add3A_2049 : vector<16xi32>
      %gather3A_2051 = arith.constant 7 : i32
      %gather3A_2052 = arith.constant 0 : i32
      %gather3A_2053 = arith.constant 0 : i32
      %gather3A_2054 = tpu.memref_slice %arg6[%gather3A_2051, %gather3A_2052, %gather3A_2053] : memref<11x64x128xf32, #tpu.memory_space<vmem>> -> memref<1x64x128xf32, #tpu.memory_space<vmem>>
      %gather3A_2055 = tpu.memref_squeeze %gather3A_2054 : memref<1x64x128xf32, #tpu.memory_space<vmem>> -> memref<64x128xf32, #tpu.memory_space<vmem>>
      %gather3A_2056 = tpu.vector_load_idx %gather3A_2055[%add3A_2050, %broadcast_in_dim3A_2028] : memref<64x128xf32, #tpu.memory_space<vmem>>[vector<16xi32>, vector<16xi32>], vector<16xf32>,
      tpu.vector_store_idx %arg7[%add3A_2050, %broadcast_in_dim3A_2029], %gather3A_2056 : memref<64x512xf32, #tpu.memory_space<vmem>>[vector<16xi32>, vector<16xi32>], vector<16xf32>,
      %add3A_2057 = arith.constant 48 : i32
      %add3A_2058 = vector.broadcast %add3A_2057 : i32 to vector<16xi32>
      %add3A_2059 = arith.addi %iota3A, %add3A_2058 : vector<16xi32>
      %gather3A_2060 = arith.constant 7 : i32
      %gather3A_2061 = arith.constant 0 : i32
      %gather3A_2062 = arith.constant 0 : i32
      %gather3A_2063 = tpu.memref_slice %arg6[%gather3A_2060, %gather3A_2061, %gather3A_2062] : memref<11x64x128xf32, #tpu.memory_space<vmem>> -> memref<1x64x128xf32, #tpu.memory_space<vmem>>
      %gather3A_2064 = tpu.memref_squeeze %gather3A_2063 : memref<1x64x128xf32, #tpu.memory_space<vmem>> -> memref<64x128xf32, #tpu.memory_space<vmem>>
      %gather3A_2065 = tpu.vector_load_idx %gather3A_2064[%add3A_2059, %broadcast_in_dim3A_2028] : memref<64x128xf32, #tpu.memory_space<vmem>>[vector<16xi32>, vector<16xi32>], vector<16xf32>,
      tpu.vector_store_idx %arg7[%add3A_2059, %broadcast_in_dim3A_2029], %gather3A_2065 : memref<64x512xf32, #tpu.memory_space<vmem>>[vector<16xi32>, vector<16xi32>], vector<16xf32>,
      %add3A_2066 = arith.constant 11 : i32
      %add3A_2067 = arith.addi %add3A_2006, %add3A_2066 : i32
      %get3A_2068 = arith.index_cast %add3A_2067 : i32 to index
      %get3A_2069 = tpu.vector_load %arg5[%get3A_2068] {strides = array<i32>} : memref<528xi32, #tpu.memory_space<vmem>>, vector<16xi32>,
      %slice3A_2070 = vector.extract_strided_slice %get3A_2069 {offsets = [0], sizes = [1], strides = [1]} : vector<16xi32> to vector<1xi32>
      %squeeze3A_2071 = vector.extract %slice3A_2070[0] : i32 from vector<1xi32>
      %shift_right_arithmetic3A_2072 = arith.constant 7 : i32
      %shift_right_arithmetic3A_2073 = arith.shrsi %squeeze3A_2071, %shift_right_arithmetic3A_2072 : i32
      %shift_left3A_2074 = arith.constant 7 : i32
      %shift_left3A_2075 = arith.shli %shift_right_arithmetic3A_2073, %shift_left3A_2074 : i32
      %multiple_of3A_2076 = tpu.assume_multiple %shift_left3A_2075, 128 : i32
      %dma_start3A_2077 = arith.constant 7 : i32
      %dma_start3A_2078 = arith.constant 0 : i32
      %dma_start3A_2079 = arith.constant 0 : i32
      %dma_start3A_2080 = tpu.memref_slice %arg6[%dma_start3A_2077, %dma_start3A_2078, %dma_start3A_2079] : memref<11x64x128xf32, #tpu.memory_space<vmem>> -> memref<1x64x128xf32, #tpu.memory_space<vmem>>
      %dma_start3A_2081 = tpu.memref_squeeze %dma_start3A_2080 : memref<1x64x128xf32, #tpu.memory_space<vmem>> -> memref<64x128xf32, #tpu.memory_space<vmem>>
      %dma_start3A_2082 = arith.constant 0 : i32
      %dma_start3A_2083 = tpu.memref_slice %arg2[%dma_start3A_2082, %multiple_of3A_2076] : memref<64x1000000xf32, #tpu.memory_space<hbm>> -> memref<64x128xf32, #tpu.memory_space<hbm>>
      %dma_start3A_2084 = arith.constant 0 : i32
      %dma_start3A_2085 = arith.constant 0 : i32
      %dma_start3A_2086 = tpu.memref_slice %arg6[%dma_start3A_2077, %dma_start3A_2084, %dma_start3A_2085] : memref<11x64x128xf32, #tpu.memory_space<vmem>> -> memref<1x64x128xf32, #tpu.memory_space<vmem>>
      %dma_start3A_2087 = tpu.memref_squeeze %dma_start3A_2086 : memref<1x64x128xf32, #tpu.memory_space<vmem>> -> memref<64x128xf32, #tpu.memory_space<vmem>>
      %dma_start3A_2088 = arith.constant 0 : i32
      %dma_start3A_2089 = tpu.memref_slice %arg2[%dma_start3A_2088, %multiple_of3A_2076] : memref<64x1000000xf32, #tpu.memory_space<hbm>> -> memref<64x128xf32, #tpu.memory_space<hbm>>
      tpu.enqueue_dma source(%dma_start3A_2089 : memref<64x128xf32, #tpu.memory_space<hbm>>) target(%dma_start3A_2087 : memref<64x128xf32, #tpu.memory_space<vmem>>) target_semaphore(%arg15 : memref<!tpu.dma_semaphore, #tpu.memory_space<semaphore_mem>>)
      %mul3A_2090 = arith.constant 11 : i32
      %mul3A_2091 = arith.muli %scan3A_1392, %mul3A_2090 : i32
      %add3A_2092 = arith.constant 8 : i32
      %add3A_2093 = arith.addi %mul3A_2091, %add3A_2092 : i32
      %dma_wait3A_2094 = arith.constant 8 : i32
      %dma_wait3A_2095 = arith.constant 0 : i32
      %dma_wait3A_2096 = arith.constant 0 : i32
      %dma_wait3A_2097 = tpu.memref_slice %arg6[%dma_wait3A_2094, %dma_wait3A_2095, %dma_wait3A_2096] : memref<11x64x128xf32, #tpu.memory_space<vmem>> -> memref<1x64x128xf32, #tpu.memory_space<vmem>>
      %dma_wait3A_2098 = tpu.memref_squeeze %dma_wait3A_2097 : memref<1x64x128xf32, #tpu.memory_space<vmem>> -> memref<64x128xf32, #tpu.memory_space<vmem>>
      %dma_wait3A_2099 = arith.constant 0 : i32
      %dma_wait3A_2100 = arith.constant 0 : i32
      %dma_wait3A_2101 = tpu.memref_slice %arg2[%dma_wait3A_2099, %dma_wait3A_2100] : memref<64x1000000xf32, #tpu.memory_space<hbm>> -> memref<64x128xf32, #tpu.memory_space<hbm>>
      %dma_wait3A_2102 = arith.constant 0 : i32
      %dma_wait3A_2103 = arith.constant 0 : i32
      %dma_wait3A_2104 = tpu.memref_slice %arg6[%dma_wait3A_2094, %dma_wait3A_2102, %dma_wait3A_2103] : memref<11x64x128xf32, #tpu.memory_space<vmem>> -> memref<1x64x128xf32, #tpu.memory_space<vmem>>
      %dma_wait3A_2105 = tpu.memref_squeeze %dma_wait3A_2104 : memref<1x64x128xf32, #tpu.memory_space<vmem>> -> memref<64x128xf32, #tpu.memory_space<vmem>>
      %dma_wait3A_2106 = arith.constant 0 : i32
      %dma_wait3A_2107 = arith.constant 0 : i32
      %dma_wait3A_2108 = tpu.memref_slice %arg2[%dma_wait3A_2106, %dma_wait3A_2107] : memref<64x1000000xf32, #tpu.memory_space<hbm>> -> memref<64x128xf32, #tpu.memory_space<hbm>>
      tpu.wait_dma2 semaphore(%arg16 : memref<!tpu.dma_semaphore, #tpu.memory_space<semaphore_mem>>) src(%dma_wait3A_2108 : memref<64x128xf32, #tpu.memory_space<hbm>>) dst(%dma_wait3A_2105 : memref<64x128xf32, #tpu.memory_space<vmem>>)
      %get3A_2109 = arith.index_cast %add3A_2093 : i32 to index
      %get3A_2110 = tpu.vector_load %arg5[%get3A_2109] {strides = array<i32>} : memref<528xi32, #tpu.memory_space<vmem>>, vector<16xi32>,
      %slice3A_2111 = vector.extract_strided_slice %get3A_2110 {offsets = [0], sizes = [1], strides = [1]} : vector<16xi32> to vector<1xi32>
      %squeeze3A_2112 = vector.extract %slice3A_2111[0] : i32 from vector<1xi32>
      %and3A_2113 = arith.constant 127 : i32
      %and3A_2114 = arith.andi %squeeze3A_2112, %and3A_2113 : i32
      %broadcast_in_dim3A_2115 = vector.broadcast %and3A_2114 : i32 to vector<16xi32>
      %broadcast_in_dim3A_2116 = vector.broadcast %add3A_2093 : i32 to vector<16xi32>
      %add3A_2117 = arith.constant 0 : i32
      %add3A_2118 = vector.broadcast %add3A_2117 : i32 to vector<16xi32>
      %add3A_2119 = arith.addi %iota3A, %add3A_2118 : vector<16xi32>
      %gather3A_2120 = arith.constant 8 : i32
      %gather3A_2121 = arith.constant 0 : i32
      %gather3A_2122 = arith.constant 0 : i32
      %gather3A_2123 = tpu.memref_slice %arg6[%gather3A_2120, %gather3A_2121, %gather3A_2122] : memref<11x64x128xf32, #tpu.memory_space<vmem>> -> memref<1x64x128xf32, #tpu.memory_space<vmem>>
      %gather3A_2124 = tpu.memref_squeeze %gather3A_2123 : memref<1x64x128xf32, #tpu.memory_space<vmem>> -> memref<64x128xf32, #tpu.memory_space<vmem>>
      %gather3A_2125 = tpu.vector_load_idx %gather3A_2124[%add3A_2119, %broadcast_in_dim3A_2115] : memref<64x128xf32, #tpu.memory_space<vmem>>[vector<16xi32>, vector<16xi32>], vector<16xf32>,
      tpu.vector_store_idx %arg7[%add3A_2119, %broadcast_in_dim3A_2116], %gather3A_2125 : memref<64x512xf32, #tpu.memory_space<vmem>>[vector<16xi32>, vector<16xi32>], vector<16xf32>,
      %add3A_2126 = arith.constant 16 : i32
      %add3A_2127 = vector.broadcast %add3A_2126 : i32 to vector<16xi32>
      %add3A_2128 = arith.addi %iota3A, %add3A_2127 : vector<16xi32>
      %gather3A_2129 = arith.constant 8 : i32
      %gather3A_2130 = arith.constant 0 : i32
      %gather3A_2131 = arith.constant 0 : i32
      %gather3A_2132 = tpu.memref_slice %arg6[%gather3A_2129, %gather3A_2130, %gather3A_2131] : memref<11x64x128xf32, #tpu.memory_space<vmem>> -> memref<1x64x128xf32, #tpu.memory_space<vmem>>
      %gather3A_2133 = tpu.memref_squeeze %gather3A_2132 : memref<1x64x128xf32, #tpu.memory_space<vmem>> -> memref<64x128xf32, #tpu.memory_space<vmem>>
      %gather3A_2134 = tpu.vector_load_idx %gather3A_2133[%add3A_2128, %broadcast_in_dim3A_2115] : memref<64x128xf32, #tpu.memory_space<vmem>>[vector<16xi32>, vector<16xi32>], vector<16xf32>,
      tpu.vector_store_idx %arg7[%add3A_2128, %broadcast_in_dim3A_2116], %gather3A_2134 : memref<64x512xf32, #tpu.memory_space<vmem>>[vector<16xi32>, vector<16xi32>], vector<16xf32>,
      %add3A_2135 = arith.constant 32 : i32
      %add3A_2136 = vector.broadcast %add3A_2135 : i32 to vector<16xi32>
      %add3A_2137 = arith.addi %iota3A, %add3A_2136 : vector<16xi32>
      %gather3A_2138 = arith.constant 8 : i32
      %gather3A_2139 = arith.constant 0 : i32
      %gather3A_2140 = arith.constant 0 : i32
      %gather3A_2141 = tpu.memref_slice %arg6[%gather3A_2138, %gather3A_2139, %gather3A_2140] : memref<11x64x128xf32, #tpu.memory_space<vmem>> -> memref<1x64x128xf32, #tpu.memory_space<vmem>>
      %gather3A_2142 = tpu.memref_squeeze %gather3A_2141 : memref<1x64x128xf32, #tpu.memory_space<vmem>> -> memref<64x128xf32, #tpu.memory_space<vmem>>
      %gather3A_2143 = tpu.vector_load_idx %gather3A_2142[%add3A_2137, %broadcast_in_dim3A_2115] : memref<64x128xf32, #tpu.memory_space<vmem>>[vector<16xi32>, vector<16xi32>], vector<16xf32>,
      tpu.vector_store_idx %arg7[%add3A_2137, %broadcast_in_dim3A_2116], %gather3A_2143 : memref<64x512xf32, #tpu.memory_space<vmem>>[vector<16xi32>, vector<16xi32>], vector<16xf32>,
      %add3A_2144 = arith.constant 48 : i32
      %add3A_2145 = vector.broadcast %add3A_2144 : i32 to vector<16xi32>
      %add3A_2146 = arith.addi %iota3A, %add3A_2145 : vector<16xi32>
      %gather3A_2147 = arith.constant 8 : i32
      %gather3A_2148 = arith.constant 0 : i32
      %gather3A_2149 = arith.constant 0 : i32
      %gather3A_2150 = tpu.memref_slice %arg6[%gather3A_2147, %gather3A_2148, %gather3A_2149] : memref<11x64x128xf32, #tpu.memory_space<vmem>> -> memref<1x64x128xf32, #tpu.memory_space<vmem>>
      %gather3A_2151 = tpu.memref_squeeze %gather3A_2150 : memref<1x64x128xf32, #tpu.memory_space<vmem>> -> memref<64x128xf32, #tpu.memory_space<vmem>>
      %gather3A_2152 = tpu.vector_load_idx %gather3A_2151[%add3A_2146, %broadcast_in_dim3A_2115] : memref<64x128xf32, #tpu.memory_space<vmem>>[vector<16xi32>, vector<16xi32>], vector<16xf32>,
      tpu.vector_store_idx %arg7[%add3A_2146, %broadcast_in_dim3A_2116], %gather3A_2152 : memref<64x512xf32, #tpu.memory_space<vmem>>[vector<16xi32>, vector<16xi32>], vector<16xf32>,
      %add3A_2153 = arith.constant 11 : i32
      %add3A_2154 = arith.addi %add3A_2093, %add3A_2153 : i32
      %get3A_2155 = arith.index_cast %add3A_2154 : i32 to index
      %get3A_2156 = tpu.vector_load %arg5[%get3A_2155] {strides = array<i32>} : memref<528xi32, #tpu.memory_space<vmem>>, vector<16xi32>,
      %slice3A_2157 = vector.extract_strided_slice %get3A_2156 {offsets = [0], sizes = [1], strides = [1]} : vector<16xi32> to vector<1xi32>
      %squeeze3A_2158 = vector.extract %slice3A_2157[0] : i32 from vector<1xi32>
      %shift_right_arithmetic3A_2159 = arith.constant 7 : i32
      %shift_right_arithmetic3A_2160 = arith.shrsi %squeeze3A_2158, %shift_right_arithmetic3A_2159 : i32
      %shift_left3A_2161 = arith.constant 7 : i32
      %shift_left3A_2162 = arith.shli %shift_right_arithmetic3A_2160, %shift_left3A_2161 : i32
      %multiple_of3A_2163 = tpu.assume_multiple %shift_left3A_2162, 128 : i32
      %dma_start3A_2164 = arith.constant 8 : i32
      %dma_start3A_2165 = arith.constant 0 : i32
      %dma_start3A_2166 = arith.constant 0 : i32
      %dma_start3A_2167 = tpu.memref_slice %arg6[%dma_start3A_2164, %dma_start3A_2165, %dma_start3A_2166] : memref<11x64x128xf32, #tpu.memory_space<vmem>> -> memref<1x64x128xf32, #tpu.memory_space<vmem>>
      %dma_start3A_2168 = tpu.memref_squeeze %dma_start3A_2167 : memref<1x64x128xf32, #tpu.memory_space<vmem>> -> memref<64x128xf32, #tpu.memory_space<vmem>>
      %dma_start3A_2169 = arith.constant 0 : i32
      %dma_start3A_2170 = tpu.memref_slice %arg2[%dma_start3A_2169, %multiple_of3A_2163] : memref<64x1000000xf32, #tpu.memory_space<hbm>> -> memref<64x128xf32, #tpu.memory_space<hbm>>
      %dma_start3A_2171 = arith.constant 0 : i32
      %dma_start3A_2172 = arith.constant 0 : i32
      %dma_start3A_2173 = tpu.memref_slice %arg6[%dma_start3A_2164, %dma_start3A_2171, %dma_start3A_2172] : memref<11x64x128xf32, #tpu.memory_space<vmem>> -> memref<1x64x128xf32, #tpu.memory_space<vmem>>
      %dma_start3A_2174 = tpu.memref_squeeze %dma_start3A_2173 : memref<1x64x128xf32, #tpu.memory_space<vmem>> -> memref<64x128xf32, #tpu.memory_space<vmem>>
      %dma_start3A_2175 = arith.constant 0 : i32
      %dma_start3A_2176 = tpu.memref_slice %arg2[%dma_start3A_2175, %multiple_of3A_2163] : memref<64x1000000xf32, #tpu.memory_space<hbm>> -> memref<64x128xf32, #tpu.memory_space<hbm>>
      tpu.enqueue_dma source(%dma_start3A_2176 : memref<64x128xf32, #tpu.memory_space<hbm>>) target(%dma_start3A_2174 : memref<64x128xf32, #tpu.memory_space<vmem>>) target_semaphore(%arg16 : memref<!tpu.dma_semaphore, #tpu.memory_space<semaphore_mem>>)
      %mul3A_2177 = arith.constant 11 : i32
      %mul3A_2178 = arith.muli %scan3A_1392, %mul3A_2177 : i32
      %add3A_2179 = arith.constant 9 : i32
      %add3A_2180 = arith.addi %mul3A_2178, %add3A_2179 : i32
      %dma_wait3A_2181 = arith.constant 9 : i32
      %dma_wait3A_2182 = arith.constant 0 : i32
      %dma_wait3A_2183 = arith.constant 0 : i32
      %dma_wait3A_2184 = tpu.memref_slice %arg6[%dma_wait3A_2181, %dma_wait3A_2182, %dma_wait3A_2183] : memref<11x64x128xf32, #tpu.memory_space<vmem>> -> memref<1x64x128xf32, #tpu.memory_space<vmem>>
      %dma_wait3A_2185 = tpu.memref_squeeze %dma_wait3A_2184 : memref<1x64x128xf32, #tpu.memory_space<vmem>> -> memref<64x128xf32, #tpu.memory_space<vmem>>
      %dma_wait3A_2186 = arith.constant 0 : i32
      %dma_wait3A_2187 = arith.constant 0 : i32
      %dma_wait3A_2188 = tpu.memref_slice %arg2[%dma_wait3A_2186, %dma_wait3A_2187] : memref<64x1000000xf32, #tpu.memory_space<hbm>> -> memref<64x128xf32, #tpu.memory_space<hbm>>
      %dma_wait3A_2189 = arith.constant 0 : i32
      %dma_wait3A_2190 = arith.constant 0 : i32
      %dma_wait3A_2191 = tpu.memref_slice %arg6[%dma_wait3A_2181, %dma_wait3A_2189, %dma_wait3A_2190] : memref<11x64x128xf32, #tpu.memory_space<vmem>> -> memref<1x64x128xf32, #tpu.memory_space<vmem>>
      %dma_wait3A_2192 = tpu.memref_squeeze %dma_wait3A_2191 : memref<1x64x128xf32, #tpu.memory_space<vmem>> -> memref<64x128xf32, #tpu.memory_space<vmem>>
      %dma_wait3A_2193 = arith.constant 0 : i32
      %dma_wait3A_2194 = arith.constant 0 : i32
      %dma_wait3A_2195 = tpu.memref_slice %arg2[%dma_wait3A_2193, %dma_wait3A_2194] : memref<64x1000000xf32, #tpu.memory_space<hbm>> -> memref<64x128xf32, #tpu.memory_space<hbm>>
      tpu.wait_dma2 semaphore(%arg17 : memref<!tpu.dma_semaphore, #tpu.memory_space<semaphore_mem>>) src(%dma_wait3A_2195 : memref<64x128xf32, #tpu.memory_space<hbm>>) dst(%dma_wait3A_2192 : memref<64x128xf32, #tpu.memory_space<vmem>>)
      %get3A_2196 = arith.index_cast %add3A_2180 : i32 to index
      %get3A_2197 = tpu.vector_load %arg5[%get3A_2196] {strides = array<i32>} : memref<528xi32, #tpu.memory_space<vmem>>, vector<16xi32>,
      %slice3A_2198 = vector.extract_strided_slice %get3A_2197 {offsets = [0], sizes = [1], strides = [1]} : vector<16xi32> to vector<1xi32>
      %squeeze3A_2199 = vector.extract %slice3A_2198[0] : i32 from vector<1xi32>
      %and3A_2200 = arith.constant 127 : i32
      %and3A_2201 = arith.andi %squeeze3A_2199, %and3A_2200 : i32
      %broadcast_in_dim3A_2202 = vector.broadcast %and3A_2201 : i32 to vector<16xi32>
      %broadcast_in_dim3A_2203 = vector.broadcast %add3A_2180 : i32 to vector<16xi32>
      %add3A_2204 = arith.constant 0 : i32
      %add3A_2205 = vector.broadcast %add3A_2204 : i32 to vector<16xi32>
      %add3A_2206 = arith.addi %iota3A, %add3A_2205 : vector<16xi32>
      %gather3A_2207 = arith.constant 9 : i32
      %gather3A_2208 = arith.constant 0 : i32
      %gather3A_2209 = arith.constant 0 : i32
      %gather3A_2210 = tpu.memref_slice %arg6[%gather3A_2207, %gather3A_2208, %gather3A_2209] : memref<11x64x128xf32, #tpu.memory_space<vmem>> -> memref<1x64x128xf32, #tpu.memory_space<vmem>>
      %gather3A_2211 = tpu.memref_squeeze %gather3A_2210 : memref<1x64x128xf32, #tpu.memory_space<vmem>> -> memref<64x128xf32, #tpu.memory_space<vmem>>
      %gather3A_2212 = tpu.vector_load_idx %gather3A_2211[%add3A_2206, %broadcast_in_dim3A_2202] : memref<64x128xf32, #tpu.memory_space<vmem>>[vector<16xi32>, vector<16xi32>], vector<16xf32>,
      tpu.vector_store_idx %arg7[%add3A_2206, %broadcast_in_dim3A_2203], %gather3A_2212 : memref<64x512xf32, #tpu.memory_space<vmem>>[vector<16xi32>, vector<16xi32>], vector<16xf32>,
      %add3A_2213 = arith.constant 16 : i32
      %add3A_2214 = vector.broadcast %add3A_2213 : i32 to vector<16xi32>
      %add3A_2215 = arith.addi %iota3A, %add3A_2214 : vector<16xi32>
      %gather3A_2216 = arith.constant 9 : i32
      %gather3A_2217 = arith.constant 0 : i32
      %gather3A_2218 = arith.constant 0 : i32
      %gather3A_2219 = tpu.memref_slice %arg6[%gather3A_2216, %gather3A_2217, %gather3A_2218] : memref<11x64x128xf32, #tpu.memory_space<vmem>> -> memref<1x64x128xf32, #tpu.memory_space<vmem>>
      %gather3A_2220 = tpu.memref_squeeze %gather3A_2219 : memref<1x64x128xf32, #tpu.memory_space<vmem>> -> memref<64x128xf32, #tpu.memory_space<vmem>>
      %gather3A_2221 = tpu.vector_load_idx %gather3A_2220[%add3A_2215, %broadcast_in_dim3A_2202] : memref<64x128xf32, #tpu.memory_space<vmem>>[vector<16xi32>, vector<16xi32>], vector<16xf32>,
      tpu.vector_store_idx %arg7[%add3A_2215, %broadcast_in_dim3A_2203], %gather3A_2221 : memref<64x512xf32, #tpu.memory_space<vmem>>[vector<16xi32>, vector<16xi32>], vector<16xf32>,
      %add3A_2222 = arith.constant 32 : i32
      %add3A_2223 = vector.broadcast %add3A_2222 : i32 to vector<16xi32>
      %add3A_2224 = arith.addi %iota3A, %add3A_2223 : vector<16xi32>
      %gather3A_2225 = arith.constant 9 : i32
      %gather3A_2226 = arith.constant 0 : i32
      %gather3A_2227 = arith.constant 0 : i32
      %gather3A_2228 = tpu.memref_slice %arg6[%gather3A_2225, %gather3A_2226, %gather3A_2227] : memref<11x64x128xf32, #tpu.memory_space<vmem>> -> memref<1x64x128xf32, #tpu.memory_space<vmem>>
      %gather3A_2229 = tpu.memref_squeeze %gather3A_2228 : memref<1x64x128xf32, #tpu.memory_space<vmem>> -> memref<64x128xf32, #tpu.memory_space<vmem>>
      %gather3A_2230 = tpu.vector_load_idx %gather3A_2229[%add3A_2224, %broadcast_in_dim3A_2202] : memref<64x128xf32, #tpu.memory_space<vmem>>[vector<16xi32>, vector<16xi32>], vector<16xf32>,
      tpu.vector_store_idx %arg7[%add3A_2224, %broadcast_in_dim3A_2203], %gather3A_2230 : memref<64x512xf32, #tpu.memory_space<vmem>>[vector<16xi32>, vector<16xi32>], vector<16xf32>,
      %add3A_2231 = arith.constant 48 : i32
      %add3A_2232 = vector.broadcast %add3A_2231 : i32 to vector<16xi32>
      %add3A_2233 = arith.addi %iota3A, %add3A_2232 : vector<16xi32>
      %gather3A_2234 = arith.constant 9 : i32
      %gather3A_2235 = arith.constant 0 : i32
      %gather3A_2236 = arith.constant 0 : i32
      %gather3A_2237 = tpu.memref_slice %arg6[%gather3A_2234, %gather3A_2235, %gather3A_2236] : memref<11x64x128xf32, #tpu.memory_space<vmem>> -> memref<1x64x128xf32, #tpu.memory_space<vmem>>
      %gather3A_2238 = tpu.memref_squeeze %gather3A_2237 : memref<1x64x128xf32, #tpu.memory_space<vmem>> -> memref<64x128xf32, #tpu.memory_space<vmem>>
      %gather3A_2239 = tpu.vector_load_idx %gather3A_2238[%add3A_2233, %broadcast_in_dim3A_2202] : memref<64x128xf32, #tpu.memory_space<vmem>>[vector<16xi32>, vector<16xi32>], vector<16xf32>,
      tpu.vector_store_idx %arg7[%add3A_2233, %broadcast_in_dim3A_2203], %gather3A_2239 : memref<64x512xf32, #tpu.memory_space<vmem>>[vector<16xi32>, vector<16xi32>], vector<16xf32>,
      %add3A_2240 = arith.constant 11 : i32
      %add3A_2241 = arith.addi %add3A_2180, %add3A_2240 : i32
      %get3A_2242 = arith.index_cast %add3A_2241 : i32 to index
      %get3A_2243 = tpu.vector_load %arg5[%get3A_2242] {strides = array<i32>} : memref<528xi32, #tpu.memory_space<vmem>>, vector<16xi32>,
      %slice3A_2244 = vector.extract_strided_slice %get3A_2243 {offsets = [0], sizes = [1], strides = [1]} : vector<16xi32> to vector<1xi32>
      %squeeze3A_2245 = vector.extract %slice3A_2244[0] : i32 from vector<1xi32>
      %shift_right_arithmetic3A_2246 = arith.constant 7 : i32
      %shift_right_arithmetic3A_2247 = arith.shrsi %squeeze3A_2245, %shift_right_arithmetic3A_2246 : i32
      %shift_left3A_2248 = arith.constant 7 : i32
      %shift_left3A_2249 = arith.shli %shift_right_arithmetic3A_2247, %shift_left3A_2248 : i32
      %multiple_of3A_2250 = tpu.assume_multiple %shift_left3A_2249, 128 : i32
      %dma_start3A_2251 = arith.constant 9 : i32
      %dma_start3A_2252 = arith.constant 0 : i32
      %dma_start3A_2253 = arith.constant 0 : i32
      %dma_start3A_2254 = tpu.memref_slice %arg6[%dma_start3A_2251, %dma_start3A_2252, %dma_start3A_2253] : memref<11x64x128xf32, #tpu.memory_space<vmem>> -> memref<1x64x128xf32, #tpu.memory_space<vmem>>
      %dma_start3A_2255 = tpu.memref_squeeze %dma_start3A_2254 : memref<1x64x128xf32, #tpu.memory_space<vmem>> -> memref<64x128xf32, #tpu.memory_space<vmem>>
      %dma_start3A_2256 = arith.constant 0 : i32
      %dma_start3A_2257 = tpu.memref_slice %arg2[%dma_start3A_2256, %multiple_of3A_2250] : memref<64x1000000xf32, #tpu.memory_space<hbm>> -> memref<64x128xf32, #tpu.memory_space<hbm>>
      %dma_start3A_2258 = arith.constant 0 : i32
      %dma_start3A_2259 = arith.constant 0 : i32
      %dma_start3A_2260 = tpu.memref_slice %arg6[%dma_start3A_2251, %dma_start3A_2258, %dma_start3A_2259] : memref<11x64x128xf32, #tpu.memory_space<vmem>> -> memref<1x64x128xf32, #tpu.memory_space<vmem>>
      %dma_start3A_2261 = tpu.memref_squeeze %dma_start3A_2260 : memref<1x64x128xf32, #tpu.memory_space<vmem>> -> memref<64x128xf32, #tpu.memory_space<vmem>>
      %dma_start3A_2262 = arith.constant 0 : i32
      %dma_start3A_2263 = tpu.memref_slice %arg2[%dma_start3A_2262, %multiple_of3A_2250] : memref<64x1000000xf32, #tpu.memory_space<hbm>> -> memref<64x128xf32, #tpu.memory_space<hbm>>
      tpu.enqueue_dma source(%dma_start3A_2263 : memref<64x128xf32, #tpu.memory_space<hbm>>) target(%dma_start3A_2261 : memref<64x128xf32, #tpu.memory_space<vmem>>) target_semaphore(%arg17 : memref<!tpu.dma_semaphore, #tpu.memory_space<semaphore_mem>>)
      %mul3A_2264 = arith.constant 11 : i32
      %mul3A_2265 = arith.muli %scan3A_1392, %mul3A_2264 : i32
      %add3A_2266 = arith.constant 10 : i32
      %add3A_2267 = arith.addi %mul3A_2265, %add3A_2266 : i32
      %dma_wait3A_2268 = arith.constant 10 : i32
      %dma_wait3A_2269 = arith.constant 0 : i32
      %dma_wait3A_2270 = arith.constant 0 : i32
      %dma_wait3A_2271 = tpu.memref_slice %arg6[%dma_wait3A_2268, %dma_wait3A_2269, %dma_wait3A_2270] : memref<11x64x128xf32, #tpu.memory_space<vmem>> -> memref<1x64x128xf32, #tpu.memory_space<vmem>>
      %dma_wait3A_2272 = tpu.memref_squeeze %dma_wait3A_2271 : memref<1x64x128xf32, #tpu.memory_space<vmem>> -> memref<64x128xf32, #tpu.memory_space<vmem>>
      %dma_wait3A_2273 = arith.constant 0 : i32
      %dma_wait3A_2274 = arith.constant 0 : i32
      %dma_wait3A_2275 = tpu.memref_slice %arg2[%dma_wait3A_2273, %dma_wait3A_2274] : memref<64x1000000xf32, #tpu.memory_space<hbm>> -> memref<64x128xf32, #tpu.memory_space<hbm>>
      %dma_wait3A_2276 = arith.constant 0 : i32
      %dma_wait3A_2277 = arith.constant 0 : i32
      %dma_wait3A_2278 = tpu.memref_slice %arg6[%dma_wait3A_2268, %dma_wait3A_2276, %dma_wait3A_2277] : memref<11x64x128xf32, #tpu.memory_space<vmem>> -> memref<1x64x128xf32, #tpu.memory_space<vmem>>
      %dma_wait3A_2279 = tpu.memref_squeeze %dma_wait3A_2278 : memref<1x64x128xf32, #tpu.memory_space<vmem>> -> memref<64x128xf32, #tpu.memory_space<vmem>>
      %dma_wait3A_2280 = arith.constant 0 : i32
      %dma_wait3A_2281 = arith.constant 0 : i32
      %dma_wait3A_2282 = tpu.memref_slice %arg2[%dma_wait3A_2280, %dma_wait3A_2281] : memref<64x1000000xf32, #tpu.memory_space<hbm>> -> memref<64x128xf32, #tpu.memory_space<hbm>>
      tpu.wait_dma2 semaphore(%arg18 : memref<!tpu.dma_semaphore, #tpu.memory_space<semaphore_mem>>) src(%dma_wait3A_2282 : memref<64x128xf32, #tpu.memory_space<hbm>>) dst(%dma_wait3A_2279 : memref<64x128xf32, #tpu.memory_space<vmem>>)
      %get3A_2283 = arith.index_cast %add3A_2267 : i32 to index
      %get3A_2284 = tpu.vector_load %arg5[%get3A_2283] {strides = array<i32>} : memref<528xi32, #tpu.memory_space<vmem>>, vector<16xi32>,
      %slice3A_2285 = vector.extract_strided_slice %get3A_2284 {offsets = [0], sizes = [1], strides = [1]} : vector<16xi32> to vector<1xi32>
      %squeeze3A_2286 = vector.extract %slice3A_2285[0] : i32 from vector<1xi32>
      %and3A_2287 = arith.constant 127 : i32
      %and3A_2288 = arith.andi %squeeze3A_2286, %and3A_2287 : i32
      %broadcast_in_dim3A_2289 = vector.broadcast %and3A_2288 : i32 to vector<16xi32>
      %broadcast_in_dim3A_2290 = vector.broadcast %add3A_2267 : i32 to vector<16xi32>
      %add3A_2291 = arith.constant 0 : i32
      %add3A_2292 = vector.broadcast %add3A_2291 : i32 to vector<16xi32>
      %add3A_2293 = arith.addi %iota3A, %add3A_2292 : vector<16xi32>
      %gather3A_2294 = arith.constant 10 : i32
      %gather3A_2295 = arith.constant 0 : i32
      %gather3A_2296 = arith.constant 0 : i32
      %gather3A_2297 = tpu.memref_slice %arg6[%gather3A_2294, %gather3A_2295, %gather3A_2296] : memref<11x64x128xf32, #tpu.memory_space<vmem>> -> memref<1x64x128xf32, #tpu.memory_space<vmem>>
      %gather3A_2298 = tpu.memref_squeeze %gather3A_2297 : memref<1x64x128xf32, #tpu.memory_space<vmem>> -> memref<64x128xf32, #tpu.memory_space<vmem>>
      %gather3A_2299 = tpu.vector_load_idx %gather3A_2298[%add3A_2293, %broadcast_in_dim3A_2289] : memref<64x128xf32, #tpu.memory_space<vmem>>[vector<16xi32>, vector<16xi32>], vector<16xf32>,
      tpu.vector_store_idx %arg7[%add3A_2293, %broadcast_in_dim3A_2290], %gather3A_2299 : memref<64x512xf32, #tpu.memory_space<vmem>>[vector<16xi32>, vector<16xi32>], vector<16xf32>,
      %add3A_2300 = arith.constant 16 : i32
      %add3A_2301 = vector.broadcast %add3A_2300 : i32 to vector<16xi32>
      %add3A_2302 = arith.addi %iota3A, %add3A_2301 : vector<16xi32>
      %gather3A_2303 = arith.constant 10 : i32
      %gather3A_2304 = arith.constant 0 : i32
      %gather3A_2305 = arith.constant 0 : i32
      %gather3A_2306 = tpu.memref_slice %arg6[%gather3A_2303, %gather3A_2304, %gather3A_2305] : memref<11x64x128xf32, #tpu.memory_space<vmem>> -> memref<1x64x128xf32, #tpu.memory_space<vmem>>
      %gather3A_2307 = tpu.memref_squeeze %gather3A_2306 : memref<1x64x128xf32, #tpu.memory_space<vmem>> -> memref<64x128xf32, #tpu.memory_space<vmem>>
      %gather3A_2308 = tpu.vector_load_idx %gather3A_2307[%add3A_2302, %broadcast_in_dim3A_2289] : memref<64x128xf32, #tpu.memory_space<vmem>>[vector<16xi32>, vector<16xi32>], vector<16xf32>,
      tpu.vector_store_idx %arg7[%add3A_2302, %broadcast_in_dim3A_2290], %gather3A_2308 : memref<64x512xf32, #tpu.memory_space<vmem>>[vector<16xi32>, vector<16xi32>], vector<16xf32>,
      %add3A_2309 = arith.constant 32 : i32
      %add3A_2310 = vector.broadcast %add3A_2309 : i32 to vector<16xi32>
      %add3A_2311 = arith.addi %iota3A, %add3A_2310 : vector<16xi32>
      %gather3A_2312 = arith.constant 10 : i32
      %gather3A_2313 = arith.constant 0 : i32
      %gather3A_2314 = arith.constant 0 : i32
      %gather3A_2315 = tpu.memref_slice %arg6[%gather3A_2312, %gather3A_2313, %gather3A_2314] : memref<11x64x128xf32, #tpu.memory_space<vmem>> -> memref<1x64x128xf32, #tpu.memory_space<vmem>>
      %gather3A_2316 = tpu.memref_squeeze %gather3A_2315 : memref<1x64x128xf32, #tpu.memory_space<vmem>> -> memref<64x128xf32, #tpu.memory_space<vmem>>
      %gather3A_2317 = tpu.vector_load_idx %gather3A_2316[%add3A_2311, %broadcast_in_dim3A_2289] : memref<64x128xf32, #tpu.memory_space<vmem>>[vector<16xi32>, vector<16xi32>], vector<16xf32>,
      tpu.vector_store_idx %arg7[%add3A_2311, %broadcast_in_dim3A_2290], %gather3A_2317 : memref<64x512xf32, #tpu.memory_space<vmem>>[vector<16xi32>, vector<16xi32>], vector<16xf32>,
      %add3A_2318 = arith.constant 48 : i32
      %add3A_2319 = vector.broadcast %add3A_2318 : i32 to vector<16xi32>
      %add3A_2320 = arith.addi %iota3A, %add3A_2319 : vector<16xi32>
      %gather3A_2321 = arith.constant 10 : i32
      %gather3A_2322 = arith.constant 0 : i32
      %gather3A_2323 = arith.constant 0 : i32
      %gather3A_2324 = tpu.memref_slice %arg6[%gather3A_2321, %gather3A_2322, %gather3A_2323] : memref<11x64x128xf32, #tpu.memory_space<vmem>> -> memref<1x64x128xf32, #tpu.memory_space<vmem>>
      %gather3A_2325 = tpu.memref_squeeze %gather3A_2324 : memref<1x64x128xf32, #tpu.memory_space<vmem>> -> memref<64x128xf32, #tpu.memory_space<vmem>>
      %gather3A_2326 = tpu.vector_load_idx %gather3A_2325[%add3A_2320, %broadcast_in_dim3A_2289] : memref<64x128xf32, #tpu.memory_space<vmem>>[vector<16xi32>, vector<16xi32>], vector<16xf32>,
      tpu.vector_store_idx %arg7[%add3A_2320, %broadcast_in_dim3A_2290], %gather3A_2326 : memref<64x512xf32, #tpu.memory_space<vmem>>[vector<16xi32>, vector<16xi32>], vector<16xf32>,
      %add3A_2327 = arith.constant 11 : i32
      %add3A_2328 = arith.addi %add3A_2267, %add3A_2327 : i32
      %get3A_2329 = arith.index_cast %add3A_2328 : i32 to index
      %get3A_2330 = tpu.vector_load %arg5[%get3A_2329] {strides = array<i32>} : memref<528xi32, #tpu.memory_space<vmem>>, vector<16xi32>,
      %slice3A_2331 = vector.extract_strided_slice %get3A_2330 {offsets = [0], sizes = [1], strides = [1]} : vector<16xi32> to vector<1xi32>
      %squeeze3A_2332 = vector.extract %slice3A_2331[0] : i32 from vector<1xi32>
      %shift_right_arithmetic3A_2333 = arith.constant 7 : i32
      %shift_right_arithmetic3A_2334 = arith.shrsi %squeeze3A_2332, %shift_right_arithmetic3A_2333 : i32
      %shift_left3A_2335 = arith.constant 7 : i32
      %shift_left3A_2336 = arith.shli %shift_right_arithmetic3A_2334, %shift_left3A_2335 : i32
      %multiple_of3A_2337 = tpu.assume_multiple %shift_left3A_2336, 128 : i32
      %dma_start3A_2338 = arith.constant 10 : i32
      %dma_start3A_2339 = arith.constant 0 : i32
      %dma_start3A_2340 = arith.constant 0 : i32
      %dma_start3A_2341 = tpu.memref_slice %arg6[%dma_start3A_2338, %dma_start3A_2339, %dma_start3A_2340] : memref<11x64x128xf32, #tpu.memory_space<vmem>> -> memref<1x64x128xf32, #tpu.memory_space<vmem>>
      %dma_start3A_2342 = tpu.memref_squeeze %dma_start3A_2341 : memref<1x64x128xf32, #tpu.memory_space<vmem>> -> memref<64x128xf32, #tpu.memory_space<vmem>>
      %dma_start3A_2343 = arith.constant 0 : i32
      %dma_start3A_2344 = tpu.memref_slice %arg2[%dma_start3A_2343, %multiple_of3A_2337] : memref<64x1000000xf32, #tpu.memory_space<hbm>> -> memref<64x128xf32, #tpu.memory_space<hbm>>
      %dma_start3A_2345 = arith.constant 0 : i32
      %dma_start3A_2346 = arith.constant 0 : i32
      %dma_start3A_2347 = tpu.memref_slice %arg6[%dma_start3A_2338, %dma_start3A_2345, %dma_start3A_2346] : memref<11x64x128xf32, #tpu.memory_space<vmem>> -> memref<1x64x128xf32, #tpu.memory_space<vmem>>
      %dma_start3A_2348 = tpu.memref_squeeze %dma_start3A_2347 : memref<1x64x128xf32, #tpu.memory_space<vmem>> -> memref<64x128xf32, #tpu.memory_space<vmem>>
      %dma_start3A_2349 = arith.constant 0 : i32
      %dma_start3A_2350 = tpu.memref_slice %arg2[%dma_start3A_2349, %multiple_of3A_2337] : memref<64x1000000xf32, #tpu.memory_space<hbm>> -> memref<64x128xf32, #tpu.memory_space<hbm>>
      tpu.enqueue_dma source(%dma_start3A_2350 : memref<64x128xf32, #tpu.memory_space<hbm>>) target(%dma_start3A_2348 : memref<64x128xf32, #tpu.memory_space<vmem>>) target_semaphore(%arg18 : memref<!tpu.dma_semaphore, #tpu.memory_space<semaphore_mem>>)
      %scan3A_2351 = arith.constant 0 : i32
      scf.yield %scan3A_2351 : i32
    }
    %scan3A_243 = arith.constant 45 : i32
    %dma_wait3A = arith.constant 0 : i32
    %dma_wait3A_244 = arith.constant 0 : i32
    %dma_wait3A_245 = arith.constant 0 : i32
    %dma_wait3A_246 = tpu.memref_slice %arg6[%dma_wait3A, %dma_wait3A_244, %dma_wait3A_245] : memref<11x64x128xf32, #tpu.memory_space<vmem>> -> memref<1x64x128xf32, #tpu.memory_space<vmem>>
    %dma_wait3A_247 = tpu.memref_squeeze %dma_wait3A_246 : memref<1x64x128xf32, #tpu.memory_space<vmem>> -> memref<64x128xf32, #tpu.memory_space<vmem>>
    %dma_wait3A_248 = arith.constant 0 : i32
    %dma_wait3A_249 = arith.constant 0 : i32
    %dma_wait3A_250 = tpu.memref_slice %arg2[%dma_wait3A_248, %dma_wait3A_249] : memref<64x1000000xf32, #tpu.memory_space<hbm>> -> memref<64x128xf32, #tpu.memory_space<hbm>>
    %dma_wait3A_251 = arith.constant 0 : i32
    %dma_wait3A_252 = arith.constant 0 : i32
    %dma_wait3A_253 = tpu.memref_slice %arg6[%dma_wait3A, %dma_wait3A_251, %dma_wait3A_252] : memref<11x64x128xf32, #tpu.memory_space<vmem>> -> memref<1x64x128xf32, #tpu.memory_space<vmem>>
    %dma_wait3A_254 = tpu.memref_squeeze %dma_wait3A_253 : memref<1x64x128xf32, #tpu.memory_space<vmem>> -> memref<64x128xf32, #tpu.memory_space<vmem>>
    %dma_wait3A_255 = arith.constant 0 : i32
    %dma_wait3A_256 = arith.constant 0 : i32
    %dma_wait3A_257 = tpu.memref_slice %arg2[%dma_wait3A_255, %dma_wait3A_256] : memref<64x1000000xf32, #tpu.memory_space<hbm>> -> memref<64x128xf32, #tpu.memory_space<hbm>>
    tpu.wait_dma2 semaphore(%arg8 : memref<!tpu.dma_semaphore, #tpu.memory_space<semaphore_mem>>) src(%dma_wait3A_257 : memref<64x128xf32, #tpu.memory_space<hbm>>) dst(%dma_wait3A_254 : memref<64x128xf32, #tpu.memory_space<vmem>>)
    %get3A_258 = arith.constant 495 : index
    %get3A_259 = tpu.vector_load %arg5[%get3A_258] {strides = array<i32>} : memref<528xi32, #tpu.memory_space<vmem>>, vector<16xi32>,
    %slice3A_260 = vector.extract_strided_slice %get3A_259 {offsets = [0], sizes = [1], strides = [1]} : vector<16xi32> to vector<1xi32>
    %squeeze3A_261 = vector.extract %slice3A_260[0] : i32 from vector<1xi32>
    %and3A = arith.constant 127 : i32
    %and3A_262 = arith.andi %squeeze3A_261, %and3A : i32
    %broadcast_in_dim3A = vector.broadcast %and3A_262 : i32 to vector<16xi32>
    %broadcast_in_dim3A_263 = arith.constant 495 : i32
    %broadcast_in_dim3A_264 = vector.broadcast %broadcast_in_dim3A_263 : i32 to vector<16xi32>
    %add3A_265 = arith.constant 0 : i32
    %add3A_266 = vector.broadcast %add3A_265 : i32 to vector<16xi32>
    %add3A_267 = arith.addi %iota3A, %add3A_266 : vector<16xi32>
    %gather3A = arith.constant 0 : i32
    %gather3A_268 = arith.constant 0 : i32
    %gather3A_269 = arith.constant 0 : i32
    %gather3A_270 = tpu.memref_slice %arg6[%gather3A, %gather3A_268, %gather3A_269] : memref<11x64x128xf32, #tpu.memory_space<vmem>> -> memref<1x64x128xf32, #tpu.memory_space<vmem>>
    %gather3A_271 = tpu.memref_squeeze %gather3A_270 : memref<1x64x128xf32, #tpu.memory_space<vmem>> -> memref<64x128xf32, #tpu.memory_space<vmem>>
    %gather3A_272 = tpu.vector_load_idx %gather3A_271[%add3A_267, %broadcast_in_dim3A] : memref<64x128xf32, #tpu.memory_space<vmem>>[vector<16xi32>, vector<16xi32>], vector<16xf32>,
    tpu.vector_store_idx %arg7[%add3A_267, %broadcast_in_dim3A_264], %gather3A_272 : memref<64x512xf32, #tpu.memory_space<vmem>>[vector<16xi32>, vector<16xi32>], vector<16xf32>,
    %add3A_273 = arith.constant 16 : i32
    %add3A_274 = vector.broadcast %add3A_273 : i32 to vector<16xi32>
    %add3A_275 = arith.addi %iota3A, %add3A_274 : vector<16xi32>
    %gather3A_276 = arith.constant 0 : i32
    %gather3A_277 = arith.constant 0 : i32
    %gather3A_278 = arith.constant 0 : i32
    %gather3A_279 = tpu.memref_slice %arg6[%gather3A_276, %gather3A_277, %gather3A_278] : memref<11x64x128xf32, #tpu.memory_space<vmem>> -> memref<1x64x128xf32, #tpu.memory_space<vmem>>
    %gather3A_280 = tpu.memref_squeeze %gather3A_279 : memref<1x64x128xf32, #tpu.memory_space<vmem>> -> memref<64x128xf32, #tpu.memory_space<vmem>>
    %gather3A_281 = tpu.vector_load_idx %gather3A_280[%add3A_275, %broadcast_in_dim3A] : memref<64x128xf32, #tpu.memory_space<vmem>>[vector<16xi32>, vector<16xi32>], vector<16xf32>,
    tpu.vector_store_idx %arg7[%add3A_275, %broadcast_in_dim3A_264], %gather3A_281 : memref<64x512xf32, #tpu.memory_space<vmem>>[vector<16xi32>, vector<16xi32>], vector<16xf32>,
    %add3A_282 = arith.constant 32 : i32
    %add3A_283 = vector.broadcast %add3A_282 : i32 to vector<16xi32>
    %add3A_284 = arith.addi %iota3A, %add3A_283 : vector<16xi32>
    %gather3A_285 = arith.constant 0 : i32
    %gather3A_286 = arith.constant 0 : i32
    %gather3A_287 = arith.constant 0 : i32
    %gather3A_288 = tpu.memref_slice %arg6[%gather3A_285, %gather3A_286, %gather3A_287] : memref<11x64x128xf32, #tpu.memory_space<vmem>> -> memref<1x64x128xf32, #tpu.memory_space<vmem>>
    %gather3A_289 = tpu.memref_squeeze %gather3A_288 : memref<1x64x128xf32, #tpu.memory_space<vmem>> -> memref<64x128xf32, #tpu.memory_space<vmem>>
    %gather3A_290 = tpu.vector_load_idx %gather3A_289[%add3A_284, %broadcast_in_dim3A] : memref<64x128xf32, #tpu.memory_space<vmem>>[vector<16xi32>, vector<16xi32>], vector<16xf32>,
    tpu.vector_store_idx %arg7[%add3A_284, %broadcast_in_dim3A_264], %gather3A_290 : memref<64x512xf32, #tpu.memory_space<vmem>>[vector<16xi32>, vector<16xi32>], vector<16xf32>,
    %add3A_291 = arith.constant 48 : i32
    %add3A_292 = vector.broadcast %add3A_291 : i32 to vector<16xi32>
    %add3A_293 = arith.addi %iota3A, %add3A_292 : vector<16xi32>
    %gather3A_294 = arith.constant 0 : i32
    %gather3A_295 = arith.constant 0 : i32
    %gather3A_296 = arith.constant 0 : i32
    %gather3A_297 = tpu.memref_slice %arg6[%gather3A_294, %gather3A_295, %gather3A_296] : memref<11x64x128xf32, #tpu.memory_space<vmem>> -> memref<1x64x128xf32, #tpu.memory_space<vmem>>
    %gather3A_298 = tpu.memref_squeeze %gather3A_297 : memref<1x64x128xf32, #tpu.memory_space<vmem>> -> memref<64x128xf32, #tpu.memory_space<vmem>>
    %gather3A_299 = tpu.vector_load_idx %gather3A_298[%add3A_293, %broadcast_in_dim3A] : memref<64x128xf32, #tpu.memory_space<vmem>>[vector<16xi32>, vector<16xi32>], vector<16xf32>,
    tpu.vector_store_idx %arg7[%add3A_293, %broadcast_in_dim3A_264], %gather3A_299 : memref<64x512xf32, #tpu.memory_space<vmem>>[vector<16xi32>, vector<16xi32>], vector<16xf32>,
    %get3A_300 = arith.constant 506 : index
    %get3A_301 = tpu.vector_load %arg5[%get3A_300] {strides = array<i32>} : memref<528xi32, #tpu.memory_space<vmem>>, vector<16xi32>,
    %slice3A_302 = vector.extract_strided_slice %get3A_301 {offsets = [0], sizes = [1], strides = [1]} : vector<16xi32> to vector<1xi32>
    %squeeze3A_303 = vector.extract %slice3A_302[0] : i32 from vector<1xi32>
    %shift_right_arithmetic3A_304 = arith.constant 7 : i32
    %shift_right_arithmetic3A_305 = arith.shrsi %squeeze3A_303, %shift_right_arithmetic3A_304 : i32
    %shift_left3A_306 = arith.constant 7 : i32
    %shift_left3A_307 = arith.shli %shift_right_arithmetic3A_305, %shift_left3A_306 : i32
    %multiple_of3A_308 = tpu.assume_multiple %shift_left3A_307, 128 : i32
    %dma_start3A_309 = arith.constant 0 : i32
    %dma_start3A_310 = arith.constant 0 : i32
    %dma_start3A_311 = arith.constant 0 : i32
    %dma_start3A_312 = tpu.memref_slice %arg6[%dma_start3A_309, %dma_start3A_310, %dma_start3A_311] : memref<11x64x128xf32, #tpu.memory_space<vmem>> -> memref<1x64x128xf32, #tpu.memory_space<vmem>>
    %dma_start3A_313 = tpu.memref_squeeze %dma_start3A_312 : memref<1x64x128xf32, #tpu.memory_space<vmem>> -> memref<64x128xf32, #tpu.memory_space<vmem>>
    %dma_start3A_314 = arith.constant 0 : i32
    %dma_start3A_315 = tpu.memref_slice %arg2[%dma_start3A_314, %multiple_of3A_308] : memref<64x1000000xf32, #tpu.memory_space<hbm>> -> memref<64x128xf32, #tpu.memory_space<hbm>>
    %dma_start3A_316 = arith.constant 0 : i32
    %dma_start3A_317 = arith.constant 0 : i32
    %dma_start3A_318 = tpu.memref_slice %arg6[%dma_start3A_309, %dma_start3A_316, %dma_start3A_317] : memref<11x64x128xf32, #tpu.memory_space<vmem>> -> memref<1x64x128xf32, #tpu.memory_space<vmem>>
    %dma_start3A_319 = tpu.memref_squeeze %dma_start3A_318 : memref<1x64x128xf32, #tpu.memory_space<vmem>> -> memref<64x128xf32, #tpu.memory_space<vmem>>
    %dma_start3A_320 = arith.constant 0 : i32
    %dma_start3A_321 = tpu.memref_slice %arg2[%dma_start3A_320, %multiple_of3A_308] : memref<64x1000000xf32, #tpu.memory_space<hbm>> -> memref<64x128xf32, #tpu.memory_space<hbm>>
    tpu.enqueue_dma source(%dma_start3A_321 : memref<64x128xf32, #tpu.memory_space<hbm>>) target(%dma_start3A_319 : memref<64x128xf32, #tpu.memory_space<vmem>>) target_semaphore(%arg8 : memref<!tpu.dma_semaphore, #tpu.memory_space<semaphore_mem>>)
    %dma_wait3A_322 = arith.constant 1 : i32
    %dma_wait3A_323 = arith.constant 0 : i32
    %dma_wait3A_324 = arith.constant 0 : i32
    %dma_wait3A_325 = tpu.memref_slice %arg6[%dma_wait3A_322, %dma_wait3A_323, %dma_wait3A_324] : memref<11x64x128xf32, #tpu.memory_space<vmem>> -> memref<1x64x128xf32, #tpu.memory_space<vmem>>
    %dma_wait3A_326 = tpu.memref_squeeze %dma_wait3A_325 : memref<1x64x128xf32, #tpu.memory_space<vmem>> -> memref<64x128xf32, #tpu.memory_space<vmem>>
    %dma_wait3A_327 = arith.constant 0 : i32
    %dma_wait3A_328 = arith.constant 0 : i32
    %dma_wait3A_329 = tpu.memref_slice %arg2[%dma_wait3A_327, %dma_wait3A_328] : memref<64x1000000xf32, #tpu.memory_space<hbm>> -> memref<64x128xf32, #tpu.memory_space<hbm>>
    %dma_wait3A_330 = arith.constant 0 : i32
    %dma_wait3A_331 = arith.constant 0 : i32
    %dma_wait3A_332 = tpu.memref_slice %arg6[%dma_wait3A_322, %dma_wait3A_330, %dma_wait3A_331] : memref<11x64x128xf32, #tpu.memory_space<vmem>> -> memref<1x64x128xf32, #tpu.memory_space<vmem>>
    %dma_wait3A_333 = tpu.memref_squeeze %dma_wait3A_332 : memref<1x64x128xf32, #tpu.memory_space<vmem>> -> memref<64x128xf32, #tpu.memory_space<vmem>>
    %dma_wait3A_334 = arith.constant 0 : i32
    %dma_wait3A_335 = arith.constant 0 : i32
    %dma_wait3A_336 = tpu.memref_slice %arg2[%dma_wait3A_334, %dma_wait3A_335] : memref<64x1000000xf32, #tpu.memory_space<hbm>> -> memref<64x128xf32, #tpu.memory_space<hbm>>
    tpu.wait_dma2 semaphore(%arg9 : memref<!tpu.dma_semaphore, #tpu.memory_space<semaphore_mem>>) src(%dma_wait3A_336 : memref<64x128xf32, #tpu.memory_space<hbm>>) dst(%dma_wait3A_333 : memref<64x128xf32, #tpu.memory_space<vmem>>)
    %get3A_337 = arith.constant 496 : index
    %get3A_338 = tpu.vector_load %arg5[%get3A_337] {strides = array<i32>} : memref<528xi32, #tpu.memory_space<vmem>>, vector<16xi32>,
    %slice3A_339 = vector.extract_strided_slice %get3A_338 {offsets = [0], sizes = [1], strides = [1]} : vector<16xi32> to vector<1xi32>
    %squeeze3A_340 = vector.extract %slice3A_339[0] : i32 from vector<1xi32>
    %and3A_341 = arith.constant 127 : i32
    %and3A_342 = arith.andi %squeeze3A_340, %and3A_341 : i32
    %broadcast_in_dim3A_343 = vector.broadcast %and3A_342 : i32 to vector<16xi32>
    %broadcast_in_dim3A_344 = arith.constant 496 : i32
    %broadcast_in_dim3A_345 = vector.broadcast %broadcast_in_dim3A_344 : i32 to vector<16xi32>
    %add3A_346 = arith.constant 0 : i32
    %add3A_347 = vector.broadcast %add3A_346 : i32 to vector<16xi32>
    %add3A_348 = arith.addi %iota3A, %add3A_347 : vector<16xi32>
    %gather3A_349 = arith.constant 1 : i32
    %gather3A_350 = arith.constant 0 : i32
    %gather3A_351 = arith.constant 0 : i32
    %gather3A_352 = tpu.memref_slice %arg6[%gather3A_349, %gather3A_350, %gather3A_351] : memref<11x64x128xf32, #tpu.memory_space<vmem>> -> memref<1x64x128xf32, #tpu.memory_space<vmem>>
    %gather3A_353 = tpu.memref_squeeze %gather3A_352 : memref<1x64x128xf32, #tpu.memory_space<vmem>> -> memref<64x128xf32, #tpu.memory_space<vmem>>
    %gather3A_354 = tpu.vector_load_idx %gather3A_353[%add3A_348, %broadcast_in_dim3A_343] : memref<64x128xf32, #tpu.memory_space<vmem>>[vector<16xi32>, vector<16xi32>], vector<16xf32>,
    tpu.vector_store_idx %arg7[%add3A_348, %broadcast_in_dim3A_345], %gather3A_354 : memref<64x512xf32, #tpu.memory_space<vmem>>[vector<16xi32>, vector<16xi32>], vector<16xf32>,
    %add3A_355 = arith.constant 16 : i32
    %add3A_356 = vector.broadcast %add3A_355 : i32 to vector<16xi32>
    %add3A_357 = arith.addi %iota3A, %add3A_356 : vector<16xi32>
    %gather3A_358 = arith.constant 1 : i32
    %gather3A_359 = arith.constant 0 : i32
    %gather3A_360 = arith.constant 0 : i32
    %gather3A_361 = tpu.memref_slice %arg6[%gather3A_358, %gather3A_359, %gather3A_360] : memref<11x64x128xf32, #tpu.memory_space<vmem>> -> memref<1x64x128xf32, #tpu.memory_space<vmem>>
    %gather3A_362 = tpu.memref_squeeze %gather3A_361 : memref<1x64x128xf32, #tpu.memory_space<vmem>> -> memref<64x128xf32, #tpu.memory_space<vmem>>
    %gather3A_363 = tpu.vector_load_idx %gather3A_362[%add3A_357, %broadcast_in_dim3A_343] : memref<64x128xf32, #tpu.memory_space<vmem>>[vector<16xi32>, vector<16xi32>], vector<16xf32>,
    tpu.vector_store_idx %arg7[%add3A_357, %broadcast_in_dim3A_345], %gather3A_363 : memref<64x512xf32, #tpu.memory_space<vmem>>[vector<16xi32>, vector<16xi32>], vector<16xf32>,
    %add3A_364 = arith.constant 32 : i32
    %add3A_365 = vector.broadcast %add3A_364 : i32 to vector<16xi32>
    %add3A_366 = arith.addi %iota3A, %add3A_365 : vector<16xi32>
    %gather3A_367 = arith.constant 1 : i32
    %gather3A_368 = arith.constant 0 : i32
    %gather3A_369 = arith.constant 0 : i32
    %gather3A_370 = tpu.memref_slice %arg6[%gather3A_367, %gather3A_368, %gather3A_369] : memref<11x64x128xf32, #tpu.memory_space<vmem>> -> memref<1x64x128xf32, #tpu.memory_space<vmem>>
    %gather3A_371 = tpu.memref_squeeze %gather3A_370 : memref<1x64x128xf32, #tpu.memory_space<vmem>> -> memref<64x128xf32, #tpu.memory_space<vmem>>
    %gather3A_372 = tpu.vector_load_idx %gather3A_371[%add3A_366, %broadcast_in_dim3A_343] : memref<64x128xf32, #tpu.memory_space<vmem>>[vector<16xi32>, vector<16xi32>], vector<16xf32>,
    tpu.vector_store_idx %arg7[%add3A_366, %broadcast_in_dim3A_345], %gather3A_372 : memref<64x512xf32, #tpu.memory_space<vmem>>[vector<16xi32>, vector<16xi32>], vector<16xf32>,
    %add3A_373 = arith.constant 48 : i32
    %add3A_374 = vector.broadcast %add3A_373 : i32 to vector<16xi32>
    %add3A_375 = arith.addi %iota3A, %add3A_374 : vector<16xi32>
    %gather3A_376 = arith.constant 1 : i32
    %gather3A_377 = arith.constant 0 : i32
    %gather3A_378 = arith.constant 0 : i32
    %gather3A_379 = tpu.memref_slice %arg6[%gather3A_376, %gather3A_377, %gather3A_378] : memref<11x64x128xf32, #tpu.memory_space<vmem>> -> memref<1x64x128xf32, #tpu.memory_space<vmem>>
    %gather3A_380 = tpu.memref_squeeze %gather3A_379 : memref<1x64x128xf32, #tpu.memory_space<vmem>> -> memref<64x128xf32, #tpu.memory_space<vmem>>
    %gather3A_381 = tpu.vector_load_idx %gather3A_380[%add3A_375, %broadcast_in_dim3A_343] : memref<64x128xf32, #tpu.memory_space<vmem>>[vector<16xi32>, vector<16xi32>], vector<16xf32>,
    tpu.vector_store_idx %arg7[%add3A_375, %broadcast_in_dim3A_345], %gather3A_381 : memref<64x512xf32, #tpu.memory_space<vmem>>[vector<16xi32>, vector<16xi32>], vector<16xf32>,
    %get3A_382 = arith.constant 507 : index
    %get3A_383 = tpu.vector_load %arg5[%get3A_382] {strides = array<i32>} : memref<528xi32, #tpu.memory_space<vmem>>, vector<16xi32>,
    %slice3A_384 = vector.extract_strided_slice %get3A_383 {offsets = [0], sizes = [1], strides = [1]} : vector<16xi32> to vector<1xi32>
    %squeeze3A_385 = vector.extract %slice3A_384[0] : i32 from vector<1xi32>
    %shift_right_arithmetic3A_386 = arith.constant 7 : i32
    %shift_right_arithmetic3A_387 = arith.shrsi %squeeze3A_385, %shift_right_arithmetic3A_386 : i32
    %shift_left3A_388 = arith.constant 7 : i32
    %shift_left3A_389 = arith.shli %shift_right_arithmetic3A_387, %shift_left3A_388 : i32
    %multiple_of3A_390 = tpu.assume_multiple %shift_left3A_389, 128 : i32
    %dma_start3A_391 = arith.constant 1 : i32
    %dma_start3A_392 = arith.constant 0 : i32
    %dma_start3A_393 = arith.constant 0 : i32
    %dma_start3A_394 = tpu.memref_slice %arg6[%dma_start3A_391, %dma_start3A_392, %dma_start3A_393] : memref<11x64x128xf32, #tpu.memory_space<vmem>> -> memref<1x64x128xf32, #tpu.memory_space<vmem>>
    %dma_start3A_395 = tpu.memref_squeeze %dma_start3A_394 : memref<1x64x128xf32, #tpu.memory_space<vmem>> -> memref<64x128xf32, #tpu.memory_space<vmem>>
    %dma_start3A_396 = arith.constant 0 : i32
    %dma_start3A_397 = tpu.memref_slice %arg2[%dma_start3A_396, %multiple_of3A_390] : memref<64x1000000xf32, #tpu.memory_space<hbm>> -> memref<64x128xf32, #tpu.memory_space<hbm>>
    %dma_start3A_398 = arith.constant 0 : i32
    %dma_start3A_399 = arith.constant 0 : i32
    %dma_start3A_400 = tpu.memref_slice %arg6[%dma_start3A_391, %dma_start3A_398, %dma_start3A_399] : memref<11x64x128xf32, #tpu.memory_space<vmem>> -> memref<1x64x128xf32, #tpu.memory_space<vmem>>
    %dma_start3A_401 = tpu.memref_squeeze %dma_start3A_400 : memref<1x64x128xf32, #tpu.memory_space<vmem>> -> memref<64x128xf32, #tpu.memory_space<vmem>>
    %dma_start3A_402 = arith.constant 0 : i32
    %dma_start3A_403 = tpu.memref_slice %arg2[%dma_start3A_402, %multiple_of3A_390] : memref<64x1000000xf32, #tpu.memory_space<hbm>> -> memref<64x128xf32, #tpu.memory_space<hbm>>
    tpu.enqueue_dma source(%dma_start3A_403 : memref<64x128xf32, #tpu.memory_space<hbm>>) target(%dma_start3A_401 : memref<64x128xf32, #tpu.memory_space<vmem>>) target_semaphore(%arg9 : memref<!tpu.dma_semaphore, #tpu.memory_space<semaphore_mem>>)
    %dma_wait3A_404 = arith.constant 2 : i32
    %dma_wait3A_405 = arith.constant 0 : i32
    %dma_wait3A_406 = arith.constant 0 : i32
    %dma_wait3A_407 = tpu.memref_slice %arg6[%dma_wait3A_404, %dma_wait3A_405, %dma_wait3A_406] : memref<11x64x128xf32, #tpu.memory_space<vmem>> -> memref<1x64x128xf32, #tpu.memory_space<vmem>>
    %dma_wait3A_408 = tpu.memref_squeeze %dma_wait3A_407 : memref<1x64x128xf32, #tpu.memory_space<vmem>> -> memref<64x128xf32, #tpu.memory_space<vmem>>
    %dma_wait3A_409 = arith.constant 0 : i32
    %dma_wait3A_410 = arith.constant 0 : i32
    %dma_wait3A_411 = tpu.memref_slice %arg2[%dma_wait3A_409, %dma_wait3A_410] : memref<64x1000000xf32, #tpu.memory_space<hbm>> -> memref<64x128xf32, #tpu.memory_space<hbm>>
    %dma_wait3A_412 = arith.constant 0 : i32
    %dma_wait3A_413 = arith.constant 0 : i32
    %dma_wait3A_414 = tpu.memref_slice %arg6[%dma_wait3A_404, %dma_wait3A_412, %dma_wait3A_413] : memref<11x64x128xf32, #tpu.memory_space<vmem>> -> memref<1x64x128xf32, #tpu.memory_space<vmem>>
    %dma_wait3A_415 = tpu.memref_squeeze %dma_wait3A_414 : memref<1x64x128xf32, #tpu.memory_space<vmem>> -> memref<64x128xf32, #tpu.memory_space<vmem>>
    %dma_wait3A_416 = arith.constant 0 : i32
    %dma_wait3A_417 = arith.constant 0 : i32
    %dma_wait3A_418 = tpu.memref_slice %arg2[%dma_wait3A_416, %dma_wait3A_417] : memref<64x1000000xf32, #tpu.memory_space<hbm>> -> memref<64x128xf32, #tpu.memory_space<hbm>>
    tpu.wait_dma2 semaphore(%arg10 : memref<!tpu.dma_semaphore, #tpu.memory_space<semaphore_mem>>) src(%dma_wait3A_418 : memref<64x128xf32, #tpu.memory_space<hbm>>) dst(%dma_wait3A_415 : memref<64x128xf32, #tpu.memory_space<vmem>>)
    %get3A_419 = arith.constant 497 : index
    %get3A_420 = tpu.vector_load %arg5[%get3A_419] {strides = array<i32>} : memref<528xi32, #tpu.memory_space<vmem>>, vector<16xi32>,
    %slice3A_421 = vector.extract_strided_slice %get3A_420 {offsets = [0], sizes = [1], strides = [1]} : vector<16xi32> to vector<1xi32>
    %squeeze3A_422 = vector.extract %slice3A_421[0] : i32 from vector<1xi32>
    %and3A_423 = arith.constant 127 : i32
    %and3A_424 = arith.andi %squeeze3A_422, %and3A_423 : i32
    %broadcast_in_dim3A_425 = vector.broadcast %and3A_424 : i32 to vector<16xi32>
    %broadcast_in_dim3A_426 = arith.constant 497 : i32
    %broadcast_in_dim3A_427 = vector.broadcast %broadcast_in_dim3A_426 : i32 to vector<16xi32>
    %add3A_428 = arith.constant 0 : i32
    %add3A_429 = vector.broadcast %add3A_428 : i32 to vector<16xi32>
    %add3A_430 = arith.addi %iota3A, %add3A_429 : vector<16xi32>
    %gather3A_431 = arith.constant 2 : i32
    %gather3A_432 = arith.constant 0 : i32
    %gather3A_433 = arith.constant 0 : i32
    %gather3A_434 = tpu.memref_slice %arg6[%gather3A_431, %gather3A_432, %gather3A_433] : memref<11x64x128xf32, #tpu.memory_space<vmem>> -> memref<1x64x128xf32, #tpu.memory_space<vmem>>
    %gather3A_435 = tpu.memref_squeeze %gather3A_434 : memref<1x64x128xf32, #tpu.memory_space<vmem>> -> memref<64x128xf32, #tpu.memory_space<vmem>>
    %gather3A_436 = tpu.vector_load_idx %gather3A_435[%add3A_430, %broadcast_in_dim3A_425] : memref<64x128xf32, #tpu.memory_space<vmem>>[vector<16xi32>, vector<16xi32>], vector<16xf32>,
    tpu.vector_store_idx %arg7[%add3A_430, %broadcast_in_dim3A_427], %gather3A_436 : memref<64x512xf32, #tpu.memory_space<vmem>>[vector<16xi32>, vector<16xi32>], vector<16xf32>,
    %add3A_437 = arith.constant 16 : i32
    %add3A_438 = vector.broadcast %add3A_437 : i32 to vector<16xi32>
    %add3A_439 = arith.addi %iota3A, %add3A_438 : vector<16xi32>
    %gather3A_440 = arith.constant 2 : i32
    %gather3A_441 = arith.constant 0 : i32
    %gather3A_442 = arith.constant 0 : i32
    %gather3A_443 = tpu.memref_slice %arg6[%gather3A_440, %gather3A_441, %gather3A_442] : memref<11x64x128xf32, #tpu.memory_space<vmem>> -> memref<1x64x128xf32, #tpu.memory_space<vmem>>
    %gather3A_444 = tpu.memref_squeeze %gather3A_443 : memref<1x64x128xf32, #tpu.memory_space<vmem>> -> memref<64x128xf32, #tpu.memory_space<vmem>>
    %gather3A_445 = tpu.vector_load_idx %gather3A_444[%add3A_439, %broadcast_in_dim3A_425] : memref<64x128xf32, #tpu.memory_space<vmem>>[vector<16xi32>, vector<16xi32>], vector<16xf32>,
    tpu.vector_store_idx %arg7[%add3A_439, %broadcast_in_dim3A_427], %gather3A_445 : memref<64x512xf32, #tpu.memory_space<vmem>>[vector<16xi32>, vector<16xi32>], vector<16xf32>,
    %add3A_446 = arith.constant 32 : i32
    %add3A_447 = vector.broadcast %add3A_446 : i32 to vector<16xi32>
    %add3A_448 = arith.addi %iota3A, %add3A_447 : vector<16xi32>
    %gather3A_449 = arith.constant 2 : i32
    %gather3A_450 = arith.constant 0 : i32
    %gather3A_451 = arith.constant 0 : i32
    %gather3A_452 = tpu.memref_slice %arg6[%gather3A_449, %gather3A_450, %gather3A_451] : memref<11x64x128xf32, #tpu.memory_space<vmem>> -> memref<1x64x128xf32, #tpu.memory_space<vmem>>
    %gather3A_453 = tpu.memref_squeeze %gather3A_452 : memref<1x64x128xf32, #tpu.memory_space<vmem>> -> memref<64x128xf32, #tpu.memory_space<vmem>>
    %gather3A_454 = tpu.vector_load_idx %gather3A_453[%add3A_448, %broadcast_in_dim3A_425] : memref<64x128xf32, #tpu.memory_space<vmem>>[vector<16xi32>, vector<16xi32>], vector<16xf32>,
    tpu.vector_store_idx %arg7[%add3A_448, %broadcast_in_dim3A_427], %gather3A_454 : memref<64x512xf32, #tpu.memory_space<vmem>>[vector<16xi32>, vector<16xi32>], vector<16xf32>,
    %add3A_455 = arith.constant 48 : i32
    %add3A_456 = vector.broadcast %add3A_455 : i32 to vector<16xi32>
    %add3A_457 = arith.addi %iota3A, %add3A_456 : vector<16xi32>
    %gather3A_458 = arith.constant 2 : i32
    %gather3A_459 = arith.constant 0 : i32
    %gather3A_460 = arith.constant 0 : i32
    %gather3A_461 = tpu.memref_slice %arg6[%gather3A_458, %gather3A_459, %gather3A_460] : memref<11x64x128xf32, #tpu.memory_space<vmem>> -> memref<1x64x128xf32, #tpu.memory_space<vmem>>
    %gather3A_462 = tpu.memref_squeeze %gather3A_461 : memref<1x64x128xf32, #tpu.memory_space<vmem>> -> memref<64x128xf32, #tpu.memory_space<vmem>>
    %gather3A_463 = tpu.vector_load_idx %gather3A_462[%add3A_457, %broadcast_in_dim3A_425] : memref<64x128xf32, #tpu.memory_space<vmem>>[vector<16xi32>, vector<16xi32>], vector<16xf32>,
    tpu.vector_store_idx %arg7[%add3A_457, %broadcast_in_dim3A_427], %gather3A_463 : memref<64x512xf32, #tpu.memory_space<vmem>>[vector<16xi32>, vector<16xi32>], vector<16xf32>,
    %get3A_464 = arith.constant 508 : index
    %get3A_465 = tpu.vector_load %arg5[%get3A_464] {strides = array<i32>} : memref<528xi32, #tpu.memory_space<vmem>>, vector<16xi32>,
    %slice3A_466 = vector.extract_strided_slice %get3A_465 {offsets = [0], sizes = [1], strides = [1]} : vector<16xi32> to vector<1xi32>
    %squeeze3A_467 = vector.extract %slice3A_466[0] : i32 from vector<1xi32>
    %shift_right_arithmetic3A_468 = arith.constant 7 : i32
    %shift_right_arithmetic3A_469 = arith.shrsi %squeeze3A_467, %shift_right_arithmetic3A_468 : i32
    %shift_left3A_470 = arith.constant 7 : i32
    %shift_left3A_471 = arith.shli %shift_right_arithmetic3A_469, %shift_left3A_470 : i32
    %multiple_of3A_472 = tpu.assume_multiple %shift_left3A_471, 128 : i32
    %dma_start3A_473 = arith.constant 2 : i32
    %dma_start3A_474 = arith.constant 0 : i32
    %dma_start3A_475 = arith.constant 0 : i32
    %dma_start3A_476 = tpu.memref_slice %arg6[%dma_start3A_473, %dma_start3A_474, %dma_start3A_475] : memref<11x64x128xf32, #tpu.memory_space<vmem>> -> memref<1x64x128xf32, #tpu.memory_space<vmem>>
    %dma_start3A_477 = tpu.memref_squeeze %dma_start3A_476 : memref<1x64x128xf32, #tpu.memory_space<vmem>> -> memref<64x128xf32, #tpu.memory_space<vmem>>
    %dma_start3A_478 = arith.constant 0 : i32
    %dma_start3A_479 = tpu.memref_slice %arg2[%dma_start3A_478, %multiple_of3A_472] : memref<64x1000000xf32, #tpu.memory_space<hbm>> -> memref<64x128xf32, #tpu.memory_space<hbm>>
    %dma_start3A_480 = arith.constant 0 : i32
    %dma_start3A_481 = arith.constant 0 : i32
    %dma_start3A_482 = tpu.memref_slice %arg6[%dma_start3A_473, %dma_start3A_480, %dma_start3A_481] : memref<11x64x128xf32, #tpu.memory_space<vmem>> -> memref<1x64x128xf32, #tpu.memory_space<vmem>>
    %dma_start3A_483 = tpu.memref_squeeze %dma_start3A_482 : memref<1x64x128xf32, #tpu.memory_space<vmem>> -> memref<64x128xf32, #tpu.memory_space<vmem>>
    %dma_start3A_484 = arith.constant 0 : i32
    %dma_start3A_485 = tpu.memref_slice %arg2[%dma_start3A_484, %multiple_of3A_472] : memref<64x1000000xf32, #tpu.memory_space<hbm>> -> memref<64x128xf32, #tpu.memory_space<hbm>>
    tpu.enqueue_dma source(%dma_start3A_485 : memref<64x128xf32, #tpu.memory_space<hbm>>) target(%dma_start3A_483 : memref<64x128xf32, #tpu.memory_space<vmem>>) target_semaphore(%arg10 : memref<!tpu.dma_semaphore, #tpu.memory_space<semaphore_mem>>)
    %dma_wait3A_486 = arith.constant 3 : i32
    %dma_wait3A_487 = arith.constant 0 : i32
    %dma_wait3A_488 = arith.constant 0 : i32
    %dma_wait3A_489 = tpu.memref_slice %arg6[%dma_wait3A_486, %dma_wait3A_487, %dma_wait3A_488] : memref<11x64x128xf32, #tpu.memory_space<vmem>> -> memref<1x64x128xf32, #tpu.memory_space<vmem>>
    %dma_wait3A_490 = tpu.memref_squeeze %dma_wait3A_489 : memref<1x64x128xf32, #tpu.memory_space<vmem>> -> memref<64x128xf32, #tpu.memory_space<vmem>>
    %dma_wait3A_491 = arith.constant 0 : i32
    %dma_wait3A_492 = arith.constant 0 : i32
    %dma_wait3A_493 = tpu.memref_slice %arg2[%dma_wait3A_491, %dma_wait3A_492] : memref<64x1000000xf32, #tpu.memory_space<hbm>> -> memref<64x128xf32, #tpu.memory_space<hbm>>
    %dma_wait3A_494 = arith.constant 0 : i32
    %dma_wait3A_495 = arith.constant 0 : i32
    %dma_wait3A_496 = tpu.memref_slice %arg6[%dma_wait3A_486, %dma_wait3A_494, %dma_wait3A_495] : memref<11x64x128xf32, #tpu.memory_space<vmem>> -> memref<1x64x128xf32, #tpu.memory_space<vmem>>
    %dma_wait3A_497 = tpu.memref_squeeze %dma_wait3A_496 : memref<1x64x128xf32, #tpu.memory_space<vmem>> -> memref<64x128xf32, #tpu.memory_space<vmem>>
    %dma_wait3A_498 = arith.constant 0 : i32
    %dma_wait3A_499 = arith.constant 0 : i32
    %dma_wait3A_500 = tpu.memref_slice %arg2[%dma_wait3A_498, %dma_wait3A_499] : memref<64x1000000xf32, #tpu.memory_space<hbm>> -> memref<64x128xf32, #tpu.memory_space<hbm>>
    tpu.wait_dma2 semaphore(%arg11 : memref<!tpu.dma_semaphore, #tpu.memory_space<semaphore_mem>>) src(%dma_wait3A_500 : memref<64x128xf32, #tpu.memory_space<hbm>>) dst(%dma_wait3A_497 : memref<64x128xf32, #tpu.memory_space<vmem>>)
    %get3A_501 = arith.constant 498 : index
    %get3A_502 = tpu.vector_load %arg5[%get3A_501] {strides = array<i32>} : memref<528xi32, #tpu.memory_space<vmem>>, vector<16xi32>,
    %slice3A_503 = vector.extract_strided_slice %get3A_502 {offsets = [0], sizes = [1], strides = [1]} : vector<16xi32> to vector<1xi32>
    %squeeze3A_504 = vector.extract %slice3A_503[0] : i32 from vector<1xi32>
    %and3A_505 = arith.constant 127 : i32
    %and3A_506 = arith.andi %squeeze3A_504, %and3A_505 : i32
    %broadcast_in_dim3A_507 = vector.broadcast %and3A_506 : i32 to vector<16xi32>
    %broadcast_in_dim3A_508 = arith.constant 498 : i32
    %broadcast_in_dim3A_509 = vector.broadcast %broadcast_in_dim3A_508 : i32 to vector<16xi32>
    %add3A_510 = arith.constant 0 : i32
    %add3A_511 = vector.broadcast %add3A_510 : i32 to vector<16xi32>
    %add3A_512 = arith.addi %iota3A, %add3A_511 : vector<16xi32>
    %gather3A_513 = arith.constant 3 : i32
    %gather3A_514 = arith.constant 0 : i32
    %gather3A_515 = arith.constant 0 : i32
    %gather3A_516 = tpu.memref_slice %arg6[%gather3A_513, %gather3A_514, %gather3A_515] : memref<11x64x128xf32, #tpu.memory_space<vmem>> -> memref<1x64x128xf32, #tpu.memory_space<vmem>>
    %gather3A_517 = tpu.memref_squeeze %gather3A_516 : memref<1x64x128xf32, #tpu.memory_space<vmem>> -> memref<64x128xf32, #tpu.memory_space<vmem>>
    %gather3A_518 = tpu.vector_load_idx %gather3A_517[%add3A_512, %broadcast_in_dim3A_507] : memref<64x128xf32, #tpu.memory_space<vmem>>[vector<16xi32>, vector<16xi32>], vector<16xf32>,
    tpu.vector_store_idx %arg7[%add3A_512, %broadcast_in_dim3A_509], %gather3A_518 : memref<64x512xf32, #tpu.memory_space<vmem>>[vector<16xi32>, vector<16xi32>], vector<16xf32>,
    %add3A_519 = arith.constant 16 : i32
    %add3A_520 = vector.broadcast %add3A_519 : i32 to vector<16xi32>
    %add3A_521 = arith.addi %iota3A, %add3A_520 : vector<16xi32>
    %gather3A_522 = arith.constant 3 : i32
    %gather3A_523 = arith.constant 0 : i32
    %gather3A_524 = arith.constant 0 : i32
    %gather3A_525 = tpu.memref_slice %arg6[%gather3A_522, %gather3A_523, %gather3A_524] : memref<11x64x128xf32, #tpu.memory_space<vmem>> -> memref<1x64x128xf32, #tpu.memory_space<vmem>>
    %gather3A_526 = tpu.memref_squeeze %gather3A_525 : memref<1x64x128xf32, #tpu.memory_space<vmem>> -> memref<64x128xf32, #tpu.memory_space<vmem>>
    %gather3A_527 = tpu.vector_load_idx %gather3A_526[%add3A_521, %broadcast_in_dim3A_507] : memref<64x128xf32, #tpu.memory_space<vmem>>[vector<16xi32>, vector<16xi32>], vector<16xf32>,
    tpu.vector_store_idx %arg7[%add3A_521, %broadcast_in_dim3A_509], %gather3A_527 : memref<64x512xf32, #tpu.memory_space<vmem>>[vector<16xi32>, vector<16xi32>], vector<16xf32>,
    %add3A_528 = arith.constant 32 : i32
    %add3A_529 = vector.broadcast %add3A_528 : i32 to vector<16xi32>
    %add3A_530 = arith.addi %iota3A, %add3A_529 : vector<16xi32>
    %gather3A_531 = arith.constant 3 : i32
    %gather3A_532 = arith.constant 0 : i32
    %gather3A_533 = arith.constant 0 : i32
    %gather3A_534 = tpu.memref_slice %arg6[%gather3A_531, %gather3A_532, %gather3A_533] : memref<11x64x128xf32, #tpu.memory_space<vmem>> -> memref<1x64x128xf32, #tpu.memory_space<vmem>>
    %gather3A_535 = tpu.memref_squeeze %gather3A_534 : memref<1x64x128xf32, #tpu.memory_space<vmem>> -> memref<64x128xf32, #tpu.memory_space<vmem>>
    %gather3A_536 = tpu.vector_load_idx %gather3A_535[%add3A_530, %broadcast_in_dim3A_507] : memref<64x128xf32, #tpu.memory_space<vmem>>[vector<16xi32>, vector<16xi32>], vector<16xf32>,
    tpu.vector_store_idx %arg7[%add3A_530, %broadcast_in_dim3A_509], %gather3A_536 : memref<64x512xf32, #tpu.memory_space<vmem>>[vector<16xi32>, vector<16xi32>], vector<16xf32>,
    %add3A_537 = arith.constant 48 : i32
    %add3A_538 = vector.broadcast %add3A_537 : i32 to vector<16xi32>
    %add3A_539 = arith.addi %iota3A, %add3A_538 : vector<16xi32>
    %gather3A_540 = arith.constant 3 : i32
    %gather3A_541 = arith.constant 0 : i32
    %gather3A_542 = arith.constant 0 : i32
    %gather3A_543 = tpu.memref_slice %arg6[%gather3A_540, %gather3A_541, %gather3A_542] : memref<11x64x128xf32, #tpu.memory_space<vmem>> -> memref<1x64x128xf32, #tpu.memory_space<vmem>>
    %gather3A_544 = tpu.memref_squeeze %gather3A_543 : memref<1x64x128xf32, #tpu.memory_space<vmem>> -> memref<64x128xf32, #tpu.memory_space<vmem>>
    %gather3A_545 = tpu.vector_load_idx %gather3A_544[%add3A_539, %broadcast_in_dim3A_507] : memref<64x128xf32, #tpu.memory_space<vmem>>[vector<16xi32>, vector<16xi32>], vector<16xf32>,
    tpu.vector_store_idx %arg7[%add3A_539, %broadcast_in_dim3A_509], %gather3A_545 : memref<64x512xf32, #tpu.memory_space<vmem>>[vector<16xi32>, vector<16xi32>], vector<16xf32>,
    %get3A_546 = arith.constant 509 : index
    %get3A_547 = tpu.vector_load %arg5[%get3A_546] {strides = array<i32>} : memref<528xi32, #tpu.memory_space<vmem>>, vector<16xi32>,
    %slice3A_548 = vector.extract_strided_slice %get3A_547 {offsets = [0], sizes = [1], strides = [1]} : vector<16xi32> to vector<1xi32>
    %squeeze3A_549 = vector.extract %slice3A_548[0] : i32 from vector<1xi32>
    %shift_right_arithmetic3A_550 = arith.constant 7 : i32
    %shift_right_arithmetic3A_551 = arith.shrsi %squeeze3A_549, %shift_right_arithmetic3A_550 : i32
    %shift_left3A_552 = arith.constant 7 : i32
    %shift_left3A_553 = arith.shli %shift_right_arithmetic3A_551, %shift_left3A_552 : i32
    %multiple_of3A_554 = tpu.assume_multiple %shift_left3A_553, 128 : i32
    %dma_start3A_555 = arith.constant 3 : i32
    %dma_start3A_556 = arith.constant 0 : i32
    %dma_start3A_557 = arith.constant 0 : i32
    %dma_start3A_558 = tpu.memref_slice %arg6[%dma_start3A_555, %dma_start3A_556, %dma_start3A_557] : memref<11x64x128xf32, #tpu.memory_space<vmem>> -> memref<1x64x128xf32, #tpu.memory_space<vmem>>
    %dma_start3A_559 = tpu.memref_squeeze %dma_start3A_558 : memref<1x64x128xf32, #tpu.memory_space<vmem>> -> memref<64x128xf32, #tpu.memory_space<vmem>>
    %dma_start3A_560 = arith.constant 0 : i32
    %dma_start3A_561 = tpu.memref_slice %arg2[%dma_start3A_560, %multiple_of3A_554] : memref<64x1000000xf32, #tpu.memory_space<hbm>> -> memref<64x128xf32, #tpu.memory_space<hbm>>
    %dma_start3A_562 = arith.constant 0 : i32
    %dma_start3A_563 = arith.constant 0 : i32
    %dma_start3A_564 = tpu.memref_slice %arg6[%dma_start3A_555, %dma_start3A_562, %dma_start3A_563] : memref<11x64x128xf32, #tpu.memory_space<vmem>> -> memref<1x64x128xf32, #tpu.memory_space<vmem>>
    %dma_start3A_565 = tpu.memref_squeeze %dma_start3A_564 : memref<1x64x128xf32, #tpu.memory_space<vmem>> -> memref<64x128xf32, #tpu.memory_space<vmem>>
    %dma_start3A_566 = arith.constant 0 : i32
    %dma_start3A_567 = tpu.memref_slice %arg2[%dma_start3A_566, %multiple_of3A_554] : memref<64x1000000xf32, #tpu.memory_space<hbm>> -> memref<64x128xf32, #tpu.memory_space<hbm>>
    tpu.enqueue_dma source(%dma_start3A_567 : memref<64x128xf32, #tpu.memory_space<hbm>>) target(%dma_start3A_565 : memref<64x128xf32, #tpu.memory_space<vmem>>) target_semaphore(%arg11 : memref<!tpu.dma_semaphore, #tpu.memory_space<semaphore_mem>>)
    %dma_wait3A_568 = arith.constant 4 : i32
    %dma_wait3A_569 = arith.constant 0 : i32
    %dma_wait3A_570 = arith.constant 0 : i32
    %dma_wait3A_571 = tpu.memref_slice %arg6[%dma_wait3A_568, %dma_wait3A_569, %dma_wait3A_570] : memref<11x64x128xf32, #tpu.memory_space<vmem>> -> memref<1x64x128xf32, #tpu.memory_space<vmem>>
    %dma_wait3A_572 = tpu.memref_squeeze %dma_wait3A_571 : memref<1x64x128xf32, #tpu.memory_space<vmem>> -> memref<64x128xf32, #tpu.memory_space<vmem>>
    %dma_wait3A_573 = arith.constant 0 : i32
    %dma_wait3A_574 = arith.constant 0 : i32
    %dma_wait3A_575 = tpu.memref_slice %arg2[%dma_wait3A_573, %dma_wait3A_574] : memref<64x1000000xf32, #tpu.memory_space<hbm>> -> memref<64x128xf32, #tpu.memory_space<hbm>>
    %dma_wait3A_576 = arith.constant 0 : i32
    %dma_wait3A_577 = arith.constant 0 : i32
    %dma_wait3A_578 = tpu.memref_slice %arg6[%dma_wait3A_568, %dma_wait3A_576, %dma_wait3A_577] : memref<11x64x128xf32, #tpu.memory_space<vmem>> -> memref<1x64x128xf32, #tpu.memory_space<vmem>>
    %dma_wait3A_579 = tpu.memref_squeeze %dma_wait3A_578 : memref<1x64x128xf32, #tpu.memory_space<vmem>> -> memref<64x128xf32, #tpu.memory_space<vmem>>
    %dma_wait3A_580 = arith.constant 0 : i32
    %dma_wait3A_581 = arith.constant 0 : i32
    %dma_wait3A_582 = tpu.memref_slice %arg2[%dma_wait3A_580, %dma_wait3A_581] : memref<64x1000000xf32, #tpu.memory_space<hbm>> -> memref<64x128xf32, #tpu.memory_space<hbm>>
    tpu.wait_dma2 semaphore(%arg12 : memref<!tpu.dma_semaphore, #tpu.memory_space<semaphore_mem>>) src(%dma_wait3A_582 : memref<64x128xf32, #tpu.memory_space<hbm>>) dst(%dma_wait3A_579 : memref<64x128xf32, #tpu.memory_space<vmem>>)
    %get3A_583 = arith.constant 499 : index
    %get3A_584 = tpu.vector_load %arg5[%get3A_583] {strides = array<i32>} : memref<528xi32, #tpu.memory_space<vmem>>, vector<16xi32>,
    %slice3A_585 = vector.extract_strided_slice %get3A_584 {offsets = [0], sizes = [1], strides = [1]} : vector<16xi32> to vector<1xi32>
    %squeeze3A_586 = vector.extract %slice3A_585[0] : i32 from vector<1xi32>
    %and3A_587 = arith.constant 127 : i32
    %and3A_588 = arith.andi %squeeze3A_586, %and3A_587 : i32
    %broadcast_in_dim3A_589 = vector.broadcast %and3A_588 : i32 to vector<16xi32>
    %broadcast_in_dim3A_590 = arith.constant 499 : i32
    %broadcast_in_dim3A_591 = vector.broadcast %broadcast_in_dim3A_590 : i32 to vector<16xi32>
    %add3A_592 = arith.constant 0 : i32
    %add3A_593 = vector.broadcast %add3A_592 : i32 to vector<16xi32>
    %add3A_594 = arith.addi %iota3A, %add3A_593 : vector<16xi32>
    %gather3A_595 = arith.constant 4 : i32
    %gather3A_596 = arith.constant 0 : i32
    %gather3A_597 = arith.constant 0 : i32
    %gather3A_598 = tpu.memref_slice %arg6[%gather3A_595, %gather3A_596, %gather3A_597] : memref<11x64x128xf32, #tpu.memory_space<vmem>> -> memref<1x64x128xf32, #tpu.memory_space<vmem>>
    %gather3A_599 = tpu.memref_squeeze %gather3A_598 : memref<1x64x128xf32, #tpu.memory_space<vmem>> -> memref<64x128xf32, #tpu.memory_space<vmem>>
    %gather3A_600 = tpu.vector_load_idx %gather3A_599[%add3A_594, %broadcast_in_dim3A_589] : memref<64x128xf32, #tpu.memory_space<vmem>>[vector<16xi32>, vector<16xi32>], vector<16xf32>,
    tpu.vector_store_idx %arg7[%add3A_594, %broadcast_in_dim3A_591], %gather3A_600 : memref<64x512xf32, #tpu.memory_space<vmem>>[vector<16xi32>, vector<16xi32>], vector<16xf32>,
    %add3A_601 = arith.constant 16 : i32
    %add3A_602 = vector.broadcast %add3A_601 : i32 to vector<16xi32>
    %add3A_603 = arith.addi %iota3A, %add3A_602 : vector<16xi32>
    %gather3A_604 = arith.constant 4 : i32
    %gather3A_605 = arith.constant 0 : i32
    %gather3A_606 = arith.constant 0 : i32
    %gather3A_607 = tpu.memref_slice %arg6[%gather3A_604, %gather3A_605, %gather3A_606] : memref<11x64x128xf32, #tpu.memory_space<vmem>> -> memref<1x64x128xf32, #tpu.memory_space<vmem>>
    %gather3A_608 = tpu.memref_squeeze %gather3A_607 : memref<1x64x128xf32, #tpu.memory_space<vmem>> -> memref<64x128xf32, #tpu.memory_space<vmem>>
    %gather3A_609 = tpu.vector_load_idx %gather3A_608[%add3A_603, %broadcast_in_dim3A_589] : memref<64x128xf32, #tpu.memory_space<vmem>>[vector<16xi32>, vector<16xi32>], vector<16xf32>,
    tpu.vector_store_idx %arg7[%add3A_603, %broadcast_in_dim3A_591], %gather3A_609 : memref<64x512xf32, #tpu.memory_space<vmem>>[vector<16xi32>, vector<16xi32>], vector<16xf32>,
    %add3A_610 = arith.constant 32 : i32
    %add3A_611 = vector.broadcast %add3A_610 : i32 to vector<16xi32>
    %add3A_612 = arith.addi %iota3A, %add3A_611 : vector<16xi32>
    %gather3A_613 = arith.constant 4 : i32
    %gather3A_614 = arith.constant 0 : i32
    %gather3A_615 = arith.constant 0 : i32
    %gather3A_616 = tpu.memref_slice %arg6[%gather3A_613, %gather3A_614, %gather3A_615] : memref<11x64x128xf32, #tpu.memory_space<vmem>> -> memref<1x64x128xf32, #tpu.memory_space<vmem>>
    %gather3A_617 = tpu.memref_squeeze %gather3A_616 : memref<1x64x128xf32, #tpu.memory_space<vmem>> -> memref<64x128xf32, #tpu.memory_space<vmem>>
    %gather3A_618 = tpu.vector_load_idx %gather3A_617[%add3A_612, %broadcast_in_dim3A_589] : memref<64x128xf32, #tpu.memory_space<vmem>>[vector<16xi32>, vector<16xi32>], vector<16xf32>,
    tpu.vector_store_idx %arg7[%add3A_612, %broadcast_in_dim3A_591], %gather3A_618 : memref<64x512xf32, #tpu.memory_space<vmem>>[vector<16xi32>, vector<16xi32>], vector<16xf32>,
    %add3A_619 = arith.constant 48 : i32
    %add3A_620 = vector.broadcast %add3A_619 : i32 to vector<16xi32>
    %add3A_621 = arith.addi %iota3A, %add3A_620 : vector<16xi32>
    %gather3A_622 = arith.constant 4 : i32
    %gather3A_623 = arith.constant 0 : i32
    %gather3A_624 = arith.constant 0 : i32
    %gather3A_625 = tpu.memref_slice %arg6[%gather3A_622, %gather3A_623, %gather3A_624] : memref<11x64x128xf32, #tpu.memory_space<vmem>> -> memref<1x64x128xf32, #tpu.memory_space<vmem>>
    %gather3A_626 = tpu.memref_squeeze %gather3A_625 : memref<1x64x128xf32, #tpu.memory_space<vmem>> -> memref<64x128xf32, #tpu.memory_space<vmem>>
    %gather3A_627 = tpu.vector_load_idx %gather3A_626[%add3A_621, %broadcast_in_dim3A_589] : memref<64x128xf32, #tpu.memory_space<vmem>>[vector<16xi32>, vector<16xi32>], vector<16xf32>,
    tpu.vector_store_idx %arg7[%add3A_621, %broadcast_in_dim3A_591], %gather3A_627 : memref<64x512xf32, #tpu.memory_space<vmem>>[vector<16xi32>, vector<16xi32>], vector<16xf32>,
    %get3A_628 = arith.constant 510 : index
    %get3A_629 = tpu.vector_load %arg5[%get3A_628] {strides = array<i32>} : memref<528xi32, #tpu.memory_space<vmem>>, vector<16xi32>,
    %slice3A_630 = vector.extract_strided_slice %get3A_629 {offsets = [0], sizes = [1], strides = [1]} : vector<16xi32> to vector<1xi32>
    %squeeze3A_631 = vector.extract %slice3A_630[0] : i32 from vector<1xi32>
    %shift_right_arithmetic3A_632 = arith.constant 7 : i32
    %shift_right_arithmetic3A_633 = arith.shrsi %squeeze3A_631, %shift_right_arithmetic3A_632 : i32
    %shift_left3A_634 = arith.constant 7 : i32
    %shift_left3A_635 = arith.shli %shift_right_arithmetic3A_633, %shift_left3A_634 : i32
    %multiple_of3A_636 = tpu.assume_multiple %shift_left3A_635, 128 : i32
    %dma_start3A_637 = arith.constant 4 : i32
    %dma_start3A_638 = arith.constant 0 : i32
    %dma_start3A_639 = arith.constant 0 : i32
    %dma_start3A_640 = tpu.memref_slice %arg6[%dma_start3A_637, %dma_start3A_638, %dma_start3A_639] : memref<11x64x128xf32, #tpu.memory_space<vmem>> -> memref<1x64x128xf32, #tpu.memory_space<vmem>>
    %dma_start3A_641 = tpu.memref_squeeze %dma_start3A_640 : memref<1x64x128xf32, #tpu.memory_space<vmem>> -> memref<64x128xf32, #tpu.memory_space<vmem>>
    %dma_start3A_642 = arith.constant 0 : i32
    %dma_start3A_643 = tpu.memref_slice %arg2[%dma_start3A_642, %multiple_of3A_636] : memref<64x1000000xf32, #tpu.memory_space<hbm>> -> memref<64x128xf32, #tpu.memory_space<hbm>>
    %dma_start3A_644 = arith.constant 0 : i32
    %dma_start3A_645 = arith.constant 0 : i32
    %dma_start3A_646 = tpu.memref_slice %arg6[%dma_start3A_637, %dma_start3A_644, %dma_start3A_645] : memref<11x64x128xf32, #tpu.memory_space<vmem>> -> memref<1x64x128xf32, #tpu.memory_space<vmem>>
    %dma_start3A_647 = tpu.memref_squeeze %dma_start3A_646 : memref<1x64x128xf32, #tpu.memory_space<vmem>> -> memref<64x128xf32, #tpu.memory_space<vmem>>
    %dma_start3A_648 = arith.constant 0 : i32
    %dma_start3A_649 = tpu.memref_slice %arg2[%dma_start3A_648, %multiple_of3A_636] : memref<64x1000000xf32, #tpu.memory_space<hbm>> -> memref<64x128xf32, #tpu.memory_space<hbm>>
    tpu.enqueue_dma source(%dma_start3A_649 : memref<64x128xf32, #tpu.memory_space<hbm>>) target(%dma_start3A_647 : memref<64x128xf32, #tpu.memory_space<vmem>>) target_semaphore(%arg12 : memref<!tpu.dma_semaphore, #tpu.memory_space<semaphore_mem>>)
    %dma_wait3A_650 = arith.constant 5 : i32
    %dma_wait3A_651 = arith.constant 0 : i32
    %dma_wait3A_652 = arith.constant 0 : i32
    %dma_wait3A_653 = tpu.memref_slice %arg6[%dma_wait3A_650, %dma_wait3A_651, %dma_wait3A_652] : memref<11x64x128xf32, #tpu.memory_space<vmem>> -> memref<1x64x128xf32, #tpu.memory_space<vmem>>
    %dma_wait3A_654 = tpu.memref_squeeze %dma_wait3A_653 : memref<1x64x128xf32, #tpu.memory_space<vmem>> -> memref<64x128xf32, #tpu.memory_space<vmem>>
    %dma_wait3A_655 = arith.constant 0 : i32
    %dma_wait3A_656 = arith.constant 0 : i32
    %dma_wait3A_657 = tpu.memref_slice %arg2[%dma_wait3A_655, %dma_wait3A_656] : memref<64x1000000xf32, #tpu.memory_space<hbm>> -> memref<64x128xf32, #tpu.memory_space<hbm>>
    %dma_wait3A_658 = arith.constant 0 : i32
    %dma_wait3A_659 = arith.constant 0 : i32
    %dma_wait3A_660 = tpu.memref_slice %arg6[%dma_wait3A_650, %dma_wait3A_658, %dma_wait3A_659] : memref<11x64x128xf32, #tpu.memory_space<vmem>> -> memref<1x64x128xf32, #tpu.memory_space<vmem>>
    %dma_wait3A_661 = tpu.memref_squeeze %dma_wait3A_660 : memref<1x64x128xf32, #tpu.memory_space<vmem>> -> memref<64x128xf32, #tpu.memory_space<vmem>>
    %dma_wait3A_662 = arith.constant 0 : i32
    %dma_wait3A_663 = arith.constant 0 : i32
    %dma_wait3A_664 = tpu.memref_slice %arg2[%dma_wait3A_662, %dma_wait3A_663] : memref<64x1000000xf32, #tpu.memory_space<hbm>> -> memref<64x128xf32, #tpu.memory_space<hbm>>
    tpu.wait_dma2 semaphore(%arg13 : memref<!tpu.dma_semaphore, #tpu.memory_space<semaphore_mem>>) src(%dma_wait3A_664 : memref<64x128xf32, #tpu.memory_space<hbm>>) dst(%dma_wait3A_661 : memref<64x128xf32, #tpu.memory_space<vmem>>)
    %get3A_665 = arith.constant 500 : index
    %get3A_666 = tpu.vector_load %arg5[%get3A_665] {strides = array<i32>} : memref<528xi32, #tpu.memory_space<vmem>>, vector<16xi32>,
    %slice3A_667 = vector.extract_strided_slice %get3A_666 {offsets = [0], sizes = [1], strides = [1]} : vector<16xi32> to vector<1xi32>
    %squeeze3A_668 = vector.extract %slice3A_667[0] : i32 from vector<1xi32>
    %and3A_669 = arith.constant 127 : i32
    %and3A_670 = arith.andi %squeeze3A_668, %and3A_669 : i32
    %broadcast_in_dim3A_671 = vector.broadcast %and3A_670 : i32 to vector<16xi32>
    %broadcast_in_dim3A_672 = arith.constant 500 : i32
    %broadcast_in_dim3A_673 = vector.broadcast %broadcast_in_dim3A_672 : i32 to vector<16xi32>
    %add3A_674 = arith.constant 0 : i32
    %add3A_675 = vector.broadcast %add3A_674 : i32 to vector<16xi32>
    %add3A_676 = arith.addi %iota3A, %add3A_675 : vector<16xi32>
    %gather3A_677 = arith.constant 5 : i32
    %gather3A_678 = arith.constant 0 : i32
    %gather3A_679 = arith.constant 0 : i32
    %gather3A_680 = tpu.memref_slice %arg6[%gather3A_677, %gather3A_678, %gather3A_679] : memref<11x64x128xf32, #tpu.memory_space<vmem>> -> memref<1x64x128xf32, #tpu.memory_space<vmem>>
    %gather3A_681 = tpu.memref_squeeze %gather3A_680 : memref<1x64x128xf32, #tpu.memory_space<vmem>> -> memref<64x128xf32, #tpu.memory_space<vmem>>
    %gather3A_682 = tpu.vector_load_idx %gather3A_681[%add3A_676, %broadcast_in_dim3A_671] : memref<64x128xf32, #tpu.memory_space<vmem>>[vector<16xi32>, vector<16xi32>], vector<16xf32>,
    tpu.vector_store_idx %arg7[%add3A_676, %broadcast_in_dim3A_673], %gather3A_682 : memref<64x512xf32, #tpu.memory_space<vmem>>[vector<16xi32>, vector<16xi32>], vector<16xf32>,
    %add3A_683 = arith.constant 16 : i32
    %add3A_684 = vector.broadcast %add3A_683 : i32 to vector<16xi32>
    %add3A_685 = arith.addi %iota3A, %add3A_684 : vector<16xi32>
    %gather3A_686 = arith.constant 5 : i32
    %gather3A_687 = arith.constant 0 : i32
    %gather3A_688 = arith.constant 0 : i32
    %gather3A_689 = tpu.memref_slice %arg6[%gather3A_686, %gather3A_687, %gather3A_688] : memref<11x64x128xf32, #tpu.memory_space<vmem>> -> memref<1x64x128xf32, #tpu.memory_space<vmem>>
    %gather3A_690 = tpu.memref_squeeze %gather3A_689 : memref<1x64x128xf32, #tpu.memory_space<vmem>> -> memref<64x128xf32, #tpu.memory_space<vmem>>
    %gather3A_691 = tpu.vector_load_idx %gather3A_690[%add3A_685, %broadcast_in_dim3A_671] : memref<64x128xf32, #tpu.memory_space<vmem>>[vector<16xi32>, vector<16xi32>], vector<16xf32>,
    tpu.vector_store_idx %arg7[%add3A_685, %broadcast_in_dim3A_673], %gather3A_691 : memref<64x512xf32, #tpu.memory_space<vmem>>[vector<16xi32>, vector<16xi32>], vector<16xf32>,
    %add3A_692 = arith.constant 32 : i32
    %add3A_693 = vector.broadcast %add3A_692 : i32 to vector<16xi32>
    %add3A_694 = arith.addi %iota3A, %add3A_693 : vector<16xi32>
    %gather3A_695 = arith.constant 5 : i32
    %gather3A_696 = arith.constant 0 : i32
    %gather3A_697 = arith.constant 0 : i32
    %gather3A_698 = tpu.memref_slice %arg6[%gather3A_695, %gather3A_696, %gather3A_697] : memref<11x64x128xf32, #tpu.memory_space<vmem>> -> memref<1x64x128xf32, #tpu.memory_space<vmem>>
    %gather3A_699 = tpu.memref_squeeze %gather3A_698 : memref<1x64x128xf32, #tpu.memory_space<vmem>> -> memref<64x128xf32, #tpu.memory_space<vmem>>
    %gather3A_700 = tpu.vector_load_idx %gather3A_699[%add3A_694, %broadcast_in_dim3A_671] : memref<64x128xf32, #tpu.memory_space<vmem>>[vector<16xi32>, vector<16xi32>], vector<16xf32>,
    tpu.vector_store_idx %arg7[%add3A_694, %broadcast_in_dim3A_673], %gather3A_700 : memref<64x512xf32, #tpu.memory_space<vmem>>[vector<16xi32>, vector<16xi32>], vector<16xf32>,
    %add3A_701 = arith.constant 48 : i32
    %add3A_702 = vector.broadcast %add3A_701 : i32 to vector<16xi32>
    %add3A_703 = arith.addi %iota3A, %add3A_702 : vector<16xi32>
    %gather3A_704 = arith.constant 5 : i32
    %gather3A_705 = arith.constant 0 : i32
    %gather3A_706 = arith.constant 0 : i32
    %gather3A_707 = tpu.memref_slice %arg6[%gather3A_704, %gather3A_705, %gather3A_706] : memref<11x64x128xf32, #tpu.memory_space<vmem>> -> memref<1x64x128xf32, #tpu.memory_space<vmem>>
    %gather3A_708 = tpu.memref_squeeze %gather3A_707 : memref<1x64x128xf32, #tpu.memory_space<vmem>> -> memref<64x128xf32, #tpu.memory_space<vmem>>
    %gather3A_709 = tpu.vector_load_idx %gather3A_708[%add3A_703, %broadcast_in_dim3A_671] : memref<64x128xf32, #tpu.memory_space<vmem>>[vector<16xi32>, vector<16xi32>], vector<16xf32>,
    tpu.vector_store_idx %arg7[%add3A_703, %broadcast_in_dim3A_673], %gather3A_709 : memref<64x512xf32, #tpu.memory_space<vmem>>[vector<16xi32>, vector<16xi32>], vector<16xf32>,
    %get3A_710 = arith.constant 511 : index
    %get3A_711 = tpu.vector_load %arg5[%get3A_710] {strides = array<i32>} : memref<528xi32, #tpu.memory_space<vmem>>, vector<16xi32>,
    %slice3A_712 = vector.extract_strided_slice %get3A_711 {offsets = [0], sizes = [1], strides = [1]} : vector<16xi32> to vector<1xi32>
    %squeeze3A_713 = vector.extract %slice3A_712[0] : i32 from vector<1xi32>
    %shift_right_arithmetic3A_714 = arith.constant 7 : i32
    %shift_right_arithmetic3A_715 = arith.shrsi %squeeze3A_713, %shift_right_arithmetic3A_714 : i32
    %shift_left3A_716 = arith.constant 7 : i32
    %shift_left3A_717 = arith.shli %shift_right_arithmetic3A_715, %shift_left3A_716 : i32
    %multiple_of3A_718 = tpu.assume_multiple %shift_left3A_717, 128 : i32
    %dma_start3A_719 = arith.constant 5 : i32
    %dma_start3A_720 = arith.constant 0 : i32
    %dma_start3A_721 = arith.constant 0 : i32
    %dma_start3A_722 = tpu.memref_slice %arg6[%dma_start3A_719, %dma_start3A_720, %dma_start3A_721] : memref<11x64x128xf32, #tpu.memory_space<vmem>> -> memref<1x64x128xf32, #tpu.memory_space<vmem>>
    %dma_start3A_723 = tpu.memref_squeeze %dma_start3A_722 : memref<1x64x128xf32, #tpu.memory_space<vmem>> -> memref<64x128xf32, #tpu.memory_space<vmem>>
    %dma_start3A_724 = arith.constant 0 : i32
    %dma_start3A_725 = tpu.memref_slice %arg2[%dma_start3A_724, %multiple_of3A_718] : memref<64x1000000xf32, #tpu.memory_space<hbm>> -> memref<64x128xf32, #tpu.memory_space<hbm>>
    %dma_start3A_726 = arith.constant 0 : i32
    %dma_start3A_727 = arith.constant 0 : i32
    %dma_start3A_728 = tpu.memref_slice %arg6[%dma_start3A_719, %dma_start3A_726, %dma_start3A_727] : memref<11x64x128xf32, #tpu.memory_space<vmem>> -> memref<1x64x128xf32, #tpu.memory_space<vmem>>
    %dma_start3A_729 = tpu.memref_squeeze %dma_start3A_728 : memref<1x64x128xf32, #tpu.memory_space<vmem>> -> memref<64x128xf32, #tpu.memory_space<vmem>>
    %dma_start3A_730 = arith.constant 0 : i32
    %dma_start3A_731 = tpu.memref_slice %arg2[%dma_start3A_730, %multiple_of3A_718] : memref<64x1000000xf32, #tpu.memory_space<hbm>> -> memref<64x128xf32, #tpu.memory_space<hbm>>
    tpu.enqueue_dma source(%dma_start3A_731 : memref<64x128xf32, #tpu.memory_space<hbm>>) target(%dma_start3A_729 : memref<64x128xf32, #tpu.memory_space<vmem>>) target_semaphore(%arg13 : memref<!tpu.dma_semaphore, #tpu.memory_space<semaphore_mem>>)
    %dma_wait3A_732 = arith.constant 6 : i32
    %dma_wait3A_733 = arith.constant 0 : i32
    %dma_wait3A_734 = arith.constant 0 : i32
    %dma_wait3A_735 = tpu.memref_slice %arg6[%dma_wait3A_732, %dma_wait3A_733, %dma_wait3A_734] : memref<11x64x128xf32, #tpu.memory_space<vmem>> -> memref<1x64x128xf32, #tpu.memory_space<vmem>>
    %dma_wait3A_736 = tpu.memref_squeeze %dma_wait3A_735 : memref<1x64x128xf32, #tpu.memory_space<vmem>> -> memref<64x128xf32, #tpu.memory_space<vmem>>
    %dma_wait3A_737 = arith.constant 0 : i32
    %dma_wait3A_738 = arith.constant 0 : i32
    %dma_wait3A_739 = tpu.memref_slice %arg2[%dma_wait3A_737, %dma_wait3A_738] : memref<64x1000000xf32, #tpu.memory_space<hbm>> -> memref<64x128xf32, #tpu.memory_space<hbm>>
    %dma_wait3A_740 = arith.constant 0 : i32
    %dma_wait3A_741 = arith.constant 0 : i32
    %dma_wait3A_742 = tpu.memref_slice %arg6[%dma_wait3A_732, %dma_wait3A_740, %dma_wait3A_741] : memref<11x64x128xf32, #tpu.memory_space<vmem>> -> memref<1x64x128xf32, #tpu.memory_space<vmem>>
    %dma_wait3A_743 = tpu.memref_squeeze %dma_wait3A_742 : memref<1x64x128xf32, #tpu.memory_space<vmem>> -> memref<64x128xf32, #tpu.memory_space<vmem>>
    %dma_wait3A_744 = arith.constant 0 : i32
    %dma_wait3A_745 = arith.constant 0 : i32
    %dma_wait3A_746 = tpu.memref_slice %arg2[%dma_wait3A_744, %dma_wait3A_745] : memref<64x1000000xf32, #tpu.memory_space<hbm>> -> memref<64x128xf32, #tpu.memory_space<hbm>>
    tpu.wait_dma2 semaphore(%arg14 : memref<!tpu.dma_semaphore, #tpu.memory_space<semaphore_mem>>) src(%dma_wait3A_746 : memref<64x128xf32, #tpu.memory_space<hbm>>) dst(%dma_wait3A_743 : memref<64x128xf32, #tpu.memory_space<vmem>>)
    %get3A_747 = arith.constant 501 : index
    %get3A_748 = tpu.vector_load %arg5[%get3A_747] {strides = array<i32>} : memref<528xi32, #tpu.memory_space<vmem>>, vector<16xi32>,
    %slice3A_749 = vector.extract_strided_slice %get3A_748 {offsets = [0], sizes = [1], strides = [1]} : vector<16xi32> to vector<1xi32>
    %squeeze3A_750 = vector.extract %slice3A_749[0] : i32 from vector<1xi32>
    %and3A_751 = arith.constant 127 : i32
    %and3A_752 = arith.andi %squeeze3A_750, %and3A_751 : i32
    %broadcast_in_dim3A_753 = vector.broadcast %and3A_752 : i32 to vector<16xi32>
    %broadcast_in_dim3A_754 = arith.constant 501 : i32
    %broadcast_in_dim3A_755 = vector.broadcast %broadcast_in_dim3A_754 : i32 to vector<16xi32>
    %add3A_756 = arith.constant 0 : i32
    %add3A_757 = vector.broadcast %add3A_756 : i32 to vector<16xi32>
    %add3A_758 = arith.addi %iota3A, %add3A_757 : vector<16xi32>
    %gather3A_759 = arith.constant 6 : i32
    %gather3A_760 = arith.constant 0 : i32
    %gather3A_761 = arith.constant 0 : i32
    %gather3A_762 = tpu.memref_slice %arg6[%gather3A_759, %gather3A_760, %gather3A_761] : memref<11x64x128xf32, #tpu.memory_space<vmem>> -> memref<1x64x128xf32, #tpu.memory_space<vmem>>
    %gather3A_763 = tpu.memref_squeeze %gather3A_762 : memref<1x64x128xf32, #tpu.memory_space<vmem>> -> memref<64x128xf32, #tpu.memory_space<vmem>>
    %gather3A_764 = tpu.vector_load_idx %gather3A_763[%add3A_758, %broadcast_in_dim3A_753] : memref<64x128xf32, #tpu.memory_space<vmem>>[vector<16xi32>, vector<16xi32>], vector<16xf32>,
    tpu.vector_store_idx %arg7[%add3A_758, %broadcast_in_dim3A_755], %gather3A_764 : memref<64x512xf32, #tpu.memory_space<vmem>>[vector<16xi32>, vector<16xi32>], vector<16xf32>,
    %add3A_765 = arith.constant 16 : i32
    %add3A_766 = vector.broadcast %add3A_765 : i32 to vector<16xi32>
    %add3A_767 = arith.addi %iota3A, %add3A_766 : vector<16xi32>
    %gather3A_768 = arith.constant 6 : i32
    %gather3A_769 = arith.constant 0 : i32
    %gather3A_770 = arith.constant 0 : i32
    %gather3A_771 = tpu.memref_slice %arg6[%gather3A_768, %gather3A_769, %gather3A_770] : memref<11x64x128xf32, #tpu.memory_space<vmem>> -> memref<1x64x128xf32, #tpu.memory_space<vmem>>
    %gather3A_772 = tpu.memref_squeeze %gather3A_771 : memref<1x64x128xf32, #tpu.memory_space<vmem>> -> memref<64x128xf32, #tpu.memory_space<vmem>>
    %gather3A_773 = tpu.vector_load_idx %gather3A_772[%add3A_767, %broadcast_in_dim3A_753] : memref<64x128xf32, #tpu.memory_space<vmem>>[vector<16xi32>, vector<16xi32>], vector<16xf32>,
    tpu.vector_store_idx %arg7[%add3A_767, %broadcast_in_dim3A_755], %gather3A_773 : memref<64x512xf32, #tpu.memory_space<vmem>>[vector<16xi32>, vector<16xi32>], vector<16xf32>,
    %add3A_774 = arith.constant 32 : i32
    %add3A_775 = vector.broadcast %add3A_774 : i32 to vector<16xi32>
    %add3A_776 = arith.addi %iota3A, %add3A_775 : vector<16xi32>
    %gather3A_777 = arith.constant 6 : i32
    %gather3A_778 = arith.constant 0 : i32
    %gather3A_779 = arith.constant 0 : i32
    %gather3A_780 = tpu.memref_slice %arg6[%gather3A_777, %gather3A_778, %gather3A_779] : memref<11x64x128xf32, #tpu.memory_space<vmem>> -> memref<1x64x128xf32, #tpu.memory_space<vmem>>
    %gather3A_781 = tpu.memref_squeeze %gather3A_780 : memref<1x64x128xf32, #tpu.memory_space<vmem>> -> memref<64x128xf32, #tpu.memory_space<vmem>>
    %gather3A_782 = tpu.vector_load_idx %gather3A_781[%add3A_776, %broadcast_in_dim3A_753] : memref<64x128xf32, #tpu.memory_space<vmem>>[vector<16xi32>, vector<16xi32>], vector<16xf32>,
    tpu.vector_store_idx %arg7[%add3A_776, %broadcast_in_dim3A_755], %gather3A_782 : memref<64x512xf32, #tpu.memory_space<vmem>>[vector<16xi32>, vector<16xi32>], vector<16xf32>,
    %add3A_783 = arith.constant 48 : i32
    %add3A_784 = vector.broadcast %add3A_783 : i32 to vector<16xi32>
    %add3A_785 = arith.addi %iota3A, %add3A_784 : vector<16xi32>
    %gather3A_786 = arith.constant 6 : i32
    %gather3A_787 = arith.constant 0 : i32
    %gather3A_788 = arith.constant 0 : i32
    %gather3A_789 = tpu.memref_slice %arg6[%gather3A_786, %gather3A_787, %gather3A_788] : memref<11x64x128xf32, #tpu.memory_space<vmem>> -> memref<1x64x128xf32, #tpu.memory_space<vmem>>
    %gather3A_790 = tpu.memref_squeeze %gather3A_789 : memref<1x64x128xf32, #tpu.memory_space<vmem>> -> memref<64x128xf32, #tpu.memory_space<vmem>>
    %gather3A_791 = tpu.vector_load_idx %gather3A_790[%add3A_785, %broadcast_in_dim3A_753] : memref<64x128xf32, #tpu.memory_space<vmem>>[vector<16xi32>, vector<16xi32>], vector<16xf32>,
    tpu.vector_store_idx %arg7[%add3A_785, %broadcast_in_dim3A_755], %gather3A_791 : memref<64x512xf32, #tpu.memory_space<vmem>>[vector<16xi32>, vector<16xi32>], vector<16xf32>,
    %dma_wait3A_792 = arith.constant 7 : i32
    %dma_wait3A_793 = arith.constant 0 : i32
    %dma_wait3A_794 = arith.constant 0 : i32
    %dma_wait3A_795 = tpu.memref_slice %arg6[%dma_wait3A_792, %dma_wait3A_793, %dma_wait3A_794] : memref<11x64x128xf32, #tpu.memory_space<vmem>> -> memref<1x64x128xf32, #tpu.memory_space<vmem>>
    %dma_wait3A_796 = tpu.memref_squeeze %dma_wait3A_795 : memref<1x64x128xf32, #tpu.memory_space<vmem>> -> memref<64x128xf32, #tpu.memory_space<vmem>>
    %dma_wait3A_797 = arith.constant 0 : i32
    %dma_wait3A_798 = arith.constant 0 : i32
    %dma_wait3A_799 = tpu.memref_slice %arg2[%dma_wait3A_797, %dma_wait3A_798] : memref<64x1000000xf32, #tpu.memory_space<hbm>> -> memref<64x128xf32, #tpu.memory_space<hbm>>
    %dma_wait3A_800 = arith.constant 0 : i32
    %dma_wait3A_801 = arith.constant 0 : i32
    %dma_wait3A_802 = tpu.memref_slice %arg6[%dma_wait3A_792, %dma_wait3A_800, %dma_wait3A_801] : memref<11x64x128xf32, #tpu.memory_space<vmem>> -> memref<1x64x128xf32, #tpu.memory_space<vmem>>
    %dma_wait3A_803 = tpu.memref_squeeze %dma_wait3A_802 : memref<1x64x128xf32, #tpu.memory_space<vmem>> -> memref<64x128xf32, #tpu.memory_space<vmem>>
    %dma_wait3A_804 = arith.constant 0 : i32
    %dma_wait3A_805 = arith.constant 0 : i32
    %dma_wait3A_806 = tpu.memref_slice %arg2[%dma_wait3A_804, %dma_wait3A_805] : memref<64x1000000xf32, #tpu.memory_space<hbm>> -> memref<64x128xf32, #tpu.memory_space<hbm>>
    tpu.wait_dma2 semaphore(%arg15 : memref<!tpu.dma_semaphore, #tpu.memory_space<semaphore_mem>>) src(%dma_wait3A_806 : memref<64x128xf32, #tpu.memory_space<hbm>>) dst(%dma_wait3A_803 : memref<64x128xf32, #tpu.memory_space<vmem>>)
    %get3A_807 = arith.constant 502 : index
    %get3A_808 = tpu.vector_load %arg5[%get3A_807] {strides = array<i32>} : memref<528xi32, #tpu.memory_space<vmem>>, vector<16xi32>,
    %slice3A_809 = vector.extract_strided_slice %get3A_808 {offsets = [0], sizes = [1], strides = [1]} : vector<16xi32> to vector<1xi32>
    %squeeze3A_810 = vector.extract %slice3A_809[0] : i32 from vector<1xi32>
    %and3A_811 = arith.constant 127 : i32
    %and3A_812 = arith.andi %squeeze3A_810, %and3A_811 : i32
    %broadcast_in_dim3A_813 = vector.broadcast %and3A_812 : i32 to vector<16xi32>
    %broadcast_in_dim3A_814 = arith.constant 502 : i32
    %broadcast_in_dim3A_815 = vector.broadcast %broadcast_in_dim3A_814 : i32 to vector<16xi32>
    %add3A_816 = arith.constant 0 : i32
    %add3A_817 = vector.broadcast %add3A_816 : i32 to vector<16xi32>
    %add3A_818 = arith.addi %iota3A, %add3A_817 : vector<16xi32>
    %gather3A_819 = arith.constant 7 : i32
    %gather3A_820 = arith.constant 0 : i32
    %gather3A_821 = arith.constant 0 : i32
    %gather3A_822 = tpu.memref_slice %arg6[%gather3A_819, %gather3A_820, %gather3A_821] : memref<11x64x128xf32, #tpu.memory_space<vmem>> -> memref<1x64x128xf32, #tpu.memory_space<vmem>>
    %gather3A_823 = tpu.memref_squeeze %gather3A_822 : memref<1x64x128xf32, #tpu.memory_space<vmem>> -> memref<64x128xf32, #tpu.memory_space<vmem>>
    %gather3A_824 = tpu.vector_load_idx %gather3A_823[%add3A_818, %broadcast_in_dim3A_813] : memref<64x128xf32, #tpu.memory_space<vmem>>[vector<16xi32>, vector<16xi32>], vector<16xf32>,
    tpu.vector_store_idx %arg7[%add3A_818, %broadcast_in_dim3A_815], %gather3A_824 : memref<64x512xf32, #tpu.memory_space<vmem>>[vector<16xi32>, vector<16xi32>], vector<16xf32>,
    %add3A_825 = arith.constant 16 : i32
    %add3A_826 = vector.broadcast %add3A_825 : i32 to vector<16xi32>
    %add3A_827 = arith.addi %iota3A, %add3A_826 : vector<16xi32>
    %gather3A_828 = arith.constant 7 : i32
    %gather3A_829 = arith.constant 0 : i32
    %gather3A_830 = arith.constant 0 : i32
    %gather3A_831 = tpu.memref_slice %arg6[%gather3A_828, %gather3A_829, %gather3A_830] : memref<11x64x128xf32, #tpu.memory_space<vmem>> -> memref<1x64x128xf32, #tpu.memory_space<vmem>>
    %gather3A_832 = tpu.memref_squeeze %gather3A_831 : memref<1x64x128xf32, #tpu.memory_space<vmem>> -> memref<64x128xf32, #tpu.memory_space<vmem>>
    %gather3A_833 = tpu.vector_load_idx %gather3A_832[%add3A_827, %broadcast_in_dim3A_813] : memref<64x128xf32, #tpu.memory_space<vmem>>[vector<16xi32>, vector<16xi32>], vector<16xf32>,
    tpu.vector_store_idx %arg7[%add3A_827, %broadcast_in_dim3A_815], %gather3A_833 : memref<64x512xf32, #tpu.memory_space<vmem>>[vector<16xi32>, vector<16xi32>], vector<16xf32>,
    %add3A_834 = arith.constant 32 : i32
    %add3A_835 = vector.broadcast %add3A_834 : i32 to vector<16xi32>
    %add3A_836 = arith.addi %iota3A, %add3A_835 : vector<16xi32>
    %gather3A_837 = arith.constant 7 : i32
    %gather3A_838 = arith.constant 0 : i32
    %gather3A_839 = arith.constant 0 : i32
    %gather3A_840 = tpu.memref_slice %arg6[%gather3A_837, %gather3A_838, %gather3A_839] : memref<11x64x128xf32, #tpu.memory_space<vmem>> -> memref<1x64x128xf32, #tpu.memory_space<vmem>>
    %gather3A_841 = tpu.memref_squeeze %gather3A_840 : memref<1x64x128xf32, #tpu.memory_space<vmem>> -> memref<64x128xf32, #tpu.memory_space<vmem>>
    %gather3A_842 = tpu.vector_load_idx %gather3A_841[%add3A_836, %broadcast_in_dim3A_813] : memref<64x128xf32, #tpu.memory_space<vmem>>[vector<16xi32>, vector<16xi32>], vector<16xf32>,
    tpu.vector_store_idx %arg7[%add3A_836, %broadcast_in_dim3A_815], %gather3A_842 : memref<64x512xf32, #tpu.memory_space<vmem>>[vector<16xi32>, vector<16xi32>], vector<16xf32>,
    %add3A_843 = arith.constant 48 : i32
    %add3A_844 = vector.broadcast %add3A_843 : i32 to vector<16xi32>
    %add3A_845 = arith.addi %iota3A, %add3A_844 : vector<16xi32>
    %gather3A_846 = arith.constant 7 : i32
    %gather3A_847 = arith.constant 0 : i32
    %gather3A_848 = arith.constant 0 : i32
    %gather3A_849 = tpu.memref_slice %arg6[%gather3A_846, %gather3A_847, %gather3A_848] : memref<11x64x128xf32, #tpu.memory_space<vmem>> -> memref<1x64x128xf32, #tpu.memory_space<vmem>>
    %gather3A_850 = tpu.memref_squeeze %gather3A_849 : memref<1x64x128xf32, #tpu.memory_space<vmem>> -> memref<64x128xf32, #tpu.memory_space<vmem>>
    %gather3A_851 = tpu.vector_load_idx %gather3A_850[%add3A_845, %broadcast_in_dim3A_813] : memref<64x128xf32, #tpu.memory_space<vmem>>[vector<16xi32>, vector<16xi32>], vector<16xf32>,
    tpu.vector_store_idx %arg7[%add3A_845, %broadcast_in_dim3A_815], %gather3A_851 : memref<64x512xf32, #tpu.memory_space<vmem>>[vector<16xi32>, vector<16xi32>], vector<16xf32>,
    %dma_wait3A_852 = arith.constant 8 : i32
    %dma_wait3A_853 = arith.constant 0 : i32
    %dma_wait3A_854 = arith.constant 0 : i32
    %dma_wait3A_855 = tpu.memref_slice %arg6[%dma_wait3A_852, %dma_wait3A_853, %dma_wait3A_854] : memref<11x64x128xf32, #tpu.memory_space<vmem>> -> memref<1x64x128xf32, #tpu.memory_space<vmem>>
    %dma_wait3A_856 = tpu.memref_squeeze %dma_wait3A_855 : memref<1x64x128xf32, #tpu.memory_space<vmem>> -> memref<64x128xf32, #tpu.memory_space<vmem>>
    %dma_wait3A_857 = arith.constant 0 : i32
    %dma_wait3A_858 = arith.constant 0 : i32
    %dma_wait3A_859 = tpu.memref_slice %arg2[%dma_wait3A_857, %dma_wait3A_858] : memref<64x1000000xf32, #tpu.memory_space<hbm>> -> memref<64x128xf32, #tpu.memory_space<hbm>>
    %dma_wait3A_860 = arith.constant 0 : i32
    %dma_wait3A_861 = arith.constant 0 : i32
    %dma_wait3A_862 = tpu.memref_slice %arg6[%dma_wait3A_852, %dma_wait3A_860, %dma_wait3A_861] : memref<11x64x128xf32, #tpu.memory_space<vmem>> -> memref<1x64x128xf32, #tpu.memory_space<vmem>>
    %dma_wait3A_863 = tpu.memref_squeeze %dma_wait3A_862 : memref<1x64x128xf32, #tpu.memory_space<vmem>> -> memref<64x128xf32, #tpu.memory_space<vmem>>
    %dma_wait3A_864 = arith.constant 0 : i32
    %dma_wait3A_865 = arith.constant 0 : i32
    %dma_wait3A_866 = tpu.memref_slice %arg2[%dma_wait3A_864, %dma_wait3A_865] : memref<64x1000000xf32, #tpu.memory_space<hbm>> -> memref<64x128xf32, #tpu.memory_space<hbm>>
    tpu.wait_dma2 semaphore(%arg16 : memref<!tpu.dma_semaphore, #tpu.memory_space<semaphore_mem>>) src(%dma_wait3A_866 : memref<64x128xf32, #tpu.memory_space<hbm>>) dst(%dma_wait3A_863 : memref<64x128xf32, #tpu.memory_space<vmem>>)
    %get3A_867 = arith.constant 503 : index
    %get3A_868 = tpu.vector_load %arg5[%get3A_867] {strides = array<i32>} : memref<528xi32, #tpu.memory_space<vmem>>, vector<16xi32>,
    %slice3A_869 = vector.extract_strided_slice %get3A_868 {offsets = [0], sizes = [1], strides = [1]} : vector<16xi32> to vector<1xi32>
    %squeeze3A_870 = vector.extract %slice3A_869[0] : i32 from vector<1xi32>
    %and3A_871 = arith.constant 127 : i32
    %and3A_872 = arith.andi %squeeze3A_870, %and3A_871 : i32
    %broadcast_in_dim3A_873 = vector.broadcast %and3A_872 : i32 to vector<16xi32>
    %broadcast_in_dim3A_874 = arith.constant 503 : i32
    %broadcast_in_dim3A_875 = vector.broadcast %broadcast_in_dim3A_874 : i32 to vector<16xi32>
    %add3A_876 = arith.constant 0 : i32
    %add3A_877 = vector.broadcast %add3A_876 : i32 to vector<16xi32>
    %add3A_878 = arith.addi %iota3A, %add3A_877 : vector<16xi32>
    %gather3A_879 = arith.constant 8 : i32
    %gather3A_880 = arith.constant 0 : i32
    %gather3A_881 = arith.constant 0 : i32
    %gather3A_882 = tpu.memref_slice %arg6[%gather3A_879, %gather3A_880, %gather3A_881] : memref<11x64x128xf32, #tpu.memory_space<vmem>> -> memref<1x64x128xf32, #tpu.memory_space<vmem>>
    %gather3A_883 = tpu.memref_squeeze %gather3A_882 : memref<1x64x128xf32, #tpu.memory_space<vmem>> -> memref<64x128xf32, #tpu.memory_space<vmem>>
    %gather3A_884 = tpu.vector_load_idx %gather3A_883[%add3A_878, %broadcast_in_dim3A_873] : memref<64x128xf32, #tpu.memory_space<vmem>>[vector<16xi32>, vector<16xi32>], vector<16xf32>,
    tpu.vector_store_idx %arg7[%add3A_878, %broadcast_in_dim3A_875], %gather3A_884 : memref<64x512xf32, #tpu.memory_space<vmem>>[vector<16xi32>, vector<16xi32>], vector<16xf32>,
    %add3A_885 = arith.constant 16 : i32
    %add3A_886 = vector.broadcast %add3A_885 : i32 to vector<16xi32>
    %add3A_887 = arith.addi %iota3A, %add3A_886 : vector<16xi32>
    %gather3A_888 = arith.constant 8 : i32
    %gather3A_889 = arith.constant 0 : i32
    %gather3A_890 = arith.constant 0 : i32
    %gather3A_891 = tpu.memref_slice %arg6[%gather3A_888, %gather3A_889, %gather3A_890] : memref<11x64x128xf32, #tpu.memory_space<vmem>> -> memref<1x64x128xf32, #tpu.memory_space<vmem>>
    %gather3A_892 = tpu.memref_squeeze %gather3A_891 : memref<1x64x128xf32, #tpu.memory_space<vmem>> -> memref<64x128xf32, #tpu.memory_space<vmem>>
    %gather3A_893 = tpu.vector_load_idx %gather3A_892[%add3A_887, %broadcast_in_dim3A_873] : memref<64x128xf32, #tpu.memory_space<vmem>>[vector<16xi32>, vector<16xi32>], vector<16xf32>,
    tpu.vector_store_idx %arg7[%add3A_887, %broadcast_in_dim3A_875], %gather3A_893 : memref<64x512xf32, #tpu.memory_space<vmem>>[vector<16xi32>, vector<16xi32>], vector<16xf32>,
    %add3A_894 = arith.constant 32 : i32
    %add3A_895 = vector.broadcast %add3A_894 : i32 to vector<16xi32>
    %add3A_896 = arith.addi %iota3A, %add3A_895 : vector<16xi32>
    %gather3A_897 = arith.constant 8 : i32
    %gather3A_898 = arith.constant 0 : i32
    %gather3A_899 = arith.constant 0 : i32
    %gather3A_900 = tpu.memref_slice %arg6[%gather3A_897, %gather3A_898, %gather3A_899] : memref<11x64x128xf32, #tpu.memory_space<vmem>> -> memref<1x64x128xf32, #tpu.memory_space<vmem>>
    %gather3A_901 = tpu.memref_squeeze %gather3A_900 : memref<1x64x128xf32, #tpu.memory_space<vmem>> -> memref<64x128xf32, #tpu.memory_space<vmem>>
    %gather3A_902 = tpu.vector_load_idx %gather3A_901[%add3A_896, %broadcast_in_dim3A_873] : memref<64x128xf32, #tpu.memory_space<vmem>>[vector<16xi32>, vector<16xi32>], vector<16xf32>,
    tpu.vector_store_idx %arg7[%add3A_896, %broadcast_in_dim3A_875], %gather3A_902 : memref<64x512xf32, #tpu.memory_space<vmem>>[vector<16xi32>, vector<16xi32>], vector<16xf32>,
    %add3A_903 = arith.constant 48 : i32
    %add3A_904 = vector.broadcast %add3A_903 : i32 to vector<16xi32>
    %add3A_905 = arith.addi %iota3A, %add3A_904 : vector<16xi32>
    %gather3A_906 = arith.constant 8 : i32
    %gather3A_907 = arith.constant 0 : i32
    %gather3A_908 = arith.constant 0 : i32
    %gather3A_909 = tpu.memref_slice %arg6[%gather3A_906, %gather3A_907, %gather3A_908] : memref<11x64x128xf32, #tpu.memory_space<vmem>> -> memref<1x64x128xf32, #tpu.memory_space<vmem>>
    %gather3A_910 = tpu.memref_squeeze %gather3A_909 : memref<1x64x128xf32, #tpu.memory_space<vmem>> -> memref<64x128xf32, #tpu.memory_space<vmem>>
    %gather3A_911 = tpu.vector_load_idx %gather3A_910[%add3A_905, %broadcast_in_dim3A_873] : memref<64x128xf32, #tpu.memory_space<vmem>>[vector<16xi32>, vector<16xi32>], vector<16xf32>,
    tpu.vector_store_idx %arg7[%add3A_905, %broadcast_in_dim3A_875], %gather3A_911 : memref<64x512xf32, #tpu.memory_space<vmem>>[vector<16xi32>, vector<16xi32>], vector<16xf32>,
    %dma_wait3A_912 = arith.constant 9 : i32
    %dma_wait3A_913 = arith.constant 0 : i32
    %dma_wait3A_914 = arith.constant 0 : i32
    %dma_wait3A_915 = tpu.memref_slice %arg6[%dma_wait3A_912, %dma_wait3A_913, %dma_wait3A_914] : memref<11x64x128xf32, #tpu.memory_space<vmem>> -> memref<1x64x128xf32, #tpu.memory_space<vmem>>
    %dma_wait3A_916 = tpu.memref_squeeze %dma_wait3A_915 : memref<1x64x128xf32, #tpu.memory_space<vmem>> -> memref<64x128xf32, #tpu.memory_space<vmem>>
    %dma_wait3A_917 = arith.constant 0 : i32
    %dma_wait3A_918 = arith.constant 0 : i32
    %dma_wait3A_919 = tpu.memref_slice %arg2[%dma_wait3A_917, %dma_wait3A_918] : memref<64x1000000xf32, #tpu.memory_space<hbm>> -> memref<64x128xf32, #tpu.memory_space<hbm>>
    %dma_wait3A_920 = arith.constant 0 : i32
    %dma_wait3A_921 = arith.constant 0 : i32
    %dma_wait3A_922 = tpu.memref_slice %arg6[%dma_wait3A_912, %dma_wait3A_920, %dma_wait3A_921] : memref<11x64x128xf32, #tpu.memory_space<vmem>> -> memref<1x64x128xf32, #tpu.memory_space<vmem>>
    %dma_wait3A_923 = tpu.memref_squeeze %dma_wait3A_922 : memref<1x64x128xf32, #tpu.memory_space<vmem>> -> memref<64x128xf32, #tpu.memory_space<vmem>>
    %dma_wait3A_924 = arith.constant 0 : i32
    %dma_wait3A_925 = arith.constant 0 : i32
    %dma_wait3A_926 = tpu.memref_slice %arg2[%dma_wait3A_924, %dma_wait3A_925] : memref<64x1000000xf32, #tpu.memory_space<hbm>> -> memref<64x128xf32, #tpu.memory_space<hbm>>
    tpu.wait_dma2 semaphore(%arg17 : memref<!tpu.dma_semaphore, #tpu.memory_space<semaphore_mem>>) src(%dma_wait3A_926 : memref<64x128xf32, #tpu.memory_space<hbm>>) dst(%dma_wait3A_923 : memref<64x128xf32, #tpu.memory_space<vmem>>)
    %get3A_927 = arith.constant 504 : index
    %get3A_928 = tpu.vector_load %arg5[%get3A_927] {strides = array<i32>} : memref<528xi32, #tpu.memory_space<vmem>>, vector<16xi32>,
    %slice3A_929 = vector.extract_strided_slice %get3A_928 {offsets = [0], sizes = [1], strides = [1]} : vector<16xi32> to vector<1xi32>
    %squeeze3A_930 = vector.extract %slice3A_929[0] : i32 from vector<1xi32>
    %and3A_931 = arith.constant 127 : i32
    %and3A_932 = arith.andi %squeeze3A_930, %and3A_931 : i32
    %broadcast_in_dim3A_933 = vector.broadcast %and3A_932 : i32 to vector<16xi32>
    %broadcast_in_dim3A_934 = arith.constant 504 : i32
    %broadcast_in_dim3A_935 = vector.broadcast %broadcast_in_dim3A_934 : i32 to vector<16xi32>
    %add3A_936 = arith.constant 0 : i32
    %add3A_937 = vector.broadcast %add3A_936 : i32 to vector<16xi32>
    %add3A_938 = arith.addi %iota3A, %add3A_937 : vector<16xi32>
    %gather3A_939 = arith.constant 9 : i32
    %gather3A_940 = arith.constant 0 : i32
    %gather3A_941 = arith.constant 0 : i32
    %gather3A_942 = tpu.memref_slice %arg6[%gather3A_939, %gather3A_940, %gather3A_941] : memref<11x64x128xf32, #tpu.memory_space<vmem>> -> memref<1x64x128xf32, #tpu.memory_space<vmem>>
    %gather3A_943 = tpu.memref_squeeze %gather3A_942 : memref<1x64x128xf32, #tpu.memory_space<vmem>> -> memref<64x128xf32, #tpu.memory_space<vmem>>
    %gather3A_944 = tpu.vector_load_idx %gather3A_943[%add3A_938, %broadcast_in_dim3A_933] : memref<64x128xf32, #tpu.memory_space<vmem>>[vector<16xi32>, vector<16xi32>], vector<16xf32>,
    tpu.vector_store_idx %arg7[%add3A_938, %broadcast_in_dim3A_935], %gather3A_944 : memref<64x512xf32, #tpu.memory_space<vmem>>[vector<16xi32>, vector<16xi32>], vector<16xf32>,
    %add3A_945 = arith.constant 16 : i32
    %add3A_946 = vector.broadcast %add3A_945 : i32 to vector<16xi32>
    %add3A_947 = arith.addi %iota3A, %add3A_946 : vector<16xi32>
    %gather3A_948 = arith.constant 9 : i32
    %gather3A_949 = arith.constant 0 : i32
    %gather3A_950 = arith.constant 0 : i32
    %gather3A_951 = tpu.memref_slice %arg6[%gather3A_948, %gather3A_949, %gather3A_950] : memref<11x64x128xf32, #tpu.memory_space<vmem>> -> memref<1x64x128xf32, #tpu.memory_space<vmem>>
    %gather3A_952 = tpu.memref_squeeze %gather3A_951 : memref<1x64x128xf32, #tpu.memory_space<vmem>> -> memref<64x128xf32, #tpu.memory_space<vmem>>
    %gather3A_953 = tpu.vector_load_idx %gather3A_952[%add3A_947, %broadcast_in_dim3A_933] : memref<64x128xf32, #tpu.memory_space<vmem>>[vector<16xi32>, vector<16xi32>], vector<16xf32>,
    tpu.vector_store_idx %arg7[%add3A_947, %broadcast_in_dim3A_935], %gather3A_953 : memref<64x512xf32, #tpu.memory_space<vmem>>[vector<16xi32>, vector<16xi32>], vector<16xf32>,
    %add3A_954 = arith.constant 32 : i32
    %add3A_955 = vector.broadcast %add3A_954 : i32 to vector<16xi32>
    %add3A_956 = arith.addi %iota3A, %add3A_955 : vector<16xi32>
    %gather3A_957 = arith.constant 9 : i32
    %gather3A_958 = arith.constant 0 : i32
    %gather3A_959 = arith.constant 0 : i32
    %gather3A_960 = tpu.memref_slice %arg6[%gather3A_957, %gather3A_958, %gather3A_959] : memref<11x64x128xf32, #tpu.memory_space<vmem>> -> memref<1x64x128xf32, #tpu.memory_space<vmem>>
    %gather3A_961 = tpu.memref_squeeze %gather3A_960 : memref<1x64x128xf32, #tpu.memory_space<vmem>> -> memref<64x128xf32, #tpu.memory_space<vmem>>
    %gather3A_962 = tpu.vector_load_idx %gather3A_961[%add3A_956, %broadcast_in_dim3A_933] : memref<64x128xf32, #tpu.memory_space<vmem>>[vector<16xi32>, vector<16xi32>], vector<16xf32>,
    tpu.vector_store_idx %arg7[%add3A_956, %broadcast_in_dim3A_935], %gather3A_962 : memref<64x512xf32, #tpu.memory_space<vmem>>[vector<16xi32>, vector<16xi32>], vector<16xf32>,
    %add3A_963 = arith.constant 48 : i32
    %add3A_964 = vector.broadcast %add3A_963 : i32 to vector<16xi32>
    %add3A_965 = arith.addi %iota3A, %add3A_964 : vector<16xi32>
    %gather3A_966 = arith.constant 9 : i32
    %gather3A_967 = arith.constant 0 : i32
    %gather3A_968 = arith.constant 0 : i32
    %gather3A_969 = tpu.memref_slice %arg6[%gather3A_966, %gather3A_967, %gather3A_968] : memref<11x64x128xf32, #tpu.memory_space<vmem>> -> memref<1x64x128xf32, #tpu.memory_space<vmem>>
    %gather3A_970 = tpu.memref_squeeze %gather3A_969 : memref<1x64x128xf32, #tpu.memory_space<vmem>> -> memref<64x128xf32, #tpu.memory_space<vmem>>
    %gather3A_971 = tpu.vector_load_idx %gather3A_970[%add3A_965, %broadcast_in_dim3A_933] : memref<64x128xf32, #tpu.memory_space<vmem>>[vector<16xi32>, vector<16xi32>], vector<16xf32>,
    tpu.vector_store_idx %arg7[%add3A_965, %broadcast_in_dim3A_935], %gather3A_971 : memref<64x512xf32, #tpu.memory_space<vmem>>[vector<16xi32>, vector<16xi32>], vector<16xf32>,
    %dma_wait3A_972 = arith.constant 10 : i32
    %dma_wait3A_973 = arith.constant 0 : i32
    %dma_wait3A_974 = arith.constant 0 : i32
    %dma_wait3A_975 = tpu.memref_slice %arg6[%dma_wait3A_972, %dma_wait3A_973, %dma_wait3A_974] : memref<11x64x128xf32, #tpu.memory_space<vmem>> -> memref<1x64x128xf32, #tpu.memory_space<vmem>>
    %dma_wait3A_976 = tpu.memref_squeeze %dma_wait3A_975 : memref<1x64x128xf32, #tpu.memory_space<vmem>> -> memref<64x128xf32, #tpu.memory_space<vmem>>
    %dma_wait3A_977 = arith.constant 0 : i32
    %dma_wait3A_978 = arith.constant 0 : i32
    %dma_wait3A_979 = tpu.memref_slice %arg2[%dma_wait3A_977, %dma_wait3A_978] : memref<64x1000000xf32, #tpu.memory_space<hbm>> -> memref<64x128xf32, #tpu.memory_space<hbm>>
    %dma_wait3A_980 = arith.constant 0 : i32
    %dma_wait3A_981 = arith.constant 0 : i32
    %dma_wait3A_982 = tpu.memref_slice %arg6[%dma_wait3A_972, %dma_wait3A_980, %dma_wait3A_981] : memref<11x64x128xf32, #tpu.memory_space<vmem>> -> memref<1x64x128xf32, #tpu.memory_space<vmem>>
    %dma_wait3A_983 = tpu.memref_squeeze %dma_wait3A_982 : memref<1x64x128xf32, #tpu.memory_space<vmem>> -> memref<64x128xf32, #tpu.memory_space<vmem>>
    %dma_wait3A_984 = arith.constant 0 : i32
    %dma_wait3A_985 = arith.constant 0 : i32
    %dma_wait3A_986 = tpu.memref_slice %arg2[%dma_wait3A_984, %dma_wait3A_985] : memref<64x1000000xf32, #tpu.memory_space<hbm>> -> memref<64x128xf32, #tpu.memory_space<hbm>>
    tpu.wait_dma2 semaphore(%arg18 : memref<!tpu.dma_semaphore, #tpu.memory_space<semaphore_mem>>) src(%dma_wait3A_986 : memref<64x128xf32, #tpu.memory_space<hbm>>) dst(%dma_wait3A_983 : memref<64x128xf32, #tpu.memory_space<vmem>>)
    %get3A_987 = arith.constant 505 : index
    %get3A_988 = tpu.vector_load %arg5[%get3A_987] {strides = array<i32>} : memref<528xi32, #tpu.memory_space<vmem>>, vector<16xi32>,
    %slice3A_989 = vector.extract_strided_slice %get3A_988 {offsets = [0], sizes = [1], strides = [1]} : vector<16xi32> to vector<1xi32>
    %squeeze3A_990 = vector.extract %slice3A_989[0] : i32 from vector<1xi32>
    %and3A_991 = arith.constant 127 : i32
    %and3A_992 = arith.andi %squeeze3A_990, %and3A_991 : i32
    %broadcast_in_dim3A_993 = vector.broadcast %and3A_992 : i32 to vector<16xi32>
    %broadcast_in_dim3A_994 = arith.constant 505 : i32
    %broadcast_in_dim3A_995 = vector.broadcast %broadcast_in_dim3A_994 : i32 to vector<16xi32>
    %add3A_996 = arith.constant 0 : i32
    %add3A_997 = vector.broadcast %add3A_996 : i32 to vector<16xi32>
    %add3A_998 = arith.addi %iota3A, %add3A_997 : vector<16xi32>
    %gather3A_999 = arith.constant 10 : i32
    %gather3A_1000 = arith.constant 0 : i32
    %gather3A_1001 = arith.constant 0 : i32
    %gather3A_1002 = tpu.memref_slice %arg6[%gather3A_999, %gather3A_1000, %gather3A_1001] : memref<11x64x128xf32, #tpu.memory_space<vmem>> -> memref<1x64x128xf32, #tpu.memory_space<vmem>>
    %gather3A_1003 = tpu.memref_squeeze %gather3A_1002 : memref<1x64x128xf32, #tpu.memory_space<vmem>> -> memref<64x128xf32, #tpu.memory_space<vmem>>
    %gather3A_1004 = tpu.vector_load_idx %gather3A_1003[%add3A_998, %broadcast_in_dim3A_993] : memref<64x128xf32, #tpu.memory_space<vmem>>[vector<16xi32>, vector<16xi32>], vector<16xf32>,
    tpu.vector_store_idx %arg7[%add3A_998, %broadcast_in_dim3A_995], %gather3A_1004 : memref<64x512xf32, #tpu.memory_space<vmem>>[vector<16xi32>, vector<16xi32>], vector<16xf32>,
    %add3A_1005 = arith.constant 16 : i32
    %add3A_1006 = vector.broadcast %add3A_1005 : i32 to vector<16xi32>
    %add3A_1007 = arith.addi %iota3A, %add3A_1006 : vector<16xi32>
    %gather3A_1008 = arith.constant 10 : i32
    %gather3A_1009 = arith.constant 0 : i32
    %gather3A_1010 = arith.constant 0 : i32
    %gather3A_1011 = tpu.memref_slice %arg6[%gather3A_1008, %gather3A_1009, %gather3A_1010] : memref<11x64x128xf32, #tpu.memory_space<vmem>> -> memref<1x64x128xf32, #tpu.memory_space<vmem>>
    %gather3A_1012 = tpu.memref_squeeze %gather3A_1011 : memref<1x64x128xf32, #tpu.memory_space<vmem>> -> memref<64x128xf32, #tpu.memory_space<vmem>>
    %gather3A_1013 = tpu.vector_load_idx %gather3A_1012[%add3A_1007, %broadcast_in_dim3A_993] : memref<64x128xf32, #tpu.memory_space<vmem>>[vector<16xi32>, vector<16xi32>], vector<16xf32>,
    tpu.vector_store_idx %arg7[%add3A_1007, %broadcast_in_dim3A_995], %gather3A_1013 : memref<64x512xf32, #tpu.memory_space<vmem>>[vector<16xi32>, vector<16xi32>], vector<16xf32>,
    %add3A_1014 = arith.constant 32 : i32
    %add3A_1015 = vector.broadcast %add3A_1014 : i32 to vector<16xi32>
    %add3A_1016 = arith.addi %iota3A, %add3A_1015 : vector<16xi32>
    %gather3A_1017 = arith.constant 10 : i32
    %gather3A_1018 = arith.constant 0 : i32
    %gather3A_1019 = arith.constant 0 : i32
    %gather3A_1020 = tpu.memref_slice %arg6[%gather3A_1017, %gather3A_1018, %gather3A_1019] : memref<11x64x128xf32, #tpu.memory_space<vmem>> -> memref<1x64x128xf32, #tpu.memory_space<vmem>>
    %gather3A_1021 = tpu.memref_squeeze %gather3A_1020 : memref<1x64x128xf32, #tpu.memory_space<vmem>> -> memref<64x128xf32, #tpu.memory_space<vmem>>
    %gather3A_1022 = tpu.vector_load_idx %gather3A_1021[%add3A_1016, %broadcast_in_dim3A_993] : memref<64x128xf32, #tpu.memory_space<vmem>>[vector<16xi32>, vector<16xi32>], vector<16xf32>,
    tpu.vector_store_idx %arg7[%add3A_1016, %broadcast_in_dim3A_995], %gather3A_1022 : memref<64x512xf32, #tpu.memory_space<vmem>>[vector<16xi32>, vector<16xi32>], vector<16xf32>,
    %add3A_1023 = arith.constant 48 : i32
    %add3A_1024 = vector.broadcast %add3A_1023 : i32 to vector<16xi32>
    %add3A_1025 = arith.addi %iota3A, %add3A_1024 : vector<16xi32>
    %gather3A_1026 = arith.constant 10 : i32
    %gather3A_1027 = arith.constant 0 : i32
    %gather3A_1028 = arith.constant 0 : i32
    %gather3A_1029 = tpu.memref_slice %arg6[%gather3A_1026, %gather3A_1027, %gather3A_1028] : memref<11x64x128xf32, #tpu.memory_space<vmem>> -> memref<1x64x128xf32, #tpu.memory_space<vmem>>
    %gather3A_1030 = tpu.memref_squeeze %gather3A_1029 : memref<1x64x128xf32, #tpu.memory_space<vmem>> -> memref<64x128xf32, #tpu.memory_space<vmem>>
    %gather3A_1031 = tpu.vector_load_idx %gather3A_1030[%add3A_1025, %broadcast_in_dim3A_993] : memref<64x128xf32, #tpu.memory_space<vmem>>[vector<16xi32>, vector<16xi32>], vector<16xf32>,
    tpu.vector_store_idx %arg7[%add3A_1025, %broadcast_in_dim3A_995], %gather3A_1031 : memref<64x512xf32, #tpu.memory_space<vmem>>[vector<16xi32>, vector<16xi32>], vector<16xf32>,
    %dma_wait3A_1032 = arith.constant 0 : i32
    %dma_wait3A_1033 = arith.constant 0 : i32
    %dma_wait3A_1034 = arith.constant 0 : i32
    %dma_wait3A_1035 = tpu.memref_slice %arg6[%dma_wait3A_1032, %dma_wait3A_1033, %dma_wait3A_1034] : memref<11x64x128xf32, #tpu.memory_space<vmem>> -> memref<1x64x128xf32, #tpu.memory_space<vmem>>
    %dma_wait3A_1036 = tpu.memref_squeeze %dma_wait3A_1035 : memref<1x64x128xf32, #tpu.memory_space<vmem>> -> memref<64x128xf32, #tpu.memory_space<vmem>>
    %dma_wait3A_1037 = arith.constant 0 : i32
    %dma_wait3A_1038 = arith.constant 0 : i32
    %dma_wait3A_1039 = tpu.memref_slice %arg2[%dma_wait3A_1037, %dma_wait3A_1038] : memref<64x1000000xf32, #tpu.memory_space<hbm>> -> memref<64x128xf32, #tpu.memory_space<hbm>>
    %dma_wait3A_1040 = arith.constant 0 : i32
    %dma_wait3A_1041 = arith.constant 0 : i32
    %dma_wait3A_1042 = tpu.memref_slice %arg6[%dma_wait3A_1032, %dma_wait3A_1040, %dma_wait3A_1041] : memref<11x64x128xf32, #tpu.memory_space<vmem>> -> memref<1x64x128xf32, #tpu.memory_space<vmem>>
    %dma_wait3A_1043 = tpu.memref_squeeze %dma_wait3A_1042 : memref<1x64x128xf32, #tpu.memory_space<vmem>> -> memref<64x128xf32, #tpu.memory_space<vmem>>
    %dma_wait3A_1044 = arith.constant 0 : i32
    %dma_wait3A_1045 = arith.constant 0 : i32
    %dma_wait3A_1046 = tpu.memref_slice %arg2[%dma_wait3A_1044, %dma_wait3A_1045] : memref<64x1000000xf32, #tpu.memory_space<hbm>> -> memref<64x128xf32, #tpu.memory_space<hbm>>
    tpu.wait_dma2 semaphore(%arg8 : memref<!tpu.dma_semaphore, #tpu.memory_space<semaphore_mem>>) src(%dma_wait3A_1046 : memref<64x128xf32, #tpu.memory_space<hbm>>) dst(%dma_wait3A_1043 : memref<64x128xf32, #tpu.memory_space<vmem>>)
    %get3A_1047 = arith.constant 506 : index
    %get3A_1048 = tpu.vector_load %arg5[%get3A_1047] {strides = array<i32>} : memref<528xi32, #tpu.memory_space<vmem>>, vector<16xi32>,
    %slice3A_1049 = vector.extract_strided_slice %get3A_1048 {offsets = [0], sizes = [1], strides = [1]} : vector<16xi32> to vector<1xi32>
    %squeeze3A_1050 = vector.extract %slice3A_1049[0] : i32 from vector<1xi32>
    %and3A_1051 = arith.constant 127 : i32
    %and3A_1052 = arith.andi %squeeze3A_1050, %and3A_1051 : i32
    %broadcast_in_dim3A_1053 = vector.broadcast %and3A_1052 : i32 to vector<16xi32>
    %broadcast_in_dim3A_1054 = arith.constant 506 : i32
    %broadcast_in_dim3A_1055 = vector.broadcast %broadcast_in_dim3A_1054 : i32 to vector<16xi32>
    %add3A_1056 = arith.constant 0 : i32
    %add3A_1057 = vector.broadcast %add3A_1056 : i32 to vector<16xi32>
    %add3A_1058 = arith.addi %iota3A, %add3A_1057 : vector<16xi32>
    %gather3A_1059 = arith.constant 0 : i32
    %gather3A_1060 = arith.constant 0 : i32
    %gather3A_1061 = arith.constant 0 : i32
    %gather3A_1062 = tpu.memref_slice %arg6[%gather3A_1059, %gather3A_1060, %gather3A_1061] : memref<11x64x128xf32, #tpu.memory_space<vmem>> -> memref<1x64x128xf32, #tpu.memory_space<vmem>>
    %gather3A_1063 = tpu.memref_squeeze %gather3A_1062 : memref<1x64x128xf32, #tpu.memory_space<vmem>> -> memref<64x128xf32, #tpu.memory_space<vmem>>
    %gather3A_1064 = tpu.vector_load_idx %gather3A_1063[%add3A_1058, %broadcast_in_dim3A_1053] : memref<64x128xf32, #tpu.memory_space<vmem>>[vector<16xi32>, vector<16xi32>], vector<16xf32>,
    tpu.vector_store_idx %arg7[%add3A_1058, %broadcast_in_dim3A_1055], %gather3A_1064 : memref<64x512xf32, #tpu.memory_space<vmem>>[vector<16xi32>, vector<16xi32>], vector<16xf32>,
    %add3A_1065 = arith.constant 16 : i32
    %add3A_1066 = vector.broadcast %add3A_1065 : i32 to vector<16xi32>
    %add3A_1067 = arith.addi %iota3A, %add3A_1066 : vector<16xi32>
    %gather3A_1068 = arith.constant 0 : i32
    %gather3A_1069 = arith.constant 0 : i32
    %gather3A_1070 = arith.constant 0 : i32
    %gather3A_1071 = tpu.memref_slice %arg6[%gather3A_1068, %gather3A_1069, %gather3A_1070] : memref<11x64x128xf32, #tpu.memory_space<vmem>> -> memref<1x64x128xf32, #tpu.memory_space<vmem>>
    %gather3A_1072 = tpu.memref_squeeze %gather3A_1071 : memref<1x64x128xf32, #tpu.memory_space<vmem>> -> memref<64x128xf32, #tpu.memory_space<vmem>>
    %gather3A_1073 = tpu.vector_load_idx %gather3A_1072[%add3A_1067, %broadcast_in_dim3A_1053] : memref<64x128xf32, #tpu.memory_space<vmem>>[vector<16xi32>, vector<16xi32>], vector<16xf32>,
    tpu.vector_store_idx %arg7[%add3A_1067, %broadcast_in_dim3A_1055], %gather3A_1073 : memref<64x512xf32, #tpu.memory_space<vmem>>[vector<16xi32>, vector<16xi32>], vector<16xf32>,
    %add3A_1074 = arith.constant 32 : i32
    %add3A_1075 = vector.broadcast %add3A_1074 : i32 to vector<16xi32>
    %add3A_1076 = arith.addi %iota3A, %add3A_1075 : vector<16xi32>
    %gather3A_1077 = arith.constant 0 : i32
    %gather3A_1078 = arith.constant 0 : i32
    %gather3A_1079 = arith.constant 0 : i32
    %gather3A_1080 = tpu.memref_slice %arg6[%gather3A_1077, %gather3A_1078, %gather3A_1079] : memref<11x64x128xf32, #tpu.memory_space<vmem>> -> memref<1x64x128xf32, #tpu.memory_space<vmem>>
    %gather3A_1081 = tpu.memref_squeeze %gather3A_1080 : memref<1x64x128xf32, #tpu.memory_space<vmem>> -> memref<64x128xf32, #tpu.memory_space<vmem>>
    %gather3A_1082 = tpu.vector_load_idx %gather3A_1081[%add3A_1076, %broadcast_in_dim3A_1053] : memref<64x128xf32, #tpu.memory_space<vmem>>[vector<16xi32>, vector<16xi32>], vector<16xf32>,
    tpu.vector_store_idx %arg7[%add3A_1076, %broadcast_in_dim3A_1055], %gather3A_1082 : memref<64x512xf32, #tpu.memory_space<vmem>>[vector<16xi32>, vector<16xi32>], vector<16xf32>,
    %add3A_1083 = arith.constant 48 : i32
    %add3A_1084 = vector.broadcast %add3A_1083 : i32 to vector<16xi32>
    %add3A_1085 = arith.addi %iota3A, %add3A_1084 : vector<16xi32>
    %gather3A_1086 = arith.constant 0 : i32
    %gather3A_1087 = arith.constant 0 : i32
    %gather3A_1088 = arith.constant 0 : i32
    %gather3A_1089 = tpu.memref_slice %arg6[%gather3A_1086, %gather3A_1087, %gather3A_1088] : memref<11x64x128xf32, #tpu.memory_space<vmem>> -> memref<1x64x128xf32, #tpu.memory_space<vmem>>
    %gather3A_1090 = tpu.memref_squeeze %gather3A_1089 : memref<1x64x128xf32, #tpu.memory_space<vmem>> -> memref<64x128xf32, #tpu.memory_space<vmem>>
    %gather3A_1091 = tpu.vector_load_idx %gather3A_1090[%add3A_1085, %broadcast_in_dim3A_1053] : memref<64x128xf32, #tpu.memory_space<vmem>>[vector<16xi32>, vector<16xi32>], vector<16xf32>,
    tpu.vector_store_idx %arg7[%add3A_1085, %broadcast_in_dim3A_1055], %gather3A_1091 : memref<64x512xf32, #tpu.memory_space<vmem>>[vector<16xi32>, vector<16xi32>], vector<16xf32>,
    %dma_wait3A_1092 = arith.constant 1 : i32
    %dma_wait3A_1093 = arith.constant 0 : i32
    %dma_wait3A_1094 = arith.constant 0 : i32
    %dma_wait3A_1095 = tpu.memref_slice %arg6[%dma_wait3A_1092, %dma_wait3A_1093, %dma_wait3A_1094] : memref<11x64x128xf32, #tpu.memory_space<vmem>> -> memref<1x64x128xf32, #tpu.memory_space<vmem>>
    %dma_wait3A_1096 = tpu.memref_squeeze %dma_wait3A_1095 : memref<1x64x128xf32, #tpu.memory_space<vmem>> -> memref<64x128xf32, #tpu.memory_space<vmem>>
    %dma_wait3A_1097 = arith.constant 0 : i32
    %dma_wait3A_1098 = arith.constant 0 : i32
    %dma_wait3A_1099 = tpu.memref_slice %arg2[%dma_wait3A_1097, %dma_wait3A_1098] : memref<64x1000000xf32, #tpu.memory_space<hbm>> -> memref<64x128xf32, #tpu.memory_space<hbm>>
    %dma_wait3A_1100 = arith.constant 0 : i32
    %dma_wait3A_1101 = arith.constant 0 : i32
    %dma_wait3A_1102 = tpu.memref_slice %arg6[%dma_wait3A_1092, %dma_wait3A_1100, %dma_wait3A_1101] : memref<11x64x128xf32, #tpu.memory_space<vmem>> -> memref<1x64x128xf32, #tpu.memory_space<vmem>>
    %dma_wait3A_1103 = tpu.memref_squeeze %dma_wait3A_1102 : memref<1x64x128xf32, #tpu.memory_space<vmem>> -> memref<64x128xf32, #tpu.memory_space<vmem>>
    %dma_wait3A_1104 = arith.constant 0 : i32
    %dma_wait3A_1105 = arith.constant 0 : i32
    %dma_wait3A_1106 = tpu.memref_slice %arg2[%dma_wait3A_1104, %dma_wait3A_1105] : memref<64x1000000xf32, #tpu.memory_space<hbm>> -> memref<64x128xf32, #tpu.memory_space<hbm>>
    tpu.wait_dma2 semaphore(%arg9 : memref<!tpu.dma_semaphore, #tpu.memory_space<semaphore_mem>>) src(%dma_wait3A_1106 : memref<64x128xf32, #tpu.memory_space<hbm>>) dst(%dma_wait3A_1103 : memref<64x128xf32, #tpu.memory_space<vmem>>)
    %get3A_1107 = arith.constant 507 : index
    %get3A_1108 = tpu.vector_load %arg5[%get3A_1107] {strides = array<i32>} : memref<528xi32, #tpu.memory_space<vmem>>, vector<16xi32>,
    %slice3A_1109 = vector.extract_strided_slice %get3A_1108 {offsets = [0], sizes = [1], strides = [1]} : vector<16xi32> to vector<1xi32>
    %squeeze3A_1110 = vector.extract %slice3A_1109[0] : i32 from vector<1xi32>
    %and3A_1111 = arith.constant 127 : i32
    %and3A_1112 = arith.andi %squeeze3A_1110, %and3A_1111 : i32
    %broadcast_in_dim3A_1113 = vector.broadcast %and3A_1112 : i32 to vector<16xi32>
    %broadcast_in_dim3A_1114 = arith.constant 507 : i32
    %broadcast_in_dim3A_1115 = vector.broadcast %broadcast_in_dim3A_1114 : i32 to vector<16xi32>
    %add3A_1116 = arith.constant 0 : i32
    %add3A_1117 = vector.broadcast %add3A_1116 : i32 to vector<16xi32>
    %add3A_1118 = arith.addi %iota3A, %add3A_1117 : vector<16xi32>
    %gather3A_1119 = arith.constant 1 : i32
    %gather3A_1120 = arith.constant 0 : i32
    %gather3A_1121 = arith.constant 0 : i32
    %gather3A_1122 = tpu.memref_slice %arg6[%gather3A_1119, %gather3A_1120, %gather3A_1121] : memref<11x64x128xf32, #tpu.memory_space<vmem>> -> memref<1x64x128xf32, #tpu.memory_space<vmem>>
    %gather3A_1123 = tpu.memref_squeeze %gather3A_1122 : memref<1x64x128xf32, #tpu.memory_space<vmem>> -> memref<64x128xf32, #tpu.memory_space<vmem>>
    %gather3A_1124 = tpu.vector_load_idx %gather3A_1123[%add3A_1118, %broadcast_in_dim3A_1113] : memref<64x128xf32, #tpu.memory_space<vmem>>[vector<16xi32>, vector<16xi32>], vector<16xf32>,
    tpu.vector_store_idx %arg7[%add3A_1118, %broadcast_in_dim3A_1115], %gather3A_1124 : memref<64x512xf32, #tpu.memory_space<vmem>>[vector<16xi32>, vector<16xi32>], vector<16xf32>,
    %add3A_1125 = arith.constant 16 : i32
    %add3A_1126 = vector.broadcast %add3A_1125 : i32 to vector<16xi32>
    %add3A_1127 = arith.addi %iota3A, %add3A_1126 : vector<16xi32>
    %gather3A_1128 = arith.constant 1 : i32
    %gather3A_1129 = arith.constant 0 : i32
    %gather3A_1130 = arith.constant 0 : i32
    %gather3A_1131 = tpu.memref_slice %arg6[%gather3A_1128, %gather3A_1129, %gather3A_1130] : memref<11x64x128xf32, #tpu.memory_space<vmem>> -> memref<1x64x128xf32, #tpu.memory_space<vmem>>
    %gather3A_1132 = tpu.memref_squeeze %gather3A_1131 : memref<1x64x128xf32, #tpu.memory_space<vmem>> -> memref<64x128xf32, #tpu.memory_space<vmem>>
    %gather3A_1133 = tpu.vector_load_idx %gather3A_1132[%add3A_1127, %broadcast_in_dim3A_1113] : memref<64x128xf32, #tpu.memory_space<vmem>>[vector<16xi32>, vector<16xi32>], vector<16xf32>,
    tpu.vector_store_idx %arg7[%add3A_1127, %broadcast_in_dim3A_1115], %gather3A_1133 : memref<64x512xf32, #tpu.memory_space<vmem>>[vector<16xi32>, vector<16xi32>], vector<16xf32>,
    %add3A_1134 = arith.constant 32 : i32
    %add3A_1135 = vector.broadcast %add3A_1134 : i32 to vector<16xi32>
    %add3A_1136 = arith.addi %iota3A, %add3A_1135 : vector<16xi32>
    %gather3A_1137 = arith.constant 1 : i32
    %gather3A_1138 = arith.constant 0 : i32
    %gather3A_1139 = arith.constant 0 : i32
    %gather3A_1140 = tpu.memref_slice %arg6[%gather3A_1137, %gather3A_1138, %gather3A_1139] : memref<11x64x128xf32, #tpu.memory_space<vmem>> -> memref<1x64x128xf32, #tpu.memory_space<vmem>>
    %gather3A_1141 = tpu.memref_squeeze %gather3A_1140 : memref<1x64x128xf32, #tpu.memory_space<vmem>> -> memref<64x128xf32, #tpu.memory_space<vmem>>
    %gather3A_1142 = tpu.vector_load_idx %gather3A_1141[%add3A_1136, %broadcast_in_dim3A_1113] : memref<64x128xf32, #tpu.memory_space<vmem>>[vector<16xi32>, vector<16xi32>], vector<16xf32>,
    tpu.vector_store_idx %arg7[%add3A_1136, %broadcast_in_dim3A_1115], %gather3A_1142 : memref<64x512xf32, #tpu.memory_space<vmem>>[vector<16xi32>, vector<16xi32>], vector<16xf32>,
    %add3A_1143 = arith.constant 48 : i32
    %add3A_1144 = vector.broadcast %add3A_1143 : i32 to vector<16xi32>
    %add3A_1145 = arith.addi %iota3A, %add3A_1144 : vector<16xi32>
    %gather3A_1146 = arith.constant 1 : i32
    %gather3A_1147 = arith.constant 0 : i32
    %gather3A_1148 = arith.constant 0 : i32
    %gather3A_1149 = tpu.memref_slice %arg6[%gather3A_1146, %gather3A_1147, %gather3A_1148] : memref<11x64x128xf32, #tpu.memory_space<vmem>> -> memref<1x64x128xf32, #tpu.memory_space<vmem>>
    %gather3A_1150 = tpu.memref_squeeze %gather3A_1149 : memref<1x64x128xf32, #tpu.memory_space<vmem>> -> memref<64x128xf32, #tpu.memory_space<vmem>>
    %gather3A_1151 = tpu.vector_load_idx %gather3A_1150[%add3A_1145, %broadcast_in_dim3A_1113] : memref<64x128xf32, #tpu.memory_space<vmem>>[vector<16xi32>, vector<16xi32>], vector<16xf32>,
    tpu.vector_store_idx %arg7[%add3A_1145, %broadcast_in_dim3A_1115], %gather3A_1151 : memref<64x512xf32, #tpu.memory_space<vmem>>[vector<16xi32>, vector<16xi32>], vector<16xf32>,
    %dma_wait3A_1152 = arith.constant 2 : i32
    %dma_wait3A_1153 = arith.constant 0 : i32
    %dma_wait3A_1154 = arith.constant 0 : i32
    %dma_wait3A_1155 = tpu.memref_slice %arg6[%dma_wait3A_1152, %dma_wait3A_1153, %dma_wait3A_1154] : memref<11x64x128xf32, #tpu.memory_space<vmem>> -> memref<1x64x128xf32, #tpu.memory_space<vmem>>
    %dma_wait3A_1156 = tpu.memref_squeeze %dma_wait3A_1155 : memref<1x64x128xf32, #tpu.memory_space<vmem>> -> memref<64x128xf32, #tpu.memory_space<vmem>>
    %dma_wait3A_1157 = arith.constant 0 : i32
    %dma_wait3A_1158 = arith.constant 0 : i32
    %dma_wait3A_1159 = tpu.memref_slice %arg2[%dma_wait3A_1157, %dma_wait3A_1158] : memref<64x1000000xf32, #tpu.memory_space<hbm>> -> memref<64x128xf32, #tpu.memory_space<hbm>>
    %dma_wait3A_1160 = arith.constant 0 : i32
    %dma_wait3A_1161 = arith.constant 0 : i32
    %dma_wait3A_1162 = tpu.memref_slice %arg6[%dma_wait3A_1152, %dma_wait3A_1160, %dma_wait3A_1161] : memref<11x64x128xf32, #tpu.memory_space<vmem>> -> memref<1x64x128xf32, #tpu.memory_space<vmem>>
    %dma_wait3A_1163 = tpu.memref_squeeze %dma_wait3A_1162 : memref<1x64x128xf32, #tpu.memory_space<vmem>> -> memref<64x128xf32, #tpu.memory_space<vmem>>
    %dma_wait3A_1164 = arith.constant 0 : i32
    %dma_wait3A_1165 = arith.constant 0 : i32
    %dma_wait3A_1166 = tpu.memref_slice %arg2[%dma_wait3A_1164, %dma_wait3A_1165] : memref<64x1000000xf32, #tpu.memory_space<hbm>> -> memref<64x128xf32, #tpu.memory_space<hbm>>
    tpu.wait_dma2 semaphore(%arg10 : memref<!tpu.dma_semaphore, #tpu.memory_space<semaphore_mem>>) src(%dma_wait3A_1166 : memref<64x128xf32, #tpu.memory_space<hbm>>) dst(%dma_wait3A_1163 : memref<64x128xf32, #tpu.memory_space<vmem>>)
    %get3A_1167 = arith.constant 508 : index
    %get3A_1168 = tpu.vector_load %arg5[%get3A_1167] {strides = array<i32>} : memref<528xi32, #tpu.memory_space<vmem>>, vector<16xi32>,
    %slice3A_1169 = vector.extract_strided_slice %get3A_1168 {offsets = [0], sizes = [1], strides = [1]} : vector<16xi32> to vector<1xi32>
    %squeeze3A_1170 = vector.extract %slice3A_1169[0] : i32 from vector<1xi32>
    %and3A_1171 = arith.constant 127 : i32
    %and3A_1172 = arith.andi %squeeze3A_1170, %and3A_1171 : i32
    %broadcast_in_dim3A_1173 = vector.broadcast %and3A_1172 : i32 to vector<16xi32>
    %broadcast_in_dim3A_1174 = arith.constant 508 : i32
    %broadcast_in_dim3A_1175 = vector.broadcast %broadcast_in_dim3A_1174 : i32 to vector<16xi32>
    %add3A_1176 = arith.constant 0 : i32
    %add3A_1177 = vector.broadcast %add3A_1176 : i32 to vector<16xi32>
    %add3A_1178 = arith.addi %iota3A, %add3A_1177 : vector<16xi32>
    %gather3A_1179 = arith.constant 2 : i32
    %gather3A_1180 = arith.constant 0 : i32
    %gather3A_1181 = arith.constant 0 : i32
    %gather3A_1182 = tpu.memref_slice %arg6[%gather3A_1179, %gather3A_1180, %gather3A_1181] : memref<11x64x128xf32, #tpu.memory_space<vmem>> -> memref<1x64x128xf32, #tpu.memory_space<vmem>>
    %gather3A_1183 = tpu.memref_squeeze %gather3A_1182 : memref<1x64x128xf32, #tpu.memory_space<vmem>> -> memref<64x128xf32, #tpu.memory_space<vmem>>
    %gather3A_1184 = tpu.vector_load_idx %gather3A_1183[%add3A_1178, %broadcast_in_dim3A_1173] : memref<64x128xf32, #tpu.memory_space<vmem>>[vector<16xi32>, vector<16xi32>], vector<16xf32>,
    tpu.vector_store_idx %arg7[%add3A_1178, %broadcast_in_dim3A_1175], %gather3A_1184 : memref<64x512xf32, #tpu.memory_space<vmem>>[vector<16xi32>, vector<16xi32>], vector<16xf32>,
    %add3A_1185 = arith.constant 16 : i32
    %add3A_1186 = vector.broadcast %add3A_1185 : i32 to vector<16xi32>
    %add3A_1187 = arith.addi %iota3A, %add3A_1186 : vector<16xi32>
    %gather3A_1188 = arith.constant 2 : i32
    %gather3A_1189 = arith.constant 0 : i32
    %gather3A_1190 = arith.constant 0 : i32
    %gather3A_1191 = tpu.memref_slice %arg6[%gather3A_1188, %gather3A_1189, %gather3A_1190] : memref<11x64x128xf32, #tpu.memory_space<vmem>> -> memref<1x64x128xf32, #tpu.memory_space<vmem>>
    %gather3A_1192 = tpu.memref_squeeze %gather3A_1191 : memref<1x64x128xf32, #tpu.memory_space<vmem>> -> memref<64x128xf32, #tpu.memory_space<vmem>>
    %gather3A_1193 = tpu.vector_load_idx %gather3A_1192[%add3A_1187, %broadcast_in_dim3A_1173] : memref<64x128xf32, #tpu.memory_space<vmem>>[vector<16xi32>, vector<16xi32>], vector<16xf32>,
    tpu.vector_store_idx %arg7[%add3A_1187, %broadcast_in_dim3A_1175], %gather3A_1193 : memref<64x512xf32, #tpu.memory_space<vmem>>[vector<16xi32>, vector<16xi32>], vector<16xf32>,
    %add3A_1194 = arith.constant 32 : i32
    %add3A_1195 = vector.broadcast %add3A_1194 : i32 to vector<16xi32>
    %add3A_1196 = arith.addi %iota3A, %add3A_1195 : vector<16xi32>
    %gather3A_1197 = arith.constant 2 : i32
    %gather3A_1198 = arith.constant 0 : i32
    %gather3A_1199 = arith.constant 0 : i32
    %gather3A_1200 = tpu.memref_slice %arg6[%gather3A_1197, %gather3A_1198, %gather3A_1199] : memref<11x64x128xf32, #tpu.memory_space<vmem>> -> memref<1x64x128xf32, #tpu.memory_space<vmem>>
    %gather3A_1201 = tpu.memref_squeeze %gather3A_1200 : memref<1x64x128xf32, #tpu.memory_space<vmem>> -> memref<64x128xf32, #tpu.memory_space<vmem>>
    %gather3A_1202 = tpu.vector_load_idx %gather3A_1201[%add3A_1196, %broadcast_in_dim3A_1173] : memref<64x128xf32, #tpu.memory_space<vmem>>[vector<16xi32>, vector<16xi32>], vector<16xf32>,
    tpu.vector_store_idx %arg7[%add3A_1196, %broadcast_in_dim3A_1175], %gather3A_1202 : memref<64x512xf32, #tpu.memory_space<vmem>>[vector<16xi32>, vector<16xi32>], vector<16xf32>,
    %add3A_1203 = arith.constant 48 : i32
    %add3A_1204 = vector.broadcast %add3A_1203 : i32 to vector<16xi32>
    %add3A_1205 = arith.addi %iota3A, %add3A_1204 : vector<16xi32>
    %gather3A_1206 = arith.constant 2 : i32
    %gather3A_1207 = arith.constant 0 : i32
    %gather3A_1208 = arith.constant 0 : i32
    %gather3A_1209 = tpu.memref_slice %arg6[%gather3A_1206, %gather3A_1207, %gather3A_1208] : memref<11x64x128xf32, #tpu.memory_space<vmem>> -> memref<1x64x128xf32, #tpu.memory_space<vmem>>
    %gather3A_1210 = tpu.memref_squeeze %gather3A_1209 : memref<1x64x128xf32, #tpu.memory_space<vmem>> -> memref<64x128xf32, #tpu.memory_space<vmem>>
    %gather3A_1211 = tpu.vector_load_idx %gather3A_1210[%add3A_1205, %broadcast_in_dim3A_1173] : memref<64x128xf32, #tpu.memory_space<vmem>>[vector<16xi32>, vector<16xi32>], vector<16xf32>,
    tpu.vector_store_idx %arg7[%add3A_1205, %broadcast_in_dim3A_1175], %gather3A_1211 : memref<64x512xf32, #tpu.memory_space<vmem>>[vector<16xi32>, vector<16xi32>], vector<16xf32>,
    %dma_wait3A_1212 = arith.constant 3 : i32
    %dma_wait3A_1213 = arith.constant 0 : i32
    %dma_wait3A_1214 = arith.constant 0 : i32
    %dma_wait3A_1215 = tpu.memref_slice %arg6[%dma_wait3A_1212, %dma_wait3A_1213, %dma_wait3A_1214] : memref<11x64x128xf32, #tpu.memory_space<vmem>> -> memref<1x64x128xf32, #tpu.memory_space<vmem>>
    %dma_wait3A_1216 = tpu.memref_squeeze %dma_wait3A_1215 : memref<1x64x128xf32, #tpu.memory_space<vmem>> -> memref<64x128xf32, #tpu.memory_space<vmem>>
    %dma_wait3A_1217 = arith.constant 0 : i32
    %dma_wait3A_1218 = arith.constant 0 : i32
    %dma_wait3A_1219 = tpu.memref_slice %arg2[%dma_wait3A_1217, %dma_wait3A_1218] : memref<64x1000000xf32, #tpu.memory_space<hbm>> -> memref<64x128xf32, #tpu.memory_space<hbm>>
    %dma_wait3A_1220 = arith.constant 0 : i32
    %dma_wait3A_1221 = arith.constant 0 : i32
    %dma_wait3A_1222 = tpu.memref_slice %arg6[%dma_wait3A_1212, %dma_wait3A_1220, %dma_wait3A_1221] : memref<11x64x128xf32, #tpu.memory_space<vmem>> -> memref<1x64x128xf32, #tpu.memory_space<vmem>>
    %dma_wait3A_1223 = tpu.memref_squeeze %dma_wait3A_1222 : memref<1x64x128xf32, #tpu.memory_space<vmem>> -> memref<64x128xf32, #tpu.memory_space<vmem>>
    %dma_wait3A_1224 = arith.constant 0 : i32
    %dma_wait3A_1225 = arith.constant 0 : i32
    %dma_wait3A_1226 = tpu.memref_slice %arg2[%dma_wait3A_1224, %dma_wait3A_1225] : memref<64x1000000xf32, #tpu.memory_space<hbm>> -> memref<64x128xf32, #tpu.memory_space<hbm>>
    tpu.wait_dma2 semaphore(%arg11 : memref<!tpu.dma_semaphore, #tpu.memory_space<semaphore_mem>>) src(%dma_wait3A_1226 : memref<64x128xf32, #tpu.memory_space<hbm>>) dst(%dma_wait3A_1223 : memref<64x128xf32, #tpu.memory_space<vmem>>)
    %get3A_1227 = arith.constant 509 : index
    %get3A_1228 = tpu.vector_load %arg5[%get3A_1227] {strides = array<i32>} : memref<528xi32, #tpu.memory_space<vmem>>, vector<16xi32>,
    %slice3A_1229 = vector.extract_strided_slice %get3A_1228 {offsets = [0], sizes = [1], strides = [1]} : vector<16xi32> to vector<1xi32>
    %squeeze3A_1230 = vector.extract %slice3A_1229[0] : i32 from vector<1xi32>
    %and3A_1231 = arith.constant 127 : i32
    %and3A_1232 = arith.andi %squeeze3A_1230, %and3A_1231 : i32
    %broadcast_in_dim3A_1233 = vector.broadcast %and3A_1232 : i32 to vector<16xi32>
    %broadcast_in_dim3A_1234 = arith.constant 509 : i32
    %broadcast_in_dim3A_1235 = vector.broadcast %broadcast_in_dim3A_1234 : i32 to vector<16xi32>
    %add3A_1236 = arith.constant 0 : i32
    %add3A_1237 = vector.broadcast %add3A_1236 : i32 to vector<16xi32>
    %add3A_1238 = arith.addi %iota3A, %add3A_1237 : vector<16xi32>
    %gather3A_1239 = arith.constant 3 : i32
    %gather3A_1240 = arith.constant 0 : i32
    %gather3A_1241 = arith.constant 0 : i32
    %gather3A_1242 = tpu.memref_slice %arg6[%gather3A_1239, %gather3A_1240, %gather3A_1241] : memref<11x64x128xf32, #tpu.memory_space<vmem>> -> memref<1x64x128xf32, #tpu.memory_space<vmem>>
    %gather3A_1243 = tpu.memref_squeeze %gather3A_1242 : memref<1x64x128xf32, #tpu.memory_space<vmem>> -> memref<64x128xf32, #tpu.memory_space<vmem>>
    %gather3A_1244 = tpu.vector_load_idx %gather3A_1243[%add3A_1238, %broadcast_in_dim3A_1233] : memref<64x128xf32, #tpu.memory_space<vmem>>[vector<16xi32>, vector<16xi32>], vector<16xf32>,
    tpu.vector_store_idx %arg7[%add3A_1238, %broadcast_in_dim3A_1235], %gather3A_1244 : memref<64x512xf32, #tpu.memory_space<vmem>>[vector<16xi32>, vector<16xi32>], vector<16xf32>,
    %add3A_1245 = arith.constant 16 : i32
    %add3A_1246 = vector.broadcast %add3A_1245 : i32 to vector<16xi32>
    %add3A_1247 = arith.addi %iota3A, %add3A_1246 : vector<16xi32>
    %gather3A_1248 = arith.constant 3 : i32
    %gather3A_1249 = arith.constant 0 : i32
    %gather3A_1250 = arith.constant 0 : i32
    %gather3A_1251 = tpu.memref_slice %arg6[%gather3A_1248, %gather3A_1249, %gather3A_1250] : memref<11x64x128xf32, #tpu.memory_space<vmem>> -> memref<1x64x128xf32, #tpu.memory_space<vmem>>
    %gather3A_1252 = tpu.memref_squeeze %gather3A_1251 : memref<1x64x128xf32, #tpu.memory_space<vmem>> -> memref<64x128xf32, #tpu.memory_space<vmem>>
    %gather3A_1253 = tpu.vector_load_idx %gather3A_1252[%add3A_1247, %broadcast_in_dim3A_1233] : memref<64x128xf32, #tpu.memory_space<vmem>>[vector<16xi32>, vector<16xi32>], vector<16xf32>,
    tpu.vector_store_idx %arg7[%add3A_1247, %broadcast_in_dim3A_1235], %gather3A_1253 : memref<64x512xf32, #tpu.memory_space<vmem>>[vector<16xi32>, vector<16xi32>], vector<16xf32>,
    %add3A_1254 = arith.constant 32 : i32
    %add3A_1255 = vector.broadcast %add3A_1254 : i32 to vector<16xi32>
    %add3A_1256 = arith.addi %iota3A, %add3A_1255 : vector<16xi32>
    %gather3A_1257 = arith.constant 3 : i32
    %gather3A_1258 = arith.constant 0 : i32
    %gather3A_1259 = arith.constant 0 : i32
    %gather3A_1260 = tpu.memref_slice %arg6[%gather3A_1257, %gather3A_1258, %gather3A_1259] : memref<11x64x128xf32, #tpu.memory_space<vmem>> -> memref<1x64x128xf32, #tpu.memory_space<vmem>>
    %gather3A_1261 = tpu.memref_squeeze %gather3A_1260 : memref<1x64x128xf32, #tpu.memory_space<vmem>> -> memref<64x128xf32, #tpu.memory_space<vmem>>
    %gather3A_1262 = tpu.vector_load_idx %gather3A_1261[%add3A_1256, %broadcast_in_dim3A_1233] : memref<64x128xf32, #tpu.memory_space<vmem>>[vector<16xi32>, vector<16xi32>], vector<16xf32>,
    tpu.vector_store_idx %arg7[%add3A_1256, %broadcast_in_dim3A_1235], %gather3A_1262 : memref<64x512xf32, #tpu.memory_space<vmem>>[vector<16xi32>, vector<16xi32>], vector<16xf32>,
    %add3A_1263 = arith.constant 48 : i32
    %add3A_1264 = vector.broadcast %add3A_1263 : i32 to vector<16xi32>
    %add3A_1265 = arith.addi %iota3A, %add3A_1264 : vector<16xi32>
    %gather3A_1266 = arith.constant 3 : i32
    %gather3A_1267 = arith.constant 0 : i32
    %gather3A_1268 = arith.constant 0 : i32
    %gather3A_1269 = tpu.memref_slice %arg6[%gather3A_1266, %gather3A_1267, %gather3A_1268] : memref<11x64x128xf32, #tpu.memory_space<vmem>> -> memref<1x64x128xf32, #tpu.memory_space<vmem>>
    %gather3A_1270 = tpu.memref_squeeze %gather3A_1269 : memref<1x64x128xf32, #tpu.memory_space<vmem>> -> memref<64x128xf32, #tpu.memory_space<vmem>>
    %gather3A_1271 = tpu.vector_load_idx %gather3A_1270[%add3A_1265, %broadcast_in_dim3A_1233] : memref<64x128xf32, #tpu.memory_space<vmem>>[vector<16xi32>, vector<16xi32>], vector<16xf32>,
    tpu.vector_store_idx %arg7[%add3A_1265, %broadcast_in_dim3A_1235], %gather3A_1271 : memref<64x512xf32, #tpu.memory_space<vmem>>[vector<16xi32>, vector<16xi32>], vector<16xf32>,
    %dma_wait3A_1272 = arith.constant 4 : i32
    %dma_wait3A_1273 = arith.constant 0 : i32
    %dma_wait3A_1274 = arith.constant 0 : i32
    %dma_wait3A_1275 = tpu.memref_slice %arg6[%dma_wait3A_1272, %dma_wait3A_1273, %dma_wait3A_1274] : memref<11x64x128xf32, #tpu.memory_space<vmem>> -> memref<1x64x128xf32, #tpu.memory_space<vmem>>
    %dma_wait3A_1276 = tpu.memref_squeeze %dma_wait3A_1275 : memref<1x64x128xf32, #tpu.memory_space<vmem>> -> memref<64x128xf32, #tpu.memory_space<vmem>>
    %dma_wait3A_1277 = arith.constant 0 : i32
    %dma_wait3A_1278 = arith.constant 0 : i32
    %dma_wait3A_1279 = tpu.memref_slice %arg2[%dma_wait3A_1277, %dma_wait3A_1278] : memref<64x1000000xf32, #tpu.memory_space<hbm>> -> memref<64x128xf32, #tpu.memory_space<hbm>>
    %dma_wait3A_1280 = arith.constant 0 : i32
    %dma_wait3A_1281 = arith.constant 0 : i32
    %dma_wait3A_1282 = tpu.memref_slice %arg6[%dma_wait3A_1272, %dma_wait3A_1280, %dma_wait3A_1281] : memref<11x64x128xf32, #tpu.memory_space<vmem>> -> memref<1x64x128xf32, #tpu.memory_space<vmem>>
    %dma_wait3A_1283 = tpu.memref_squeeze %dma_wait3A_1282 : memref<1x64x128xf32, #tpu.memory_space<vmem>> -> memref<64x128xf32, #tpu.memory_space<vmem>>
    %dma_wait3A_1284 = arith.constant 0 : i32
    %dma_wait3A_1285 = arith.constant 0 : i32
    %dma_wait3A_1286 = tpu.memref_slice %arg2[%dma_wait3A_1284, %dma_wait3A_1285] : memref<64x1000000xf32, #tpu.memory_space<hbm>> -> memref<64x128xf32, #tpu.memory_space<hbm>>
    tpu.wait_dma2 semaphore(%arg12 : memref<!tpu.dma_semaphore, #tpu.memory_space<semaphore_mem>>) src(%dma_wait3A_1286 : memref<64x128xf32, #tpu.memory_space<hbm>>) dst(%dma_wait3A_1283 : memref<64x128xf32, #tpu.memory_space<vmem>>)
    %get3A_1287 = arith.constant 510 : index
    %get3A_1288 = tpu.vector_load %arg5[%get3A_1287] {strides = array<i32>} : memref<528xi32, #tpu.memory_space<vmem>>, vector<16xi32>,
    %slice3A_1289 = vector.extract_strided_slice %get3A_1288 {offsets = [0], sizes = [1], strides = [1]} : vector<16xi32> to vector<1xi32>
    %squeeze3A_1290 = vector.extract %slice3A_1289[0] : i32 from vector<1xi32>
    %and3A_1291 = arith.constant 127 : i32
    %and3A_1292 = arith.andi %squeeze3A_1290, %and3A_1291 : i32
    %broadcast_in_dim3A_1293 = vector.broadcast %and3A_1292 : i32 to vector<16xi32>
    %broadcast_in_dim3A_1294 = arith.constant 510 : i32
    %broadcast_in_dim3A_1295 = vector.broadcast %broadcast_in_dim3A_1294 : i32 to vector<16xi32>
    %add3A_1296 = arith.constant 0 : i32
    %add3A_1297 = vector.broadcast %add3A_1296 : i32 to vector<16xi32>
    %add3A_1298 = arith.addi %iota3A, %add3A_1297 : vector<16xi32>
    %gather3A_1299 = arith.constant 4 : i32
    %gather3A_1300 = arith.constant 0 : i32
    %gather3A_1301 = arith.constant 0 : i32
    %gather3A_1302 = tpu.memref_slice %arg6[%gather3A_1299, %gather3A_1300, %gather3A_1301] : memref<11x64x128xf32, #tpu.memory_space<vmem>> -> memref<1x64x128xf32, #tpu.memory_space<vmem>>
    %gather3A_1303 = tpu.memref_squeeze %gather3A_1302 : memref<1x64x128xf32, #tpu.memory_space<vmem>> -> memref<64x128xf32, #tpu.memory_space<vmem>>
    %gather3A_1304 = tpu.vector_load_idx %gather3A_1303[%add3A_1298, %broadcast_in_dim3A_1293] : memref<64x128xf32, #tpu.memory_space<vmem>>[vector<16xi32>, vector<16xi32>], vector<16xf32>,
    tpu.vector_store_idx %arg7[%add3A_1298, %broadcast_in_dim3A_1295], %gather3A_1304 : memref<64x512xf32, #tpu.memory_space<vmem>>[vector<16xi32>, vector<16xi32>], vector<16xf32>,
    %add3A_1305 = arith.constant 16 : i32
    %add3A_1306 = vector.broadcast %add3A_1305 : i32 to vector<16xi32>
    %add3A_1307 = arith.addi %iota3A, %add3A_1306 : vector<16xi32>
    %gather3A_1308 = arith.constant 4 : i32
    %gather3A_1309 = arith.constant 0 : i32
    %gather3A_1310 = arith.constant 0 : i32
    %gather3A_1311 = tpu.memref_slice %arg6[%gather3A_1308, %gather3A_1309, %gather3A_1310] : memref<11x64x128xf32, #tpu.memory_space<vmem>> -> memref<1x64x128xf32, #tpu.memory_space<vmem>>
    %gather3A_1312 = tpu.memref_squeeze %gather3A_1311 : memref<1x64x128xf32, #tpu.memory_space<vmem>> -> memref<64x128xf32, #tpu.memory_space<vmem>>
    %gather3A_1313 = tpu.vector_load_idx %gather3A_1312[%add3A_1307, %broadcast_in_dim3A_1293] : memref<64x128xf32, #tpu.memory_space<vmem>>[vector<16xi32>, vector<16xi32>], vector<16xf32>,
    tpu.vector_store_idx %arg7[%add3A_1307, %broadcast_in_dim3A_1295], %gather3A_1313 : memref<64x512xf32, #tpu.memory_space<vmem>>[vector<16xi32>, vector<16xi32>], vector<16xf32>,
    %add3A_1314 = arith.constant 32 : i32
    %add3A_1315 = vector.broadcast %add3A_1314 : i32 to vector<16xi32>
    %add3A_1316 = arith.addi %iota3A, %add3A_1315 : vector<16xi32>
    %gather3A_1317 = arith.constant 4 : i32
    %gather3A_1318 = arith.constant 0 : i32
    %gather3A_1319 = arith.constant 0 : i32
    %gather3A_1320 = tpu.memref_slice %arg6[%gather3A_1317, %gather3A_1318, %gather3A_1319] : memref<11x64x128xf32, #tpu.memory_space<vmem>> -> memref<1x64x128xf32, #tpu.memory_space<vmem>>
    %gather3A_1321 = tpu.memref_squeeze %gather3A_1320 : memref<1x64x128xf32, #tpu.memory_space<vmem>> -> memref<64x128xf32, #tpu.memory_space<vmem>>
    %gather3A_1322 = tpu.vector_load_idx %gather3A_1321[%add3A_1316, %broadcast_in_dim3A_1293] : memref<64x128xf32, #tpu.memory_space<vmem>>[vector<16xi32>, vector<16xi32>], vector<16xf32>,
    tpu.vector_store_idx %arg7[%add3A_1316, %broadcast_in_dim3A_1295], %gather3A_1322 : memref<64x512xf32, #tpu.memory_space<vmem>>[vector<16xi32>, vector<16xi32>], vector<16xf32>,
    %add3A_1323 = arith.constant 48 : i32
    %add3A_1324 = vector.broadcast %add3A_1323 : i32 to vector<16xi32>
    %add3A_1325 = arith.addi %iota3A, %add3A_1324 : vector<16xi32>
    %gather3A_1326 = arith.constant 4 : i32
    %gather3A_1327 = arith.constant 0 : i32
    %gather3A_1328 = arith.constant 0 : i32
    %gather3A_1329 = tpu.memref_slice %arg6[%gather3A_1326, %gather3A_1327, %gather3A_1328] : memref<11x64x128xf32, #tpu.memory_space<vmem>> -> memref<1x64x128xf32, #tpu.memory_space<vmem>>
    %gather3A_1330 = tpu.memref_squeeze %gather3A_1329 : memref<1x64x128xf32, #tpu.memory_space<vmem>> -> memref<64x128xf32, #tpu.memory_space<vmem>>
    %gather3A_1331 = tpu.vector_load_idx %gather3A_1330[%add3A_1325, %broadcast_in_dim3A_1293] : memref<64x128xf32, #tpu.memory_space<vmem>>[vector<16xi32>, vector<16xi32>], vector<16xf32>,
    tpu.vector_store_idx %arg7[%add3A_1325, %broadcast_in_dim3A_1295], %gather3A_1331 : memref<64x512xf32, #tpu.memory_space<vmem>>[vector<16xi32>, vector<16xi32>], vector<16xf32>,
    %dma_wait3A_1332 = arith.constant 5 : i32
    %dma_wait3A_1333 = arith.constant 0 : i32
    %dma_wait3A_1334 = arith.constant 0 : i32
    %dma_wait3A_1335 = tpu.memref_slice %arg6[%dma_wait3A_1332, %dma_wait3A_1333, %dma_wait3A_1334] : memref<11x64x128xf32, #tpu.memory_space<vmem>> -> memref<1x64x128xf32, #tpu.memory_space<vmem>>
    %dma_wait3A_1336 = tpu.memref_squeeze %dma_wait3A_1335 : memref<1x64x128xf32, #tpu.memory_space<vmem>> -> memref<64x128xf32, #tpu.memory_space<vmem>>
    %dma_wait3A_1337 = arith.constant 0 : i32
    %dma_wait3A_1338 = arith.constant 0 : i32
    %dma_wait3A_1339 = tpu.memref_slice %arg2[%dma_wait3A_1337, %dma_wait3A_1338] : memref<64x1000000xf32, #tpu.memory_space<hbm>> -> memref<64x128xf32, #tpu.memory_space<hbm>>
    %dma_wait3A_1340 = arith.constant 0 : i32
    %dma_wait3A_1341 = arith.constant 0 : i32
    %dma_wait3A_1342 = tpu.memref_slice %arg6[%dma_wait3A_1332, %dma_wait3A_1340, %dma_wait3A_1341] : memref<11x64x128xf32, #tpu.memory_space<vmem>> -> memref<1x64x128xf32, #tpu.memory_space<vmem>>
    %dma_wait3A_1343 = tpu.memref_squeeze %dma_wait3A_1342 : memref<1x64x128xf32, #tpu.memory_space<vmem>> -> memref<64x128xf32, #tpu.memory_space<vmem>>
    %dma_wait3A_1344 = arith.constant 0 : i32
    %dma_wait3A_1345 = arith.constant 0 : i32
    %dma_wait3A_1346 = tpu.memref_slice %arg2[%dma_wait3A_1344, %dma_wait3A_1345] : memref<64x1000000xf32, #tpu.memory_space<hbm>> -> memref<64x128xf32, #tpu.memory_space<hbm>>
    tpu.wait_dma2 semaphore(%arg13 : memref<!tpu.dma_semaphore, #tpu.memory_space<semaphore_mem>>) src(%dma_wait3A_1346 : memref<64x128xf32, #tpu.memory_space<hbm>>) dst(%dma_wait3A_1343 : memref<64x128xf32, #tpu.memory_space<vmem>>)
    %get3A_1347 = arith.constant 511 : index
    %get3A_1348 = tpu.vector_load %arg5[%get3A_1347] {strides = array<i32>} : memref<528xi32, #tpu.memory_space<vmem>>, vector<16xi32>,
    %slice3A_1349 = vector.extract_strided_slice %get3A_1348 {offsets = [0], sizes = [1], strides = [1]} : vector<16xi32> to vector<1xi32>
    %squeeze3A_1350 = vector.extract %slice3A_1349[0] : i32 from vector<1xi32>
    %and3A_1351 = arith.constant 127 : i32
    %and3A_1352 = arith.andi %squeeze3A_1350, %and3A_1351 : i32
    %broadcast_in_dim3A_1353 = vector.broadcast %and3A_1352 : i32 to vector<16xi32>
    %broadcast_in_dim3A_1354 = arith.constant 511 : i32
    %broadcast_in_dim3A_1355 = vector.broadcast %broadcast_in_dim3A_1354 : i32 to vector<16xi32>
    %add3A_1356 = arith.constant 0 : i32
    %add3A_1357 = vector.broadcast %add3A_1356 : i32 to vector<16xi32>
    %add3A_1358 = arith.addi %iota3A, %add3A_1357 : vector<16xi32>
    %gather3A_1359 = arith.constant 5 : i32
    %gather3A_1360 = arith.constant 0 : i32
    %gather3A_1361 = arith.constant 0 : i32
    %gather3A_1362 = tpu.memref_slice %arg6[%gather3A_1359, %gather3A_1360, %gather3A_1361] : memref<11x64x128xf32, #tpu.memory_space<vmem>> -> memref<1x64x128xf32, #tpu.memory_space<vmem>>
    %gather3A_1363 = tpu.memref_squeeze %gather3A_1362 : memref<1x64x128xf32, #tpu.memory_space<vmem>> -> memref<64x128xf32, #tpu.memory_space<vmem>>
    %gather3A_1364 = tpu.vector_load_idx %gather3A_1363[%add3A_1358, %broadcast_in_dim3A_1353] : memref<64x128xf32, #tpu.memory_space<vmem>>[vector<16xi32>, vector<16xi32>], vector<16xf32>,
    tpu.vector_store_idx %arg7[%add3A_1358, %broadcast_in_dim3A_1355], %gather3A_1364 : memref<64x512xf32, #tpu.memory_space<vmem>>[vector<16xi32>, vector<16xi32>], vector<16xf32>,
    %add3A_1365 = arith.constant 16 : i32
    %add3A_1366 = vector.broadcast %add3A_1365 : i32 to vector<16xi32>
    %add3A_1367 = arith.addi %iota3A, %add3A_1366 : vector<16xi32>
    %gather3A_1368 = arith.constant 5 : i32
    %gather3A_1369 = arith.constant 0 : i32
    %gather3A_1370 = arith.constant 0 : i32
    %gather3A_1371 = tpu.memref_slice %arg6[%gather3A_1368, %gather3A_1369, %gather3A_1370] : memref<11x64x128xf32, #tpu.memory_space<vmem>> -> memref<1x64x128xf32, #tpu.memory_space<vmem>>
    %gather3A_1372 = tpu.memref_squeeze %gather3A_1371 : memref<1x64x128xf32, #tpu.memory_space<vmem>> -> memref<64x128xf32, #tpu.memory_space<vmem>>
    %gather3A_1373 = tpu.vector_load_idx %gather3A_1372[%add3A_1367, %broadcast_in_dim3A_1353] : memref<64x128xf32, #tpu.memory_space<vmem>>[vector<16xi32>, vector<16xi32>], vector<16xf32>,
    tpu.vector_store_idx %arg7[%add3A_1367, %broadcast_in_dim3A_1355], %gather3A_1373 : memref<64x512xf32, #tpu.memory_space<vmem>>[vector<16xi32>, vector<16xi32>], vector<16xf32>,
    %add3A_1374 = arith.constant 32 : i32
    %add3A_1375 = vector.broadcast %add3A_1374 : i32 to vector<16xi32>
    %add3A_1376 = arith.addi %iota3A, %add3A_1375 : vector<16xi32>
    %gather3A_1377 = arith.constant 5 : i32
    %gather3A_1378 = arith.constant 0 : i32
    %gather3A_1379 = arith.constant 0 : i32
    %gather3A_1380 = tpu.memref_slice %arg6[%gather3A_1377, %gather3A_1378, %gather3A_1379] : memref<11x64x128xf32, #tpu.memory_space<vmem>> -> memref<1x64x128xf32, #tpu.memory_space<vmem>>
    %gather3A_1381 = tpu.memref_squeeze %gather3A_1380 : memref<1x64x128xf32, #tpu.memory_space<vmem>> -> memref<64x128xf32, #tpu.memory_space<vmem>>
    %gather3A_1382 = tpu.vector_load_idx %gather3A_1381[%add3A_1376, %broadcast_in_dim3A_1353] : memref<64x128xf32, #tpu.memory_space<vmem>>[vector<16xi32>, vector<16xi32>], vector<16xf32>,
    tpu.vector_store_idx %arg7[%add3A_1376, %broadcast_in_dim3A_1355], %gather3A_1382 : memref<64x512xf32, #tpu.memory_space<vmem>>[vector<16xi32>, vector<16xi32>], vector<16xf32>,
    %add3A_1383 = arith.constant 48 : i32
    %add3A_1384 = vector.broadcast %add3A_1383 : i32 to vector<16xi32>
    %add3A_1385 = arith.addi %iota3A, %add3A_1384 : vector<16xi32>
    %gather3A_1386 = arith.constant 5 : i32
    %gather3A_1387 = arith.constant 0 : i32
    %gather3A_1388 = arith.constant 0 : i32
    %gather3A_1389 = tpu.memref_slice %arg6[%gather3A_1386, %gather3A_1387, %gather3A_1388] : memref<11x64x128xf32, #tpu.memory_space<vmem>> -> memref<1x64x128xf32, #tpu.memory_space<vmem>>
    %gather3A_1390 = tpu.memref_squeeze %gather3A_1389 : memref<1x64x128xf32, #tpu.memory_space<vmem>> -> memref<64x128xf32, #tpu.memory_space<vmem>>
    %gather3A_1391 = tpu.vector_load_idx %gather3A_1390[%add3A_1385, %broadcast_in_dim3A_1353] : memref<64x128xf32, #tpu.memory_space<vmem>>[vector<16xi32>, vector<16xi32>], vector<16xf32>,
    tpu.vector_store_idx %arg7[%add3A_1385, %broadcast_in_dim3A_1355], %gather3A_1391 : memref<64x512xf32, #tpu.memory_space<vmem>>[vector<16xi32>, vector<16xi32>], vector<16xf32>,
    "tpu.region"() ({
      %run_scoped3A = tpu.sem_alloc : memref<!tpu.dma_semaphore, #tpu.memory_space<semaphore_mem>>
      %dma_start3A_1392 = arith.constant 0 : i32
      %dma_start3A_1393 = tpu.memref_slice %arg4[%dma_start3A_1392, %mul3A_2] : memref<64x16384xf32, #tpu.memory_space<hbm>> -> memref<64x512xf32, #tpu.memory_space<hbm>>
      %dma_start3A_1394 = arith.constant 0 : i32
      %dma_start3A_1395 = tpu.memref_slice %arg4[%dma_start3A_1394, %mul3A_2] : memref<64x16384xf32, #tpu.memory_space<hbm>> -> memref<64x512xf32, #tpu.memory_space<hbm>>
      tpu.enqueue_dma source(%arg7 : memref<64x512xf32, #tpu.memory_space<vmem>>) target(%dma_start3A_1395 : memref<64x512xf32, #tpu.memory_space<hbm>>) target_semaphore(%run_scoped3A : memref<!tpu.dma_semaphore, #tpu.memory_space<semaphore_mem>>)
      %dma_wait3A_1396 = arith.constant 0 : i32
      %dma_wait3A_1397 = tpu.memref_slice %arg4[%dma_wait3A_1396, %mul3A_2] : memref<64x16384xf32, #tpu.memory_space<hbm>> -> memref<64x512xf32, #tpu.memory_space<hbm>>
      %dma_wait3A_1398 = arith.constant 0 : i32
      %dma_wait3A_1399 = tpu.memref_slice %arg4[%dma_wait3A_1398, %mul3A_2] : memref<64x16384xf32, #tpu.memory_space<hbm>> -> memref<64x512xf32, #tpu.memory_space<hbm>>
      tpu.wait_dma2 semaphore(%run_scoped3A : memref<!tpu.dma_semaphore, #tpu.memory_space<semaphore_mem>>) src(%arg7 : memref<64x512xf32, #tpu.memory_space<vmem>>) dst(%dma_wait3A_1399 : memref<64x512xf32, #tpu.memory_space<hbm>>)
      tpu.yield
    }) : () -> ()
    return
  }
}

</mosaic_0001>

<sc_bundles>
// kernel: kernel.3.cloned.1.call-start
scs
__scs_entry_jumppad:
0x0: {  	(pc) =	sbr.rel $0x88, $3  }
0x1: {  	(tag) =	ssettag $0x0;
	lr =	simm.s32 $0x1  }
0x2: {  	[smem:$0x3F9E] =	sst lr;
	_ =	strace $0xD0000000  }
0x3: {  	_ = 	snop  }
0x4: {  	_ = 	snop  }
0x5: {  	_ = 	snop  }
0x6: {  	_ = 	snop  }
0x7: {  	_ = 	snop  }
__scs_overlays_trampoline_lowered:
0x8: {  	[smem:$0x3FAD] =	sst s0  }
0x9: {  	[smem:$0x3FAE] =	sst s1  }
0xa: {  	[smem:$0x3FAF] =	sst s2  }
0xb: {  	[smem:$0x3FB0] =	sst s3  }
0xc: {  	[smem:$0x3FB1] =	sst s4  }
0xd: {  	[smem:$0x3FB2] =	sst s5  }
0xe: {  	[smem:$0x3FB3] =	sst s6  }
0xf: {  	[smem:$0x3FB4] =	sst s7  }
0x10: {  	[smem:$0x3FB5] =	sst s8  }
0x11: {  	[smem:$0x3FB6] =	sst s9;
	s0 =	simm.s32 @!p0 $0x0  }
0x12: {  	s1 =	sld [smem:$0x3F9C];
	s0 =	simm.s32 @p0 $0x1  }
0x13: {  	[smem:$0x3FB7] =	sst s0;
	s0 =	simm.s32 @!p1 $0x0  }
0x14: {  	s2 =	sld [smem:$0x3F9B];
	s0 =	simm.s32 @p1 $0x1  }
0x15: {  	[smem:$0x3FB8] =	sst s0;
	s0 =	simm.s32 @!p2 $0x0  }
0x16: {  	s3 =	sld [smem:$0x3FDB];
	s0 =	simm.s32 @p2 $0x1  }
0x17: {  	s4 =	simm.s32 $0x1BF5;
	[smem:$0x3FBA] =	sst s0  }
0x18: {  	s0 =	sld [smem:$0x3F9D];
	_ =	swait.ge [sflag:s4], $0x0  }
0x19: {  	s7 =	sld [smem:$0x3F9E]  }
0x1a: {  	s8 =	sadd.s32 $0xFFFFE003, lr  }
0x1b: {  	s9 =	sadd.s32 $0xFFFFFEF7, lr;
	s5 =	simm.s32 $0xFFFFFFFF;
	p2 =	slt.u32 s8, $0xFFFFF086  }
0x1c: {  	p1 =	slt.u32 s9, $0xF7A;
	s5 =	simm.s32 @!p2 $0x0  }
0x1d: {  	s5 =	simm.s32 @p1 $0x1;
	p0 =	seq.s32 s7, s2  }
0x1e: {  	s7 =	smul.u32 @!p0 $0xF7A, s2;
	p2 =	seq.s32 @!p0 s5, $0x0  }
0x1f: {  	s9 =	smul.u32 $0xF7A, s1;
	s8 =	simm.s32 @!p0 $0x1BF5;
	p2 =	por !p2, p0  }
0x20: {  	[sflag:s8] =	ssyncset.s32 @!p0 $0xFFFFF086;
	s6 =	sadd.s32 @!p0 s3, s7;
	s7 =	simm.s32 @!p0 $0x108  }
0x21: {  	s3 =	sadd.s32 s3, s9;
	s6 =	sadd.s32 @!p0 $0x88, s6;
	s7 =	simm.s32 @p2 $0x1082  }
0x22: {  	[simem:s7], [sflag:s8] =	dma.local @!p0 [hbm:s6], $0xF7A  }
0x23: {  	s9 =	sor.u32 $0xD0000000, s2;
	s6 =	simm.s32 $0x108;
	_ =	swait.ge @!p0 [sflag:s8], $0x0  }
0x24: {  	s3 =	sadd.s32 $0x88, s3;
	s6 =	simm.s32 @!p1 $0x1082;
	[sflag:s4] =	ssyncset.s32 $0xFFFFF086  }
0x25: {  	[simem:s6], [sflag:s4] =	dma.local [hbm:s3], $0xF7A  }
0x26: {  	[smem:$0x3F9E] =	sst s1;
	(tag) =	ssettag s2;
	_ =	strace s9  }
0x27: {  	s1 =	sld [smem:$0x3FAE]  }
0x28: {  	s2 =	sld [smem:$0x3FAF]  }
0x29: {  	s4 =	sld [smem:$0x3FB1]  }
0x2a: {  	p0 =	seq.s32 s5, $0x0;
	s5 =	sld [smem:$0x3FB2]  }
0x2b: {  	s6 =	sld [smem:$0x3FB3]  }
0x2c: {  	s7 =	sld [smem:$0x3FB4]  }
0x2d: {  	s3 =	simm.s32 $0x108;
	s8 =	sld [smem:$0x3FB5]  }
0x2e: {  	s3 =	simm.s32 @!p0 $0x1082;
	s9 =	sld [smem:$0x3FB6]  }
0x2f: {  	lr =	sadd.s32 s0, s3;
	s0 =	sld [smem:$0x3FAD]  }
0x30: {  	s3 =	sld [smem:$0x3FB0]  }
0x31: {  	[smem:$0x3FB9] =	sst s10  }
0x32: {  	s10 =	sld [smem:$0x3FB7];
	_ =	sdelay $0x3  }
0x33: {  	p0 =	seq.s32 s10, $0x1;
	s10 =	sld [smem:$0x3FB9];
	_ =	sdelay $0x3  }
0x34: {  	[smem:$0x3FB9] =	sst s10  }
0x35: {  	s10 =	sld [smem:$0x3FB8];
	_ =	sdelay $0x3  }
0x36: {  	p1 =	seq.s32 s10, $0x1;
	s10 =	sld [smem:$0x3FB9];
	_ =	sdelay $0x3  }
0x37: {  	[smem:$0x3FB9] =	sst s10  }
0x38: {  	s10 =	sld [smem:$0x3FBA]  }
0x39: {  	_ = 	snop;
	(pc) =	sbr.ind lr, $3  }
0x3a: {  	_ = 	snop  }
0x3b: {  	_ = 	snop  }
0x3c: {  	p2 =	seq.s32 s10, $0x1;
	s10 =	sld [smem:$0x3FB9]  }
0x3d: {  	_ =	shalt  }
0x3e: {  	_ =	shalt  }
0x3f: {  	_ =	shalt  }
0x40: {  	_ =	shalt  }
0x41: {  	_ =	shalt  }
0x42: {  	_ =	shalt  }
0x43: {  	_ =	shalt  }
0x44: {  	_ =	shalt  }
0x45: {  	_ =	shalt  }
0x46: {  	_ =	shalt  }
0x47: {  	_ =	shalt  }
0x48: {  	_ =	shalt  }
0x49: {  	_ =	shalt  }
0x4a: {  	_ =	shalt  }
0x4b: {  	_ =	shalt  }
0x4c: {  	_ =	shalt  }
0x4d: {  	_ =	shalt  }
0x4e: {  	_ =	shalt  }
0x4f: {  	_ =	shalt  }
0x50: {  	_ =	shalt  }
0x51: {  	_ =	shalt  }
0x52: {  	_ =	shalt  }
0x53: {  	_ =	shalt  }
0x54: {  	_ =	shalt  }
0x55: {  	_ =	shalt  }
0x56: {  	_ =	shalt  }
0x57: {  	_ =	shalt  }
0x58: {  	_ =	shalt  }
0x59: {  	_ =	shalt  }
0x5a: {  	_ =	shalt  }
0x5b: {  	_ =	shalt  }
0x5c: {  	_ =	shalt  }
0x5d: {  	_ =	shalt  }
0x5e: {  	_ =	shalt  }
0x5f: {  	_ =	shalt  }
0x60: {  	_ =	shalt  }
0x61: {  	_ =	shalt  }
0x62: {  	_ =	shalt  }
0x63: {  	_ =	shalt  }
0x64: {  	_ =	shalt  }
0x65: {  	_ =	shalt  }
0x66: {  	_ =	shalt  }
0x67: {  	_ =	shalt  }
0x68: {  	_ =	shalt  }
0x69: {  	_ =	shalt  }
0x6a: {  	_ =	shalt  }
0x6b: {  	_ =	shalt  }
0x6c: {  	_ =	shalt  }
0x6d: {  	_ =	shalt  }
0x6e: {  	_ =	shalt  }
0x6f: {  	_ =	shalt  }
0x70: {  	_ =	shalt  }
0x71: {  	_ =	shalt  }
0x72: {  	_ =	shalt  }
0x73: {  	_ =	shalt  }
0x74: {  	_ =	shalt  }
0x75: {  	_ =	shalt  }
0x76: {  	_ =	shalt  }
0x77: {  	_ =	shalt  }
0x78: {  	_ =	shalt  }
0x79: {  	_ =	shalt  }
0x7a: {  	_ =	shalt  }
0x7b: {  	_ =	shalt  }
0x7c: {  	_ =	shalt  }
0x7d: {  	_ =	shalt  }
0x7e: {  	_ =	shalt  }
0x7f: {  	_ =	shalt  }
0x80: {  	_ =	shalt  }
0x81: {  	_ =	shalt  }
0x82: {  	_ =	shalt  }
0x83: {  	_ =	shalt  }
0x84: {  	_ =	shalt  }
0x85: {  	_ =	shalt  }
0x86: {  	_ =	shalt  }
0x87: {  	_ =	shalt  }
.Lfunc_end0:
.L_simem_size_0:
called_computation_lowered:
.L_overlay_start_0:
0x88: {  	s2 =	sld [smem:$0x3FD9]  }
0x89: {  	s3 =	sld [smem:$0x3FFE];
	_ =	sdelay $0x1  }
0x8a: {  	s1 =	srdreg.scid  }
0x8b: {  	s0 =	sand.u32 $0x1, s1  }
0x8c: {  	s14 =	sshll.u32 s0, $0xA;
	s2 =	sadd.s32 s3, s2  }
0x8d: {  	s2 =	sadd.s32 s2, s14  }
0x8e: {  	[smem:$0x3FC5] =	sst s2  }
0x8f: {  	_ = 	snop  }
0x90: {  	s2 =	sld [smem:$0x3FD0];
	_ =	sdelay $0x2  }
0x91: {  	s4 =	simm.s32 $0xA;
	s5 =	simm.s32 $0x10;
	s15 =	sld [smem:$0x3FC9]  }
0x92: {  	[smem:s5], [sflag:s4] =	dma.local [hbm:s2], $0x1  }
0x93: {  	_ =	swait.eq [sflag:s4], $0x1  }
0x94: {  	[sflag:s4] =	ssyncset.done $0x0  }
0x95: {  	[sflag:s4] =	ssyncadd.s32 $0xFFFFFFFF  }
0x96: {  	s16 =	sld [smem:$0x10];
	(tm) =	ssettm $0x1  }
0x97: {  	s17 =	sld [smem:$0x3FFB];
	_ =	sdelay $0x3  }
0x98: {  	_ =	strace s17  }
0x99: {  	s4 =	sld [smem:$0x3FFC];
	_ =	sdelay $0x3  }
0x9a: {  	_ =	strace s4  }
0x9b: {  	s4 =	sld [smem:$0x3FFD];
	_ =	sdelay $0x3  }
0x9c: {  	_ =	strace s4  }
0x9d: {  	_ =	strace $0x8FFFFFFF  }
0x9e: {  	s18 =	sld [smem:$0x3FDB];
	_ =	sdelay $0x1  }
0x9f: {  	s19 =	simm.s32 $_scs_section_size  }
0xa0: {  	s6 =	simm.s32 $_size__tile_overlayer_lowered;
	s7 =	simm.s32 $_tile_overlayer_lowered  }
0xa1: {  	s22 =	simm.s32 $0x1BFF;
	s21 =	sshll.u32 s7, $0x1;
	s4 =	sadd.s32 s19, s18  }
0xa2: {  	s8 =	simm.s32 $0x0;
	s20 =	sshll.u32 s6, $0x1;
	s6 =	sadd.s32 s21, s4  }
0xa3: {  	[timem:s8], [sflag:s22] =	dma.local [hbm:s6], s20  }
0xa4: {  	_ =	swait.ge [sflag:s22], s20  }
0xa5: {  	s5 =	ssub.s32 $0x0, s20;
	[sflag:s22] =	ssyncset.done $0x0  }
0xa6: {  	[sflag:s22] =	ssyncadd.s32 s5;
	_ =	sdelay $0x1  }
0xa7: {  	s23 =	simm.s32 $0x1B8B  }
0xa8: {  	_ =	swait.ge [sflag:s23], $0x1  }
0xa9: {  	[sflag:s23] =	ssyncset.done $0x0  }
0xaa: {  	s25 =	simm.s32 $0x1B8E;
	s24 =	sld [smem:$0x3FFE];
	[sflag:s23] =	ssyncadd.s32 $0xFFFFFFFF  }
0xab: {  	s26 =	simm.s32 $execute0_lowered;
	[smem:$0x3FD2] =	sst s25  }
0xac: {  	s6 =	sshll.u32 s26, $0x1;
	_ =	strace $0x80000046;
	[dreg:$0x1] =	wrdreg $0xFFFFFFFF  }
0xad: {  	s28 =	simm.s32 $_size_execute0_lowered;
	s4 =	sadd.s32 s4, s6;
	[dreg:$0x0] =	wrdreg $0x0  }
0xae: {  	s6 =	sshll.u32 s28, $0x1;
	[dreg:$0x2] =	wrdreg s4  }
0xaf: {  	[dreg:$0x3] =	wrdreg s6  }
0xb0: {  	[dreg:$0x4] =	wrdreg $0xC0  }
0xb1: {  	_ =	task [dreg:s8], $0x5FFFF  }
0xb2: {  	[dreg:$0x1] =	wrdreg $0xFFFFFFFF  }
0xb3: {  	[dreg:$0x0] =	wrdreg $0x60  }
0xb4: {  	[dreg:$0x2] =	wrdreg s15  }
0xb5: {  	[dreg:$0x3] =	wrdreg s24  }
0xb6: {  	[dreg:$0x4] =	wrdreg s16  }
0xb7: {  	[dreg:$0x5] =	wrdreg $0x9  }
0xb8: {  	_ =	task.clear_ibuf [dreg:s8], $0x6FFFF;
	_ =	strace $0x90000046  }
0xb9: {  	s29 =	simm.s32 $0x9;
	_ =	strace $0x80000048  }
0xba: {  	_ =	swait.ge [sflag:s29], $0x1  }
0xbb: {  	[sflag:s29] =	ssyncadd.s32 $0xFFFFFFFF  }
0xbc: {  	_ =	strace $0x90000048  }
0xbd: {  	_ =	sfence  }
0xbe: {  	s30 =	sld [smem:$0x0];
	_ =	sdelay $0x2  }
0xbf: {  	s31 =	sshll.u32 s1, $0xD;
	s1 =	sshrl.u32 s1, $0x2  }
0xc0: {  	s3 =	sand.u32 $0x4000, s31;
	s1 =	sadd.s32 s1, s30  }
0xc1: {  	s0 =	sor.u32 s3, s0;
	s1 =	sshll.u32 s1, $0x11  }
0xc2: {  	s0 =	sor.u32 s1, s0  }
0xc3: {  	s0 =	sadd.s32 $0x8F2B, s0  }
0xc4: {  	[sflag:s0] =	ssyncadd.remote.s32 $0x1  }
0xc5: {  	_ =	sfence.sel $0xFFFF  }
0xc6: {  	[dreg:$0x0] =	wrdreg $0xFFFFFFFF;
	(pc) =	sbr.abs _section_cstart, $3  }
0xc7: {  	[dreg:$0x1] =	wrdreg $0xFFFFFFFF  }
0xc8: {  	_ =	task.clear_ibuf [dreg:s8], $0x2FFFF;
	_ =	strace $0x9FFFFFFF  }
0xc9: {  	(tm) =	ssettm $0x7FFFFFFF  }
tec
execute0_lowered:
.L_overlay_start_1:
0x0: {  	(tag) =	ssettag $0x1  }
0x1: {  	v0 =	vimm.s32 $0x1380;
	vm14 =	vcmask $0x300  }
0x2: {  	vm13 =	vcmask $0x704;
	vm12 =	vcmask $0xB08;
	vm11 =	vcmask $0xF0C  }
0x3: {  	vm10 =	vcmask $0x1310;
	vm9 =	vcmask $0x1714;
	v1 =	vlaneseq.u32  }
0x4: {  	vm6 =	vcmask $0x1B18;
	vm0 =	vcmask $0x1F1C;
	v3 =	vimm.s32 $0x5380  }
0x5: {  	vm1 =	vcmask $0x2320;
	vm2 =	vcmask $0x2724;
	vm3 =	vcmask $0x2B28  }
0x6: {  	vm4 =	vcmask $0x2F2C;
	vm5 =	vcmask $0x3330;
	vm7 =	vcmask $0x3734  }
0x7: {  	vm8 =	vcmask $0x3B38;
	v4 =	vimm.s32 $0x7380;
	v5 =	vimm.s32 $0x1FEF  }
0x8: {  	v6 =	vimm.s32 $0x3FEF;
	v7 =	vimm.s32 $0x1FF0;
	v8 =	vimm.s32 $0x5FFE  }
0x9: {  	v9 =	vimm.s32 $0x7FFE;
	v10 =	vimm.s32 $0x1FFF;
	v11 =	vimm.s32 $0x3FFF  }
0xa: {  	v12 =	vimm.s32 $0x5FFF;
	v13 =	vimm.s32 $0x7FFF;
	v0 =	vsel vm14, $0x0, v0  }
0xb: {  	v3 =	vsel vm14, $0x4000, v3;
	v4 =	vsel vm14, $0x6000, v4;
	v5 =	vsel vm14, $0xC6F, v5  }
0xc: {  	v6 =	vsel vm14, $0x2C6F, v6;
	v7 =	vsel vm14, $0xC70, v7;
	v8 =	vsel vm14, $0x4C7E, v8  }
0xd: {  	v9 =	vsel vm14, $0x6C7E, v9;
	v10 =	vsel vm14, $0xC7F, v10;
	v11 =	vsel vm14, $0x2C7F, v11  }
0xe: {  	v12 =	vsel vm14, $0x4C7F, v12;
	v13 =	vsel vm14, $0x6C7F, v13;
	v0 =	vsel vm13, $0x80, v0  }
0xf: {  	v3 =	vsel vm13, $0x4080, v3;
	v4 =	vsel vm13, $0x6080, v4;
	v5 =	vsel vm13, $0xCEF, v5  }
0x10: {  	v6 =	vsel vm13, $0x2CEF, v6;
	v7 =	vsel vm13, $0xCF0, v7;
	v8 =	vsel vm13, $0x4CFE, v8  }
0x11: {  	v9 =	vsel vm13, $0x6CFE, v9;
	v10 =	vsel vm13, $0xCFF, v10;
	v11 =	vsel vm13, $0x2CFF, v11  }
0x12: {  	v12 =	vsel vm13, $0x4CFF, v12;
	v13 =	vsel vm13, $0x6CFF, v13;
	v0 =	vsel vm12, $0x100, v0  }
0x13: {  	v3 =	vsel vm12, $0x4100, v3;
	v4 =	vsel vm12, $0x6100, v4;
	v5 =	vsel vm12, $0xD6F, v5  }
0x14: {  	v6 =	vsel vm12, $0x2D6F, v6;
	v7 =	vsel vm12, $0xD70, v7;
	v8 =	vsel vm12, $0x4D7E, v8  }
0x15: {  	v9 =	vsel vm12, $0x6D7E, v9;
	v10 =	vsel vm12, $0xD7F, v10;
	v11 =	vsel vm12, $0x2D7F, v11  }
0x16: {  	v12 =	vsel vm12, $0x4D7F, v12;
	v13 =	vsel vm12, $0x6D7F, v13;
	v0 =	vsel vm11, $0x180, v0  }
0x17: {  	v3 =	vsel vm11, $0x4180, v3;
	v4 =	vsel vm11, $0x6180, v4;
	v5 =	vsel vm11, $0xDEF, v5  }
0x18: {  	v6 =	vsel vm11, $0x2DEF, v6;
	v7 =	vsel vm11, $0xDF0, v7;
	v8 =	vsel vm11, $0x4DFE, v8  }
0x19: {  	v9 =	vsel vm11, $0x6DFE, v9;
	v10 =	vsel vm11, $0xDFF, v10;
	v11 =	vsel vm11, $0x2DFF, v11  }
0x1a: {  	v12 =	vsel vm11, $0x4DFF, v12;
	v13 =	vsel vm11, $0x6DFF, v13;
	v0 =	vsel vm10, $0x200, v0  }
0x1b: {  	v3 =	vsel vm10, $0x4200, v3;
	v4 =	vsel vm10, $0x6200, v4;
	v5 =	vsel vm10, $0xE6F, v5  }
0x1c: {  	v6 =	vsel vm10, $0x2E6F, v6;
	v7 =	vsel vm10, $0xE70, v7;
	v8 =	vsel vm10, $0x4E7E, v8  }
0x1d: {  	v9 =	vsel vm10, $0x6E7E, v9;
	v10 =	vsel vm10, $0xE7F, v10;
	v11 =	vsel vm10, $0x2E7F, v11  }
0x1e: {  	v12 =	vsel vm10, $0x4E7F, v12;
	v13 =	vsel vm10, $0x6E7F, v13;
	v2 =	vsel vm9, $0x280, v0  }
0x1f: {  	v0 =	vmul.u32 $0x80, v1;
	v3 =	vsel vm9, $0x4280, v3;
	v4 =	vsel vm9, $0x6280, v4  }
0x20: {  	v5 =	vsel vm9, $0xEEF, v5;
	v6 =	vsel vm9, $0x2EEF, v6;
	v7 =	vsel vm9, $0xEF0, v7  }
0x21: {  	v8 =	vsel vm9, $0x4EFE, v8;
	v9 =	vsel vm9, $0x6EFE, v9;
	v10 =	vsel vm9, $0xEFF, v10  }
0x22: {  	v11 =	vsel vm9, $0x2EFF, v11;
	v12 =	vsel vm9, $0x4EFF, v12;
	v13 =	vsel vm9, $0x6EFF, v13  }
0x23: {  	v1 =	vsel vm6, $0x300, v2;
	v2 =	vimm.s32 $0x3380;
	v3 =	vsel vm6, $0x4300, v3  }
0x24: {  	v4 =	vsel vm6, $0x6300, v4;
	v5 =	vsel vm6, $0xF6F, v5;
	v6 =	vsel vm6, $0x2F6F, v6  }
0x25: {  	v7 =	vsel vm6, $0xF70, v7;
	v8 =	vsel vm6, $0x4F7E, v8;
	v9 =	vsel vm6, $0x6F7E, v9  }
0x26: {  	v10 =	vsel vm6, $0xF7F, v10;
	v11 =	vsel vm6, $0x2F7F, v11;
	v12 =	vsel vm6, $0x4F7F, v12  }
0x27: {  	v13 =	vsel vm6, $0x6F7F, v13;
	v1 =	vsel vm0, $0x380, v1;
	v2 =	vsel vm14, $0x2000, v2  }
0x28: {  	v3 =	vsel vm0, $0x4380, v3;
	v4 =	vsel vm0, $0x6380, v4;
	v5 =	vsel vm0, $0xFEF, v5  }
0x29: {  	v6 =	vsel vm0, $0x2FEF, v6;
	v7 =	vsel vm0, $0xFF0, v7;
	v8 =	vsel vm0, $0x4FFE, v8  }
0x2a: {  	v9 =	vsel vm0, $0x6FFE, v9;
	v10 =	vsel vm0, $0xFFF, v10;
	v11 =	vsel vm0, $0x2FFF, v11  }
0x2b: {  	v12 =	vsel vm0, $0x4FFF, v12;
	v13 =	vsel vm0, $0x6FFF, v13;
	v14 =	vor.u32 $0x800, v0  }
0x2c: {  	v15 =	vor.u32 $0x1000, v0;
	v16 =	vor.u32 $0x1800, v0;
	v2 =	vsel vm13, $0x2080, v2  }
0x2d: {  	v1 =	vsel vm1, $0x1000, v1;
	v3 =	vsel vm1, $0x5000, v3;
	v4 =	vsel vm1, $0x7000, v4  }
0x2e: {  	v5 =	vsel vm1, $0x1C6F, v5;
	v6 =	vsel vm1, $0x3C6F, v6;
	v7 =	vsel vm1, $0x1C70, v7  }
0x2f: {  	v8 =	vsel vm1, $0x5C7E, v8;
	v9 =	vsel vm1, $0x7C7E, v9;
	v10 =	vsel vm1, $0x1C7F, v10  }
0x30: {  	v11 =	vsel vm1, $0x3C7F, v11;
	v12 =	vsel vm1, $0x5C7F, v12;
	v13 =	vsel vm1, $0x7C7F, v13  }
0x31: {  	v2 =	vsel vm12, $0x2100, v2;
	v1 =	vsel vm2, $0x1080, v1;
	v3 =	vsel vm2, $0x5080, v3  }
0x32: {  	v4 =	vsel vm2, $0x7080, v4;
	v5 =	vsel vm2, $0x1CEF, v5;
	v6 =	vsel vm2, $0x3CEF, v6  }
0x33: {  	v7 =	vsel vm2, $0x1CF0, v7;
	v8 =	vsel vm2, $0x5CFE, v8;
	v9 =	vsel vm2, $0x7CFE, v9  }
0x34: {  	v10 =	vsel vm2, $0x1CFF, v10;
	v11 =	vsel vm2, $0x3CFF, v11;
	v12 =	vsel vm2, $0x5CFF, v12  }
0x35: {  	v13 =	vsel vm2, $0x7CFF, v13;
	v2 =	vsel vm11, $0x2180, v2;
	v1 =	vsel vm3, $0x1100, v1  }
0x36: {  	v3 =	vsel vm3, $0x5100, v3;
	v4 =	vsel vm3, $0x7100, v4;
	v5 =	vsel vm3, $0x1D6F, v5  }
0x37: {  	v6 =	vsel vm3, $0x3D6F, v6;
	v7 =	vsel vm3, $0x1D70, v7;
	v8 =	vsel vm3, $0x5D7E, v8  }
0x38: {  	v9 =	vsel vm3, $0x7D7E, v9;
	v10 =	vsel vm3, $0x1D7F, v10;
	v11 =	vsel vm3, $0x3D7F, v11  }
0x39: {  	v12 =	vsel vm3, $0x5D7F, v12;
	v13 =	vsel vm3, $0x7D7F, v13;
	v2 =	vsel vm10, $0x2200, v2  }
0x3a: {  	v1 =	vsel vm4, $0x1180, v1;
	v3 =	vsel vm4, $0x5180, v3;
	v4 =	vsel vm4, $0x7180, v4  }
0x3b: {  	v5 =	vsel vm4, $0x1DEF, v5;
	v6 =	vsel vm4, $0x3DEF, v6;
	v7 =	vsel vm4, $0x1DF0, v7  }
0x3c: {  	v8 =	vsel vm4, $0x5DFE, v8;
	v9 =	vsel vm4, $0x7DFE, v9;
	v5 =	vsel vm5, $0x1E6F, v5  }
0x3d: {  	v10 =	vsel vm4, $0x1DFF, v10;
	v6 =	vsel vm5, $0x3E6F, v6;
	v5 =	vsel vm7, $0x1EEF, v5  }
0x3e: {  	v11 =	vsel vm4, $0x3DFF, v11;
	v6 =	vsel vm7, $0x3EEF, v6;
	v5 =	vsel vm8, $0x1F6F, v5  }
0x3f: {  	v12 =	vsel vm4, $0x5DFF, v12;
	v13 =	vsel vm4, $0x7DFF, v13;
	[tilespmem:$0x1FF00] =	vst v5;
	v5 =	vsel vm8, $0x3F6F, v6  }
0x40: {  	v2 =	vsel vm9, $0x2280, v2;
	v1 =	vsel vm5, $0x1200, v1;
	[tilespmem:$0x1FF10] =	vst v5;
	v5 =	vimm.s32 $0x5FEF  }
0x41: {  	v3 =	vsel vm5, $0x5200, v3;
	v6 =	vimm.s32 $0x7FEF;
	v5 =	vsel vm14, $0x4C6F, v5  }
0x42: {  	v4 =	vsel vm5, $0x7200, v4;
	v6 =	vsel vm14, $0x6C6F, v6;
	v5 =	vsel vm13, $0x4CEF, v5  }
0x43: {  	v7 =	vsel vm5, $0x1E70, v7;
	v6 =	vsel vm13, $0x6CEF, v6;
	v5 =	vsel vm12, $0x4D6F, v5  }
0x44: {  	v8 =	vsel vm5, $0x5E7E, v8;
	v6 =	vsel vm12, $0x6D6F, v6;
	v5 =	vsel vm11, $0x4DEF, v5  }
0x45: {  	v9 =	vsel vm5, $0x7E7E, v9;
	v6 =	vsel vm11, $0x6DEF, v6;
	v5 =	vsel vm10, $0x4E6F, v5  }
0x46: {  	v10 =	vsel vm5, $0x1E7F, v10;
	v6 =	vsel vm10, $0x6E6F, v6;
	v5 =	vsel vm9, $0x4EEF, v5  }
0x47: {  	v11 =	vsel vm5, $0x3E7F, v11;
	v6 =	vsel vm9, $0x6EEF, v6;
	v5 =	vsel vm6, $0x4F6F, v5  }
0x48: {  	v12 =	vsel vm5, $0x5E7F, v12;
	v6 =	vsel vm6, $0x6F6F, v6;
	v5 =	vsel vm0, $0x4FEF, v5  }
0x49: {  	v13 =	vsel vm5, $0x7E7F, v13;
	v6 =	vsel vm0, $0x6FEF, v6;
	v5 =	vsel vm1, $0x5C6F, v5  }
0x4a: {  	v2 =	vsel vm6, $0x2300, v2;
	v6 =	vsel vm1, $0x7C6F, v6;
	v5 =	vsel vm2, $0x5CEF, v5  }
0x4b: {  	v1 =	vsel vm7, $0x1280, v1;
	v6 =	vsel vm2, $0x7CEF, v6;
	v5 =	vsel vm3, $0x5D6F, v5  }
0x4c: {  	v3 =	vsel vm7, $0x5280, v3;
	v6 =	vsel vm3, $0x7D6F, v6;
	v5 =	vsel vm4, $0x5DEF, v5  }
0x4d: {  	v4 =	vsel vm7, $0x7280, v4;
	v6 =	vsel vm4, $0x7DEF, v6;
	v5 =	vsel vm5, $0x5E6F, v5  }
0x4e: {  	v7 =	vsel vm7, $0x1EF0, v7;
	v6 =	vsel vm5, $0x7E6F, v6;
	v5 =	vsel vm7, $0x5EEF, v5  }
0x4f: {  	v8 =	vsel vm7, $0x5EFE, v8;
	v6 =	vsel vm7, $0x7EEF, v6;
	v5 =	vsel vm8, $0x5F6F, v5  }
0x50: {  	v9 =	vsel vm7, $0x7EFE, v9;
	v10 =	vsel vm7, $0x1EFF, v10;
	[tilespmem:$0x1FF20] =	vst v5;
	v5 =	vsel vm8, $0x7F6F, v6  }
0x51: {  	v11 =	vsel vm7, $0x3EFF, v11;
	v12 =	vsel vm7, $0x5EFF, v12;
	[tilespmem:$0x1FF30] =	vst v5;
	v5 =	vsel vm8, $0x1F70, v7  }
0x52: {  	v13 =	vsel vm7, $0x7EFF, v13;
	v2 =	vsel vm0, $0x2380, v2;
	[tilespmem:$0x1FF40] =	vst v5;
	v5 =	vimm.s32 $0x3FF0  }
0x53: {  	v1 =	vsel vm8, $0x1300, v1;
	v6 =	vimm.s32 $0x5FF0;
	v5 =	vsel vm14, $0x2C70, v5  }
0x54: {  	v7 =	vimm.s32 $0x7FF0;
	v6 =	vsel vm14, $0x4C70, v6;
	v5 =	vsel vm13, $0x2CF0, v5  }
0x55: {  	v7 =	vsel vm14, $0x6C70, v7;
	v6 =	vsel vm13, $0x4CF0, v6;
	v5 =	vsel vm12, $0x2D70, v5  }
0x56: {  	v7 =	vsel vm13, $0x6CF0, v7;
	v6 =	vsel vm12, $0x4D70, v6;
	v5 =	vsel vm11, $0x2DF0, v5  }
0x57: {  	v7 =	vsel vm12, $0x6D70, v7;
	v6 =	vsel vm11, $0x4DF0, v6;
	v5 =	vsel vm10, $0x2E70, v5  }
0x58: {  	v7 =	vsel vm11, $0x6DF0, v7;
	v6 =	vsel vm10, $0x4E70, v6;
	v5 =	vsel vm9, $0x2EF0, v5  }
0x59: {  	v7 =	vsel vm10, $0x6E70, v7;
	v6 =	vsel vm9, $0x4EF0, v6;
	v5 =	vsel vm6, $0x2F70, v5  }
0x5a: {  	v7 =	vsel vm9, $0x6EF0, v7;
	v6 =	vsel vm6, $0x4F70, v6;
	v5 =	vsel vm0, $0x2FF0, v5  }
0x5b: {  	v7 =	vsel vm6, $0x6F70, v7;
	v6 =	vsel vm0, $0x4FF0, v6;
	v5 =	vsel vm1, $0x3C70, v5  }
0x5c: {  	v7 =	vsel vm0, $0x6FF0, v7;
	v6 =	vsel vm1, $0x5C70, v6;
	v5 =	vsel vm2, $0x3CF0, v5  }
0x5d: {  	v7 =	vsel vm1, $0x7C70, v7;
	v6 =	vsel vm2, $0x5CF0, v6;
	v5 =	vsel vm3, $0x3D70, v5  }
0x5e: {  	v7 =	vsel vm2, $0x7CF0, v7;
	v6 =	vsel vm3, $0x5D70, v6;
	v5 =	vsel vm4, $0x3DF0, v5  }
0x5f: {  	v7 =	vsel vm3, $0x7D70, v7;
	v6 =	vsel vm4, $0x5DF0, v6;
	v5 =	vsel vm5, $0x3E70, v5  }
0x60: {  	v7 =	vsel vm4, $0x7DF0, v7;
	v6 =	vsel vm5, $0x5E70, v6;
	v5 =	vsel vm7, $0x3EF0, v5  }
0x61: {  	v7 =	vsel vm5, $0x7E70, v7;
	v6 =	vsel vm7, $0x5EF0, v6;
	v5 =	vsel vm8, $0x3F70, v5  }
0x62: {  	v3 =	vsel vm8, $0x5300, v3;
	v7 =	vsel vm7, $0x7EF0, v7;
	[tilespmem:$0x1FF50] =	vst v5;
	v5 =	vsel vm8, $0x5F70, v6  }
0x63: {  	v4 =	vsel vm8, $0x7300, v4;
	v8 =	vsel vm8, $0x5F7E, v8;
	[tilespmem:$0x1FF60] =	vst v5;
	v5 =	vsel vm8, $0x7F70, v7  }
0x64: {  	v9 =	vsel vm8, $0x7F7E, v9;
	v10 =	vsel vm8, $0x1F7F, v10;
	[tilespmem:$0x1FF70] =	vst v5;
	v5 =	vimm.s32 $0x1FF1  }
0x65: {  	v2 =	vsel vm1, $0x3000, v2;
	v6 =	vimm.s32 $0x3FF1;
	v5 =	vsel vm14, $0xC71, v5  }
0x66: {  	v7 =	vimm.s32 $0x5FF1;
	v6 =	vsel vm14, $0x2C71, v6;
	v5 =	vsel vm13, $0xCF1, v5  }
0x67: {  	v7 =	vsel vm14, $0x4C71, v7;
	v6 =	vsel vm13, $0x2CF1, v6;
	v5 =	vsel vm12, $0xD71, v5  }
0x68: {  	v7 =	vsel vm13, $0x4CF1, v7;
	v6 =	vsel vm12, $0x2D71, v6;
	v5 =	vsel vm11, $0xDF1, v5  }
0x69: {  	v7 =	vsel vm12, $0x4D71, v7;
	v6 =	vsel vm11, $0x2DF1, v6;
	v5 =	vsel vm10, $0xE71, v5  }
0x6a: {  	v7 =	vsel vm11, $0x4DF1, v7;
	v6 =	vsel vm10, $0x2E71, v6;
	v5 =	vsel vm9, $0xEF1, v5  }
0x6b: {  	v7 =	vsel vm10, $0x4E71, v7;
	v6 =	vsel vm9, $0x2EF1, v6;
	v5 =	vsel vm6, $0xF71, v5  }
0x6c: {  	v7 =	vsel vm9, $0x4EF1, v7;
	v6 =	vsel vm6, $0x2F71, v6;
	v5 =	vsel vm0, $0xFF1, v5  }
0x6d: {  	v7 =	vsel vm6, $0x4F71, v7;
	v6 =	vsel vm0, $0x2FF1, v6;
	v5 =	vsel vm1, $0x1C71, v5  }
0x6e: {  	v7 =	vsel vm0, $0x4FF1, v7;
	v6 =	vsel vm1, $0x3C71, v6;
	v5 =	vsel vm2, $0x1CF1, v5  }
0x6f: {  	v7 =	vsel vm1, $0x5C71, v7;
	v6 =	vsel vm2, $0x3CF1, v6;
	v5 =	vsel vm3, $0x1D71, v5  }
0x70: {  	v7 =	vsel vm2, $0x5CF1, v7;
	v6 =	vsel vm3, $0x3D71, v6;
	v5 =	vsel vm4, $0x1DF1, v5  }
0x71: {  	v7 =	vsel vm3, $0x5D71, v7;
	v6 =	vsel vm4, $0x3DF1, v6;
	v5 =	vsel vm5, $0x1E71, v5  }
0x72: {  	v7 =	vsel vm4, $0x5DF1, v7;
	v6 =	vsel vm5, $0x3E71, v6;
	v5 =	vsel vm7, $0x1EF1, v5  }
0x73: {  	v7 =	vsel vm5, $0x5E71, v7;
	v6 =	vsel vm7, $0x3EF1, v6;
	v5 =	vsel vm8, $0x1F71, v5  }
0x74: {  	v2 =	vsel vm2, $0x3080, v2;
	v7 =	vsel vm7, $0x5EF1, v7;
	[tilespmem:$0x1FF80] =	vst v5;
	v5 =	vsel vm8, $0x3F71, v6  }
0x75: {  	v11 =	vsel vm8, $0x3F7F, v11;
	v2 =	vsel vm3, $0x3100, v2;
	[tilespmem:$0x1FF90] =	vst v5;
	v5 =	vsel vm8, $0x5F71, v7  }
0x76: {  	v12 =	vsel vm8, $0x5F7F, v12;
	v2 =	vsel vm4, $0x3180, v2;
	[tilespmem:$0x1FFA0] =	vst v5;
	v5 =	vimm.s32 $0x7FF1  }
0x77: {  	v2 =	vsel vm5, $0x3200, v2;
	v6 =	vimm.s32 $0x1FF2;
	v5 =	vsel vm14, $0x6C71, v5  }
0x78: {  	v7 =	vimm.s32 $0x3FF2;
	v6 =	vsel vm14, $0xC72, v6;
	v5 =	vsel vm13, $0x6CF1, v5  }
0x79: {  	v7 =	vsel vm14, $0x2C72, v7;
	v6 =	vsel vm13, $0xCF2, v6;
	v5 =	vsel vm12, $0x6D71, v5  }
0x7a: {  	v7 =	vsel vm13, $0x2CF2, v7;
	v6 =	vsel vm12, $0xD72, v6;
	v5 =	vsel vm11, $0x6DF1, v5  }
0x7b: {  	v7 =	vsel vm12, $0x2D72, v7;
	v6 =	vsel vm11, $0xDF2, v6;
	v5 =	vsel vm10, $0x6E71, v5  }
0x7c: {  	v7 =	vsel vm11, $0x2DF2, v7;
	v6 =	vsel vm10, $0xE72, v6;
	v5 =	vsel vm9, $0x6EF1, v5  }
0x7d: {  	v7 =	vsel vm10, $0x2E72, v7;
	v6 =	vsel vm9, $0xEF2, v6;
	v5 =	vsel vm6, $0x6F71, v5  }
0x7e: {  	v7 =	vsel vm9, $0x2EF2, v7;
	v6 =	vsel vm6, $0xF72, v6;
	v5 =	vsel vm0, $0x6FF1, v5  }
0x7f: {  	v7 =	vsel vm6, $0x2F72, v7;
	v6 =	vsel vm0, $0xFF2, v6;
	v5 =	vsel vm1, $0x7C71, v5  }
0x80: {  	v7 =	vsel vm0, $0x2FF2, v7;
	v6 =	vsel vm1, $0x1C72, v6;
	v5 =	vsel vm2, $0x7CF1, v5  }
0x81: {  	v7 =	vsel vm1, $0x3C72, v7;
	v6 =	vsel vm2, $0x1CF2, v6;
	v5 =	vsel vm3, $0x7D71, v5  }
0x82: {  	v7 =	vsel vm2, $0x3CF2, v7;
	v6 =	vsel vm3, $0x1D72, v6;
	v5 =	vsel vm4, $0x7DF1, v5  }
0x83: {  	v7 =	vsel vm3, $0x3D72, v7;
	v6 =	vsel vm4, $0x1DF2, v6;
	v5 =	vsel vm5, $0x7E71, v5  }
0x84: {  	v7 =	vsel vm4, $0x3DF2, v7;
	v6 =	vsel vm5, $0x1E72, v6;
	v5 =	vsel vm7, $0x7EF1, v5  }
0x85: {  	v7 =	vsel vm5, $0x3E72, v7;
	v6 =	vsel vm7, $0x1EF2, v6;
	v5 =	vsel vm8, $0x7F71, v5  }
0x86: {  	v2 =	vsel vm7, $0x3280, v2;
	v7 =	vsel vm7, $0x3EF2, v7;
	[tilespmem:$0x1FFB0] =	vst v5;
	v5 =	vsel vm8, $0x1F72, v6  }
0x87: {  	v13 =	vsel vm8, $0x7F7F, v13;
	v2 =	vsel vm8, $0x3300, v2;
	[tilespmem:$0x1FFC0] =	vst v5;
	v5 =	vsel vm8, $0x3F72, v7  }
0x88: {  	v6 =	vimm.s32 $0x7FF2;
	v7 =	vimm.s32 $0x1FF3;
	[tilespmem:$0x1FFD0] =	vst v5;
	v5 =	vimm.s32 $0x5FF2  }
0x89: {  	v6 =	vsel vm14, $0x6C72, v6;
	v7 =	vsel vm14, $0xC73, v7;
	v5 =	vsel vm14, $0x4C72, v5  }
0x8a: {  	v6 =	vsel vm13, $0x6CF2, v6;
	v7 =	vsel vm13, $0xCF3, v7;
	v5 =	vsel vm13, $0x4CF2, v5  }
0x8b: {  	v6 =	vsel vm12, $0x6D72, v6;
	v7 =	vsel vm12, $0xD73, v7;
	v5 =	vsel vm12, $0x4D72, v5  }
0x8c: {  	v6 =	vsel vm11, $0x6DF2, v6;
	v7 =	vsel vm11, $0xDF3, v7;
	v5 =	vsel vm11, $0x4DF2, v5  }
0x8d: {  	v6 =	vsel vm10, $0x6E72, v6;
	v7 =	vsel vm10, $0xE73, v7;
	v5 =	vsel vm10, $0x4E72, v5  }
0x8e: {  	v6 =	vsel vm9, $0x6EF2, v6;
	v7 =	vsel vm9, $0xEF3, v7;
	v5 =	vsel vm9, $0x4EF2, v5  }
0x8f: {  	v6 =	vsel vm6, $0x6F72, v6;
	v7 =	vsel vm6, $0xF73, v7;
	v5 =	vsel vm6, $0x4F72, v5  }
0x90: {  	v6 =	vsel vm0, $0x6FF2, v6;
	v7 =	vsel vm0, $0xFF3, v7;
	v5 =	vsel vm0, $0x4FF2, v5  }
0x91: {  	v6 =	vsel vm1, $0x7C72, v6;
	v7 =	vsel vm1, $0x1C73, v7;
	v5 =	vsel vm1, $0x5C72, v5  }
0x92: {  	v6 =	vsel vm2, $0x7CF2, v6;
	v7 =	vsel vm2, $0x1CF3, v7;
	v5 =	vsel vm2, $0x5CF2, v5  }
0x93: {  	v6 =	vsel vm3, $0x7D72, v6;
	v7 =	vsel vm3, $0x1D73, v7;
	v5 =	vsel vm3, $0x5D72, v5  }
0x94: {  	v6 =	vsel vm4, $0x7DF2, v6;
	v7 =	vsel vm4, $0x1DF3, v7;
	v5 =	vsel vm4, $0x5DF2, v5  }
0x95: {  	v6 =	vsel vm5, $0x7E72, v6;
	v7 =	vsel vm5, $0x1E73, v7;
	v5 =	vsel vm5, $0x5E72, v5  }
0x96: {  	v6 =	vsel vm7, $0x7EF2, v6;
	v7 =	vsel vm7, $0x1EF3, v7;
	v5 =	vsel vm7, $0x5EF2, v5  }
0x97: {  	v21 =	vsel vm8, $0x1F73, v7;
	v7 =	vimm.s32 $0x7FF3;
	v5 =	vsel vm8, $0x5F72, v5  }
0x98: {  	v7 =	vsel vm14, $0x6C73, v7;
	[tilespmem:$0x1FFE0] =	vst v5;
	v5 =	vsel vm8, $0x7F72, v6;
	v6 =	vimm.s32 $0x5FF3  }
0x99: {  	v7 =	vsel vm13, $0x6CF3, v7;
	[tilespmem:$0x1FFF0] =	vst v5;
	v5 =	vimm.s32 $0x3FF3;
	v6 =	vsel vm14, $0x4C73, v6  }
0x9a: {  	v7 =	vsel vm12, $0x6D73, v7;
	v5 =	vsel vm14, $0x2C73, v5;
	v6 =	vsel vm13, $0x4CF3, v6  }
0x9b: {  	v7 =	vsel vm11, $0x6DF3, v7;
	v5 =	vsel vm13, $0x2CF3, v5;
	v6 =	vsel vm12, $0x4D73, v6  }
0x9c: {  	v7 =	vsel vm10, $0x6E73, v7;
	v5 =	vsel vm12, $0x2D73, v5;
	v6 =	vsel vm11, $0x4DF3, v6  }
0x9d: {  	v7 =	vsel vm9, $0x6EF3, v7;
	v5 =	vsel vm11, $0x2DF3, v5;
	v6 =	vsel vm10, $0x4E73, v6  }
0x9e: {  	v7 =	vsel vm6, $0x6F73, v7;
	v5 =	vsel vm10, $0x2E73, v5;
	v6 =	vsel vm9, $0x4EF3, v6  }
0x9f: {  	v7 =	vsel vm0, $0x6FF3, v7;
	v5 =	vsel vm9, $0x2EF3, v5;
	v6 =	vsel vm6, $0x4F73, v6  }
0xa0: {  	v7 =	vsel vm1, $0x7C73, v7;
	v5 =	vsel vm6, $0x2F73, v5;
	v6 =	vsel vm0, $0x4FF3, v6  }
0xa1: {  	v7 =	vsel vm2, $0x7CF3, v7;
	v5 =	vsel vm0, $0x2FF3, v5;
	v6 =	vsel vm1, $0x5C73, v6  }
0xa2: {  	v7 =	vsel vm3, $0x7D73, v7;
	v5 =	vsel vm1, $0x3C73, v5;
	v6 =	vsel vm2, $0x5CF3, v6  }
0xa3: {  	v7 =	vsel vm4, $0x7DF3, v7;
	v5 =	vsel vm2, $0x3CF3, v5;
	v6 =	vsel vm3, $0x5D73, v6  }
0xa4: {  	v7 =	vsel vm5, $0x7E73, v7;
	v5 =	vsel vm3, $0x3D73, v5;
	v6 =	vsel vm4, $0x5DF3, v6  }
0xa5: {  	v7 =	vsel vm7, $0x7EF3, v7;
	v5 =	vsel vm4, $0x3DF3, v5;
	v6 =	vsel vm5, $0x5E73, v6  }
0xa6: {  	v24 =	vsel vm8, $0x7F73, v7;
	v7 =	vimm.s32 $0x5FF4;
	v5 =	vsel vm5, $0x3E73, v5  }
0xa7: {  	v6 =	vsel vm7, $0x5EF3, v6;
	v7 =	vsel vm14, $0x4C74, v7;
	v5 =	vsel vm7, $0x3EF3, v5  }
0xa8: {  	v23 =	vsel vm8, $0x5F73, v6;
	v6 =	vimm.s32 $0x3FF4;
	v7 =	vsel vm13, $0x4CF4, v7  }
0xa9: {  	v22 =	vsel vm8, $0x3F73, v5;
	v5 =	vimm.s32 $0x1FF4;
	v6 =	vsel vm14, $0x2C74, v6  }
0xaa: {  	v7 =	vsel vm12, $0x4D74, v7;
	v5 =	vsel vm14, $0xC74, v5;
	v6 =	vsel vm13, $0x2CF4, v6  }
0xab: {  	v7 =	vsel vm11, $0x4DF4, v7;
	v5 =	vsel vm13, $0xCF4, v5;
	v6 =	vsel vm12, $0x2D74, v6  }
0xac: {  	v7 =	vsel vm10, $0x4E74, v7;
	v5 =	vsel vm12, $0xD74, v5;
	v6 =	vsel vm11, $0x2DF4, v6  }
0xad: {  	v7 =	vsel vm9, $0x4EF4, v7;
	v5 =	vsel vm11, $0xDF4, v5;
	v6 =	vsel vm10, $0x2E74, v6  }
0xae: {  	v7 =	vsel vm6, $0x4F74, v7;
	v5 =	vsel vm10, $0xE74, v5;
	v6 =	vsel vm9, $0x2EF4, v6  }
0xaf: {  	v7 =	vsel vm0, $0x4FF4, v7;
	v5 =	vsel vm9, $0xEF4, v5;
	v6 =	vsel vm6, $0x2F74, v6  }
0xb0: {  	v7 =	vsel vm1, $0x5C74, v7;
	v5 =	vsel vm6, $0xF74, v5;
	v6 =	vsel vm0, $0x2FF4, v6  }
0xb1: {  	v7 =	vsel vm2, $0x5CF4, v7;
	v5 =	vsel vm0, $0xFF4, v5;
	v6 =	vsel vm1, $0x3C74, v6  }
0xb2: {  	v7 =	vsel vm3, $0x5D74, v7;
	v5 =	vsel vm1, $0x1C74, v5;
	v6 =	vsel vm2, $0x3CF4, v6  }
0xb3: {  	v7 =	vsel vm4, $0x5DF4, v7;
	v5 =	vsel vm2, $0x1CF4, v5;
	v6 =	vsel vm3, $0x3D74, v6  }
0xb4: {  	v7 =	vsel vm5, $0x5E74, v7;
	v5 =	vsel vm3, $0x1D74, v5;
	v6 =	vsel vm4, $0x3DF4, v6  }
0xb5: {  	v7 =	vsel vm7, $0x5EF4, v7;
	v5 =	vsel vm4, $0x1DF4, v5;
	v6 =	vsel vm5, $0x3E74, v6  }
0xb6: {  	v27 =	vsel vm8, $0x5F74, v7;
	v7 =	vimm.s32 $0x3FF5;
	v5 =	vsel vm5, $0x1E74, v5  }
0xb7: {  	v6 =	vsel vm7, $0x3EF4, v6;
	v7 =	vsel vm14, $0x2C75, v7;
	v5 =	vsel vm7, $0x1EF4, v5  }
0xb8: {  	v26 =	vsel vm8, $0x3F74, v6;
	v6 =	vimm.s32 $0x1FF5;
	v7 =	vsel vm13, $0x2CF5, v7  }
0xb9: {  	v25 =	vsel vm8, $0x1F74, v5;
	v5 =	vimm.s32 $0x7FF4;
	v6 =	vsel vm14, $0xC75, v6  }
0xba: {  	v7 =	vsel vm12, $0x2D75, v7;
	v5 =	vsel vm14, $0x6C74, v5;
	v6 =	vsel vm13, $0xCF5, v6  }
0xbb: {  	v7 =	vsel vm11, $0x2DF5, v7;
	v5 =	vsel vm13, $0x6CF4, v5;
	v6 =	vsel vm12, $0xD75, v6  }
0xbc: {  	v7 =	vsel vm10, $0x2E75, v7;
	v5 =	vsel vm12, $0x6D74, v5;
	v6 =	vsel vm11, $0xDF5, v6  }
0xbd: {  	v7 =	vsel vm9, $0x2EF5, v7;
	v5 =	vsel vm11, $0x6DF4, v5;
	v6 =	vsel vm10, $0xE75, v6  }
0xbe: {  	v7 =	vsel vm6, $0x2F75, v7;
	v5 =	vsel vm10, $0x6E74, v5;
	v6 =	vsel vm9, $0xEF5, v6  }
0xbf: {  	v7 =	vsel vm0, $0x2FF5, v7;
	v5 =	vsel vm9, $0x6EF4, v5;
	v6 =	vsel vm6, $0xF75, v6  }
0xc0: {  	v7 =	vsel vm1, $0x3C75, v7;
	v5 =	vsel vm6, $0x6F74, v5;
	v6 =	vsel vm0, $0xFF5, v6  }
0xc1: {  	v7 =	vsel vm2, $0x3CF5, v7;
	v5 =	vsel vm0, $0x6FF4, v5;
	v6 =	vsel vm1, $0x1C75, v6  }
0xc2: {  	v7 =	vsel vm3, $0x3D75, v7;
	v5 =	vsel vm1, $0x7C74, v5;
	v6 =	vsel vm2, $0x1CF5, v6  }
0xc3: {  	v7 =	vsel vm4, $0x3DF5, v7;
	v5 =	vsel vm2, $0x7CF4, v5;
	v6 =	vsel vm3, $0x1D75, v6  }
0xc4: {  	v7 =	vsel vm5, $0x3E75, v7;
	v5 =	vsel vm3, $0x7D74, v5;
	v6 =	vsel vm4, $0x1DF5, v6  }
0xc5: {  	v7 =	vsel vm7, $0x3EF5, v7;
	v5 =	vsel vm4, $0x7DF4, v5;
	v6 =	vsel vm5, $0x1E75, v6  }
0xc6: {  	v30 =	vsel vm8, $0x3F75, v7;
	v7 =	vimm.s32 $0x1FF6;
	v5 =	vsel vm5, $0x7E74, v5  }
0xc7: {  	v6 =	vsel vm7, $0x1EF5, v6;
	v7 =	vsel vm14, $0xC76, v7;
	v5 =	vsel vm7, $0x7EF4, v5  }
0xc8: {  	v29 =	vsel vm8, $0x1F75, v6;
	v6 =	vimm.s32 $0x7FF5;
	v7 =	vsel vm13, $0xCF6, v7  }
0xc9: {  	v28 =	vsel vm8, $0x7F74, v5;
	v5 =	vimm.s32 $0x5FF5;
	v6 =	vsel vm14, $0x6C75, v6  }
0xca: {  	v7 =	vsel vm12, $0xD76, v7;
	v5 =	vsel vm14, $0x4C75, v5;
	v6 =	vsel vm13, $0x6CF5, v6  }
0xcb: {  	v7 =	vsel vm11, $0xDF6, v7;
	v5 =	vsel vm13, $0x4CF5, v5;
	v6 =	vsel vm12, $0x6D75, v6  }
0xcc: {  	v7 =	vsel vm10, $0xE76, v7;
	v5 =	vsel vm12, $0x4D75, v5;
	v6 =	vsel vm11, $0x6DF5, v6  }
0xcd: {  	v7 =	vsel vm9, $0xEF6, v7;
	v5 =	vsel vm11, $0x4DF5, v5;
	v6 =	vsel vm10, $0x6E75, v6  }
0xce: {  	v7 =	vsel vm6, $0xF76, v7;
	v5 =	vsel vm10, $0x4E75, v5;
	v6 =	vsel vm9, $0x6EF5, v6  }
0xcf: {  	v7 =	vsel vm0, $0xFF6, v7;
	v5 =	vsel vm9, $0x4EF5, v5;
	v6 =	vsel vm6, $0x6F75, v6  }
0xd0: {  	v7 =	vsel vm1, $0x1C76, v7;
	v5 =	vsel vm6, $0x4F75, v5;
	v6 =	vsel vm0, $0x6FF5, v6  }
0xd1: {  	v7 =	vsel vm2, $0x1CF6, v7;
	v5 =	vsel vm0, $0x4FF5, v5;
	v6 =	vsel vm1, $0x7C75, v6  }
0xd2: {  	v7 =	vsel vm3, $0x1D76, v7;
	v5 =	vsel vm1, $0x5C75, v5;
	v6 =	vsel vm2, $0x7CF5, v6  }
0xd3: {  	v7 =	vsel vm4, $0x1DF6, v7;
	v5 =	vsel vm2, $0x5CF5, v5;
	v6 =	vsel vm3, $0x7D75, v6  }
0xd4: {  	v7 =	vsel vm5, $0x1E76, v7;
	v5 =	vsel vm3, $0x5D75, v5;
	v6 =	vsel vm4, $0x7DF5, v6  }
0xd5: {  	v7 =	vsel vm7, $0x1EF6, v7;
	v5 =	vsel vm4, $0x5DF5, v5;
	v6 =	vsel vm5, $0x7E75, v6  }
0xd6: {  	v33 =	vsel vm8, $0x1F76, v7;
	v7 =	vimm.s32 $0x7FF6;
	v5 =	vsel vm5, $0x5E75, v5  }
0xd7: {  	v6 =	vsel vm7, $0x7EF5, v6;
	v7 =	vsel vm14, $0x6C76, v7;
	v5 =	vsel vm7, $0x5EF5, v5  }
0xd8: {  	v32 =	vsel vm8, $0x7F75, v6;
	v6 =	vimm.s32 $0x5FF6;
	v7 =	vsel vm13, $0x6CF6, v7  }
0xd9: {  	v31 =	vsel vm8, $0x5F75, v5;
	v5 =	vimm.s32 $0x3FF6;
	v6 =	vsel vm14, $0x4C76, v6  }
0xda: {  	v7 =	vsel vm12, $0x6D76, v7;
	v5 =	vsel vm14, $0x2C76, v5;
	v6 =	vsel vm13, $0x4CF6, v6  }
0xdb: {  	v7 =	vsel vm11, $0x6DF6, v7;
	v5 =	vsel vm13, $0x2CF6, v5;
	v6 =	vsel vm12, $0x4D76, v6  }
0xdc: {  	v7 =	vsel vm10, $0x6E76, v7;
	v5 =	vsel vm12, $0x2D76, v5;
	v6 =	vsel vm11, $0x4DF6, v6  }
0xdd: {  	v7 =	vsel vm9, $0x6EF6, v7;
	v5 =	vsel vm11, $0x2DF6, v5;
	v6 =	vsel vm10, $0x4E76, v6  }
0xde: {  	v7 =	vsel vm6, $0x6F76, v7;
	v5 =	vsel vm10, $0x2E76, v5;
	v6 =	vsel vm9, $0x4EF6, v6  }
0xdf: {  	v7 =	vsel vm0, $0x6FF6, v7;
	v5 =	vsel vm9, $0x2EF6, v5;
	v6 =	vsel vm6, $0x4F76, v6  }
0xe0: {  	v7 =	vsel vm1, $0x7C76, v7;
	v5 =	vsel vm6, $0x2F76, v5;
	v6 =	vsel vm0, $0x4FF6, v6  }
0xe1: {  	v7 =	vsel vm2, $0x7CF6, v7;
	v5 =	vsel vm0, $0x2FF6, v5;
	v6 =	vsel vm1, $0x5C76, v6  }
0xe2: {  	v7 =	vsel vm3, $0x7D76, v7;
	v5 =	vsel vm1, $0x3C76, v5;
	v6 =	vsel vm2, $0x5CF6, v6  }
0xe3: {  	v7 =	vsel vm4, $0x7DF6, v7;
	v5 =	vsel vm2, $0x3CF6, v5;
	v6 =	vsel vm3, $0x5D76, v6  }
0xe4: {  	v7 =	vsel vm5, $0x7E76, v7;
	v5 =	vsel vm3, $0x3D76, v5;
	v6 =	vsel vm4, $0x5DF6, v6  }
0xe5: {  	v7 =	vsel vm7, $0x7EF6, v7;
	v5 =	vsel vm4, $0x3DF6, v5;
	v6 =	vsel vm5, $0x5E76, v6  }
0xe6: {  	v36 =	vsel vm8, $0x7F76, v7;
	v7 =	vimm.s32 $0x5FF7;
	v5 =	vsel vm5, $0x3E76, v5  }
0xe7: {  	v6 =	vsel vm7, $0x5EF6, v6;
	v7 =	vsel vm14, $0x4C77, v7;
	v5 =	vsel vm7, $0x3EF6, v5  }
0xe8: {  	v35 =	vsel vm8, $0x5F76, v6;
	v6 =	vimm.s32 $0x3FF7;
	v7 =	vsel vm13, $0x4CF7, v7  }
0xe9: {  	v34 =	vsel vm8, $0x3F76, v5;
	v5 =	vimm.s32 $0x1FF7;
	v6 =	vsel vm14, $0x2C77, v6  }
0xea: {  	v7 =	vsel vm12, $0x4D77, v7;
	v5 =	vsel vm14, $0xC77, v5;
	v6 =	vsel vm13, $0x2CF7, v6  }
0xeb: {  	v7 =	vsel vm11, $0x4DF7, v7;
	v5 =	vsel vm13, $0xCF7, v5;
	v6 =	vsel vm12, $0x2D77, v6  }
0xec: {  	v7 =	vsel vm10, $0x4E77, v7;
	v5 =	vsel vm12, $0xD77, v5;
	v6 =	vsel vm11, $0x2DF7, v6  }
0xed: {  	v7 =	vsel vm9, $0x4EF7, v7;
	v5 =	vsel vm11, $0xDF7, v5;
	v6 =	vsel vm10, $0x2E77, v6  }
0xee: {  	v7 =	vsel vm6, $0x4F77, v7;
	v5 =	vsel vm10, $0xE77, v5;
	v6 =	vsel vm9, $0x2EF7, v6  }
0xef: {  	v7 =	vsel vm0, $0x4FF7, v7;
	v5 =	vsel vm9, $0xEF7, v5;
	v6 =	vsel vm6, $0x2F77, v6  }
0xf0: {  	v7 =	vsel vm1, $0x5C77, v7;
	v5 =	vsel vm6, $0xF77, v5;
	v6 =	vsel vm0, $0x2FF7, v6  }
0xf1: {  	v7 =	vsel vm2, $0x5CF7, v7;
	v5 =	vsel vm0, $0xFF7, v5;
	v6 =	vsel vm1, $0x3C77, v6  }
0xf2: {  	v7 =	vsel vm3, $0x5D77, v7;
	v5 =	vsel vm1, $0x1C77, v5;
	v6 =	vsel vm2, $0x3CF7, v6  }
0xf3: {  	v7 =	vsel vm4, $0x5DF7, v7;
	v5 =	vsel vm2, $0x1CF7, v5;
	v6 =	vsel vm3, $0x3D77, v6  }
0xf4: {  	v7 =	vsel vm5, $0x5E77, v7;
	v5 =	vsel vm3, $0x1D77, v5;
	v6 =	vsel vm4, $0x3DF7, v6  }
0xf5: {  	v7 =	vsel vm7, $0x5EF7, v7;
	v5 =	vsel vm4, $0x1DF7, v5;
	v6 =	vsel vm5, $0x3E77, v6  }
0xf6: {  	v39 =	vsel vm8, $0x5F77, v7;
	v7 =	vimm.s32 $0x3FF8;
	v5 =	vsel vm5, $0x1E77, v5  }
0xf7: {  	v6 =	vsel vm7, $0x3EF7, v6;
	v7 =	vsel vm14, $0x2C78, v7;
	v5 =	vsel vm7, $0x1EF7, v5  }
0xf8: {  	v38 =	vsel vm8, $0x3F77, v6;
	v6 =	vimm.s32 $0x1FF8;
	v7 =	vsel vm13, $0x2CF8, v7  }
0xf9: {  	v37 =	vsel vm8, $0x1F77, v5;
	v5 =	vimm.s32 $0x7FF7;
	v6 =	vsel vm14, $0xC78, v6  }
0xfa: {  	v7 =	vsel vm12, $0x2D78, v7;
	v5 =	vsel vm14, $0x6C77, v5;
	v6 =	vsel vm13, $0xCF8, v6  }
0xfb: {  	v7 =	vsel vm11, $0x2DF8, v7;
	v5 =	vsel vm13, $0x6CF7, v5;
	v6 =	vsel vm12, $0xD78, v6  }
0xfc: {  	v7 =	vsel vm10, $0x2E78, v7;
	v5 =	vsel vm12, $0x6D77, v5;
	v6 =	vsel vm11, $0xDF8, v6  }
0xfd: {  	v7 =	vsel vm9, $0x2EF8, v7;
	v5 =	vsel vm11, $0x6DF7, v5;
	v6 =	vsel vm10, $0xE78, v6  }
0xfe: {  	v7 =	vsel vm6, $0x2F78, v7;
	v5 =	vsel vm10, $0x6E77, v5;
	v6 =	vsel vm9, $0xEF8, v6  }
0xff: {  	v7 =	vsel vm0, $0x2FF8, v7;
	v5 =	vsel vm9, $0x6EF7, v5;
	v6 =	vsel vm6, $0xF78, v6  }
0x100: {  	v7 =	vsel vm1, $0x3C78, v7;
	v5 =	vsel vm6, $0x6F77, v5;
	v6 =	vsel vm0, $0xFF8, v6  }
0x101: {  	v7 =	vsel vm2, $0x3CF8, v7;
	v5 =	vsel vm0, $0x6FF7, v5;
	v6 =	vsel vm1, $0x1C78, v6  }
0x102: {  	v7 =	vsel vm3, $0x3D78, v7;
	v5 =	vsel vm1, $0x7C77, v5;
	v6 =	vsel vm2, $0x1CF8, v6  }
0x103: {  	v7 =	vsel vm4, $0x3DF8, v7;
	v5 =	vsel vm2, $0x7CF7, v5;
	v6 =	vsel vm3, $0x1D78, v6  }
0x104: {  	v7 =	vsel vm5, $0x3E78, v7;
	v5 =	vsel vm3, $0x7D77, v5;
	v6 =	vsel vm4, $0x1DF8, v6  }
0x105: {  	v7 =	vsel vm7, $0x3EF8, v7;
	v5 =	vsel vm4, $0x7DF7, v5;
	v6 =	vsel vm5, $0x1E78, v6  }
0x106: {  	v42 =	vsel vm8, $0x3F78, v7;
	v7 =	vimm.s32 $0x1FF9;
	v5 =	vsel vm5, $0x7E77, v5  }
0x107: {  	v6 =	vsel vm7, $0x1EF8, v6;
	v7 =	vsel vm14, $0xC79, v7;
	v5 =	vsel vm7, $0x7EF7, v5  }
0x108: {  	v41 =	vsel vm8, $0x1F78, v6;
	v6 =	vimm.s32 $0x7FF8;
	v7 =	vsel vm13, $0xCF9, v7  }
0x109: {  	v40 =	vsel vm8, $0x7F77, v5;
	v5 =	vimm.s32 $0x5FF8;
	v6 =	vsel vm14, $0x6C78, v6  }
0x10a: {  	v7 =	vsel vm12, $0xD79, v7;
	v5 =	vsel vm14, $0x4C78, v5;
	v6 =	vsel vm13, $0x6CF8, v6  }
0x10b: {  	v7 =	vsel vm11, $0xDF9, v7;
	v5 =	vsel vm13, $0x4CF8, v5;
	v6 =	vsel vm12, $0x6D78, v6  }
0x10c: {  	v7 =	vsel vm10, $0xE79, v7;
	v5 =	vsel vm12, $0x4D78, v5;
	v6 =	vsel vm11, $0x6DF8, v6  }
0x10d: {  	v7 =	vsel vm9, $0xEF9, v7;
	v5 =	vsel vm11, $0x4DF8, v5;
	v6 =	vsel vm10, $0x6E78, v6  }
0x10e: {  	v7 =	vsel vm6, $0xF79, v7;
	v5 =	vsel vm10, $0x4E78, v5;
	v6 =	vsel vm9, $0x6EF8, v6  }
0x10f: {  	v7 =	vsel vm0, $0xFF9, v7;
	v5 =	vsel vm9, $0x4EF8, v5;
	v6 =	vsel vm6, $0x6F78, v6  }
0x110: {  	v7 =	vsel vm1, $0x1C79, v7;
	v5 =	vsel vm6, $0x4F78, v5;
	v6 =	vsel vm0, $0x6FF8, v6  }
0x111: {  	v7 =	vsel vm2, $0x1CF9, v7;
	v5 =	vsel vm0, $0x4FF8, v5;
	v6 =	vsel vm1, $0x7C78, v6  }
0x112: {  	v7 =	vsel vm3, $0x1D79, v7;
	v5 =	vsel vm1, $0x5C78, v5;
	v6 =	vsel vm2, $0x7CF8, v6  }
0x113: {  	v7 =	vsel vm4, $0x1DF9, v7;
	v5 =	vsel vm2, $0x5CF8, v5;
	v6 =	vsel vm3, $0x7D78, v6  }
0x114: {  	v7 =	vsel vm5, $0x1E79, v7;
	v5 =	vsel vm3, $0x5D78, v5;
	v6 =	vsel vm4, $0x7DF8, v6  }
0x115: {  	v7 =	vsel vm7, $0x1EF9, v7;
	v5 =	vsel vm4, $0x5DF8, v5;
	v6 =	vsel vm5, $0x7E78, v6  }
0x116: {  	v45 =	vsel vm8, $0x1F79, v7;
	v7 =	vimm.s32 $0x7FF9;
	v5 =	vsel vm5, $0x5E78, v5  }
0x117: {  	v6 =	vsel vm7, $0x7EF8, v6;
	v7 =	vsel vm14, $0x6C79, v7;
	v5 =	vsel vm7, $0x5EF8, v5  }
0x118: {  	v44 =	vsel vm8, $0x7F78, v6;
	v6 =	vimm.s32 $0x5FF9;
	v7 =	vsel vm13, $0x6CF9, v7  }
0x119: {  	v43 =	vsel vm8, $0x5F78, v5;
	v5 =	vimm.s32 $0x3FF9;
	v6 =	vsel vm14, $0x4C79, v6  }
0x11a: {  	v7 =	vsel vm12, $0x6D79, v7;
	v5 =	vsel vm14, $0x2C79, v5;
	v6 =	vsel vm13, $0x4CF9, v6  }
0x11b: {  	v7 =	vsel vm11, $0x6DF9, v7;
	v5 =	vsel vm13, $0x2CF9, v5;
	v6 =	vsel vm12, $0x4D79, v6  }
0x11c: {  	v7 =	vsel vm10, $0x6E79, v7;
	v5 =	vsel vm12, $0x2D79, v5;
	v6 =	vsel vm11, $0x4DF9, v6  }
0x11d: {  	v7 =	vsel vm9, $0x6EF9, v7;
	v5 =	vsel vm11, $0x2DF9, v5;
	v6 =	vsel vm10, $0x4E79, v6  }
0x11e: {  	v7 =	vsel vm6, $0x6F79, v7;
	v5 =	vsel vm10, $0x2E79, v5;
	v6 =	vsel vm9, $0x4EF9, v6  }
0x11f: {  	v7 =	vsel vm0, $0x6FF9, v7;
	v5 =	vsel vm9, $0x2EF9, v5;
	v6 =	vsel vm6, $0x4F79, v6  }
0x120: {  	v7 =	vsel vm1, $0x7C79, v7;
	v5 =	vsel vm6, $0x2F79, v5;
	v6 =	vsel vm0, $0x4FF9, v6  }
0x121: {  	v7 =	vsel vm2, $0x7CF9, v7;
	v5 =	vsel vm0, $0x2FF9, v5;
	v6 =	vsel vm1, $0x5C79, v6  }
0x122: {  	v7 =	vsel vm3, $0x7D79, v7;
	v5 =	vsel vm1, $0x3C79, v5;
	v6 =	vsel vm2, $0x5CF9, v6  }
0x123: {  	v7 =	vsel vm4, $0x7DF9, v7;
	v5 =	vsel vm2, $0x3CF9, v5;
	v6 =	vsel vm3, $0x5D79, v6  }
0x124: {  	v7 =	vsel vm5, $0x7E79, v7;
	v5 =	vsel vm3, $0x3D79, v5;
	v6 =	vsel vm4, $0x5DF9, v6  }
0x125: {  	v7 =	vsel vm7, $0x7EF9, v7;
	v5 =	vsel vm4, $0x3DF9, v5;
	v6 =	vsel vm5, $0x5E79, v6  }
0x126: {  	v48 =	vsel vm8, $0x7F79, v7;
	v7 =	vimm.s32 $0x5FFA;
	v5 =	vsel vm5, $0x3E79, v5  }
0x127: {  	v6 =	vsel vm7, $0x5EF9, v6;
	v7 =	vsel vm14, $0x4C7A, v7;
	v5 =	vsel vm7, $0x3EF9, v5  }
0x128: {  	v47 =	vsel vm8, $0x5F79, v6;
	v6 =	vimm.s32 $0x3FFA;
	v7 =	vsel vm13, $0x4CFA, v7  }
0x129: {  	v46 =	vsel vm8, $0x3F79, v5;
	v5 =	vimm.s32 $0x1FFA;
	v6 =	vsel vm14, $0x2C7A, v6  }
0x12a: {  	v7 =	vsel vm12, $0x4D7A, v7;
	v5 =	vsel vm14, $0xC7A, v5;
	v6 =	vsel vm13, $0x2CFA, v6  }
0x12b: {  	v7 =	vsel vm11, $0x4DFA, v7;
	v5 =	vsel vm13, $0xCFA, v5;
	v6 =	vsel vm12, $0x2D7A, v6  }
0x12c: {  	v7 =	vsel vm10, $0x4E7A, v7;
	v5 =	vsel vm12, $0xD7A, v5;
	v6 =	vsel vm11, $0x2DFA, v6  }
0x12d: {  	v7 =	vsel vm9, $0x4EFA, v7;
	v5 =	vsel vm11, $0xDFA, v5;
	v6 =	vsel vm10, $0x2E7A, v6  }
0x12e: {  	v7 =	vsel vm6, $0x4F7A, v7;
	v5 =	vsel vm10, $0xE7A, v5;
	v6 =	vsel vm9, $0x2EFA, v6  }
0x12f: {  	v7 =	vsel vm0, $0x4FFA, v7;
	v5 =	vsel vm9, $0xEFA, v5;
	v6 =	vsel vm6, $0x2F7A, v6  }
0x130: {  	v7 =	vsel vm1, $0x5C7A, v7;
	v5 =	vsel vm6, $0xF7A, v5;
	v6 =	vsel vm0, $0x2FFA, v6  }
0x131: {  	v7 =	vsel vm2, $0x5CFA, v7;
	v5 =	vsel vm0, $0xFFA, v5;
	v6 =	vsel vm1, $0x3C7A, v6  }
0x132: {  	v7 =	vsel vm3, $0x5D7A, v7;
	v5 =	vsel vm1, $0x1C7A, v5;
	v6 =	vsel vm2, $0x3CFA, v6  }
0x133: {  	v7 =	vsel vm4, $0x5DFA, v7;
	v5 =	vsel vm2, $0x1CFA, v5;
	v6 =	vsel vm3, $0x3D7A, v6  }
0x134: {  	v7 =	vsel vm5, $0x5E7A, v7;
	v5 =	vsel vm3, $0x1D7A, v5;
	v6 =	vsel vm4, $0x3DFA, v6  }
0x135: {  	v7 =	vsel vm7, $0x5EFA, v7;
	v5 =	vsel vm4, $0x1DFA, v5;
	v6 =	vsel vm5, $0x3E7A, v6  }
0x136: {  	v51 =	vsel vm8, $0x5F7A, v7;
	v7 =	vimm.s32 $0x3FFB;
	v5 =	vsel vm5, $0x1E7A, v5  }
0x137: {  	v6 =	vsel vm7, $0x3EFA, v6;
	v7 =	vsel vm14, $0x2C7B, v7;
	v5 =	vsel vm7, $0x1EFA, v5  }
0x138: {  	v50 =	vsel vm8, $0x3F7A, v6;
	v6 =	vimm.s32 $0x1FFB;
	v7 =	vsel vm13, $0x2CFB, v7  }
0x139: {  	v49 =	vsel vm8, $0x1F7A, v5;
	v5 =	vimm.s32 $0x7FFA;
	v6 =	vsel vm14, $0xC7B, v6  }
0x13a: {  	v7 =	vsel vm12, $0x2D7B, v7;
	v5 =	vsel vm14, $0x6C7A, v5;
	v6 =	vsel vm13, $0xCFB, v6  }
0x13b: {  	v7 =	vsel vm11, $0x2DFB, v7;
	v5 =	vsel vm13, $0x6CFA, v5;
	v6 =	vsel vm12, $0xD7B, v6  }
0x13c: {  	v7 =	vsel vm10, $0x2E7B, v7;
	v5 =	vsel vm12, $0x6D7A, v5;
	v6 =	vsel vm11, $0xDFB, v6  }
0x13d: {  	v7 =	vsel vm9, $0x2EFB, v7;
	v5 =	vsel vm11, $0x6DFA, v5;
	v6 =	vsel vm10, $0xE7B, v6  }
0x13e: {  	v7 =	vsel vm6, $0x2F7B, v7;
	v5 =	vsel vm10, $0x6E7A, v5;
	v6 =	vsel vm9, $0xEFB, v6  }
0x13f: {  	v7 =	vsel vm0, $0x2FFB, v7;
	v5 =	vsel vm9, $0x6EFA, v5;
	v6 =	vsel vm6, $0xF7B, v6  }
0x140: {  	v7 =	vsel vm1, $0x3C7B, v7;
	v5 =	vsel vm6, $0x6F7A, v5;
	v6 =	vsel vm0, $0xFFB, v6  }
0x141: {  	v7 =	vsel vm2, $0x3CFB, v7;
	v5 =	vsel vm0, $0x6FFA, v5;
	v6 =	vsel vm1, $0x1C7B, v6  }
0x142: {  	v7 =	vsel vm3, $0x3D7B, v7;
	v5 =	vsel vm1, $0x7C7A, v5;
	v6 =	vsel vm2, $0x1CFB, v6  }
0x143: {  	v7 =	vsel vm4, $0x3DFB, v7;
	v5 =	vsel vm2, $0x7CFA, v5;
	v6 =	vsel vm3, $0x1D7B, v6  }
0x144: {  	v7 =	vsel vm5, $0x3E7B, v7;
	v5 =	vsel vm3, $0x7D7A, v5;
	v6 =	vsel vm4, $0x1DFB, v6  }
0x145: {  	v7 =	vsel vm7, $0x3EFB, v7;
	v5 =	vsel vm4, $0x7DFA, v5;
	v6 =	vsel vm5, $0x1E7B, v6  }
0x146: {  	v54 =	vsel vm8, $0x3F7B, v7;
	v7 =	vimm.s32 $0x1FFC;
	v5 =	vsel vm5, $0x7E7A, v5  }
0x147: {  	v6 =	vsel vm7, $0x1EFB, v6;
	v7 =	vsel vm14, $0xC7C, v7;
	v5 =	vsel vm7, $0x7EFA, v5  }
0x148: {  	v53 =	vsel vm8, $0x1F7B, v6;
	v6 =	vimm.s32 $0x7FFB;
	v7 =	vsel vm13, $0xCFC, v7  }
0x149: {  	v52 =	vsel vm8, $0x7F7A, v5;
	v5 =	vimm.s32 $0x5FFB;
	v6 =	vsel vm14, $0x6C7B, v6  }
0x14a: {  	v7 =	vsel vm12, $0xD7C, v7;
	v5 =	vsel vm14, $0x4C7B, v5;
	v6 =	vsel vm13, $0x6CFB, v6  }
0x14b: {  	v7 =	vsel vm11, $0xDFC, v7;
	v5 =	vsel vm13, $0x4CFB, v5;
	v6 =	vsel vm12, $0x6D7B, v6  }
0x14c: {  	v7 =	vsel vm10, $0xE7C, v7;
	v5 =	vsel vm12, $0x4D7B, v5;
	v6 =	vsel vm11, $0x6DFB, v6  }
0x14d: {  	v7 =	vsel vm9, $0xEFC, v7;
	v5 =	vsel vm11, $0x4DFB, v5;
	v6 =	vsel vm10, $0x6E7B, v6  }
0x14e: {  	v7 =	vsel vm6, $0xF7C, v7;
	v5 =	vsel vm10, $0x4E7B, v5;
	v6 =	vsel vm9, $0x6EFB, v6  }
0x14f: {  	v7 =	vsel vm0, $0xFFC, v7;
	v5 =	vsel vm9, $0x4EFB, v5;
	v6 =	vsel vm6, $0x6F7B, v6  }
0x150: {  	v7 =	vsel vm1, $0x1C7C, v7;
	v5 =	vsel vm6, $0x4F7B, v5;
	v6 =	vsel vm0, $0x6FFB, v6  }
0x151: {  	v7 =	vsel vm2, $0x1CFC, v7;
	v5 =	vsel vm0, $0x4FFB, v5;
	v6 =	vsel vm1, $0x7C7B, v6  }
0x152: {  	v7 =	vsel vm3, $0x1D7C, v7;
	v5 =	vsel vm1, $0x5C7B, v5;
	v6 =	vsel vm2, $0x7CFB, v6  }
0x153: {  	v7 =	vsel vm4, $0x1DFC, v7;
	v5 =	vsel vm2, $0x5CFB, v5;
	v6 =	vsel vm3, $0x7D7B, v6  }
0x154: {  	v7 =	vsel vm5, $0x1E7C, v7;
	v5 =	vsel vm3, $0x5D7B, v5;
	v6 =	vsel vm4, $0x7DFB, v6  }
0x155: {  	v7 =	vsel vm7, $0x1EFC, v7;
	v5 =	vsel vm4, $0x5DFB, v5;
	v6 =	vsel vm5, $0x7E7B, v6  }
0x156: {  	v57 =	vsel vm8, $0x1F7C, v7;
	v7 =	vimm.s32 $0x7FFC;
	v5 =	vsel vm5, $0x5E7B, v5  }
0x157: {  	v6 =	vsel vm7, $0x7EFB, v6;
	v7 =	vsel vm14, $0x6C7C, v7;
	v5 =	vsel vm7, $0x5EFB, v5  }
0x158: {  	v56 =	vsel vm8, $0x7F7B, v6;
	v6 =	vimm.s32 $0x5FFC;
	v7 =	vsel vm13, $0x6CFC, v7  }
0x159: {  	v55 =	vsel vm8, $0x5F7B, v5;
	v5 =	vimm.s32 $0x3FFC;
	v6 =	vsel vm14, $0x4C7C, v6  }
0x15a: {  	v7 =	vsel vm12, $0x6D7C, v7;
	v5 =	vsel vm14, $0x2C7C, v5;
	v6 =	vsel vm13, $0x4CFC, v6  }
0x15b: {  	v7 =	vsel vm11, $0x6DFC, v7;
	v5 =	vsel vm13, $0x2CFC, v5;
	v6 =	vsel vm12, $0x4D7C, v6  }
0x15c: {  	v7 =	vsel vm10, $0x6E7C, v7;
	v5 =	vsel vm12, $0x2D7C, v5;
	v6 =	vsel vm11, $0x4DFC, v6  }
0x15d: {  	v7 =	vsel vm9, $0x6EFC, v7;
	v5 =	vsel vm11, $0x2DFC, v5;
	v6 =	vsel vm10, $0x4E7C, v6  }
0x15e: {  	v7 =	vsel vm6, $0x6F7C, v7;
	v5 =	vsel vm10, $0x2E7C, v5;
	v6 =	vsel vm9, $0x4EFC, v6  }
0x15f: {  	v7 =	vsel vm0, $0x6FFC, v7;
	v5 =	vsel vm9, $0x2EFC, v5;
	v6 =	vsel vm6, $0x4F7C, v6  }
0x160: {  	v7 =	vsel vm1, $0x7C7C, v7;
	v5 =	vsel vm6, $0x2F7C, v5;
	v6 =	vsel vm0, $0x4FFC, v6  }
0x161: {  	v7 =	vsel vm2, $0x7CFC, v7;
	v5 =	vsel vm0, $0x2FFC, v5;
	v6 =	vsel vm1, $0x5C7C, v6  }
0x162: {  	v7 =	vsel vm3, $0x7D7C, v7;
	v5 =	vsel vm1, $0x3C7C, v5;
	v6 =	vsel vm2, $0x5CFC, v6  }
0x163: {  	v7 =	vsel vm4, $0x7DFC, v7;
	v5 =	vsel vm2, $0x3CFC, v5;
	v6 =	vsel vm3, $0x5D7C, v6  }
0x164: {  	v7 =	vsel vm5, $0x7E7C, v7;
	v5 =	vsel vm3, $0x3D7C, v5;
	v6 =	vsel vm4, $0x5DFC, v6  }
0x165: {  	v7 =	vsel vm7, $0x7EFC, v7;
	v5 =	vsel vm4, $0x3DFC, v5;
	v6 =	vsel vm5, $0x5E7C, v6  }
0x166: {  	v60 =	vsel vm8, $0x7F7C, v7;
	v7 =	vimm.s32 $0x5FFD;
	v5 =	vsel vm5, $0x3E7C, v5  }
0x167: {  	v6 =	vsel vm7, $0x5EFC, v6;
	v7 =	vsel vm14, $0x4C7D, v7;
	v5 =	vsel vm7, $0x3EFC, v5  }
0x168: {  	v59 =	vsel vm8, $0x5F7C, v6;
	v6 =	vimm.s32 $0x3FFD;
	v7 =	vsel vm13, $0x4CFD, v7  }
0x169: {  	v58 =	vsel vm8, $0x3F7C, v5;
	v5 =	vimm.s32 $0x1FFD;
	v6 =	vsel vm14, $0x2C7D, v6  }
0x16a: {  	v7 =	vsel vm12, $0x4D7D, v7;
	v5 =	vsel vm14, $0xC7D, v5;
	v6 =	vsel vm13, $0x2CFD, v6  }
0x16b: {  	v7 =	vsel vm11, $0x4DFD, v7;
	v5 =	vsel vm13, $0xCFD, v5;
	v6 =	vsel vm12, $0x2D7D, v6  }
0x16c: {  	v7 =	vsel vm10, $0x4E7D, v7;
	v5 =	vsel vm12, $0xD7D, v5;
	v6 =	vsel vm11, $0x2DFD, v6  }
0x16d: {  	v7 =	vsel vm9, $0x4EFD, v7;
	v5 =	vsel vm11, $0xDFD, v5;
	v6 =	vsel vm10, $0x2E7D, v6  }
0x16e: {  	v7 =	vsel vm6, $0x4F7D, v7;
	v5 =	vsel vm10, $0xE7D, v5;
	v6 =	vsel vm9, $0x2EFD, v6  }
0x16f: {  	v7 =	vsel vm0, $0x4FFD, v7;
	v5 =	vsel vm9, $0xEFD, v5;
	v6 =	vsel vm6, $0x2F7D, v6  }
0x170: {  	v7 =	vsel vm1, $0x5C7D, v7;
	v5 =	vsel vm6, $0xF7D, v5;
	v6 =	vsel vm0, $0x2FFD, v6  }
0x171: {  	v7 =	vsel vm2, $0x5CFD, v7;
	v5 =	vsel vm0, $0xFFD, v5;
	v6 =	vsel vm1, $0x3C7D, v6  }
0x172: {  	v7 =	vsel vm3, $0x5D7D, v7;
	v5 =	vsel vm1, $0x1C7D, v5;
	v6 =	vsel vm2, $0x3CFD, v6  }
0x173: {  	v7 =	vsel vm4, $0x5DFD, v7;
	v5 =	vsel vm2, $0x1CFD, v5;
	v6 =	vsel vm3, $0x3D7D, v6  }
0x174: {  	v7 =	vsel vm5, $0x5E7D, v7;
	v5 =	vsel vm3, $0x1D7D, v5;
	v6 =	vsel vm4, $0x3DFD, v6  }
0x175: {  	s1 =	rddreg [dreg:$0x0];
	v7 =	vsel vm7, $0x5EFD, v7;
	v5 =	vsel vm4, $0x1DFD, v5;
	v6 =	vsel vm5, $0x3E7D, v6  }
0x176: {  	s0 =	srdreg.scid;
	s3 =	rddreg [dreg:$0x1];
	v63 =	vsel vm8, $0x5F7D, v7;
	v5 =	vsel vm5, $0x1E7D, v5;
	v6 =	vsel vm7, $0x3EFD, v6  }
0x177: {  	s2 =	stileid.u32;
	s4 =	rddreg [dreg:$0x2];
	s8 =	simm.s32 $0x400;
	v7 =	vimm.s32 $0x3FFE;
	v5 =	vsel vm7, $0x1EFD, v5;
	v62 =	vsel vm8, $0x3F7D, v6  }
0x178: {  	s7 =	simm.s32 $0x0;
	s9 =	simm.s32 $0x7A1400;
	s10 =	simm.s32 $0xC;
	v6 =	vimm.s32 $0x1FFE;
	v61 =	vsel vm8, $0x1F7D, v5;
	v5 =	vimm.s32 $0x7FFD  }
0x179: {  	s11 =	simm.s32 $0x280;
	s12 =	simm.s32 $0x2280;
	s13 =	simm.s32 $0x4280;
	v7 =	vsel vm14, $0x2C7E, v7;
	v6 =	vsel vm14, $0xC7E, v6;
	v5 =	vsel vm14, $0x6C7D, v5  }
0x17a: {  	s14 =	simm.s32 $0x6280;
	s15 =	simm.s32 $0x8280;
	s16 =	simm.s32 $0xA280;
	v7 =	vsel vm13, $0x2CFE, v7;
	v6 =	vsel vm13, $0xCFE, v6;
	v5 =	vsel vm13, $0x6CFD, v5  }
0x17b: {  	s17 =	simm.s32 $0xC280;
	s18 =	simm.s32 $0xE280;
	s19 =	simm.s32 $0x10280;
	v7 =	vsel vm12, $0x2D7E, v7;
	v6 =	vsel vm12, $0xD7E, v6;
	v5 =	vsel vm12, $0x6D7D, v5  }
0x17c: {  	s20 =	simm.s32 $0x12280;
	s0 =	sand.u32 $0x1, s0;
	s2 =	sshll.u32 s2, $0x1;
	v7 =	vsel vm11, $0x2DFE, v7;
	v6 =	vsel vm11, $0xDFE, v6;
	v5 =	vsel vm11, $0x6DFD, v5  }
0x17d: {  	s21 =	simm.s32 $0x14280;
	s22 =	simm.s32 $0x1;
	s2 =	sor.u32 s0, s2;
	v7 =	vsel vm10, $0x2E7E, v7;
	v6 =	vsel vm10, $0xE7E, v6;
	v5 =	vsel vm10, $0x6E7D, v5  }
0x17e: {  	s23 =	simm.s32 $0x16280;
	s5 =	sshll.u32 s2, $0x9;
	s2 =	sshll.u32 s2, $0x7;
	v7 =	vsel vm9, $0x2EFE, v7;
	v6 =	vsel vm9, $0xEFE, v6;
	v5 =	vsel vm9, $0x6EFD, v5  }
0x17f: {  	s24 =	simm.s32 $0x2;
	s6 =	sand.u32 $0x3000, s5;
	s2 =	sand.u32 $0x380, s2;
	v7 =	vsel vm6, $0x2F7E, v7;
	v6 =	vsel vm6, $0xF7E, v6;
	v5 =	vsel vm6, $0x6F7D, v5  }
0x180: {  	s28 =	simm.s32 $0x5;
	s29 =	simm.s32 $0x6;
	s2 =	sor.u32 s2, s6;
	v7 =	vsel vm0, $0x2FFE, v7;
	v6 =	vsel vm0, $0xFFE, v6;
	v5 =	vsel vm0, $0x6FFD, v5  }
0x181: {  	s30 =	simm.s32 $0x7;
	s0 =	ssub.s32 $0x2, s0;
	s2 =	sshrl.u32 s2, $0x3;
	v7 =	vsel vm1, $0x3C7E, v7;
	v6 =	vsel vm1, $0x1C7E, v6;
	v5 =	vsel vm1, $0x7C7D, v5  }
0x182: {  	s31 =	simm.s32 $0x8;
	s25 =	sshrl.u32 s0, $0x1;
	s2 =	sadd.s32 s2, s3;
	v7 =	vsel vm2, $0x3CFE, v7;
	v6 =	vsel vm2, $0x1CFE, v6;
	v5 =	vsel vm2, $0x7CFD, v5  }
0x183: {  	[smem:$0x7FF] =	sst s7;
	s0 =	ssub.s32 s0, s25;
	s2 =	sadd.s32 $0x600, s2;
	v7 =	vsel vm3, $0x3D7E, v7;
	v6 =	vsel vm3, $0x1D7E, v6;
	v5 =	vsel vm3, $0x7D7D, v5  }
0x184: {  	s26 =	sadd.s32 s4, s5;
	_ =	strace $0x80000047;
	[dreg:$0x4] =	wrdreg s2;
	v7 =	vsel vm4, $0x3DFE, v7;
	v6 =	vsel vm4, $0x1DFE, v6;
	v5 =	vsel vm4, $0x7DFD, v5  }
0x185: {  	s7 =	simm.s32 $0xB;
	s0 =	smax.u32 s0, $0x1;
	[dreg:$0x5] =	wrdreg s26;
	v7 =	vsel vm5, $0x3E7E, v7;
	v6 =	vsel vm5, $0x1E7E, v6;
	v5 =	vsel vm5, $0x7E7D, v5  }
0x186: {  	s25 =	simm.s32 $0x3;
	s3 =	simm.s32 $0x0;
	[dreg:$0x6] =	wrdreg s0;
	v7 =	vsel vm7, $0x3EFE, v7;
	v6 =	vsel vm7, $0x1EFE, v6;
	v5 =	vsel vm7, $0x7EFD, v5  }
0x187: {  	s26 =	simm.s32 $0x4;
	s2 =	simm.s32 $0x9;
	s0 =	simm.s32 $0xA;
	v7 =	vsel vm8, $0x3F7E, v7;
	v6 =	vsel vm8, $0x1F7E, v6;
	v5 =	vsel vm8, $0x7F7D, v5  }
.LBB2_1:
0x188: {  	s4 =	simm.s32 $0x0;
	s5 =	rddreg [dreg:$0x4];
	s6 =	simm.s32 $0x80  }
0x189: {  	[tilespmem:s4], [sflag:$0xC] =	stream.strided.gather [hbm4b:s5+s6], $0x200, s8, s6, $0x38;
	[tilespmem:$0x1E280] =	vst v63  }
0x18a: {  	_ =	swait.ge [sflag:s10], $0x200  }
0x18b: {  	[sflag:s10] =	ssyncset.done $0x0  }
0x18c: {  	[sflag:s10] =	ssyncadd.s32 $0xFFFFFE00  }
0x18d: {  	v17 =	vld [tilespmem:$0x0];
	_ =	sdelay $0x4  }
0x18e: {  	(v2sf) =	vpush v17, $0x0;
	_ =	sdelay $0xe  }
0x18f: {  	s6 =	spop (v2sf)  }
0x190: {  	s4 =	sand.u32 $0xFFFFF80, s6  }
0x191: {  	s4 =	sadd.s32 s1, s4  }
0x192: {  	[tilespmem:s11], [sflag:$0x1] =	stream.strided.gather [hbm4b:s4+s8], $0x2000, s9, s8, $0x38;
	[tilespmem:$0x1E280] =	vst v63  }
0x193: {  	v17 =	vld [tilespmem:$0x1];
	_ =	sdelay $0x4  }
0x194: {  	(v2sf) =	vpush v17, $0x0;
	_ =	sdelay $0xe  }
0x195: {  	s10 =	spop (v2sf)  }
0x196: {  	s4 =	sand.u32 $0xFFFFF80, s10  }
0x197: {  	s4 =	sadd.s32 s1, s4  }
0x198: {  	[tilespmem:s12], [sflag:$0x2] =	stream.strided.gather [hbm4b:s4+s8], $0x2000, s9, s8, $0x38;
	[tilespmem:$0x1E280] =	vst v63  }
0x199: {  	v17 =	vld [tilespmem:$0x2];
	_ =	sdelay $0x4  }
0x19a: {  	(v2sf) =	vpush v17, $0x0;
	_ =	sdelay $0xe  }
0x19b: {  	s5 =	spop (v2sf)  }
0x19c: {  	s4 =	sand.u32 $0xFFFFF80, s5  }
0x19d: {  	s4 =	sadd.s32 s1, s4  }
0x19e: {  	[tilespmem:s13], [sflag:$0x3] =	stream.strided.gather [hbm4b:s4+s8], $0x2000, s9, s8, $0x38;
	[tilespmem:$0x1E280] =	vst v63  }
0x19f: {  	v17 =	vld [tilespmem:$0x3];
	_ =	sdelay $0x4  }
0x1a0: {  	(v2sf) =	vpush v17, $0x0;
	_ =	sdelay $0xe  }
0x1a1: {  	s6 =	spop (v2sf)  }
0x1a2: {  	s4 =	sand.u32 $0xFFFFF80, s6  }
0x1a3: {  	s4 =	sadd.s32 s1, s4  }
0x1a4: {  	[tilespmem:s14], [sflag:$0x4] =	stream.strided.gather [hbm4b:s4+s8], $0x2000, s9, s8, $0x38;
	[tilespmem:$0x1E280] =	vst v63  }
0x1a5: {  	v17 =	vld [tilespmem:$0x4];
	_ =	sdelay $0x4  }
0x1a6: {  	(v2sf) =	vpush v17, $0x0;
	_ =	sdelay $0xe  }
0x1a7: {  	s10 =	spop (v2sf)  }
0x1a8: {  	s4 =	sand.u32 $0xFFFFF80, s10  }
0x1a9: {  	s4 =	sadd.s32 s1, s4  }
0x1aa: {  	[tilespmem:s15], [sflag:$0x5] =	stream.strided.gather [hbm4b:s4+s8], $0x2000, s9, s8, $0x38;
	[tilespmem:$0x1E280] =	vst v63  }
0x1ab: {  	v17 =	vld [tilespmem:$0x5];
	_ =	sdelay $0x4  }
0x1ac: {  	(v2sf) =	vpush v17, $0x0;
	_ =	sdelay $0xe  }
0x1ad: {  	s5 =	spop (v2sf)  }
0x1ae: {  	s4 =	sand.u32 $0xFFFFF80, s5  }
0x1af: {  	s4 =	sadd.s32 s1, s4  }
0x1b0: {  	[tilespmem:s16], [sflag:$0x6] =	stream.strided.gather [hbm4b:s4+s8], $0x2000, s9, s8, $0x38;
	[tilespmem:$0x1E280] =	vst v63  }
0x1b1: {  	v17 =	vld [tilespmem:$0x6];
	_ =	sdelay $0x4  }
0x1b2: {  	(v2sf) =	vpush v17, $0x0;
	_ =	sdelay $0xe  }
0x1b3: {  	s6 =	spop (v2sf)  }
0x1b4: {  	s4 =	sand.u32 $0xFFFFF80, s6  }
0x1b5: {  	s4 =	sadd.s32 s1, s4  }
0x1b6: {  	[tilespmem:s17], [sflag:$0x7] =	stream.strided.gather [hbm4b:s4+s8], $0x2000, s9, s8, $0x38;
	[tilespmem:$0x1E280] =	vst v63  }
0x1b7: {  	v17 =	vld [tilespmem:$0x7];
	_ =	sdelay $0x4  }
0x1b8: {  	(v2sf) =	vpush v17, $0x0;
	_ =	sdelay $0xe  }
0x1b9: {  	s10 =	spop (v2sf)  }
0x1ba: {  	s4 =	sand.u32 $0xFFFFF80, s10  }
0x1bb: {  	s4 =	sadd.s32 s1, s4  }
0x1bc: {  	[tilespmem:s18], [sflag:$0x8] =	stream.strided.gather [hbm4b:s4+s8], $0x2000, s9, s8, $0x38;
	[tilespmem:$0x1E280] =	vst v63  }
0x1bd: {  	v17 =	vld [tilespmem:$0x8];
	_ =	sdelay $0x4  }
0x1be: {  	(v2sf) =	vpush v17, $0x0;
	_ =	sdelay $0xe  }
0x1bf: {  	s5 =	spop (v2sf)  }
0x1c0: {  	s4 =	sand.u32 $0xFFFFF80, s5  }
0x1c1: {  	s4 =	sadd.s32 s1, s4  }
0x1c2: {  	[tilespmem:s19], [sflag:$0x9] =	stream.strided.gather [hbm4b:s4+s8], $0x2000, s9, s8, $0x38;
	[tilespmem:$0x1E280] =	vst v63  }
0x1c3: {  	v17 =	vld [tilespmem:$0x9];
	_ =	sdelay $0x4  }
0x1c4: {  	(v2sf) =	vpush v17, $0x0;
	_ =	sdelay $0xe  }
0x1c5: {  	s6 =	spop (v2sf)  }
0x1c6: {  	s4 =	sand.u32 $0xFFFFF80, s6  }
0x1c7: {  	s4 =	sadd.s32 s1, s4  }
0x1c8: {  	[tilespmem:s20], [sflag:$0xA] =	stream.strided.gather [hbm4b:s4+s8], $0x2000, s9, s8, $0x38;
	[tilespmem:$0x1E280] =	vst v63  }
0x1c9: {  	v17 =	vld [tilespmem:$0xA];
	_ =	sdelay $0x4  }
0x1ca: {  	(v2sf) =	vpush v17, $0x0;
	_ =	sdelay $0xe  }
0x1cb: {  	s10 =	spop (v2sf)  }
0x1cc: {  	s4 =	sand.u32 $0xFFFFF80, s10  }
0x1cd: {  	s4 =	sadd.s32 s1, s4  }
0x1ce: {  	[tilespmem:s21], [sflag:$0xB] =	stream.strided.gather [hbm4b:s4+s8], $0x2000, s9, s8, $0x38;
	[tilespmem:$0x1E280] =	vst v63  }
0x1cf: {  	s5 =	simm.s32 $0xA;
	s4 =	simm.s32 $0xB  }
.LBB2_2:
0x1d0: {  	_ =	swait.ge [sflag:s22], $0x2000  }
0x1d1: {  	[sflag:s22] =	ssyncset.done $0x0  }
0x1d2: {  	[sflag:s22] =	ssyncadd.s32 $0xFFFFE000  }
0x1d3: {  	v17 =	vld [tilespmem:s4+$0xFFFFFFF5];
	_ =	sdelay $0x4  }
0x1d4: {  	(v2sf) =	vpush v17, $0x0;
	_ =	sdelay $0xe  }
0x1d5: {  	s6 =	spop (v2sf)  }
0x1d6: {  	s6 =	sand.u32 $0x7F, s6  }
0x1d7: {  	s10 =	sadd.s32 $0xFFFFFFF6, s5;
	v17 =	vor.u32 s6, v0  }
0x1d8: {  	v18 =	vmov s10  }
0x1d9: {  	v19 =	vshll.u32 v18, $0x3  }
0x1da: {  	v18 =	vand.u32 $0x7F, v18;
	v19 =	vand.u32 $0x1C00, v19  }
0x1db: {  	v18 =	vor.u32 v18, v19  }
0x1dc: {  	v19 =	vadd.s32 v1, v18;
	v17 =	vld.idx.msk [tilespmem:v17+s11+$0x0], $0xffff  }
0x1dd: {  	v20 =	vor.u32 s6, v14;
	_ =	sdelay $0x3  }
0x1de: {  	[tilespmem:v19+s23+$0x0] =	vst.idx.msk $0xffff, v17  }
0x1df: {  	v19 =	vadd.s32 v2, v18;
	v17 =	vld.idx.msk [tilespmem:v20+s11+$0x0], $0xffff  }
0x1e0: {  	v20 =	vor.u32 s6, v15;
	_ =	sdelay $0x3  }
0x1e1: {  	[tilespmem:v19+s23+$0x0] =	vst.idx.msk $0xffff, v17  }
0x1e2: {  	v19 =	vadd.s32 v3, v18;
	v17 =	vld.idx.msk [tilespmem:v20+s11+$0x0], $0xffff  }
0x1e3: {  	v20 =	vor.u32 s6, v16;
	_ =	sdelay $0x3  }
0x1e4: {  	[tilespmem:v19+s23+$0x0] =	vst.idx.msk $0xffff, v17  }
0x1e5: {  	v18 =	vadd.s32 v4, v18;
	v17 =	vld.idx.msk [tilespmem:v20+s11+$0x0], $0xffff;
	_ =	sdelay $0x4  }
0x1e6: {  	[tilespmem:v18+s23+$0x0] =	vst.idx.msk $0xffff, v17  }
0x1e7: {  	v17 =	vld [tilespmem:s4+$0x0];
	_ =	sdelay $0x4  }
0x1e8: {  	(v2sf) =	vpush v17, $0x0;
	_ =	sdelay $0xe  }
0x1e9: {  	s10 =	spop (v2sf)  }
0x1ea: {  	s6 =	sand.u32 $0xFFFFF80, s10  }
0x1eb: {  	s6 =	sadd.s32 s1, s6  }
0x1ec: {  	[tilespmem:s11], [sflag:$0x1] =	stream.strided.gather [hbm4b:s6+s8], $0x2000, s9, s8, $0x38;
	[tilespmem:$0x1E280] =	vst v63  }
0x1ed: {  	_ =	swait.ge [sflag:s24], $0x2000  }
0x1ee: {  	[sflag:s24] =	ssyncset.done $0x0  }
0x1ef: {  	[sflag:s24] =	ssyncadd.s32 $0xFFFFE000  }
0x1f0: {  	v17 =	vld [tilespmem:s4+$0xFFFFFFF6];
	_ =	sdelay $0x4  }
0x1f1: {  	(v2sf) =	vpush v17, $0x0;
	_ =	sdelay $0xe  }
0x1f2: {  	s10 =	spop (v2sf)  }
0x1f3: {  	s6 =	sand.u32 $0x7F, s10  }
0x1f4: {  	s10 =	sadd.s32 $0xFFFFFFF7, s5;
	v17 =	vor.u32 s6, v0  }
0x1f5: {  	v18 =	vmov s10  }
0x1f6: {  	v19 =	vshll.u32 v18, $0x3  }
0x1f7: {  	v18 =	vand.u32 $0x7F, v18;
	v19 =	vand.u32 $0x3C00, v19  }
0x1f8: {  	v18 =	vor.u32 v18, v19  }
0x1f9: {  	v19 =	vadd.s32 v1, v18;
	v17 =	vld.idx.msk [tilespmem:v17+s12+$0x0], $0xffff  }
0x1fa: {  	v20 =	vor.u32 s6, v14;
	_ =	sdelay $0x3  }
0x1fb: {  	[tilespmem:v19+s23+$0x0] =	vst.idx.msk $0xffff, v17  }
0x1fc: {  	v19 =	vadd.s32 v2, v18;
	v17 =	vld.idx.msk [tilespmem:v20+s12+$0x0], $0xffff  }
0x1fd: {  	v20 =	vor.u32 s6, v15;
	_ =	sdelay $0x3  }
0x1fe: {  	[tilespmem:v19+s23+$0x0] =	vst.idx.msk $0xffff, v17  }
0x1ff: {  	v19 =	vadd.s32 v3, v18;
	v17 =	vld.idx.msk [tilespmem:v20+s12+$0x0], $0xffff  }
0x200: {  	v20 =	vor.u32 s6, v16;
	_ =	sdelay $0x3  }
0x201: {  	[tilespmem:v19+s23+$0x0] =	vst.idx.msk $0xffff, v17  }
0x202: {  	v18 =	vadd.s32 v4, v18;
	v17 =	vld.idx.msk [tilespmem:v20+s12+$0x0], $0xffff;
	_ =	sdelay $0x4  }
0x203: {  	[tilespmem:v18+s23+$0x0] =	vst.idx.msk $0xffff, v17  }
0x204: {  	v17 =	vld [tilespmem:s4+$0x1];
	_ =	sdelay $0x4  }
0x205: {  	(v2sf) =	vpush v17, $0x0;
	_ =	sdelay $0xe  }
0x206: {  	s10 =	spop (v2sf)  }
0x207: {  	s6 =	sand.u32 $0xFFFFF80, s10  }
0x208: {  	s6 =	sadd.s32 s1, s6  }
0x209: {  	[tilespmem:s12], [sflag:$0x2] =	stream.strided.gather [hbm4b:s6+s8], $0x2000, s9, s8, $0x38;
	[tilespmem:$0x1E280] =	vst v63  }
0x20a: {  	_ =	swait.ge [sflag:s25], $0x2000  }
0x20b: {  	[sflag:s25] =	ssyncset.done $0x0  }
0x20c: {  	[sflag:s25] =	ssyncadd.s32 $0xFFFFE000  }
0x20d: {  	v17 =	vld [tilespmem:s4+$0xFFFFFFF7];
	_ =	sdelay $0x4  }
0x20e: {  	(v2sf) =	vpush v17, $0x0;
	_ =	sdelay $0xe  }
0x20f: {  	s10 =	spop (v2sf)  }
0x210: {  	s6 =	sand.u32 $0x7F, s10  }
0x211: {  	s10 =	sadd.s32 $0xFFFFFFF8, s5;
	v17 =	vor.u32 s6, v0  }
0x212: {  	v18 =	vmov s10  }
0x213: {  	v19 =	vshll.u32 v18, $0x3  }
0x214: {  	v18 =	vand.u32 $0x7F, v18;
	v19 =	vand.u32 $0x3C00, v19  }
0x215: {  	v18 =	vor.u32 v18, v19  }
0x216: {  	v19 =	vadd.s32 v1, v18;
	v17 =	vld.idx.msk [tilespmem:v17+s13+$0x0], $0xffff  }
0x217: {  	v20 =	vor.u32 s6, v14;
	_ =	sdelay $0x3  }
0x218: {  	[tilespmem:v19+s23+$0x0] =	vst.idx.msk $0xffff, v17  }
0x219: {  	v19 =	vadd.s32 v2, v18;
	v17 =	vld.idx.msk [tilespmem:v20+s13+$0x0], $0xffff  }
0x21a: {  	v20 =	vor.u32 s6, v15;
	_ =	sdelay $0x3  }
0x21b: {  	[tilespmem:v19+s23+$0x0] =	vst.idx.msk $0xffff, v17  }
0x21c: {  	v19 =	vadd.s32 v3, v18;
	v17 =	vld.idx.msk [tilespmem:v20+s13+$0x0], $0xffff  }
0x21d: {  	v20 =	vor.u32 s6, v16;
	_ =	sdelay $0x3  }
0x21e: {  	[tilespmem:v19+s23+$0x0] =	vst.idx.msk $0xffff, v17  }
0x21f: {  	v18 =	vadd.s32 v4, v18;
	v17 =	vld.idx.msk [tilespmem:v20+s13+$0x0], $0xffff;
	_ =	sdelay $0x4  }
0x220: {  	[tilespmem:v18+s23+$0x0] =	vst.idx.msk $0xffff, v17  }
0x221: {  	v17 =	vld [tilespmem:s4+$0x2];
	_ =	sdelay $0x4  }
0x222: {  	(v2sf) =	vpush v17, $0x0;
	_ =	sdelay $0xe  }
0x223: {  	s10 =	spop (v2sf)  }
0x224: {  	s6 =	sand.u32 $0xFFFFF80, s10  }
0x225: {  	s6 =	sadd.s32 s1, s6  }
0x226: {  	[tilespmem:s13], [sflag:$0x3] =	stream.strided.gather [hbm4b:s6+s8], $0x2000, s9, s8, $0x38;
	[tilespmem:$0x1E280] =	vst v63  }
0x227: {  	_ =	swait.ge [sflag:s26], $0x2000  }
0x228: {  	[sflag:s26] =	ssyncset.done $0x0  }
0x229: {  	[sflag:s26] =	ssyncadd.s32 $0xFFFFE000  }
0x22a: {  	v17 =	vld [tilespmem:s4+$0xFFFFFFF8];
	_ =	sdelay $0x4  }
0x22b: {  	(v2sf) =	vpush v17, $0x0;
	_ =	sdelay $0xe  }
0x22c: {  	s10 =	spop (v2sf)  }
0x22d: {  	s6 =	sand.u32 $0x7F, s10  }
0x22e: {  	s10 =	sadd.s32 $0xFFFFFFF9, s5;
	v17 =	vor.u32 s6, v0  }
0x22f: {  	v18 =	vmov s10  }
0x230: {  	v19 =	vshll.u32 v18, $0x3  }
0x231: {  	v18 =	vand.u32 $0x7F, v18;
	v19 =	vand.u32 $0x3C00, v19  }
0x232: {  	v18 =	vor.u32 v18, v19  }
0x233: {  	v19 =	vadd.s32 v1, v18;
	v17 =	vld.idx.msk [tilespmem:v17+s14+$0x0], $0xffff  }
0x234: {  	v20 =	vor.u32 s6, v14;
	_ =	sdelay $0x3  }
0x235: {  	[tilespmem:v19+s23+$0x0] =	vst.idx.msk $0xffff, v17  }
0x236: {  	v19 =	vadd.s32 v2, v18;
	v17 =	vld.idx.msk [tilespmem:v20+s14+$0x0], $0xffff  }
0x237: {  	v20 =	vor.u32 s6, v15;
	_ =	sdelay $0x3  }
0x238: {  	[tilespmem:v19+s23+$0x0] =	vst.idx.msk $0xffff, v17  }
0x239: {  	v19 =	vadd.s32 v3, v18;
	v17 =	vld.idx.msk [tilespmem:v20+s14+$0x0], $0xffff  }
0x23a: {  	v20 =	vor.u32 s6, v16;
	_ =	sdelay $0x3  }
0x23b: {  	[tilespmem:v19+s23+$0x0] =	vst.idx.msk $0xffff, v17  }
0x23c: {  	v18 =	vadd.s32 v4, v18;
	v17 =	vld.idx.msk [tilespmem:v20+s14+$0x0], $0xffff;
	_ =	sdelay $0x4  }
0x23d: {  	[tilespmem:v18+s23+$0x0] =	vst.idx.msk $0xffff, v17  }
0x23e: {  	v17 =	vld [tilespmem:s4+$0x3];
	_ =	sdelay $0x4  }
0x23f: {  	(v2sf) =	vpush v17, $0x0;
	_ =	sdelay $0xe  }
0x240: {  	s10 =	spop (v2sf)  }
0x241: {  	s6 =	sand.u32 $0xFFFFF80, s10  }
0x242: {  	s6 =	sadd.s32 s1, s6  }
0x243: {  	[tilespmem:s14], [sflag:$0x4] =	stream.strided.gather [hbm4b:s6+s8], $0x2000, s9, s8, $0x38;
	[tilespmem:$0x1E280] =	vst v63  }
0x244: {  	_ =	swait.ge [sflag:s28], $0x2000  }
0x245: {  	[sflag:s28] =	ssyncset.done $0x0  }
0x246: {  	[sflag:s28] =	ssyncadd.s32 $0xFFFFE000  }
0x247: {  	v17 =	vld [tilespmem:s4+$0xFFFFFFF9];
	_ =	sdelay $0x4  }
0x248: {  	(v2sf) =	vpush v17, $0x0;
	_ =	sdelay $0xe  }
0x249: {  	s10 =	spop (v2sf)  }
0x24a: {  	s6 =	sand.u32 $0x7F, s10  }
0x24b: {  	s10 =	sadd.s32 $0xFFFFFFFA, s5;
	v17 =	vor.u32 s6, v0  }
0x24c: {  	v18 =	vmov s10  }
0x24d: {  	v19 =	vshll.u32 v18, $0x3  }
0x24e: {  	v18 =	vand.u32 $0x7F, v18;
	v19 =	vand.u32 $0x3C00, v19  }
0x24f: {  	v18 =	vor.u32 v18, v19  }
0x250: {  	v19 =	vadd.s32 v1, v18;
	v17 =	vld.idx.msk [tilespmem:v17+s15+$0x0], $0xffff  }
0x251: {  	v20 =	vor.u32 s6, v14;
	_ =	sdelay $0x3  }
0x252: {  	[tilespmem:v19+s23+$0x0] =	vst.idx.msk $0xffff, v17  }
0x253: {  	v19 =	vadd.s32 v2, v18;
	v17 =	vld.idx.msk [tilespmem:v20+s15+$0x0], $0xffff  }
0x254: {  	v20 =	vor.u32 s6, v15;
	_ =	sdelay $0x3  }
0x255: {  	[tilespmem:v19+s23+$0x0] =	vst.idx.msk $0xffff, v17  }
0x256: {  	v19 =	vadd.s32 v3, v18;
	v17 =	vld.idx.msk [tilespmem:v20+s15+$0x0], $0xffff  }
0x257: {  	v20 =	vor.u32 s6, v16;
	_ =	sdelay $0x3  }
0x258: {  	[tilespmem:v19+s23+$0x0] =	vst.idx.msk $0xffff, v17  }
0x259: {  	v18 =	vadd.s32 v4, v18;
	v17 =	vld.idx.msk [tilespmem:v20+s15+$0x0], $0xffff;
	_ =	sdelay $0x4  }
0x25a: {  	[tilespmem:v18+s23+$0x0] =	vst.idx.msk $0xffff, v17  }
0x25b: {  	v17 =	vld [tilespmem:s4+$0x4];
	_ =	sdelay $0x4  }
0x25c: {  	(v2sf) =	vpush v17, $0x0;
	_ =	sdelay $0xe  }
0x25d: {  	s10 =	spop (v2sf)  }
0x25e: {  	s6 =	sand.u32 $0xFFFFF80, s10  }
0x25f: {  	s6 =	sadd.s32 s1, s6  }
0x260: {  	[tilespmem:s15], [sflag:$0x5] =	stream.strided.gather [hbm4b:s6+s8], $0x2000, s9, s8, $0x38;
	[tilespmem:$0x1E280] =	vst v63  }
0x261: {  	_ =	swait.ge [sflag:s29], $0x2000  }
0x262: {  	[sflag:s29] =	ssyncset.done $0x0  }
0x263: {  	[sflag:s29] =	ssyncadd.s32 $0xFFFFE000  }
0x264: {  	v17 =	vld [tilespmem:s4+$0xFFFFFFFA];
	_ =	sdelay $0x4  }
0x265: {  	(v2sf) =	vpush v17, $0x0;
	_ =	sdelay $0xe  }
0x266: {  	s10 =	spop (v2sf)  }
0x267: {  	s6 =	sand.u32 $0x7F, s10  }
0x268: {  	s10 =	sadd.s32 $0xFFFFFFFB, s5;
	v17 =	vor.u32 s6, v0  }
0x269: {  	v18 =	vmov s10  }
0x26a: {  	v19 =	vshll.u32 v18, $0x3  }
0x26b: {  	v18 =	vand.u32 $0x7F, v18;
	v19 =	vand.u32 $0x3C00, v19  }
0x26c: {  	v18 =	vor.u32 v18, v19  }
0x26d: {  	v19 =	vadd.s32 v1, v18;
	v17 =	vld.idx.msk [tilespmem:v17+s16+$0x0], $0xffff  }
0x26e: {  	v20 =	vor.u32 s6, v14;
	_ =	sdelay $0x3  }
0x26f: {  	[tilespmem:v19+s23+$0x0] =	vst.idx.msk $0xffff, v17  }
0x270: {  	v19 =	vadd.s32 v2, v18;
	v17 =	vld.idx.msk [tilespmem:v20+s16+$0x0], $0xffff  }
0x271: {  	v20 =	vor.u32 s6, v15;
	_ =	sdelay $0x3  }
0x272: {  	[tilespmem:v19+s23+$0x0] =	vst.idx.msk $0xffff, v17  }
0x273: {  	v19 =	vadd.s32 v3, v18;
	v17 =	vld.idx.msk [tilespmem:v20+s16+$0x0], $0xffff  }
0x274: {  	v20 =	vor.u32 s6, v16;
	_ =	sdelay $0x3  }
0x275: {  	[tilespmem:v19+s23+$0x0] =	vst.idx.msk $0xffff, v17  }
0x276: {  	v18 =	vadd.s32 v4, v18;
	v17 =	vld.idx.msk [tilespmem:v20+s16+$0x0], $0xffff;
	_ =	sdelay $0x4  }
0x277: {  	[tilespmem:v18+s23+$0x0] =	vst.idx.msk $0xffff, v17  }
0x278: {  	v17 =	vld [tilespmem:s4+$0x5];
	_ =	sdelay $0x4  }
0x279: {  	(v2sf) =	vpush v17, $0x0;
	_ =	sdelay $0xe  }
0x27a: {  	s10 =	spop (v2sf)  }
0x27b: {  	s6 =	sand.u32 $0xFFFFF80, s10  }
0x27c: {  	s6 =	sadd.s32 s1, s6  }
0x27d: {  	[tilespmem:s16], [sflag:$0x6] =	stream.strided.gather [hbm4b:s6+s8], $0x2000, s9, s8, $0x38;
	[tilespmem:$0x1E280] =	vst v63  }
0x27e: {  	_ =	swait.ge [sflag:s30], $0x2000  }
0x27f: {  	[sflag:s30] =	ssyncset.done $0x0  }
0x280: {  	[sflag:s30] =	ssyncadd.s32 $0xFFFFE000  }
0x281: {  	v17 =	vld [tilespmem:s4+$0xFFFFFFFB];
	_ =	sdelay $0x4  }
0x282: {  	(v2sf) =	vpush v17, $0x0;
	_ =	sdelay $0xe  }
0x283: {  	s10 =	spop (v2sf)  }
0x284: {  	s6 =	sand.u32 $0x7F, s10  }
0x285: {  	s10 =	sadd.s32 $0xFFFFFFFC, s5;
	v17 =	vor.u32 s6, v0  }
0x286: {  	v18 =	vmov s10  }
0x287: {  	v19 =	vshll.u32 v18, $0x3  }
0x288: {  	v18 =	vand.u32 $0x7F, v18;
	v19 =	vand.u32 $0x3C00, v19  }
0x289: {  	v18 =	vor.u32 v18, v19  }
0x28a: {  	v19 =	vadd.s32 v1, v18;
	v17 =	vld.idx.msk [tilespmem:v17+s17+$0x0], $0xffff  }
0x28b: {  	v20 =	vor.u32 s6, v14;
	_ =	sdelay $0x3  }
0x28c: {  	[tilespmem:v19+s23+$0x0] =	vst.idx.msk $0xffff, v17  }
0x28d: {  	v19 =	vadd.s32 v2, v18;
	v17 =	vld.idx.msk [tilespmem:v20+s17+$0x0], $0xffff  }
0x28e: {  	v20 =	vor.u32 s6, v15;
	_ =	sdelay $0x3  }
0x28f: {  	[tilespmem:v19+s23+$0x0] =	vst.idx.msk $0xffff, v17  }
0x290: {  	v19 =	vadd.s32 v3, v18;
	v17 =	vld.idx.msk [tilespmem:v20+s17+$0x0], $0xffff  }
0x291: {  	v20 =	vor.u32 s6, v16;
	_ =	sdelay $0x3  }
0x292: {  	[tilespmem:v19+s23+$0x0] =	vst.idx.msk $0xffff, v17  }
0x293: {  	v18 =	vadd.s32 v4, v18;
	v17 =	vld.idx.msk [tilespmem:v20+s17+$0x0], $0xffff;
	_ =	sdelay $0x4  }
0x294: {  	[tilespmem:v18+s23+$0x0] =	vst.idx.msk $0xffff, v17  }
0x295: {  	v17 =	vld [tilespmem:s4+$0x6];
	_ =	sdelay $0x4  }
0x296: {  	(v2sf) =	vpush v17, $0x0;
	_ =	sdelay $0xe  }
0x297: {  	s10 =	spop (v2sf)  }
0x298: {  	s6 =	sand.u32 $0xFFFFF80, s10  }
0x299: {  	s6 =	sadd.s32 s1, s6  }
0x29a: {  	[tilespmem:s17], [sflag:$0x7] =	stream.strided.gather [hbm4b:s6+s8], $0x2000, s9, s8, $0x38;
	[tilespmem:$0x1E280] =	vst v63  }
0x29b: {  	_ =	swait.ge [sflag:s31], $0x2000  }
0x29c: {  	[sflag:s31] =	ssyncset.done $0x0  }
0x29d: {  	[sflag:s31] =	ssyncadd.s32 $0xFFFFE000  }
0x29e: {  	v17 =	vld [tilespmem:s4+$0xFFFFFFFC];
	_ =	sdelay $0x4  }
0x29f: {  	(v2sf) =	vpush v17, $0x0;
	_ =	sdelay $0xe  }
0x2a0: {  	s10 =	spop (v2sf)  }
0x2a1: {  	s6 =	sand.u32 $0x7F, s10  }
0x2a2: {  	s10 =	sadd.s32 $0xFFFFFFFD, s5;
	v17 =	vor.u32 s6, v0  }
0x2a3: {  	v18 =	vmov s10  }
0x2a4: {  	v19 =	vshll.u32 v18, $0x3  }
0x2a5: {  	v18 =	vand.u32 $0x7F, v18;
	v19 =	vand.u32 $0x3C00, v19  }
0x2a6: {  	v18 =	vor.u32 v18, v19  }
0x2a7: {  	v19 =	vadd.s32 v1, v18;
	v17 =	vld.idx.msk [tilespmem:v17+s18+$0x0], $0xffff  }
0x2a8: {  	v20 =	vor.u32 s6, v14;
	_ =	sdelay $0x3  }
0x2a9: {  	[tilespmem:v19+s23+$0x0] =	vst.idx.msk $0xffff, v17  }
0x2aa: {  	v19 =	vadd.s32 v2, v18;
	v17 =	vld.idx.msk [tilespmem:v20+s18+$0x0], $0xffff  }
0x2ab: {  	v20 =	vor.u32 s6, v15;
	_ =	sdelay $0x3  }
0x2ac: {  	[tilespmem:v19+s23+$0x0] =	vst.idx.msk $0xffff, v17  }
0x2ad: {  	v19 =	vadd.s32 v3, v18;
	v17 =	vld.idx.msk [tilespmem:v20+s18+$0x0], $0xffff  }
0x2ae: {  	v20 =	vor.u32 s6, v16;
	_ =	sdelay $0x3  }
0x2af: {  	[tilespmem:v19+s23+$0x0] =	vst.idx.msk $0xffff, v17  }
0x2b0: {  	v18 =	vadd.s32 v4, v18;
	v17 =	vld.idx.msk [tilespmem:v20+s18+$0x0], $0xffff;
	_ =	sdelay $0x4  }
0x2b1: {  	[tilespmem:v18+s23+$0x0] =	vst.idx.msk $0xffff, v17  }
0x2b2: {  	v17 =	vld [tilespmem:s4+$0x7];
	_ =	sdelay $0x4  }
0x2b3: {  	(v2sf) =	vpush v17, $0x0;
	_ =	sdelay $0xe  }
0x2b4: {  	s10 =	spop (v2sf)  }
0x2b5: {  	s6 =	sand.u32 $0xFFFFF80, s10  }
0x2b6: {  	s6 =	sadd.s32 s1, s6  }
0x2b7: {  	[tilespmem:s18], [sflag:$0x8] =	stream.strided.gather [hbm4b:s6+s8], $0x2000, s9, s8, $0x38;
	[tilespmem:$0x1E280] =	vst v63  }
0x2b8: {  	_ =	swait.ge [sflag:s2], $0x2000  }
0x2b9: {  	[sflag:s2] =	ssyncset.done $0x0  }
0x2ba: {  	[sflag:s2] =	ssyncadd.s32 $0xFFFFE000  }
0x2bb: {  	v17 =	vld [tilespmem:s4+$0xFFFFFFFD];
	_ =	sdelay $0x4  }
0x2bc: {  	(v2sf) =	vpush v17, $0x0;
	_ =	sdelay $0xe  }
0x2bd: {  	s10 =	spop (v2sf)  }
0x2be: {  	s6 =	sand.u32 $0x7F, s10  }
0x2bf: {  	s10 =	sadd.s32 $0xFFFFFFFE, s5;
	v17 =	vor.u32 s6, v0  }
0x2c0: {  	v18 =	vmov s10  }
0x2c1: {  	v19 =	vshll.u32 v18, $0x3  }
0x2c2: {  	v18 =	vand.u32 $0x7F, v18;
	v19 =	vand.u32 $0x3C00, v19  }
0x2c3: {  	v18 =	vor.u32 v18, v19  }
0x2c4: {  	v19 =	vadd.s32 v1, v18;
	v17 =	vld.idx.msk [tilespmem:v17+s19+$0x0], $0xffff  }
0x2c5: {  	v20 =	vor.u32 s6, v14;
	_ =	sdelay $0x3  }
0x2c6: {  	[tilespmem:v19+s23+$0x0] =	vst.idx.msk $0xffff, v17  }
0x2c7: {  	v19 =	vadd.s32 v2, v18;
	v17 =	vld.idx.msk [tilespmem:v20+s19+$0x0], $0xffff  }
0x2c8: {  	v20 =	vor.u32 s6, v15;
	_ =	sdelay $0x3  }
0x2c9: {  	[tilespmem:v19+s23+$0x0] =	vst.idx.msk $0xffff, v17  }
0x2ca: {  	v19 =	vadd.s32 v3, v18;
	v17 =	vld.idx.msk [tilespmem:v20+s19+$0x0], $0xffff  }
0x2cb: {  	v20 =	vor.u32 s6, v16;
	_ =	sdelay $0x3  }
0x2cc: {  	[tilespmem:v19+s23+$0x0] =	vst.idx.msk $0xffff, v17  }
0x2cd: {  	v18 =	vadd.s32 v4, v18;
	v17 =	vld.idx.msk [tilespmem:v20+s19+$0x0], $0xffff;
	_ =	sdelay $0x4  }
0x2ce: {  	[tilespmem:v18+s23+$0x0] =	vst.idx.msk $0xffff, v17  }
0x2cf: {  	v17 =	vld [tilespmem:s4+$0x8];
	_ =	sdelay $0x4  }
0x2d0: {  	(v2sf) =	vpush v17, $0x0;
	_ =	sdelay $0xe  }
0x2d1: {  	s10 =	spop (v2sf)  }
0x2d2: {  	s6 =	sand.u32 $0xFFFFF80, s10  }
0x2d3: {  	s6 =	sadd.s32 s1, s6  }
0x2d4: {  	[tilespmem:s19], [sflag:$0x9] =	stream.strided.gather [hbm4b:s6+s8], $0x2000, s9, s8, $0x38;
	[tilespmem:$0x1E280] =	vst v63  }
0x2d5: {  	_ =	swait.ge [sflag:s0], $0x2000  }
0x2d6: {  	[sflag:s0] =	ssyncset.done $0x0  }
0x2d7: {  	[sflag:s0] =	ssyncadd.s32 $0xFFFFE000  }
0x2d8: {  	v17 =	vld [tilespmem:s4+$0xFFFFFFFE];
	_ =	sdelay $0x4  }
0x2d9: {  	(v2sf) =	vpush v17, $0x0;
	_ =	sdelay $0xe  }
0x2da: {  	s10 =	spop (v2sf)  }
0x2db: {  	s6 =	sand.u32 $0x7F, s10  }
0x2dc: {  	s10 =	sadd.s32 $0xFFFFFFFF, s5;
	v17 =	vor.u32 s6, v0  }
0x2dd: {  	v18 =	vmov s10  }
0x2de: {  	v19 =	vshll.u32 v18, $0x3  }
0x2df: {  	v18 =	vand.u32 $0x7F, v18;
	v19 =	vand.u32 $0x3C00, v19  }
0x2e0: {  	v18 =	vor.u32 v18, v19  }
0x2e1: {  	v19 =	vadd.s32 v1, v18;
	v17 =	vld.idx.msk [tilespmem:v17+s20+$0x0], $0xffff  }
0x2e2: {  	v20 =	vor.u32 s6, v14;
	_ =	sdelay $0x3  }
0x2e3: {  	[tilespmem:v19+s23+$0x0] =	vst.idx.msk $0xffff, v17  }
0x2e4: {  	v19 =	vadd.s32 v2, v18;
	v17 =	vld.idx.msk [tilespmem:v20+s20+$0x0], $0xffff  }
0x2e5: {  	v20 =	vor.u32 s6, v15;
	_ =	sdelay $0x3  }
0x2e6: {  	[tilespmem:v19+s23+$0x0] =	vst.idx.msk $0xffff, v17  }
0x2e7: {  	v19 =	vadd.s32 v3, v18;
	v17 =	vld.idx.msk [tilespmem:v20+s20+$0x0], $0xffff  }
0x2e8: {  	v20 =	vor.u32 s6, v16;
	_ =	sdelay $0x3  }
0x2e9: {  	[tilespmem:v19+s23+$0x0] =	vst.idx.msk $0xffff, v17  }
0x2ea: {  	v18 =	vadd.s32 v4, v18;
	v17 =	vld.idx.msk [tilespmem:v20+s20+$0x0], $0xffff;
	_ =	sdelay $0x4  }
0x2eb: {  	[tilespmem:v18+s23+$0x0] =	vst.idx.msk $0xffff, v17  }
0x2ec: {  	v17 =	vld [tilespmem:s4+$0x9];
	_ =	sdelay $0x4  }
0x2ed: {  	(v2sf) =	vpush v17, $0x0;
	_ =	sdelay $0xe  }
0x2ee: {  	s10 =	spop (v2sf)  }
0x2ef: {  	s6 =	sand.u32 $0xFFFFF80, s10  }
0x2f0: {  	s6 =	sadd.s32 s1, s6  }
0x2f1: {  	[tilespmem:s20], [sflag:$0xA] =	stream.strided.gather [hbm4b:s6+s8], $0x2000, s9, s8, $0x38;
	[tilespmem:$0x1E280] =	vst v63  }
0x2f2: {  	_ =	swait.ge [sflag:s7], $0x2000  }
0x2f3: {  	[sflag:s7] =	ssyncset.done $0x0  }
0x2f4: {  	[sflag:s7] =	ssyncadd.s32 $0xFFFFE000  }
0x2f5: {  	v17 =	vld [tilespmem:s4+$0xFFFFFFFF];
	_ =	sdelay $0x4  }
0x2f6: {  	(v2sf) =	vpush v17, $0x0;
	_ =	sdelay $0xe  }
0x2f7: {  	s10 =	spop (v2sf)  }
0x2f8: {  	s6 =	sand.u32 $0x7F, s10  }
0x2f9: {  	v17 =	vor.u32 s6, v0  }
0x2fa: {  	v18 =	vmov s5  }
0x2fb: {  	v19 =	vshll.u32 v18, $0x3  }
0x2fc: {  	v18 =	vand.u32 $0x7F, v18;
	v19 =	vand.u32 $0x3C00, v19  }
0x2fd: {  	v18 =	vor.u32 v18, v19  }
0x2fe: {  	v19 =	vadd.s32 v1, v18;
	v17 =	vld.idx.msk [tilespmem:v17+s21+$0x0], $0xffff  }
0x2ff: {  	v20 =	vor.u32 s6, v14;
	_ =	sdelay $0x3  }
0x300: {  	[tilespmem:v19+s23+$0x0] =	vst.idx.msk $0xffff, v17  }
0x301: {  	v19 =	vadd.s32 v2, v18;
	v17 =	vld.idx.msk [tilespmem:v20+s21+$0x0], $0xffff  }
0x302: {  	v20 =	vor.u32 s6, v15;
	_ =	sdelay $0x3  }
0x303: {  	[tilespmem:v19+s23+$0x0] =	vst.idx.msk $0xffff, v17  }
0x304: {  	v19 =	vadd.s32 v3, v18;
	v17 =	vld.idx.msk [tilespmem:v20+s21+$0x0], $0xffff  }
0x305: {  	v20 =	vor.u32 s6, v16;
	_ =	sdelay $0x3  }
0x306: {  	[tilespmem:v19+s23+$0x0] =	vst.idx.msk $0xffff, v17  }
0x307: {  	v18 =	vadd.s32 v4, v18;
	v17 =	vld.idx.msk [tilespmem:v20+s21+$0x0], $0xffff;
	_ =	sdelay $0x4  }
0x308: {  	[tilespmem:v18+s23+$0x0] =	vst.idx.msk $0xffff, v17  }
0x309: {  	v17 =	vld [tilespmem:s4+$0xA];
	_ =	sdelay $0x4  }
0x30a: {  	(v2sf) =	vpush v17, $0x0;
	_ =	sdelay $0xc  }
0x30b: {  	p0 =	sne.s32 s5, $0x1EE  }
.Ltmp0:
0x30c: {  	_ = 	snop;
	(pc) =	sbr.rel @p0 .LBB2_2-.Ltmp0, $4  }
0x30d: {  	s10 =	spop (v2sf)  }
0x30e: {  	s6 =	sand.u32 $0xFFFFF80, s10  }
0x30f: {  	s5 =	sadd.s32 $0xB, s5;
	s4 =	sadd.s32 $0xB, s4;
	s6 =	sadd.s32 s1, s6  }
0x310: {  	[tilespmem:s21], [sflag:$0xB] =	stream.strided.gather [hbm4b:s6+s8], $0x2000, s9, s8, $0x38;
	[tilespmem:$0x1E280] =	vst v63  }
0x311: {  	_ =	swait.ge [sflag:s22], $0x2000  }
0x312: {  	[sflag:s22] =	ssyncset.done $0x0  }
0x313: {  	[sflag:s22] =	ssyncadd.s32 $0xFFFFE000  }
0x314: {  	v17 =	vld [tilespmem:$0x1EF];
	_ =	sdelay $0x4  }
0x315: {  	(v2sf) =	vpush v17, $0x0;
	_ =	sdelay $0xe  }
0x316: {  	s4 =	spop (v2sf)  }
0x317: {  	s4 =	sand.u32 $0x7F, s4  }
0x318: {  	v17 =	vor.u32 s4, v0;
	_ =	sdelay $0x1  }
0x319: {  	v19 =	vld [tilespmem:$0x1FF00];
	_ =	sdelay $0x2  }
0x31a: {  	v17 =	vld.idx.msk [tilespmem:v17+s11+$0x0], $0xffff;
	_ =	sdelay $0x2  }
0x31b: {  	v18 =	vor.u32 s4, v14;
	_ =	sdelay $0x1  }
0x31c: {  	[tilespmem:v19+s23+$0x0] =	vst.idx.msk $0xffff, v17;
	v19 =	vld [tilespmem:$0x1FF10];
	_ =	sdelay $0x2  }
0x31d: {  	v17 =	vld.idx.msk [tilespmem:v18+s11+$0x0], $0xffff;
	_ =	sdelay $0x2  }
0x31e: {  	v18 =	vor.u32 s4, v15;
	_ =	sdelay $0x1  }
0x31f: {  	[tilespmem:v19+s23+$0x0] =	vst.idx.msk $0xffff, v17;
	v19 =	vld [tilespmem:$0x1FF20];
	_ =	sdelay $0x2  }
0x320: {  	v17 =	vld.idx.msk [tilespmem:v18+s11+$0x0], $0xffff  }
0x321: {  	v18 =	vor.u32 s4, v16;
	_ =	sdelay $0x3  }
0x322: {  	[tilespmem:v19+s23+$0x0] =	vst.idx.msk $0xffff, v17  }
0x323: {  	v17 =	vld.idx.msk [tilespmem:v18+s11+$0x0], $0xffff  }
0x324: {  	v18 =	vld [tilespmem:$0x1FF30];
	_ =	sdelay $0x7  }
0x325: {  	[tilespmem:v18+s23+$0x0] =	vst.idx.msk $0xffff, v17  }
0x326: {  	v17 =	vld [tilespmem:$0x1FA];
	_ =	sdelay $0x4  }
0x327: {  	(v2sf) =	vpush v17, $0x0;
	_ =	sdelay $0xe  }
0x328: {  	s6 =	spop (v2sf)  }
0x329: {  	s4 =	sand.u32 $0xFFFFF80, s6  }
0x32a: {  	s4 =	sadd.s32 s1, s4  }
0x32b: {  	[tilespmem:s11], [sflag:$0x1] =	stream.strided.gather [hbm4b:s4+s8], $0x2000, s9, s8, $0x38;
	[tilespmem:$0x1E280] =	vst v63  }
0x32c: {  	_ =	swait.ge [sflag:s24], $0x2000  }
0x32d: {  	[sflag:s24] =	ssyncset.done $0x0  }
0x32e: {  	[sflag:s24] =	ssyncadd.s32 $0xFFFFE000  }
0x32f: {  	v17 =	vld [tilespmem:$0x1F0];
	_ =	sdelay $0x4  }
0x330: {  	(v2sf) =	vpush v17, $0x0;
	_ =	sdelay $0xe  }
0x331: {  	s10 =	spop (v2sf)  }
0x332: {  	s4 =	sand.u32 $0x7F, s10  }
0x333: {  	v17 =	vor.u32 s4, v0;
	_ =	sdelay $0x1  }
0x334: {  	v19 =	vld [tilespmem:$0x1FF40];
	_ =	sdelay $0x2  }
0x335: {  	v17 =	vld.idx.msk [tilespmem:v17+s12+$0x0], $0xffff;
	_ =	sdelay $0x2  }
0x336: {  	v18 =	vor.u32 s4, v14;
	_ =	sdelay $0x1  }
0x337: {  	[tilespmem:v19+s23+$0x0] =	vst.idx.msk $0xffff, v17;
	v19 =	vld [tilespmem:$0x1FF50];
	_ =	sdelay $0x2  }
0x338: {  	v17 =	vld.idx.msk [tilespmem:v18+s12+$0x0], $0xffff;
	_ =	sdelay $0x2  }
0x339: {  	v18 =	vor.u32 s4, v15;
	_ =	sdelay $0x1  }
0x33a: {  	[tilespmem:v19+s23+$0x0] =	vst.idx.msk $0xffff, v17;
	v19 =	vld [tilespmem:$0x1FF60];
	_ =	sdelay $0x2  }
0x33b: {  	v17 =	vld.idx.msk [tilespmem:v18+s12+$0x0], $0xffff  }
0x33c: {  	v18 =	vor.u32 s4, v16;
	_ =	sdelay $0x3  }
0x33d: {  	[tilespmem:v19+s23+$0x0] =	vst.idx.msk $0xffff, v17  }
0x33e: {  	v17 =	vld.idx.msk [tilespmem:v18+s12+$0x0], $0xffff  }
0x33f: {  	v18 =	vld [tilespmem:$0x1FF70];
	_ =	sdelay $0x7  }
0x340: {  	[tilespmem:v18+s23+$0x0] =	vst.idx.msk $0xffff, v17  }
0x341: {  	v17 =	vld [tilespmem:$0x1FB];
	_ =	sdelay $0x4  }
0x342: {  	(v2sf) =	vpush v17, $0x0;
	_ =	sdelay $0xe  }
0x343: {  	s5 =	spop (v2sf)  }
0x344: {  	s4 =	sand.u32 $0xFFFFF80, s5  }
0x345: {  	s4 =	sadd.s32 s1, s4  }
0x346: {  	[tilespmem:s12], [sflag:$0x2] =	stream.strided.gather [hbm4b:s4+s8], $0x2000, s9, s8, $0x38;
	[tilespmem:$0x1E280] =	vst v63  }
0x347: {  	_ =	swait.ge [sflag:s25], $0x2000  }
0x348: {  	[sflag:s25] =	ssyncset.done $0x0  }
0x349: {  	[sflag:s25] =	ssyncadd.s32 $0xFFFFE000  }
0x34a: {  	v17 =	vld [tilespmem:$0x1F1];
	_ =	sdelay $0x4  }
0x34b: {  	(v2sf) =	vpush v17, $0x0;
	_ =	sdelay $0xe  }
0x34c: {  	s6 =	spop (v2sf)  }
0x34d: {  	s4 =	sand.u32 $0x7F, s6  }
0x34e: {  	v17 =	vor.u32 s4, v0;
	_ =	sdelay $0x1  }
0x34f: {  	v19 =	vld [tilespmem:$0x1FF80];
	_ =	sdelay $0x2  }
0x350: {  	v17 =	vld.idx.msk [tilespmem:v17+s13+$0x0], $0xffff;
	_ =	sdelay $0x2  }
0x351: {  	v18 =	vor.u32 s4, v14;
	_ =	sdelay $0x1  }
0x352: {  	[tilespmem:v19+s23+$0x0] =	vst.idx.msk $0xffff, v17;
	v19 =	vld [tilespmem:$0x1FF90];
	_ =	sdelay $0x2  }
0x353: {  	v17 =	vld.idx.msk [tilespmem:v18+s13+$0x0], $0xffff;
	_ =	sdelay $0x2  }
0x354: {  	v18 =	vor.u32 s4, v15;
	_ =	sdelay $0x1  }
0x355: {  	[tilespmem:v19+s23+$0x0] =	vst.idx.msk $0xffff, v17;
	v19 =	vld [tilespmem:$0x1FFA0];
	_ =	sdelay $0x2  }
0x356: {  	v17 =	vld.idx.msk [tilespmem:v18+s13+$0x0], $0xffff  }
0x357: {  	v18 =	vor.u32 s4, v16;
	_ =	sdelay $0x3  }
0x358: {  	[tilespmem:v19+s23+$0x0] =	vst.idx.msk $0xffff, v17  }
0x359: {  	v17 =	vld.idx.msk [tilespmem:v18+s13+$0x0], $0xffff  }
0x35a: {  	v18 =	vld [tilespmem:$0x1FFB0];
	_ =	sdelay $0x7  }
0x35b: {  	[tilespmem:v18+s23+$0x0] =	vst.idx.msk $0xffff, v17  }
0x35c: {  	v17 =	vld [tilespmem:$0x1FC];
	_ =	sdelay $0x4  }
0x35d: {  	(v2sf) =	vpush v17, $0x0;
	_ =	sdelay $0xe  }
0x35e: {  	s10 =	spop (v2sf)  }
0x35f: {  	s4 =	sand.u32 $0xFFFFF80, s10  }
0x360: {  	s4 =	sadd.s32 s1, s4  }
0x361: {  	[tilespmem:s13], [sflag:$0x3] =	stream.strided.gather [hbm4b:s4+s8], $0x2000, s9, s8, $0x38;
	[tilespmem:$0x1E280] =	vst v63  }
0x362: {  	_ =	swait.ge [sflag:s26], $0x2000  }
0x363: {  	[sflag:s26] =	ssyncset.done $0x0  }
0x364: {  	[sflag:s26] =	ssyncadd.s32 $0xFFFFE000  }
0x365: {  	v17 =	vld [tilespmem:$0x1F2];
	_ =	sdelay $0x4  }
0x366: {  	(v2sf) =	vpush v17, $0x0;
	_ =	sdelay $0xe  }
0x367: {  	s5 =	spop (v2sf)  }
0x368: {  	s4 =	sand.u32 $0x7F, s5  }
0x369: {  	v17 =	vor.u32 s4, v0;
	_ =	sdelay $0x1  }
0x36a: {  	v19 =	vld [tilespmem:$0x1FFC0];
	_ =	sdelay $0x2  }
0x36b: {  	v17 =	vld.idx.msk [tilespmem:v17+s14+$0x0], $0xffff;
	_ =	sdelay $0x2  }
0x36c: {  	v18 =	vor.u32 s4, v14;
	_ =	sdelay $0x1  }
0x36d: {  	[tilespmem:v19+s23+$0x0] =	vst.idx.msk $0xffff, v17;
	v19 =	vld [tilespmem:$0x1FFD0];
	_ =	sdelay $0x2  }
0x36e: {  	v17 =	vld.idx.msk [tilespmem:v18+s14+$0x0], $0xffff;
	_ =	sdelay $0x2  }
0x36f: {  	v18 =	vor.u32 s4, v15;
	_ =	sdelay $0x1  }
0x370: {  	[tilespmem:v19+s23+$0x0] =	vst.idx.msk $0xffff, v17;
	v19 =	vld [tilespmem:$0x1FFE0];
	_ =	sdelay $0x2  }
0x371: {  	v17 =	vld.idx.msk [tilespmem:v18+s14+$0x0], $0xffff  }
0x372: {  	v18 =	vor.u32 s4, v16;
	_ =	sdelay $0x3  }
0x373: {  	[tilespmem:v19+s23+$0x0] =	vst.idx.msk $0xffff, v17  }
0x374: {  	v17 =	vld.idx.msk [tilespmem:v18+s14+$0x0], $0xffff  }
0x375: {  	v18 =	vld [tilespmem:$0x1FFF0];
	_ =	sdelay $0x7  }
0x376: {  	[tilespmem:v18+s23+$0x0] =	vst.idx.msk $0xffff, v17  }
0x377: {  	v17 =	vld [tilespmem:$0x1FD];
	_ =	sdelay $0x4  }
0x378: {  	(v2sf) =	vpush v17, $0x0;
	_ =	sdelay $0xe  }
0x379: {  	s6 =	spop (v2sf)  }
0x37a: {  	s4 =	sand.u32 $0xFFFFF80, s6  }
0x37b: {  	s4 =	sadd.s32 s1, s4  }
0x37c: {  	[tilespmem:s14], [sflag:$0x4] =	stream.strided.gather [hbm4b:s4+s8], $0x2000, s9, s8, $0x38;
	[tilespmem:$0x1E280] =	vst v63  }
0x37d: {  	_ =	swait.ge [sflag:s28], $0x2000  }
0x37e: {  	[sflag:s28] =	ssyncset.done $0x0  }
0x37f: {  	[sflag:s28] =	ssyncadd.s32 $0xFFFFE000  }
0x380: {  	v17 =	vld [tilespmem:$0x1F3];
	_ =	sdelay $0x4  }
0x381: {  	(v2sf) =	vpush v17, $0x0;
	_ =	sdelay $0xe  }
0x382: {  	s10 =	spop (v2sf)  }
0x383: {  	s4 =	sand.u32 $0x7F, s10  }
0x384: {  	v17 =	vor.u32 s4, v0;
	_ =	sdelay $0x4  }
0x385: {  	v17 =	vld.idx.msk [tilespmem:v17+s15+$0x0], $0xffff  }
0x386: {  	v18 =	vor.u32 s4, v14;
	_ =	sdelay $0x3  }
0x387: {  	[tilespmem:v21+s23+$0x0] =	vst.idx.msk $0xffff, v17  }
0x388: {  	v17 =	vld.idx.msk [tilespmem:v18+s15+$0x0], $0xffff  }
0x389: {  	v18 =	vor.u32 s4, v15;
	_ =	sdelay $0x3  }
0x38a: {  	[tilespmem:v22+s23+$0x0] =	vst.idx.msk $0xffff, v17  }
0x38b: {  	v17 =	vld.idx.msk [tilespmem:v18+s15+$0x0], $0xffff  }
0x38c: {  	v18 =	vor.u32 s4, v16;
	_ =	sdelay $0x3  }
0x38d: {  	[tilespmem:v23+s23+$0x0] =	vst.idx.msk $0xffff, v17  }
0x38e: {  	v17 =	vld.idx.msk [tilespmem:v18+s15+$0x0], $0xffff;
	_ =	sdelay $0x4  }
0x38f: {  	[tilespmem:v24+s23+$0x0] =	vst.idx.msk $0xffff, v17  }
0x390: {  	v17 =	vld [tilespmem:$0x1FE];
	_ =	sdelay $0x4  }
0x391: {  	(v2sf) =	vpush v17, $0x0;
	_ =	sdelay $0xe  }
0x392: {  	s5 =	spop (v2sf)  }
0x393: {  	s4 =	sand.u32 $0xFFFFF80, s5  }
0x394: {  	s4 =	sadd.s32 s1, s4  }
0x395: {  	[tilespmem:s15], [sflag:$0x5] =	stream.strided.gather [hbm4b:s4+s8], $0x2000, s9, s8, $0x38;
	[tilespmem:$0x1E280] =	vst v63  }
0x396: {  	_ =	swait.ge [sflag:s29], $0x2000  }
0x397: {  	[sflag:s29] =	ssyncset.done $0x0  }
0x398: {  	[sflag:s29] =	ssyncadd.s32 $0xFFFFE000  }
0x399: {  	v17 =	vld [tilespmem:$0x1F4];
	_ =	sdelay $0x4  }
0x39a: {  	(v2sf) =	vpush v17, $0x0;
	_ =	sdelay $0xe  }
0x39b: {  	s6 =	spop (v2sf)  }
0x39c: {  	s4 =	sand.u32 $0x7F, s6  }
0x39d: {  	v17 =	vor.u32 s4, v0;
	_ =	sdelay $0x4  }
0x39e: {  	v17 =	vld.idx.msk [tilespmem:v17+s16+$0x0], $0xffff  }
0x39f: {  	v18 =	vor.u32 s4, v14;
	_ =	sdelay $0x3  }
0x3a0: {  	[tilespmem:v25+s23+$0x0] =	vst.idx.msk $0xffff, v17  }
0x3a1: {  	v17 =	vld.idx.msk [tilespmem:v18+s16+$0x0], $0xffff  }
0x3a2: {  	v18 =	vor.u32 s4, v15;
	_ =	sdelay $0x3  }
0x3a3: {  	[tilespmem:v26+s23+$0x0] =	vst.idx.msk $0xffff, v17  }
0x3a4: {  	v17 =	vld.idx.msk [tilespmem:v18+s16+$0x0], $0xffff  }
0x3a5: {  	v18 =	vor.u32 s4, v16;
	_ =	sdelay $0x3  }
0x3a6: {  	[tilespmem:v27+s23+$0x0] =	vst.idx.msk $0xffff, v17  }
0x3a7: {  	v17 =	vld.idx.msk [tilespmem:v18+s16+$0x0], $0xffff;
	_ =	sdelay $0x4  }
0x3a8: {  	[tilespmem:v28+s23+$0x0] =	vst.idx.msk $0xffff, v17  }
0x3a9: {  	v17 =	vld [tilespmem:$0x1FF];
	_ =	sdelay $0x4  }
0x3aa: {  	(v2sf) =	vpush v17, $0x0;
	_ =	sdelay $0xe  }
0x3ab: {  	s10 =	spop (v2sf)  }
0x3ac: {  	s4 =	sand.u32 $0xFFFFF80, s10  }
0x3ad: {  	s4 =	sadd.s32 s1, s4  }
0x3ae: {  	[tilespmem:s16], [sflag:$0x6] =	stream.strided.gather [hbm4b:s4+s8], $0x2000, s9, s8, $0x38;
	[tilespmem:$0x1E280] =	vst v63  }
0x3af: {  	_ =	swait.ge [sflag:s30], $0x2000  }
0x3b0: {  	[sflag:s30] =	ssyncset.done $0x0  }
0x3b1: {  	[sflag:s30] =	ssyncadd.s32 $0xFFFFE000  }
0x3b2: {  	v17 =	vld [tilespmem:$0x1F5];
	_ =	sdelay $0x4  }
0x3b3: {  	(v2sf) =	vpush v17, $0x0;
	_ =	sdelay $0xe  }
0x3b4: {  	s5 =	spop (v2sf)  }
0x3b5: {  	s4 =	sand.u32 $0x7F, s5  }
0x3b6: {  	v17 =	vor.u32 s4, v0;
	_ =	sdelay $0x4  }
0x3b7: {  	v17 =	vld.idx.msk [tilespmem:v17+s17+$0x0], $0xffff  }
0x3b8: {  	v18 =	vor.u32 s4, v14;
	_ =	sdelay $0x3  }
0x3b9: {  	[tilespmem:v29+s23+$0x0] =	vst.idx.msk $0xffff, v17  }
0x3ba: {  	v17 =	vld.idx.msk [tilespmem:v18+s17+$0x0], $0xffff  }
0x3bb: {  	v18 =	vor.u32 s4, v15;
	_ =	sdelay $0x3  }
0x3bc: {  	[tilespmem:v30+s23+$0x0] =	vst.idx.msk $0xffff, v17  }
0x3bd: {  	v17 =	vld.idx.msk [tilespmem:v18+s17+$0x0], $0xffff  }
0x3be: {  	v18 =	vor.u32 s4, v16;
	_ =	sdelay $0x3  }
0x3bf: {  	[tilespmem:v31+s23+$0x0] =	vst.idx.msk $0xffff, v17  }
0x3c0: {  	v17 =	vld.idx.msk [tilespmem:v18+s17+$0x0], $0xffff;
	_ =	sdelay $0x4  }
0x3c1: {  	[tilespmem:v32+s23+$0x0] =	vst.idx.msk $0xffff, v17  }
0x3c2: {  	_ =	swait.ge [sflag:s31], $0x2000  }
0x3c3: {  	[sflag:s31] =	ssyncset.done $0x0  }
0x3c4: {  	[sflag:s31] =	ssyncadd.s32 $0xFFFFE000  }
0x3c5: {  	v17 =	vld [tilespmem:$0x1F6];
	_ =	sdelay $0x4  }
0x3c6: {  	(v2sf) =	vpush v17, $0x0;
	_ =	sdelay $0xe  }
0x3c7: {  	s6 =	spop (v2sf)  }
0x3c8: {  	s4 =	sand.u32 $0x7F, s6  }
0x3c9: {  	v17 =	vor.u32 s4, v0;
	_ =	sdelay $0x4  }
0x3ca: {  	v17 =	vld.idx.msk [tilespmem:v17+s18+$0x0], $0xffff  }
0x3cb: {  	v18 =	vor.u32 s4, v14;
	_ =	sdelay $0x3  }
0x3cc: {  	[tilespmem:v33+s23+$0x0] =	vst.idx.msk $0xffff, v17  }
0x3cd: {  	v17 =	vld.idx.msk [tilespmem:v18+s18+$0x0], $0xffff  }
0x3ce: {  	v18 =	vor.u32 s4, v15;
	_ =	sdelay $0x3  }
0x3cf: {  	[tilespmem:v34+s23+$0x0] =	vst.idx.msk $0xffff, v17  }
0x3d0: {  	v17 =	vld.idx.msk [tilespmem:v18+s18+$0x0], $0xffff  }
0x3d1: {  	v18 =	vor.u32 s4, v16;
	_ =	sdelay $0x3  }
0x3d2: {  	[tilespmem:v35+s23+$0x0] =	vst.idx.msk $0xffff, v17  }
0x3d3: {  	v17 =	vld.idx.msk [tilespmem:v18+s18+$0x0], $0xffff;
	_ =	sdelay $0x4  }
0x3d4: {  	[tilespmem:v36+s23+$0x0] =	vst.idx.msk $0xffff, v17  }
0x3d5: {  	_ =	swait.ge [sflag:s2], $0x2000  }
0x3d6: {  	[sflag:s2] =	ssyncset.done $0x0  }
0x3d7: {  	[sflag:s2] =	ssyncadd.s32 $0xFFFFE000  }
0x3d8: {  	v17 =	vld [tilespmem:$0x1F7];
	_ =	sdelay $0x4  }
0x3d9: {  	(v2sf) =	vpush v17, $0x0;
	_ =	sdelay $0xe  }
0x3da: {  	s10 =	spop (v2sf)  }
0x3db: {  	s4 =	sand.u32 $0x7F, s10  }
0x3dc: {  	v17 =	vor.u32 s4, v0;
	_ =	sdelay $0x4  }
0x3dd: {  	v17 =	vld.idx.msk [tilespmem:v17+s19+$0x0], $0xffff  }
0x3de: {  	v18 =	vor.u32 s4, v14;
	_ =	sdelay $0x3  }
0x3df: {  	[tilespmem:v37+s23+$0x0] =	vst.idx.msk $0xffff, v17  }
0x3e0: {  	v17 =	vld.idx.msk [tilespmem:v18+s19+$0x0], $0xffff  }
0x3e1: {  	v18 =	vor.u32 s4, v15;
	_ =	sdelay $0x3  }
0x3e2: {  	[tilespmem:v38+s23+$0x0] =	vst.idx.msk $0xffff, v17  }
0x3e3: {  	v17 =	vld.idx.msk [tilespmem:v18+s19+$0x0], $0xffff  }
0x3e4: {  	v18 =	vor.u32 s4, v16;
	_ =	sdelay $0x3  }
0x3e5: {  	[tilespmem:v39+s23+$0x0] =	vst.idx.msk $0xffff, v17  }
0x3e6: {  	v17 =	vld.idx.msk [tilespmem:v18+s19+$0x0], $0xffff;
	_ =	sdelay $0x4  }
0x3e7: {  	[tilespmem:v40+s23+$0x0] =	vst.idx.msk $0xffff, v17  }
0x3e8: {  	_ =	swait.ge [sflag:s0], $0x2000  }
0x3e9: {  	[sflag:s0] =	ssyncset.done $0x0  }
0x3ea: {  	[sflag:s0] =	ssyncadd.s32 $0xFFFFE000  }
0x3eb: {  	v17 =	vld [tilespmem:$0x1F8];
	_ =	sdelay $0x4  }
0x3ec: {  	(v2sf) =	vpush v17, $0x0;
	_ =	sdelay $0xe  }
0x3ed: {  	s5 =	spop (v2sf)  }
0x3ee: {  	s4 =	sand.u32 $0x7F, s5  }
0x3ef: {  	v17 =	vor.u32 s4, v0;
	_ =	sdelay $0x4  }
0x3f0: {  	v17 =	vld.idx.msk [tilespmem:v17+s20+$0x0], $0xffff  }
0x3f1: {  	v18 =	vor.u32 s4, v14;
	_ =	sdelay $0x3  }
0x3f2: {  	[tilespmem:v41+s23+$0x0] =	vst.idx.msk $0xffff, v17  }
0x3f3: {  	v17 =	vld.idx.msk [tilespmem:v18+s20+$0x0], $0xffff  }
0x3f4: {  	v18 =	vor.u32 s4, v15;
	_ =	sdelay $0x3  }
0x3f5: {  	[tilespmem:v42+s23+$0x0] =	vst.idx.msk $0xffff, v17  }
0x3f6: {  	v17 =	vld.idx.msk [tilespmem:v18+s20+$0x0], $0xffff  }
0x3f7: {  	v18 =	vor.u32 s4, v16;
	_ =	sdelay $0x3  }
0x3f8: {  	[tilespmem:v43+s23+$0x0] =	vst.idx.msk $0xffff, v17  }
0x3f9: {  	v17 =	vld.idx.msk [tilespmem:v18+s20+$0x0], $0xffff;
	_ =	sdelay $0x4  }
0x3fa: {  	[tilespmem:v44+s23+$0x0] =	vst.idx.msk $0xffff, v17  }
0x3fb: {  	_ =	swait.ge [sflag:s7], $0x2000  }
0x3fc: {  	[sflag:s7] =	ssyncset.done $0x0  }
0x3fd: {  	[sflag:s7] =	ssyncadd.s32 $0xFFFFE000  }
0x3fe: {  	v17 =	vld [tilespmem:$0x1F9];
	_ =	sdelay $0x4  }
0x3ff: {  	(v2sf) =	vpush v17, $0x0;
	_ =	sdelay $0xe  }
0x400: {  	s6 =	spop (v2sf)  }
0x401: {  	s4 =	sand.u32 $0x7F, s6  }
0x402: {  	v17 =	vor.u32 s4, v0;
	_ =	sdelay $0x4  }
0x403: {  	v17 =	vld.idx.msk [tilespmem:v17+s21+$0x0], $0xffff  }
0x404: {  	v18 =	vor.u32 s4, v14;
	_ =	sdelay $0x3  }
0x405: {  	[tilespmem:v45+s23+$0x0] =	vst.idx.msk $0xffff, v17  }
0x406: {  	v17 =	vld.idx.msk [tilespmem:v18+s21+$0x0], $0xffff  }
0x407: {  	v18 =	vor.u32 s4, v15;
	_ =	sdelay $0x3  }
0x408: {  	[tilespmem:v46+s23+$0x0] =	vst.idx.msk $0xffff, v17  }
0x409: {  	v17 =	vld.idx.msk [tilespmem:v18+s21+$0x0], $0xffff  }
0x40a: {  	v18 =	vor.u32 s4, v16;
	_ =	sdelay $0x3  }
0x40b: {  	[tilespmem:v47+s23+$0x0] =	vst.idx.msk $0xffff, v17  }
0x40c: {  	v17 =	vld.idx.msk [tilespmem:v18+s21+$0x0], $0xffff;
	_ =	sdelay $0x4  }
0x40d: {  	[tilespmem:v48+s23+$0x0] =	vst.idx.msk $0xffff, v17  }
0x40e: {  	_ =	swait.ge [sflag:s22], $0x2000  }
0x40f: {  	[sflag:s22] =	ssyncset.done $0x0  }
0x410: {  	[sflag:s22] =	ssyncadd.s32 $0xFFFFE000  }
0x411: {  	v17 =	vld [tilespmem:$0x1FA];
	_ =	sdelay $0x4  }
0x412: {  	(v2sf) =	vpush v17, $0x0;
	_ =	sdelay $0xe  }
0x413: {  	s10 =	spop (v2sf)  }
0x414: {  	s4 =	sand.u32 $0x7F, s10  }
0x415: {  	v17 =	vor.u32 s4, v0;
	_ =	sdelay $0x4  }
0x416: {  	v17 =	vld.idx.msk [tilespmem:v17+s11+$0x0], $0xffff  }
0x417: {  	v18 =	vor.u32 s4, v14;
	_ =	sdelay $0x3  }
0x418: {  	[tilespmem:v49+s23+$0x0] =	vst.idx.msk $0xffff, v17  }
0x419: {  	v17 =	vld.idx.msk [tilespmem:v18+s11+$0x0], $0xffff  }
0x41a: {  	v18 =	vor.u32 s4, v15;
	_ =	sdelay $0x3  }
0x41b: {  	[tilespmem:v50+s23+$0x0] =	vst.idx.msk $0xffff, v17  }
0x41c: {  	v17 =	vld.idx.msk [tilespmem:v18+s11+$0x0], $0xffff  }
0x41d: {  	v18 =	vor.u32 s4, v16;
	_ =	sdelay $0x3  }
0x41e: {  	[tilespmem:v51+s23+$0x0] =	vst.idx.msk $0xffff, v17  }
0x41f: {  	v17 =	vld.idx.msk [tilespmem:v18+s11+$0x0], $0xffff;
	_ =	sdelay $0x4  }
0x420: {  	[tilespmem:v52+s23+$0x0] =	vst.idx.msk $0xffff, v17  }
0x421: {  	_ =	swait.ge [sflag:s24], $0x2000  }
0x422: {  	[sflag:s24] =	ssyncset.done $0x0  }
0x423: {  	[sflag:s24] =	ssyncadd.s32 $0xFFFFE000  }
0x424: {  	v17 =	vld [tilespmem:$0x1FB];
	_ =	sdelay $0x4  }
0x425: {  	(v2sf) =	vpush v17, $0x0;
	_ =	sdelay $0xe  }
0x426: {  	s5 =	spop (v2sf)  }
0x427: {  	s4 =	sand.u32 $0x7F, s5  }
0x428: {  	v17 =	vor.u32 s4, v0;
	_ =	sdelay $0x4  }
0x429: {  	v17 =	vld.idx.msk [tilespmem:v17+s12+$0x0], $0xffff  }
0x42a: {  	v18 =	vor.u32 s4, v14;
	_ =	sdelay $0x3  }
0x42b: {  	[tilespmem:v53+s23+$0x0] =	vst.idx.msk $0xffff, v17  }
0x42c: {  	v17 =	vld.idx.msk [tilespmem:v18+s12+$0x0], $0xffff  }
0x42d: {  	v18 =	vor.u32 s4, v15;
	_ =	sdelay $0x3  }
0x42e: {  	[tilespmem:v54+s23+$0x0] =	vst.idx.msk $0xffff, v17  }
0x42f: {  	v17 =	vld.idx.msk [tilespmem:v18+s12+$0x0], $0xffff  }
0x430: {  	v18 =	vor.u32 s4, v16;
	_ =	sdelay $0x3  }
0x431: {  	[tilespmem:v55+s23+$0x0] =	vst.idx.msk $0xffff, v17  }
0x432: {  	v17 =	vld.idx.msk [tilespmem:v18+s12+$0x0], $0xffff;
	_ =	sdelay $0x4  }
0x433: {  	[tilespmem:v56+s23+$0x0] =	vst.idx.msk $0xffff, v17  }
0x434: {  	_ =	swait.ge [sflag:s25], $0x2000  }
0x435: {  	[sflag:s25] =	ssyncset.done $0x0  }
0x436: {  	[sflag:s25] =	ssyncadd.s32 $0xFFFFE000  }
0x437: {  	v17 =	vld [tilespmem:$0x1FC];
	_ =	sdelay $0x4  }
0x438: {  	(v2sf) =	vpush v17, $0x0;
	_ =	sdelay $0xe  }
0x439: {  	s6 =	spop (v2sf)  }
0x43a: {  	s4 =	sand.u32 $0x7F, s6  }
0x43b: {  	v17 =	vor.u32 s4, v0;
	_ =	sdelay $0x4  }
0x43c: {  	v17 =	vld.idx.msk [tilespmem:v17+s13+$0x0], $0xffff  }
0x43d: {  	v18 =	vor.u32 s4, v14;
	_ =	sdelay $0x3  }
0x43e: {  	[tilespmem:v57+s23+$0x0] =	vst.idx.msk $0xffff, v17  }
0x43f: {  	v17 =	vld.idx.msk [tilespmem:v18+s13+$0x0], $0xffff  }
0x440: {  	v18 =	vor.u32 s4, v15;
	_ =	sdelay $0x3  }
0x441: {  	[tilespmem:v58+s23+$0x0] =	vst.idx.msk $0xffff, v17  }
0x442: {  	v17 =	vld.idx.msk [tilespmem:v18+s13+$0x0], $0xffff  }
0x443: {  	v18 =	vor.u32 s4, v16;
	_ =	sdelay $0x3  }
0x444: {  	[tilespmem:v59+s23+$0x0] =	vst.idx.msk $0xffff, v17  }
0x445: {  	v17 =	vld.idx.msk [tilespmem:v18+s13+$0x0], $0xffff;
	_ =	sdelay $0x4  }
0x446: {  	[tilespmem:v60+s23+$0x0] =	vst.idx.msk $0xffff, v17  }
0x447: {  	_ =	swait.ge [sflag:s26], $0x2000  }
0x448: {  	[sflag:s26] =	ssyncset.done $0x0  }
0x449: {  	[sflag:s26] =	ssyncadd.s32 $0xFFFFE000  }
0x44a: {  	v17 =	vld [tilespmem:$0x1FD];
	_ =	sdelay $0x4  }
0x44b: {  	(v2sf) =	vpush v17, $0x0;
	_ =	sdelay $0xe  }
0x44c: {  	s10 =	spop (v2sf)  }
0x44d: {  	s4 =	sand.u32 $0x7F, s10  }
0x44e: {  	v17 =	vor.u32 s4, v0;
	_ =	sdelay $0x4  }
0x44f: {  	v17 =	vld.idx.msk [tilespmem:v17+s14+$0x0], $0xffff  }
0x450: {  	v18 =	vor.u32 s4, v14;
	_ =	sdelay $0x3  }
0x451: {  	[tilespmem:v61+s23+$0x0] =	vst.idx.msk $0xffff, v17  }
0x452: {  	v17 =	vld.idx.msk [tilespmem:v18+s14+$0x0], $0xffff  }
0x453: {  	v18 =	vor.u32 s4, v15;
	_ =	sdelay $0x3  }
0x454: {  	[tilespmem:v62+s23+$0x0] =	vst.idx.msk $0xffff, v17  }
0x455: {  	v17 =	vld.idx.msk [tilespmem:v18+s14+$0x0], $0xffff  }
0x456: {  	v18 =	vor.u32 s4, v16;
	_ =	sdelay $0x3  }
0x457: {  	[tilespmem:v63+s23+$0x0] =	vst.idx.msk $0xffff, v17  }
0x458: {  	v17 =	vld.idx.msk [tilespmem:v18+s14+$0x0], $0xffff;
	_ =	sdelay $0x4  }
0x459: {  	[tilespmem:v5+s23+$0x0] =	vst.idx.msk $0xffff, v17  }
0x45a: {  	_ =	swait.ge [sflag:s28], $0x2000  }
0x45b: {  	[sflag:s28] =	ssyncset.done $0x0  }
0x45c: {  	[sflag:s28] =	ssyncadd.s32 $0xFFFFE000  }
0x45d: {  	v17 =	vld [tilespmem:$0x1FE];
	_ =	sdelay $0x4  }
0x45e: {  	(v2sf) =	vpush v17, $0x0;
	_ =	sdelay $0xe  }
0x45f: {  	s5 =	spop (v2sf)  }
0x460: {  	s4 =	sand.u32 $0x7F, s5  }
0x461: {  	v17 =	vor.u32 s4, v0;
	_ =	sdelay $0x4  }
0x462: {  	v17 =	vld.idx.msk [tilespmem:v17+s15+$0x0], $0xffff  }
0x463: {  	v18 =	vor.u32 s4, v14;
	_ =	sdelay $0x3  }
0x464: {  	[tilespmem:v6+s23+$0x0] =	vst.idx.msk $0xffff, v17  }
0x465: {  	v17 =	vld.idx.msk [tilespmem:v18+s15+$0x0], $0xffff  }
0x466: {  	v18 =	vor.u32 s4, v15;
	_ =	sdelay $0x3  }
0x467: {  	[tilespmem:v7+s23+$0x0] =	vst.idx.msk $0xffff, v17  }
0x468: {  	v17 =	vld.idx.msk [tilespmem:v18+s15+$0x0], $0xffff  }
0x469: {  	v18 =	vor.u32 s4, v16;
	_ =	sdelay $0x3  }
0x46a: {  	[tilespmem:v8+s23+$0x0] =	vst.idx.msk $0xffff, v17  }
0x46b: {  	v17 =	vld.idx.msk [tilespmem:v18+s15+$0x0], $0xffff;
	_ =	sdelay $0x4  }
0x46c: {  	[tilespmem:v9+s23+$0x0] =	vst.idx.msk $0xffff, v17  }
0x46d: {  	_ =	swait.ge [sflag:s29], $0x2000  }
0x46e: {  	[sflag:s29] =	ssyncset.done $0x0  }
0x46f: {  	[sflag:s29] =	ssyncadd.s32 $0xFFFFE000  }
0x470: {  	v17 =	vld [tilespmem:$0x1FF];
	_ =	sdelay $0x4  }
0x471: {  	(v2sf) =	vpush v17, $0x0;
	_ =	sdelay $0xe  }
0x472: {  	s6 =	spop (v2sf)  }
0x473: {  	s4 =	sand.u32 $0x7F, s6  }
0x474: {  	v17 =	vor.u32 s4, v0;
	_ =	sdelay $0x4  }
0x475: {  	v17 =	vld.idx.msk [tilespmem:v17+s16+$0x0], $0xffff  }
0x476: {  	v18 =	vor.u32 s4, v14;
	_ =	sdelay $0x3  }
0x477: {  	[tilespmem:v10+s23+$0x0] =	vst.idx.msk $0xffff, v17  }
0x478: {  	v17 =	vld.idx.msk [tilespmem:v18+s16+$0x0], $0xffff  }
0x479: {  	v18 =	vor.u32 s4, v15;
	_ =	sdelay $0x3  }
0x47a: {  	[tilespmem:v11+s23+$0x0] =	vst.idx.msk $0xffff, v17  }
0x47b: {  	v17 =	vld.idx.msk [tilespmem:v18+s16+$0x0], $0xffff  }
0x47c: {  	v18 =	vor.u32 s4, v16;
	_ =	sdelay $0x3  }
0x47d: {  	[tilespmem:v12+s23+$0x0] =	vst.idx.msk $0xffff, v17  }
0x47e: {  	v17 =	vld.idx.msk [tilespmem:v18+s16+$0x0], $0xffff;
	_ =	sdelay $0x4  }
0x47f: {  	s5 =	simm.s32 $0x1000;
	s10 =	rddreg [dreg:$0x5];
	s6 =	simm.s32 $0x20000;
	[tilespmem:v13+s23+$0x0] =	vst.idx.msk $0xffff, v17  }
0x480: {  	[hbm4b:s10+s5] =	stream.strided.scatter [tilespmem:s23], [sflag:$0xC], $0x8000, s6, s5, $0x38;
	[tilespmem:$0x1E280] =	vst v63  }
0x481: {  	s10 =	simm.s32 $0xC  }
0x482: {  	_ =	swait.ge [sflag:s10], $0x8000  }
0x483: {  	s3 =	sadd.s32 $0x1, s3;
	s6 =	rddreg [dreg:$0x6]  }
0x484: {  	p0 =	sne.s32 s3, s6  }
.Ltmp1:
0x485: {  	_ = 	snop;
	(pc) =	sbr.rel @p0 .LBB2_1-.Ltmp1, $3  }
0x486: {  	_ =	sdelay $0x1  }
0x487: {  	[sflag:s10] =	ssyncset.done $0x0  }
0x488: {  	[sflag:s10] =	ssyncadd.s32 $0xFFFF8000  }
0x489: {  	_ =	sfence.sel $0x180000  }
0x48a: {  	[bflag:$0x0] =	sbarrier.arrive $0xFFFF  }
0x48b: {  	_ =	strace $0x90000047  }
0x48c: {  	s0 =	stileid.u32;
	[bflag:$0x2] =	sbarrier.arrive $0xFFFF  }
0x48d: {  	p0 =	sne.s32 s0, $0x0;
	s0 =	rddreg [dreg:$0x3]  }
0x48e: {  	s0 =	sadd.s32 @!p0 $0x100000, s0  }
0x48f: {  	[sflag:s0] =	ssyncadd.tile.s32 @!p0 $0x1;
	_ =	shalt  }
.Lfunc_end2:
_tile_overlayer_lowered:
.L_overlay_start_2:
0x490: {  	(tag) =	ssettag $0x2  }
0x491: {  	s0 =	rddreg [dreg:$0x0];
	s2 =	stileid.u32  }
0x492: {  	s1 =	rddreg [dreg:$0x1];
	p0 =	sne.s32 s2, $0x0  }
0x493: {  	s3 =	rddreg [dreg:$0x2];
	[bflag:$0x3] =	sbarrier.arrive $0xFFFF;
	s2 =	simm.s32 @!p0 $0x1C0C  }
0x494: {  	[timem:s3], [sflag:s2] =	dma.local @!p0 [hbm:s0], s1  }
0x495: {  	s0 =	simm.s32 @!p0 $0xC  }
0x496: {  	_ =	swait.ge @!p0 [sflag:s0], s1  }
0x497: {  	s1 =	ssub.s32 @!p0 $0x0, s1;
	[sflag:s0] =	ssyncset.done @!p0 $0x0  }
0x498: {  	[sflag:s0] =	ssyncadd.s32 @!p0 s1  }
0x499: {  	[bflag:$0x3] =	sbarrier.arrive $0xFFFF  }
0x49a: {  	_ =	shalt  }

</sc_bundles>
